<compile_context>
chip_gen: v7x
topology: tpu7x:2x2x1
jax: 0.10.2.dev20260603
libtpu: 0.0.44.dev20260713+nightly
codegen_flags: <defaults>
</compile_context>

<pallas_src>
import functools

import jax
import jax.numpy as jnp
from jax import lax
from jax.experimental import pallas as pl
from jax.experimental.pallas import tpu as pltpu
from jax.experimental.pallas import tpu_sc as plsc

R = 128
V = 100000
L = 16
NW = 32
RPW = R // NW
NVEC = V // L
CH = 125
NCH = NVEC // CH
CHE = CH * L
UNR = 5
NIT = NVEC // UNR


def _tec_body(logits_hbm, params_hbm, out_hbm, row_v, csum_v, par_v, out_v):
    wid = lax.axis_index("s") * 2 + lax.axis_index("c")
    pltpu.sync_copy(params_hbm.at[wid], par_v)
    iota = lax.iota(jnp.int32, L)
    zeros_f = jnp.zeros((L,), jnp.float32)
    zeros_i = jnp.zeros((L,), jnp.int32)
    neg_inf = jnp.full((L,), -jnp.inf, jnp.float32)
    pos_inf = jnp.full((L,), jnp.inf, jnp.float32)
    pvec = par_v[...]

    def _lane(vec, idx):
        return jnp.sum(jnp.where(iota == idx, vec, jnp.zeros((L,), vec.dtype)))

    scale_s = _lane(pvec, RPW)
    is_zero = _lane(pvec, RPW + 1) > jnp.float32(0.5)
    is_unit = _lane(pvec, RPW + 2) > jnp.float32(0.5)
    a16 = jnp.broadcast_to(scale_s, (L,))

    results = zeros_i
    for kr in range(RPW):
        row = wid * RPW + kr
        pltpu.sync_copy(logits_hbm.at[row], row_v)
        u_s = _lane(pvec, kr)

        def _greedy_path():
            def p1(i, c):
                gm, gi = c
                for uu in range(UNR):
                    v = row_v[pl.ds((i * UNR + uu) * L, L)]
                    upd = v > gm
                    gm = jnp.where(upd, v, gm)
                    gi = jnp.where(upd, iota + (i * UNR + uu) * L, gi)
                return gm, gi

            gm, gi = lax.fori_loop(0, NIT, p1, (neg_inf, zeros_i))
            g16 = jnp.broadcast_to(jnp.max(gm), (L,))
            big = jnp.full((L,), jnp.int32(V), jnp.int32)
            return jnp.min(jnp.where(gm == g16, gi, big))

        def _sample_path():
            U1 = 10
            def p1(i, c):
                mx = list(c[:UNR])
                mn = list(c[UNR:])
                for uu in range(U1):
                    v = row_v[pl.ds((i * U1 + uu) * L, L)]
                    mx[uu % UNR] = jnp.maximum(mx[uu % UNR], v)
                    mn[uu % UNR] = jnp.minimum(mn[uu % UNR], v)
                return tuple(mx) + tuple(mn)

            accs = lax.fori_loop(
                0, NVEC // U1, p1, (neg_inf,) * UNR + (pos_inf,) * UNR
            )
            mx, mn = accs[0], accs[UNR]
            for q in range(1, UNR):
                mx = jnp.maximum(mx, accs[q])
                mn = jnp.minimum(mn, accs[UNR + q])
            m_hi = jnp.max(mx) * scale_s
            m_lo = jnp.min(mn) * scale_s
            m_s = jnp.maximum(m_hi, m_lo)
            b16 = jnp.broadcast_to(-m_s, (L,))

            def _p2(use_scale):
                def p2(c, carry):
                    def inner(j, s):
                        s = list(s)
                        for uu in range(UNR):
                            v = row_v[pl.ds((c * CH + j * UNR + uu) * L, L)]
                            if use_scale:
                                s[uu] = s[uu] + jnp.exp(v * a16 + b16)
                            else:
                                s[uu] = s[uu] + jnp.exp(v + b16)
                        return tuple(s)

                    s = lax.fori_loop(0, CH // UNR, inner, (zeros_f,) * UNR)
                    s16 = (s[0] + s[1]) + (s[2] + s[3]) + s[4]
                    csum_v[pl.ds(c * L, L)] = s16
                    return carry + s16

                return lax.fori_loop(0, NCH, p2, zeros_f)

            z16 = lax.cond(is_unit, lambda: _p2(False), lambda: _p2(True))
            z_s = jnp.sum(z16)
            t_s = u_s * z_s
            t16 = jnp.broadcast_to(t_s, (L,))

            def p3a(c, carry):
                acc, nfull, before = carry
                cs = jnp.sum(csum_v[pl.ds(c * L, L)])
                acc2 = acc + cs
                below = acc2 < t_s
                nfull = nfull + jnp.where(below, jnp.int32(1), jnp.int32(0))
                before = before + jnp.where(below, cs, jnp.float32(0.0))
                return acc2, nfull, before

            _, nfull, before = lax.fori_loop(
                0, NCH, p3a, (jnp.float32(0.0), jnp.int32(0), jnp.float32(0.0))
            )
            k = jnp.minimum(nfull, jnp.int32(NCH - 1))

            def p3b(j, carry):
                acc, cnt = carry
                v = row_v[pl.ds((k * CH + j) * L, L)]
                e = jnp.exp(v * a16 + b16)
                pre = plsc.cumsum(e) + jnp.broadcast_to(acc, (L,))
                cnt = cnt + plsc.all_reduce_population_count(pre < t16)
                return acc + jnp.sum(e), cnt

            _, cnt16 = lax.fori_loop(0, CH, p3b, (before, zeros_i))
            detail = jnp.max(cnt16)
            return jnp.where(
                nfull >= jnp.int32(NCH), jnp.int32(V), k * jnp.int32(CHE) + detail
            )

        res = lax.cond(is_zero, _greedy_path, _sample_path)
        results = jnp.where(iota == kr, jnp.broadcast_to(res, (L,)), results)

    out_v[...] = results
    pltpu.sync_copy(out_v, out_hbm.at[wid])


_sc_sample = functools.partial(
    pl.kernel,
    out_type=jax.ShapeDtypeStruct((NW, L), jnp.int32),
    mesh=plsc.VectorSubcoreMesh(core_axis_name="c", subcore_axis_name="s"),
    compiler_params=pltpu.CompilerParams(needs_layout_passes=False),
    scratch_types=[
        pltpu.VMEM((V,), jnp.float32),
        pltpu.VMEM((NCH * L,), jnp.float32),
        pltpu.VMEM((L,), jnp.float32),
        pltpu.VMEM((L,), jnp.int32),
    ],
)(_tec_body)


def kernel(logits, temperature):
    t = jnp.asarray(temperature).astype(jnp.float32)
    is_zero = t == jnp.float32(0.0)
    safe = jnp.where(is_zero, jnp.float32(1.0), t)
    scale = jnp.float32(1.0) / safe
    is_unit = scale == jnp.float32(1.0)
    u = jax.random.uniform(jax.random.key(42), (R, 1), dtype=jnp.float32)[:, 0]
    params = jnp.zeros((NW, L), jnp.float32)
    params = params.at[:, 0:RPW].set(u.reshape(NW, RPW))
    params = params.at[:, RPW].set(scale)
    params = params.at[:, RPW + 1].set(is_zero.astype(jnp.float32))
    params = params.at[:, RPW + 2].set(is_unit.astype(jnp.float32))
    out2d = _sc_sample(logits, params)
    return out2d[:, :RPW].reshape(R)

# --- scband reference (transcript-rebuilt; emitter-appended) ---
"""Pipeline reference for scband-core-module-14542759264497 (READ-ONLY COPY).

The authoritative reference and input builder live on the scoring server;
editing this copy changes nothing except your own understanding.
"""

import jax, jax.numpy as jnp
import numpy as np


def setup_inputs(seed: int = 0) -> dict:
    key = jax.random.key(seed)
    logits = jax.random.normal(key, (128, 100000), dtype=jnp.float32)
    return {"logits": logits, "temperature": 1}


def reference(logits, temperature):
    # Faithful translation of sample_with_temperature:
    #   if not temperature: argmax
    #   else: softmax(logits / temperature) then multinomial(num_samples=1)
    temperature = jnp.asarray(temperature)
    is_zero = temperature == 0
    greedy = jnp.argmax(logits, axis=-1).astype(jnp.int32)
    safe_temp = jnp.where(is_zero, jnp.ones_like(temperature), temperature)
    ps = jax.nn.softmax(logits / safe_temp, axis=-1)
    # torch.multinomial(ps, 1) == inverse-CDF sampling: draw u ~ U[0,1),
    # pick first index whose cumulative prob exceeds u.
    skey = jax.random.key(42)
    u = jax.random.uniform(skey, ps.shape[:-1] + (1,), dtype=ps.dtype)
    cdf = jnp.cumsum(ps, axis=-1)
    samples = jnp.sum((cdf < u).astype(jnp.int32), axis=-1)
    return jnp.where(is_zero, greedy, samples)

if __name__ == "__main__":
    import jax
    _d = setup_inputs()
    print(jax.jit(kernel)(*tuple(_d.values())))

</pallas_src>

<mosaic_0001>
#map = affine_map<(d0, d1) -> (0, 0)>
module attributes {stable_mosaic.version = 14 : i64} {
  func.func @_tec_body(%arg0: i32, %arg1: i32, %arg2: memref<128x100000xf32, #tpu.memory_space<hbm>>, %arg3: memref<32x16xf32, #tpu.memory_space<hbm>>, %arg4: memref<32x16xi32, #tpu.memory_space<hbm>>, %arg5: memref<100000xf32, #tpu.memory_space<vmem>>, %arg6: memref<800xf32, #tpu.memory_space<vmem>>, %arg7: memref<16xf32, #tpu.memory_space<vmem>>, %arg8: memref<16xi32, #tpu.memory_space<vmem>>) attributes {dimension_semantics = [#tpu.dimension_semantics<core_parallel>, #tpu.dimension_semantics<subcore_parallel>], iteration_bounds = array<i64: 2, 16>, scalar_prefetch = 0 : i64, scratch_operands = 4 : i64, tpu.core_type = #tpu.core_type<sc_vector_subcore>, window_params = [{transform_indices = #map}, {transform_indices = #map}, {transform_indices = #map}]} {
    %mul3A = arith.constant 2 : i32
    %mul3A_0 = arith.muli %arg1, %mul3A : i32
    %add3A = arith.addi %mul3A_0, %arg0 : i32
    "tpu.region"() ({
      %run_scoped3A = tpu.sem_alloc : memref<!tpu.dma_semaphore, #tpu.memory_space<semaphore_mem>>
      %dma_start3A = arith.constant 0 : i32
      %dma_start3A_131 = tpu.memref_slice %arg3[%add3A, %dma_start3A] : memref<32x16xf32, #tpu.memory_space<hbm>> -> memref<1x16xf32, #tpu.memory_space<hbm>>
      %dma_start3A_132 = tpu.memref_squeeze %dma_start3A_131 : memref<1x16xf32, #tpu.memory_space<hbm>> -> memref<16xf32, #tpu.memory_space<hbm>>
      %dma_start3A_133 = arith.constant 0 : i32
      %dma_start3A_134 = tpu.memref_slice %arg3[%add3A, %dma_start3A_133] : memref<32x16xf32, #tpu.memory_space<hbm>> -> memref<1x16xf32, #tpu.memory_space<hbm>>
      %dma_start3A_135 = tpu.memref_squeeze %dma_start3A_134 : memref<1x16xf32, #tpu.memory_space<hbm>> -> memref<16xf32, #tpu.memory_space<hbm>>
      tpu.enqueue_dma source(%dma_start3A_135 : memref<16xf32, #tpu.memory_space<hbm>>) target(%arg7 : memref<16xf32, #tpu.memory_space<vmem>>) target_semaphore(%run_scoped3A : memref<!tpu.dma_semaphore, #tpu.memory_space<semaphore_mem>>)
      %dma_wait3A = arith.constant 0 : i32
      %dma_wait3A_136 = tpu.memref_slice %arg3[%add3A, %dma_wait3A] : memref<32x16xf32, #tpu.memory_space<hbm>> -> memref<1x16xf32, #tpu.memory_space<hbm>>
      %dma_wait3A_137 = tpu.memref_squeeze %dma_wait3A_136 : memref<1x16xf32, #tpu.memory_space<hbm>> -> memref<16xf32, #tpu.memory_space<hbm>>
      %dma_wait3A_138 = arith.constant 0 : i32
      %dma_wait3A_139 = tpu.memref_slice %arg3[%add3A, %dma_wait3A_138] : memref<32x16xf32, #tpu.memory_space<hbm>> -> memref<1x16xf32, #tpu.memory_space<hbm>>
      %dma_wait3A_140 = tpu.memref_squeeze %dma_wait3A_139 : memref<1x16xf32, #tpu.memory_space<hbm>> -> memref<16xf32, #tpu.memory_space<hbm>>
      tpu.wait_dma2 semaphore(%run_scoped3A : memref<!tpu.dma_semaphore, #tpu.memory_space<semaphore_mem>>) src(%dma_wait3A_140 : memref<16xf32, #tpu.memory_space<hbm>>) dst(%arg7 : memref<16xf32, #tpu.memory_space<vmem>>)
      tpu.yield
    }) : () -> ()
    %iota3A = tpu.iota {dimensions = array<i32: 0>} : vector<16xi32>
    %broadcast_in_dim3A = arith.constant 0.000000e+00 : f32
    %broadcast_in_dim3A_1 = vector.broadcast %broadcast_in_dim3A : f32 to vector<16xf32>
    %broadcast_in_dim3A_2 = arith.constant 0 : i32
    %broadcast_in_dim3A_3 = vector.broadcast %broadcast_in_dim3A_2 : i32 to vector<16xi32>
    %broadcast_in_dim3A_4 = arith.constant 0xFF800000 : f32
    %broadcast_in_dim3A_5 = vector.broadcast %broadcast_in_dim3A_4 : f32 to vector<16xf32>
    %broadcast_in_dim3A_6 = arith.constant 0x7F800000 : f32
    %broadcast_in_dim3A_7 = vector.broadcast %broadcast_in_dim3A_6 : f32 to vector<16xf32>
    %get3A = arith.constant 0 : index
    %get3A_8 = tpu.vector_load %arg7[%get3A] {strides = array<i32>} : memref<16xf32, #tpu.memory_space<vmem>>, vector<16xf32>,
    %eq3A = arith.constant 4 : i32
    %eq3A_9 = vector.broadcast %eq3A : i32 to vector<16xi32>
    %eq3A_10 = arith.cmpi eq, %iota3A, %eq3A_9 : vector<16xi32>
    %broadcast_in_dim3A_11 = arith.constant 0.000000e+00 : f32
    %broadcast_in_dim3A_12 = vector.broadcast %broadcast_in_dim3A_11 : f32 to vector<16xf32>
    %select_n3A = arith.select %eq3A_10, %get3A_8, %broadcast_in_dim3A_12 : vector<16xi1>, vector<16xf32>
    %reduce_sum3A = arith.constant true
    %reduce_sum3A_13 = vector.broadcast %reduce_sum3A : i1 to vector<16xi1>
    %reduce_sum3A_14 = tpu.scan <sum>, %select_n3A masked %reduce_sum3A_13 : vector<16xf32>, vector<16xi1> -> vector<16xf32>
    %reduce_sum3A_15 = vector.extract %reduce_sum3A_14[15] : f32 from vector<16xf32>
    %eq3A_16 = arith.constant 5 : i32
    %eq3A_17 = vector.broadcast %eq3A_16 : i32 to vector<16xi32>
    %eq3A_18 = arith.cmpi eq, %iota3A, %eq3A_17 : vector<16xi32>
    %broadcast_in_dim3A_19 = arith.constant 0.000000e+00 : f32
    %broadcast_in_dim3A_20 = vector.broadcast %broadcast_in_dim3A_19 : f32 to vector<16xf32>
    %select_n3A_21 = arith.select %eq3A_18, %get3A_8, %broadcast_in_dim3A_20 : vector<16xi1>, vector<16xf32>
    %reduce_sum3A_22 = arith.constant true
    %reduce_sum3A_23 = vector.broadcast %reduce_sum3A_22 : i1 to vector<16xi1>
    %reduce_sum3A_24 = tpu.scan <sum>, %select_n3A_21 masked %reduce_sum3A_23 : vector<16xf32>, vector<16xi1> -> vector<16xf32>
    %reduce_sum3A_25 = vector.extract %reduce_sum3A_24[15] : f32 from vector<16xf32>
    %gt3A = arith.constant 5.000000e-01 : f32
    %gt3A_26 = arith.cmpf ogt, %reduce_sum3A_25, %gt3A : f32
    %eq3A_27 = arith.constant 6 : i32
    %eq3A_28 = vector.broadcast %eq3A_27 : i32 to vector<16xi32>
    %eq3A_29 = arith.cmpi eq, %iota3A, %eq3A_28 : vector<16xi32>
    %broadcast_in_dim3A_30 = arith.constant 0.000000e+00 : f32
    %broadcast_in_dim3A_31 = vector.broadcast %broadcast_in_dim3A_30 : f32 to vector<16xf32>
    %select_n3A_32 = arith.select %eq3A_29, %get3A_8, %broadcast_in_dim3A_31 : vector<16xi1>, vector<16xf32>
    %reduce_sum3A_33 = arith.constant true
    %reduce_sum3A_34 = vector.broadcast %reduce_sum3A_33 : i1 to vector<16xi1>
    %reduce_sum3A_35 = tpu.scan <sum>, %select_n3A_32 masked %reduce_sum3A_34 : vector<16xf32>, vector<16xi1> -> vector<16xf32>
    %reduce_sum3A_36 = vector.extract %reduce_sum3A_35[15] : f32 from vector<16xf32>
    %gt3A_37 = arith.constant 5.000000e-01 : f32
    %gt3A_38 = arith.cmpf ogt, %reduce_sum3A_36, %gt3A_37 : f32
    %broadcast_in_dim3A_39 = vector.broadcast %reduce_sum3A_15 : f32 to vector<16xf32>
    %mul3A_40 = arith.constant 4 : i32
    %mul3A_41 = arith.muli %add3A, %mul3A_40 : i32
    %add3A_42 = arith.constant 0 : i32
    %add3A_43 = arith.addi %mul3A_41, %add3A_42 : i32
    "tpu.region"() ({
      %run_scoped3A = tpu.sem_alloc : memref<!tpu.dma_semaphore, #tpu.memory_space<semaphore_mem>>
      %dma_start3A = arith.constant 0 : i32
      %dma_start3A_131 = tpu.memref_slice %arg2[%add3A_43, %dma_start3A] : memref<128x100000xf32, #tpu.memory_space<hbm>> -> memref<1x100000xf32, #tpu.memory_space<hbm>>
      %dma_start3A_132 = tpu.memref_squeeze %dma_start3A_131 : memref<1x100000xf32, #tpu.memory_space<hbm>> -> memref<100000xf32, #tpu.memory_space<hbm>>
      %dma_start3A_133 = arith.constant 0 : i32
      %dma_start3A_134 = tpu.memref_slice %arg2[%add3A_43, %dma_start3A_133] : memref<128x100000xf32, #tpu.memory_space<hbm>> -> memref<1x100000xf32, #tpu.memory_space<hbm>>
      %dma_start3A_135 = tpu.memref_squeeze %dma_start3A_134 : memref<1x100000xf32, #tpu.memory_space<hbm>> -> memref<100000xf32, #tpu.memory_space<hbm>>
      tpu.enqueue_dma source(%dma_start3A_135 : memref<100000xf32, #tpu.memory_space<hbm>>) target(%arg5 : memref<100000xf32, #tpu.memory_space<vmem>>) target_semaphore(%run_scoped3A : memref<!tpu.dma_semaphore, #tpu.memory_space<semaphore_mem>>)
      %dma_wait3A = arith.constant 0 : i32
      %dma_wait3A_136 = tpu.memref_slice %arg2[%add3A_43, %dma_wait3A] : memref<128x100000xf32, #tpu.memory_space<hbm>> -> memref<1x100000xf32, #tpu.memory_space<hbm>>
      %dma_wait3A_137 = tpu.memref_squeeze %dma_wait3A_136 : memref<1x100000xf32, #tpu.memory_space<hbm>> -> memref<100000xf32, #tpu.memory_space<hbm>>
      %dma_wait3A_138 = arith.constant 0 : i32
      %dma_wait3A_139 = tpu.memref_slice %arg2[%add3A_43, %dma_wait3A_138] : memref<128x100000xf32, #tpu.memory_space<hbm>> -> memref<1x100000xf32, #tpu.memory_space<hbm>>
      %dma_wait3A_140 = tpu.memref_squeeze %dma_wait3A_139 : memref<1x100000xf32, #tpu.memory_space<hbm>> -> memref<100000xf32, #tpu.memory_space<hbm>>
      tpu.wait_dma2 semaphore(%run_scoped3A : memref<!tpu.dma_semaphore, #tpu.memory_space<semaphore_mem>>) src(%dma_wait3A_140 : memref<100000xf32, #tpu.memory_space<hbm>>) dst(%arg5 : memref<100000xf32, #tpu.memory_space<vmem>>)
      tpu.yield
    }) : () -> ()
    %eq3A_44 = arith.constant 0 : i32
    %eq3A_45 = vector.broadcast %eq3A_44 : i32 to vector<16xi32>
    %eq3A_46 = arith.cmpi eq, %iota3A, %eq3A_45 : vector<16xi32>
    %broadcast_in_dim3A_47 = arith.constant 0.000000e+00 : f32
    %broadcast_in_dim3A_48 = vector.broadcast %broadcast_in_dim3A_47 : f32 to vector<16xf32>
    %select_n3A_49 = arith.select %eq3A_46, %get3A_8, %broadcast_in_dim3A_48 : vector<16xi1>, vector<16xf32>
    %reduce_sum3A_50 = arith.constant true
    %reduce_sum3A_51 = vector.broadcast %reduce_sum3A_50 : i1 to vector<16xi1>
    %reduce_sum3A_52 = tpu.scan <sum>, %select_n3A_49 masked %reduce_sum3A_51 : vector<16xf32>, vector<16xi1> -> vector<16xf32>
    %reduce_sum3A_53 = vector.extract %reduce_sum3A_52[15] : f32 from vector<16xf32>
    %convert_element_type3A = arith.extui %gt3A_26 : i1 to i32
    %cond3A = arith.constant 0 : i32
    %cond3A_54 = arith.cmpi ne, %convert_element_type3A, %cond3A : i32
    %cond3A_55 = scf.if %cond3A_54 -> (i32) {
      %scan3A = arith.constant 0 : i32
      %scan3A_131 = arith.constant 1250 : i32
      %scan3A_132 = arith.addi %scan3A, %scan3A_131 : i32
      %scan3A_133 = arith.constant 1 : i32
      %scan3A_134:2 = scf.for %scan3A_151 = %scan3A to %scan3A_132 step %scan3A_133 iter_args(%scan3A_152 = %broadcast_in_dim3A_5, %scan3A_153 = %broadcast_in_dim3A_3) -> (vector<16xf32>, vector<16xi32>)  : i32 {
        %mul3A_154 = arith.constant 5 : i32
        %mul3A_155 = arith.muli %scan3A_151, %mul3A_154 : i32
        %add3A_156 = arith.constant 0 : i32
        %add3A_157 = arith.addi %mul3A_155, %add3A_156 : i32
        %mul3A_158 = arith.constant 16 : i32
        %mul3A_159 = arith.muli %add3A_157, %mul3A_158 : i32
        %get3A_160 = arith.index_cast %mul3A_159 : i32 to index
        %get3A_161 = tpu.vector_load %arg5[%get3A_160] {strides = array<i32>} : memref<100000xf32, #tpu.memory_space<vmem>>, vector<16xf32>,
        %gt3A_162 = arith.cmpf ogt, %get3A_161, %scan3A_152 : vector<16xf32>
        %select_n3A_163 = arith.select %gt3A_162, %get3A_161, %scan3A_152 : vector<16xi1>, vector<16xf32>
        %mul3A_164 = arith.constant 5 : i32
        %mul3A_165 = arith.muli %scan3A_151, %mul3A_164 : i32
        %add3A_166 = arith.constant 0 : i32
        %add3A_167 = arith.addi %mul3A_165, %add3A_166 : i32
        %mul3A_168 = arith.constant 16 : i32
        %mul3A_169 = arith.muli %add3A_167, %mul3A_168 : i32
        %add3A_170 = vector.broadcast %mul3A_169 : i32 to vector<16xi32>
        %add3A_171 = arith.addi %iota3A, %add3A_170 : vector<16xi32>
        %select_n3A_172 = arith.select %gt3A_162, %add3A_171, %scan3A_153 : vector<16xi1>, vector<16xi32>
        %mul3A_173 = arith.constant 5 : i32
        %mul3A_174 = arith.muli %scan3A_151, %mul3A_173 : i32
        %add3A_175 = arith.constant 1 : i32
        %add3A_176 = arith.addi %mul3A_174, %add3A_175 : i32
        %mul3A_177 = arith.constant 16 : i32
        %mul3A_178 = arith.muli %add3A_176, %mul3A_177 : i32
        %get3A_179 = arith.index_cast %mul3A_178 : i32 to index
        %get3A_180 = tpu.vector_load %arg5[%get3A_179] {strides = array<i32>} : memref<100000xf32, #tpu.memory_space<vmem>>, vector<16xf32>,
        %gt3A_181 = arith.cmpf ogt, %get3A_180, %select_n3A_163 : vector<16xf32>
        %select_n3A_182 = arith.select %gt3A_181, %get3A_180, %select_n3A_163 : vector<16xi1>, vector<16xf32>
        %mul3A_183 = arith.constant 5 : i32
        %mul3A_184 = arith.muli %scan3A_151, %mul3A_183 : i32
        %add3A_185 = arith.constant 1 : i32
        %add3A_186 = arith.addi %mul3A_184, %add3A_185 : i32
        %mul3A_187 = arith.constant 16 : i32
        %mul3A_188 = arith.muli %add3A_186, %mul3A_187 : i32
        %add3A_189 = vector.broadcast %mul3A_188 : i32 to vector<16xi32>
        %add3A_190 = arith.addi %iota3A, %add3A_189 : vector<16xi32>
        %select_n3A_191 = arith.select %gt3A_181, %add3A_190, %select_n3A_172 : vector<16xi1>, vector<16xi32>
        %mul3A_192 = arith.constant 5 : i32
        %mul3A_193 = arith.muli %scan3A_151, %mul3A_192 : i32
        %add3A_194 = arith.constant 2 : i32
        %add3A_195 = arith.addi %mul3A_193, %add3A_194 : i32
        %mul3A_196 = arith.constant 16 : i32
        %mul3A_197 = arith.muli %add3A_195, %mul3A_196 : i32
        %get3A_198 = arith.index_cast %mul3A_197 : i32 to index
        %get3A_199 = tpu.vector_load %arg5[%get3A_198] {strides = array<i32>} : memref<100000xf32, #tpu.memory_space<vmem>>, vector<16xf32>,
        %gt3A_200 = arith.cmpf ogt, %get3A_199, %select_n3A_182 : vector<16xf32>
        %select_n3A_201 = arith.select %gt3A_200, %get3A_199, %select_n3A_182 : vector<16xi1>, vector<16xf32>
        %mul3A_202 = arith.constant 5 : i32
        %mul3A_203 = arith.muli %scan3A_151, %mul3A_202 : i32
        %add3A_204 = arith.constant 2 : i32
        %add3A_205 = arith.addi %mul3A_203, %add3A_204 : i32
        %mul3A_206 = arith.constant 16 : i32
        %mul3A_207 = arith.muli %add3A_205, %mul3A_206 : i32
        %add3A_208 = vector.broadcast %mul3A_207 : i32 to vector<16xi32>
        %add3A_209 = arith.addi %iota3A, %add3A_208 : vector<16xi32>
        %select_n3A_210 = arith.select %gt3A_200, %add3A_209, %select_n3A_191 : vector<16xi1>, vector<16xi32>
        %mul3A_211 = arith.constant 5 : i32
        %mul3A_212 = arith.muli %scan3A_151, %mul3A_211 : i32
        %add3A_213 = arith.constant 3 : i32
        %add3A_214 = arith.addi %mul3A_212, %add3A_213 : i32
        %mul3A_215 = arith.constant 16 : i32
        %mul3A_216 = arith.muli %add3A_214, %mul3A_215 : i32
        %get3A_217 = arith.index_cast %mul3A_216 : i32 to index
        %get3A_218 = tpu.vector_load %arg5[%get3A_217] {strides = array<i32>} : memref<100000xf32, #tpu.memory_space<vmem>>, vector<16xf32>,
        %gt3A_219 = arith.cmpf ogt, %get3A_218, %select_n3A_201 : vector<16xf32>
        %select_n3A_220 = arith.select %gt3A_219, %get3A_218, %select_n3A_201 : vector<16xi1>, vector<16xf32>
        %mul3A_221 = arith.constant 5 : i32
        %mul3A_222 = arith.muli %scan3A_151, %mul3A_221 : i32
        %add3A_223 = arith.constant 3 : i32
        %add3A_224 = arith.addi %mul3A_222, %add3A_223 : i32
        %mul3A_225 = arith.constant 16 : i32
        %mul3A_226 = arith.muli %add3A_224, %mul3A_225 : i32
        %add3A_227 = vector.broadcast %mul3A_226 : i32 to vector<16xi32>
        %add3A_228 = arith.addi %iota3A, %add3A_227 : vector<16xi32>
        %select_n3A_229 = arith.select %gt3A_219, %add3A_228, %select_n3A_210 : vector<16xi1>, vector<16xi32>
        %mul3A_230 = arith.constant 5 : i32
        %mul3A_231 = arith.muli %scan3A_151, %mul3A_230 : i32
        %add3A_232 = arith.constant 4 : i32
        %add3A_233 = arith.addi %mul3A_231, %add3A_232 : i32
        %mul3A_234 = arith.constant 16 : i32
        %mul3A_235 = arith.muli %add3A_233, %mul3A_234 : i32
        %get3A_236 = arith.index_cast %mul3A_235 : i32 to index
        %get3A_237 = tpu.vector_load %arg5[%get3A_236] {strides = array<i32>} : memref<100000xf32, #tpu.memory_space<vmem>>, vector<16xf32>,
        %gt3A_238 = arith.cmpf ogt, %get3A_237, %select_n3A_220 : vector<16xf32>
        %select_n3A_239 = arith.select %gt3A_238, %get3A_237, %select_n3A_220 : vector<16xi1>, vector<16xf32>
        %mul3A_240 = arith.constant 5 : i32
        %mul3A_241 = arith.muli %scan3A_151, %mul3A_240 : i32
        %add3A_242 = arith.constant 4 : i32
        %add3A_243 = arith.addi %mul3A_241, %add3A_242 : i32
        %mul3A_244 = arith.constant 16 : i32
        %mul3A_245 = arith.muli %add3A_243, %mul3A_244 : i32
        %add3A_246 = vector.broadcast %mul3A_245 : i32 to vector<16xi32>
        %add3A_247 = arith.addi %iota3A, %add3A_246 : vector<16xi32>
        %select_n3A_248 = arith.select %gt3A_238, %add3A_247, %select_n3A_229 : vector<16xi1>, vector<16xi32>
        scf.yield %select_n3A_239, %select_n3A_248 : vector<16xf32>, vector<16xi32>
      }
      %scan3A_135 = arith.constant 1250 : i32
      %reduce_max3A = arith.constant true
      %reduce_max3A_136 = vector.broadcast %reduce_max3A : i1 to vector<16xi1>
      %reduce_max3A_137 = tpu.scan <max>, %scan3A_134#0 masked %reduce_max3A_136 : vector<16xf32>, vector<16xi1> -> vector<16xf32>
      %reduce_max3A_138 = vector.extract %reduce_max3A_137[15] : f32 from vector<16xf32>
      %broadcast_in_dim3A_139 = vector.broadcast %reduce_max3A_138 : f32 to vector<16xf32>
      %broadcast_in_dim3A_140 = arith.constant 100000 : i32
      %broadcast_in_dim3A_141 = vector.broadcast %broadcast_in_dim3A_140 : i32 to vector<16xi32>
      %eq3A_142 = arith.cmpf oeq, %scan3A_134#0, %broadcast_in_dim3A_139 : vector<16xf32>
      %select_n3A_143 = arith.select %eq3A_142, %scan3A_134#1, %broadcast_in_dim3A_141 : vector<16xi1>, vector<16xi32>
      %reduce_min3A = arith.constant true
      %reduce_min3A_144 = vector.broadcast %reduce_min3A : i1 to vector<16xi1>
      %reduce_min3A_145 = arith.constant -2147483648 : i32
      %reduce_min3A_146 = vector.broadcast %reduce_min3A_145 : i32 to vector<16xi32>
      %reduce_min3A_147 = arith.xori %select_n3A_143, %reduce_min3A_146 : vector<16xi32>
      %reduce_min3A_148 = tpu.scan <min>, %reduce_min3A_147 masked %reduce_min3A_144 : vector<16xi32>, vector<16xi1> -> vector<16xi32>
      %reduce_min3A_149 = arith.xori %reduce_min3A_148, %reduce_min3A_146 : vector<16xi32>
      %reduce_min3A_150 = vector.extract %reduce_min3A_149[15] : i32 from vector<16xi32>
      scf.yield %reduce_min3A_150 : i32
    } else {
      %scan3A = arith.constant 0 : i32
      %scan3A_131 = arith.constant 625 : i32
      %scan3A_132 = arith.addi %scan3A, %scan3A_131 : i32
      %scan3A_133 = arith.constant 1 : i32
      %scan3A_134:10 = scf.for %scan3A_193 = %scan3A to %scan3A_132 step %scan3A_133 iter_args(%scan3A_194 = %broadcast_in_dim3A_5, %scan3A_195 = %broadcast_in_dim3A_5, %scan3A_196 = %broadcast_in_dim3A_5, %scan3A_197 = %broadcast_in_dim3A_5, %scan3A_198 = %broadcast_in_dim3A_5, %scan3A_199 = %broadcast_in_dim3A_7, %scan3A_200 = %broadcast_in_dim3A_7, %scan3A_201 = %broadcast_in_dim3A_7, %scan3A_202 = %broadcast_in_dim3A_7, %scan3A_203 = %broadcast_in_dim3A_7) -> (vector<16xf32>, vector<16xf32>, vector<16xf32>, vector<16xf32>, vector<16xf32>, vector<16xf32>, vector<16xf32>, vector<16xf32>, vector<16xf32>, vector<16xf32>)  : i32 {
        %mul3A_204 = arith.constant 10 : i32
        %mul3A_205 = arith.muli %scan3A_193, %mul3A_204 : i32
        %add3A_206 = arith.constant 0 : i32
        %add3A_207 = arith.addi %mul3A_205, %add3A_206 : i32
        %mul3A_208 = arith.constant 16 : i32
        %mul3A_209 = arith.muli %add3A_207, %mul3A_208 : i32
        %get3A_210 = arith.index_cast %mul3A_209 : i32 to index
        %get3A_211 = tpu.vector_load %arg5[%get3A_210] {strides = array<i32>} : memref<100000xf32, #tpu.memory_space<vmem>>, vector<16xf32>,
        %max3A_212 = arith.maximumf %scan3A_194, %get3A_211 : vector<16xf32>
        %min3A_213 = arith.minimumf %scan3A_199, %get3A_211 : vector<16xf32>
        %mul3A_214 = arith.constant 10 : i32
        %mul3A_215 = arith.muli %scan3A_193, %mul3A_214 : i32
        %add3A_216 = arith.constant 1 : i32
        %add3A_217 = arith.addi %mul3A_215, %add3A_216 : i32
        %mul3A_218 = arith.constant 16 : i32
        %mul3A_219 = arith.muli %add3A_217, %mul3A_218 : i32
        %get3A_220 = arith.index_cast %mul3A_219 : i32 to index
        %get3A_221 = tpu.vector_load %arg5[%get3A_220] {strides = array<i32>} : memref<100000xf32, #tpu.memory_space<vmem>>, vector<16xf32>,
        %max3A_222 = arith.maximumf %scan3A_195, %get3A_221 : vector<16xf32>
        %min3A_223 = arith.minimumf %scan3A_200, %get3A_221 : vector<16xf32>
        %mul3A_224 = arith.constant 10 : i32
        %mul3A_225 = arith.muli %scan3A_193, %mul3A_224 : i32
        %add3A_226 = arith.constant 2 : i32
        %add3A_227 = arith.addi %mul3A_225, %add3A_226 : i32
        %mul3A_228 = arith.constant 16 : i32
        %mul3A_229 = arith.muli %add3A_227, %mul3A_228 : i32
        %get3A_230 = arith.index_cast %mul3A_229 : i32 to index
        %get3A_231 = tpu.vector_load %arg5[%get3A_230] {strides = array<i32>} : memref<100000xf32, #tpu.memory_space<vmem>>, vector<16xf32>,
        %max3A_232 = arith.maximumf %scan3A_196, %get3A_231 : vector<16xf32>
        %min3A_233 = arith.minimumf %scan3A_201, %get3A_231 : vector<16xf32>
        %mul3A_234 = arith.constant 10 : i32
        %mul3A_235 = arith.muli %scan3A_193, %mul3A_234 : i32
        %add3A_236 = arith.constant 3 : i32
        %add3A_237 = arith.addi %mul3A_235, %add3A_236 : i32
        %mul3A_238 = arith.constant 16 : i32
        %mul3A_239 = arith.muli %add3A_237, %mul3A_238 : i32
        %get3A_240 = arith.index_cast %mul3A_239 : i32 to index
        %get3A_241 = tpu.vector_load %arg5[%get3A_240] {strides = array<i32>} : memref<100000xf32, #tpu.memory_space<vmem>>, vector<16xf32>,
        %max3A_242 = arith.maximumf %scan3A_197, %get3A_241 : vector<16xf32>
        %min3A_243 = arith.minimumf %scan3A_202, %get3A_241 : vector<16xf32>
        %mul3A_244 = arith.constant 10 : i32
        %mul3A_245 = arith.muli %scan3A_193, %mul3A_244 : i32
        %add3A_246 = arith.constant 4 : i32
        %add3A_247 = arith.addi %mul3A_245, %add3A_246 : i32
        %mul3A_248 = arith.constant 16 : i32
        %mul3A_249 = arith.muli %add3A_247, %mul3A_248 : i32
        %get3A_250 = arith.index_cast %mul3A_249 : i32 to index
        %get3A_251 = tpu.vector_load %arg5[%get3A_250] {strides = array<i32>} : memref<100000xf32, #tpu.memory_space<vmem>>, vector<16xf32>,
        %max3A_252 = arith.maximumf %scan3A_198, %get3A_251 : vector<16xf32>
        %min3A_253 = arith.minimumf %scan3A_203, %get3A_251 : vector<16xf32>
        %mul3A_254 = arith.constant 10 : i32
        %mul3A_255 = arith.muli %scan3A_193, %mul3A_254 : i32
        %add3A_256 = arith.constant 5 : i32
        %add3A_257 = arith.addi %mul3A_255, %add3A_256 : i32
        %mul3A_258 = arith.constant 16 : i32
        %mul3A_259 = arith.muli %add3A_257, %mul3A_258 : i32
        %get3A_260 = arith.index_cast %mul3A_259 : i32 to index
        %get3A_261 = tpu.vector_load %arg5[%get3A_260] {strides = array<i32>} : memref<100000xf32, #tpu.memory_space<vmem>>, vector<16xf32>,
        %max3A_262 = arith.maximumf %max3A_212, %get3A_261 : vector<16xf32>
        %min3A_263 = arith.minimumf %min3A_213, %get3A_261 : vector<16xf32>
        %mul3A_264 = arith.constant 10 : i32
        %mul3A_265 = arith.muli %scan3A_193, %mul3A_264 : i32
        %add3A_266 = arith.constant 6 : i32
        %add3A_267 = arith.addi %mul3A_265, %add3A_266 : i32
        %mul3A_268 = arith.constant 16 : i32
        %mul3A_269 = arith.muli %add3A_267, %mul3A_268 : i32
        %get3A_270 = arith.index_cast %mul3A_269 : i32 to index
        %get3A_271 = tpu.vector_load %arg5[%get3A_270] {strides = array<i32>} : memref<100000xf32, #tpu.memory_space<vmem>>, vector<16xf32>,
        %max3A_272 = arith.maximumf %max3A_222, %get3A_271 : vector<16xf32>
        %min3A_273 = arith.minimumf %min3A_223, %get3A_271 : vector<16xf32>
        %mul3A_274 = arith.constant 10 : i32
        %mul3A_275 = arith.muli %scan3A_193, %mul3A_274 : i32
        %add3A_276 = arith.constant 7 : i32
        %add3A_277 = arith.addi %mul3A_275, %add3A_276 : i32
        %mul3A_278 = arith.constant 16 : i32
        %mul3A_279 = arith.muli %add3A_277, %mul3A_278 : i32
        %get3A_280 = arith.index_cast %mul3A_279 : i32 to index
        %get3A_281 = tpu.vector_load %arg5[%get3A_280] {strides = array<i32>} : memref<100000xf32, #tpu.memory_space<vmem>>, vector<16xf32>,
        %max3A_282 = arith.maximumf %max3A_232, %get3A_281 : vector<16xf32>
        %min3A_283 = arith.minimumf %min3A_233, %get3A_281 : vector<16xf32>
        %mul3A_284 = arith.constant 10 : i32
        %mul3A_285 = arith.muli %scan3A_193, %mul3A_284 : i32
        %add3A_286 = arith.constant 8 : i32
        %add3A_287 = arith.addi %mul3A_285, %add3A_286 : i32
        %mul3A_288 = arith.constant 16 : i32
        %mul3A_289 = arith.muli %add3A_287, %mul3A_288 : i32
        %get3A_290 = arith.index_cast %mul3A_289 : i32 to index
        %get3A_291 = tpu.vector_load %arg5[%get3A_290] {strides = array<i32>} : memref<100000xf32, #tpu.memory_space<vmem>>, vector<16xf32>,
        %max3A_292 = arith.maximumf %max3A_242, %get3A_291 : vector<16xf32>
        %min3A_293 = arith.minimumf %min3A_243, %get3A_291 : vector<16xf32>
        %mul3A_294 = arith.constant 10 : i32
        %mul3A_295 = arith.muli %scan3A_193, %mul3A_294 : i32
        %add3A_296 = arith.constant 9 : i32
        %add3A_297 = arith.addi %mul3A_295, %add3A_296 : i32
        %mul3A_298 = arith.constant 16 : i32
        %mul3A_299 = arith.muli %add3A_297, %mul3A_298 : i32
        %get3A_300 = arith.index_cast %mul3A_299 : i32 to index
        %get3A_301 = tpu.vector_load %arg5[%get3A_300] {strides = array<i32>} : memref<100000xf32, #tpu.memory_space<vmem>>, vector<16xf32>,
        %max3A_302 = arith.maximumf %max3A_252, %get3A_301 : vector<16xf32>
        %min3A_303 = arith.minimumf %min3A_253, %get3A_301 : vector<16xf32>
        scf.yield %max3A_262, %max3A_272, %max3A_282, %max3A_292, %max3A_302, %min3A_263, %min3A_273, %min3A_283, %min3A_293, %min3A_303 : vector<16xf32>, vector<16xf32>, vector<16xf32>, vector<16xf32>, vector<16xf32>, vector<16xf32>, vector<16xf32>, vector<16xf32>, vector<16xf32>, vector<16xf32>
      }
      %scan3A_135 = arith.constant 625 : i32
      %max3A = arith.maximumf %scan3A_134#0, %scan3A_134#1 : vector<16xf32>
      %min3A = arith.minimumf %scan3A_134#5, %scan3A_134#6 : vector<16xf32>
      %max3A_136 = arith.maximumf %max3A, %scan3A_134#2 : vector<16xf32>
      %min3A_137 = arith.minimumf %min3A, %scan3A_134#7 : vector<16xf32>
      %max3A_138 = arith.maximumf %max3A_136, %scan3A_134#3 : vector<16xf32>
      %min3A_139 = arith.minimumf %min3A_137, %scan3A_134#8 : vector<16xf32>
      %max3A_140 = arith.maximumf %max3A_138, %scan3A_134#4 : vector<16xf32>
      %min3A_141 = arith.minimumf %min3A_139, %scan3A_134#9 : vector<16xf32>
      %reduce_max3A = arith.constant true
      %reduce_max3A_142 = vector.broadcast %reduce_max3A : i1 to vector<16xi1>
      %reduce_max3A_143 = tpu.scan <max>, %max3A_140 masked %reduce_max3A_142 : vector<16xf32>, vector<16xi1> -> vector<16xf32>
      %reduce_max3A_144 = vector.extract %reduce_max3A_143[15] : f32 from vector<16xf32>
      %mul3A_145 = arith.mulf %reduce_max3A_144, %reduce_sum3A_15 : f32
      %reduce_min3A = arith.constant true
      %reduce_min3A_146 = vector.broadcast %reduce_min3A : i1 to vector<16xi1>
      %reduce_min3A_147 = tpu.scan <min>, %min3A_141 masked %reduce_min3A_146 : vector<16xf32>, vector<16xi1> -> vector<16xf32>
      %reduce_min3A_148 = vector.extract %reduce_min3A_147[15] : f32 from vector<16xf32>
      %mul3A_149 = arith.mulf %reduce_min3A_148, %reduce_sum3A_15 : f32
      %max3A_150 = arith.maximumf %mul3A_145, %mul3A_149 : f32
      %neg3A = arith.constant 0.000000e+00 : f32
      %neg3A_151 = arith.subf %neg3A, %max3A_150 : f32
      %broadcast_in_dim3A_152 = vector.broadcast %neg3A_151 : f32 to vector<16xf32>
      %convert_element_type3A_153 = arith.extui %gt3A_38 : i1 to i32
      %cond3A_154 = arith.constant 0 : i32
      %cond3A_155 = arith.cmpi ne, %convert_element_type3A_153, %cond3A_154 : i32
      %cond3A_156 = scf.if %cond3A_155 -> (vector<16xf32>) {
        %scan3A_193 = arith.constant 0 : i32
        %scan3A_194 = arith.constant 50 : i32
        %scan3A_195 = arith.addi %scan3A_193, %scan3A_194 : i32
        %scan3A_196 = arith.constant 1 : i32
        %scan3A_197 = scf.for %scan3A_199 = %scan3A_193 to %scan3A_195 step %scan3A_196 iter_args(%scan3A_200 = %broadcast_in_dim3A_1) -> (vector<16xf32>)  : i32 {
          %scan3A_201 = arith.constant 0 : i32
          %scan3A_202 = arith.constant 25 : i32
          %scan3A_203 = arith.addi %scan3A_201, %scan3A_202 : i32
          %scan3A_204 = arith.constant 1 : i32
          %scan3A_205:5 = scf.for %scan3A_216 = %scan3A_201 to %scan3A_203 step %scan3A_204 iter_args(%scan3A_217 = %broadcast_in_dim3A_1, %scan3A_218 = %broadcast_in_dim3A_1, %scan3A_219 = %broadcast_in_dim3A_1, %scan3A_220 = %broadcast_in_dim3A_1, %scan3A_221 = %broadcast_in_dim3A_1) -> (vector<16xf32>, vector<16xf32>, vector<16xf32>, vector<16xf32>, vector<16xf32>)  : i32 {
            %mul3A_222 = arith.constant 125 : i32
            %mul3A_223 = arith.muli %scan3A_199, %mul3A_222 : i32
            %mul3A_224 = arith.constant 5 : i32
            %mul3A_225 = arith.muli %scan3A_216, %mul3A_224 : i32
            %add3A_226 = arith.addi %mul3A_223, %mul3A_225 : i32
            %add3A_227 = arith.constant 0 : i32
            %add3A_228 = arith.addi %add3A_226, %add3A_227 : i32
            %mul3A_229 = arith.constant 16 : i32
            %mul3A_230 = arith.muli %add3A_228, %mul3A_229 : i32
            %get3A_231 = arith.index_cast %mul3A_230 : i32 to index
            %get3A_232 = tpu.vector_load %arg5[%get3A_231] {strides = array<i32>} : memref<100000xf32, #tpu.memory_space<vmem>>, vector<16xf32>,
            %add3A_233 = arith.addf %get3A_232, %broadcast_in_dim3A_152 : vector<16xf32>
            %exp3A = math.exp %add3A_233 : vector<16xf32>
            %add3A_234 = arith.addf %scan3A_217, %exp3A : vector<16xf32>
            %mul3A_235 = arith.constant 125 : i32
            %mul3A_236 = arith.muli %scan3A_199, %mul3A_235 : i32
            %mul3A_237 = arith.constant 5 : i32
            %mul3A_238 = arith.muli %scan3A_216, %mul3A_237 : i32
            %add3A_239 = arith.addi %mul3A_236, %mul3A_238 : i32
            %add3A_240 = arith.constant 1 : i32
            %add3A_241 = arith.addi %add3A_239, %add3A_240 : i32
            %mul3A_242 = arith.constant 16 : i32
            %mul3A_243 = arith.muli %add3A_241, %mul3A_242 : i32
            %get3A_244 = arith.index_cast %mul3A_243 : i32 to index
            %get3A_245 = tpu.vector_load %arg5[%get3A_244] {strides = array<i32>} : memref<100000xf32, #tpu.memory_space<vmem>>, vector<16xf32>,
            %add3A_246 = arith.addf %get3A_245, %broadcast_in_dim3A_152 : vector<16xf32>
            %exp3A_247 = math.exp %add3A_246 : vector<16xf32>
            %add3A_248 = arith.addf %scan3A_218, %exp3A_247 : vector<16xf32>
            %mul3A_249 = arith.constant 125 : i32
            %mul3A_250 = arith.muli %scan3A_199, %mul3A_249 : i32
            %mul3A_251 = arith.constant 5 : i32
            %mul3A_252 = arith.muli %scan3A_216, %mul3A_251 : i32
            %add3A_253 = arith.addi %mul3A_250, %mul3A_252 : i32
            %add3A_254 = arith.constant 2 : i32
            %add3A_255 = arith.addi %add3A_253, %add3A_254 : i32
            %mul3A_256 = arith.constant 16 : i32
            %mul3A_257 = arith.muli %add3A_255, %mul3A_256 : i32
            %get3A_258 = arith.index_cast %mul3A_257 : i32 to index
            %get3A_259 = tpu.vector_load %arg5[%get3A_258] {strides = array<i32>} : memref<100000xf32, #tpu.memory_space<vmem>>, vector<16xf32>,
            %add3A_260 = arith.addf %get3A_259, %broadcast_in_dim3A_152 : vector<16xf32>
            %exp3A_261 = math.exp %add3A_260 : vector<16xf32>
            %add3A_262 = arith.addf %scan3A_219, %exp3A_261 : vector<16xf32>
            %mul3A_263 = arith.constant 125 : i32
            %mul3A_264 = arith.muli %scan3A_199, %mul3A_263 : i32
            %mul3A_265 = arith.constant 5 : i32
            %mul3A_266 = arith.muli %scan3A_216, %mul3A_265 : i32
            %add3A_267 = arith.addi %mul3A_264, %mul3A_266 : i32
            %add3A_268 = arith.constant 3 : i32
            %add3A_269 = arith.addi %add3A_267, %add3A_268 : i32
            %mul3A_270 = arith.constant 16 : i32
            %mul3A_271 = arith.muli %add3A_269, %mul3A_270 : i32
            %get3A_272 = arith.index_cast %mul3A_271 : i32 to index
            %get3A_273 = tpu.vector_load %arg5[%get3A_272] {strides = array<i32>} : memref<100000xf32, #tpu.memory_space<vmem>>, vector<16xf32>,
            %add3A_274 = arith.addf %get3A_273, %broadcast_in_dim3A_152 : vector<16xf32>
            %exp3A_275 = math.exp %add3A_274 : vector<16xf32>
            %add3A_276 = arith.addf %scan3A_220, %exp3A_275 : vector<16xf32>
            %mul3A_277 = arith.constant 125 : i32
            %mul3A_278 = arith.muli %scan3A_199, %mul3A_277 : i32
            %mul3A_279 = arith.constant 5 : i32
            %mul3A_280 = arith.muli %scan3A_216, %mul3A_279 : i32
            %add3A_281 = arith.addi %mul3A_278, %mul3A_280 : i32
            %add3A_282 = arith.constant 4 : i32
            %add3A_283 = arith.addi %add3A_281, %add3A_282 : i32
            %mul3A_284 = arith.constant 16 : i32
            %mul3A_285 = arith.muli %add3A_283, %mul3A_284 : i32
            %get3A_286 = arith.index_cast %mul3A_285 : i32 to index
            %get3A_287 = tpu.vector_load %arg5[%get3A_286] {strides = array<i32>} : memref<100000xf32, #tpu.memory_space<vmem>>, vector<16xf32>,
            %add3A_288 = arith.addf %get3A_287, %broadcast_in_dim3A_152 : vector<16xf32>
            %exp3A_289 = math.exp %add3A_288 : vector<16xf32>
            %add3A_290 = arith.addf %scan3A_221, %exp3A_289 : vector<16xf32>
            scf.yield %add3A_234, %add3A_248, %add3A_262, %add3A_276, %add3A_290 : vector<16xf32>, vector<16xf32>, vector<16xf32>, vector<16xf32>, vector<16xf32>
          }
          %scan3A_206 = arith.constant 25 : i32
          %add3A_207 = arith.addf %scan3A_205#0, %scan3A_205#1 : vector<16xf32>
          %add3A_208 = arith.addf %scan3A_205#2, %scan3A_205#3 : vector<16xf32>
          %add3A_209 = arith.addf %add3A_207, %add3A_208 : vector<16xf32>
          %add3A_210 = arith.addf %add3A_209, %scan3A_205#4 : vector<16xf32>
          %mul3A_211 = arith.constant 16 : i32
          %mul3A_212 = arith.muli %scan3A_199, %mul3A_211 : i32
          %swap3A_213 = arith.index_cast %mul3A_212 : i32 to index
          %swap3A_214 = tpu.vector_load %arg6[%swap3A_213] {strides = array<i32>} : memref<800xf32, #tpu.memory_space<vmem>>, vector<16xf32>,
          tpu.vector_store %arg6[%swap3A_213], %add3A_210 {strides = array<i32>} : memref<800xf32, #tpu.memory_space<vmem>>, vector<16xf32>,
          %add3A_215 = arith.addf %scan3A_200, %add3A_210 : vector<16xf32>
          scf.yield %add3A_215 : vector<16xf32>
        }
        %scan3A_198 = arith.constant 50 : i32
        scf.yield %scan3A_197 : vector<16xf32>
      } else {
        %scan3A_193 = arith.constant 0 : i32
        %scan3A_194 = arith.constant 50 : i32
        %scan3A_195 = arith.addi %scan3A_193, %scan3A_194 : i32
        %scan3A_196 = arith.constant 1 : i32
        %scan3A_197 = scf.for %scan3A_199 = %scan3A_193 to %scan3A_195 step %scan3A_196 iter_args(%scan3A_200 = %broadcast_in_dim3A_1) -> (vector<16xf32>)  : i32 {
          %scan3A_201 = arith.constant 0 : i32
          %scan3A_202 = arith.constant 25 : i32
          %scan3A_203 = arith.addi %scan3A_201, %scan3A_202 : i32
          %scan3A_204 = arith.constant 1 : i32
          %scan3A_205:5 = scf.for %scan3A_216 = %scan3A_201 to %scan3A_203 step %scan3A_204 iter_args(%scan3A_217 = %broadcast_in_dim3A_1, %scan3A_218 = %broadcast_in_dim3A_1, %scan3A_219 = %broadcast_in_dim3A_1, %scan3A_220 = %broadcast_in_dim3A_1, %scan3A_221 = %broadcast_in_dim3A_1) -> (vector<16xf32>, vector<16xf32>, vector<16xf32>, vector<16xf32>, vector<16xf32>)  : i32 {
            %mul3A_222 = arith.constant 125 : i32
            %mul3A_223 = arith.muli %scan3A_199, %mul3A_222 : i32
            %mul3A_224 = arith.constant 5 : i32
            %mul3A_225 = arith.muli %scan3A_216, %mul3A_224 : i32
            %add3A_226 = arith.addi %mul3A_223, %mul3A_225 : i32
            %add3A_227 = arith.constant 0 : i32
            %add3A_228 = arith.addi %add3A_226, %add3A_227 : i32
            %mul3A_229 = arith.constant 16 : i32
            %mul3A_230 = arith.muli %add3A_228, %mul3A_229 : i32
            %get3A_231 = arith.index_cast %mul3A_230 : i32 to index
            %get3A_232 = tpu.vector_load %arg5[%get3A_231] {strides = array<i32>} : memref<100000xf32, #tpu.memory_space<vmem>>, vector<16xf32>,
            %mul3A_233 = arith.mulf %get3A_232, %broadcast_in_dim3A_39 : vector<16xf32>
            %add3A_234 = arith.addf %mul3A_233, %broadcast_in_dim3A_152 : vector<16xf32>
            %exp3A = math.exp %add3A_234 : vector<16xf32>
            %add3A_235 = arith.addf %scan3A_217, %exp3A : vector<16xf32>
            %mul3A_236 = arith.constant 125 : i32
            %mul3A_237 = arith.muli %scan3A_199, %mul3A_236 : i32
            %mul3A_238 = arith.constant 5 : i32
            %mul3A_239 = arith.muli %scan3A_216, %mul3A_238 : i32
            %add3A_240 = arith.addi %mul3A_237, %mul3A_239 : i32
            %add3A_241 = arith.constant 1 : i32
            %add3A_242 = arith.addi %add3A_240, %add3A_241 : i32
            %mul3A_243 = arith.constant 16 : i32
            %mul3A_244 = arith.muli %add3A_242, %mul3A_243 : i32
            %get3A_245 = arith.index_cast %mul3A_244 : i32 to index
            %get3A_246 = tpu.vector_load %arg5[%get3A_245] {strides = array<i32>} : memref<100000xf32, #tpu.memory_space<vmem>>, vector<16xf32>,
            %mul3A_247 = arith.mulf %get3A_246, %broadcast_in_dim3A_39 : vector<16xf32>
            %add3A_248 = arith.addf %mul3A_247, %broadcast_in_dim3A_152 : vector<16xf32>
            %exp3A_249 = math.exp %add3A_248 : vector<16xf32>
            %add3A_250 = arith.addf %scan3A_218, %exp3A_249 : vector<16xf32>
            %mul3A_251 = arith.constant 125 : i32
            %mul3A_252 = arith.muli %scan3A_199, %mul3A_251 : i32
            %mul3A_253 = arith.constant 5 : i32
            %mul3A_254 = arith.muli %scan3A_216, %mul3A_253 : i32
            %add3A_255 = arith.addi %mul3A_252, %mul3A_254 : i32
            %add3A_256 = arith.constant 2 : i32
            %add3A_257 = arith.addi %add3A_255, %add3A_256 : i32
            %mul3A_258 = arith.constant 16 : i32
            %mul3A_259 = arith.muli %add3A_257, %mul3A_258 : i32
            %get3A_260 = arith.index_cast %mul3A_259 : i32 to index
            %get3A_261 = tpu.vector_load %arg5[%get3A_260] {strides = array<i32>} : memref<100000xf32, #tpu.memory_space<vmem>>, vector<16xf32>,
            %mul3A_262 = arith.mulf %get3A_261, %broadcast_in_dim3A_39 : vector<16xf32>
            %add3A_263 = arith.addf %mul3A_262, %broadcast_in_dim3A_152 : vector<16xf32>
            %exp3A_264 = math.exp %add3A_263 : vector<16xf32>
            %add3A_265 = arith.addf %scan3A_219, %exp3A_264 : vector<16xf32>
            %mul3A_266 = arith.constant 125 : i32
            %mul3A_267 = arith.muli %scan3A_199, %mul3A_266 : i32
            %mul3A_268 = arith.constant 5 : i32
            %mul3A_269 = arith.muli %scan3A_216, %mul3A_268 : i32
            %add3A_270 = arith.addi %mul3A_267, %mul3A_269 : i32
            %add3A_271 = arith.constant 3 : i32
            %add3A_272 = arith.addi %add3A_270, %add3A_271 : i32
            %mul3A_273 = arith.constant 16 : i32
            %mul3A_274 = arith.muli %add3A_272, %mul3A_273 : i32
            %get3A_275 = arith.index_cast %mul3A_274 : i32 to index
            %get3A_276 = tpu.vector_load %arg5[%get3A_275] {strides = array<i32>} : memref<100000xf32, #tpu.memory_space<vmem>>, vector<16xf32>,
            %mul3A_277 = arith.mulf %get3A_276, %broadcast_in_dim3A_39 : vector<16xf32>
            %add3A_278 = arith.addf %mul3A_277, %broadcast_in_dim3A_152 : vector<16xf32>
            %exp3A_279 = math.exp %add3A_278 : vector<16xf32>
            %add3A_280 = arith.addf %scan3A_220, %exp3A_279 : vector<16xf32>
            %mul3A_281 = arith.constant 125 : i32
            %mul3A_282 = arith.muli %scan3A_199, %mul3A_281 : i32
            %mul3A_283 = arith.constant 5 : i32
            %mul3A_284 = arith.muli %scan3A_216, %mul3A_283 : i32
            %add3A_285 = arith.addi %mul3A_282, %mul3A_284 : i32
            %add3A_286 = arith.constant 4 : i32
            %add3A_287 = arith.addi %add3A_285, %add3A_286 : i32
            %mul3A_288 = arith.constant 16 : i32
            %mul3A_289 = arith.muli %add3A_287, %mul3A_288 : i32
            %get3A_290 = arith.index_cast %mul3A_289 : i32 to index
            %get3A_291 = tpu.vector_load %arg5[%get3A_290] {strides = array<i32>} : memref<100000xf32, #tpu.memory_space<vmem>>, vector<16xf32>,
            %mul3A_292 = arith.mulf %get3A_291, %broadcast_in_dim3A_39 : vector<16xf32>
            %add3A_293 = arith.addf %mul3A_292, %broadcast_in_dim3A_152 : vector<16xf32>
            %exp3A_294 = math.exp %add3A_293 : vector<16xf32>
            %add3A_295 = arith.addf %scan3A_221, %exp3A_294 : vector<16xf32>
            scf.yield %add3A_235, %add3A_250, %add3A_265, %add3A_280, %add3A_295 : vector<16xf32>, vector<16xf32>, vector<16xf32>, vector<16xf32>, vector<16xf32>
          }
          %scan3A_206 = arith.constant 25 : i32
          %add3A_207 = arith.addf %scan3A_205#0, %scan3A_205#1 : vector<16xf32>
          %add3A_208 = arith.addf %scan3A_205#2, %scan3A_205#3 : vector<16xf32>
          %add3A_209 = arith.addf %add3A_207, %add3A_208 : vector<16xf32>
          %add3A_210 = arith.addf %add3A_209, %scan3A_205#4 : vector<16xf32>
          %mul3A_211 = arith.constant 16 : i32
          %mul3A_212 = arith.muli %scan3A_199, %mul3A_211 : i32
          %swap3A_213 = arith.index_cast %mul3A_212 : i32 to index
          %swap3A_214 = tpu.vector_load %arg6[%swap3A_213] {strides = array<i32>} : memref<800xf32, #tpu.memory_space<vmem>>, vector<16xf32>,
          tpu.vector_store %arg6[%swap3A_213], %add3A_210 {strides = array<i32>} : memref<800xf32, #tpu.memory_space<vmem>>, vector<16xf32>,
          %add3A_215 = arith.addf %scan3A_200, %add3A_210 : vector<16xf32>
          scf.yield %add3A_215 : vector<16xf32>
        }
        %scan3A_198 = arith.constant 50 : i32
        scf.yield %scan3A_197 : vector<16xf32>
      }
      %reduce_sum3A_157 = arith.constant true
      %reduce_sum3A_158 = vector.broadcast %reduce_sum3A_157 : i1 to vector<16xi1>
      %reduce_sum3A_159 = tpu.scan <sum>, %cond3A_156 masked %reduce_sum3A_158 : vector<16xf32>, vector<16xi1> -> vector<16xf32>
      %reduce_sum3A_160 = vector.extract %reduce_sum3A_159[15] : f32 from vector<16xf32>
      %mul3A_161 = arith.mulf %reduce_sum3A_53, %reduce_sum3A_160 : f32
      %broadcast_in_dim3A_162 = vector.broadcast %mul3A_161 : f32 to vector<16xf32>
      %scan3A_163 = arith.constant 0.000000e+00 : f32
      %scan3A_164 = arith.constant 0 : i32
      %scan3A_165 = arith.constant 0.000000e+00 : f32
      %scan3A_166 = arith.constant 0 : i32
      %scan3A_167 = arith.constant 50 : i32
      %scan3A_168 = arith.addi %scan3A_166, %scan3A_167 : i32
      %scan3A_169 = arith.constant 1 : i32
      %scan3A_170:3 = scf.for %scan3A_193 = %scan3A_166 to %scan3A_168 step %scan3A_169 iter_args(%scan3A_194 = %scan3A_163, %scan3A_195 = %scan3A_164, %scan3A_196 = %scan3A_165) -> (f32, i32, f32)  : i32 {
        %mul3A_197 = arith.constant 16 : i32
        %mul3A_198 = arith.muli %scan3A_193, %mul3A_197 : i32
        %get3A_199 = arith.index_cast %mul3A_198 : i32 to index
        %get3A_200 = tpu.vector_load %arg6[%get3A_199] {strides = array<i32>} : memref<800xf32, #tpu.memory_space<vmem>>, vector<16xf32>,
        %reduce_sum3A_201 = arith.constant true
        %reduce_sum3A_202 = vector.broadcast %reduce_sum3A_201 : i1 to vector<16xi1>
        %reduce_sum3A_203 = tpu.scan <sum>, %get3A_200 masked %reduce_sum3A_202 : vector<16xf32>, vector<16xi1> -> vector<16xf32>
        %reduce_sum3A_204 = vector.extract %reduce_sum3A_203[15] : f32 from vector<16xf32>
        %add3A_205 = arith.addf %scan3A_194, %reduce_sum3A_204 : f32
        %lt3A = arith.cmpf olt, %add3A_205, %mul3A_161 : f32
        %jit3A_206 = arith.constant 1 : i32
        %jit3A_207 = arith.constant 0 : i32
        %select_n3A_208 = arith.select %lt3A, %jit3A_206, %jit3A_207 : i32
        %add3A_209 = arith.addi %scan3A_195, %select_n3A_208 : i32
        %jit3A_210 = arith.constant 0.000000e+00 : f32
        %select_n3A_211 = arith.select %lt3A, %reduce_sum3A_204, %jit3A_210 : f32
        %add3A_212 = arith.addf %scan3A_196, %select_n3A_211 : f32
        scf.yield %add3A_205, %add3A_209, %add3A_212 : f32, i32, f32
      }
      %scan3A_171 = arith.constant 50 : i32
      %min3A_172 = arith.constant 49 : i32
      %min3A_173 = arith.minsi %scan3A_170#1, %min3A_172 : i32
      %scan3A_174 = arith.constant 0 : i32
      %scan3A_175 = arith.constant 125 : i32
      %scan3A_176 = arith.addi %scan3A_174, %scan3A_175 : i32
      %scan3A_177 = arith.constant 1 : i32
      %scan3A_178:2 = scf.for %scan3A_193 = %scan3A_174 to %scan3A_176 step %scan3A_177 iter_args(%scan3A_194 = %scan3A_170#2, %scan3A_195 = %broadcast_in_dim3A_3) -> (f32, vector<16xi32>)  : i32 {
        %mul3A_196 = arith.constant 125 : i32
        %mul3A_197 = arith.muli %min3A_173, %mul3A_196 : i32
        %add3A_198 = arith.addi %mul3A_197, %scan3A_193 : i32
        %mul3A_199 = arith.constant 16 : i32
        %mul3A_200 = arith.muli %add3A_198, %mul3A_199 : i32
        %get3A_201 = arith.index_cast %mul3A_200 : i32 to index
        %get3A_202 = tpu.vector_load %arg5[%get3A_201] {strides = array<i32>} : memref<100000xf32, #tpu.memory_space<vmem>>, vector<16xf32>,
        %mul3A_203 = arith.mulf %get3A_202, %broadcast_in_dim3A_39 : vector<16xf32>
        %add3A_204 = arith.addf %mul3A_203, %broadcast_in_dim3A_152 : vector<16xf32>
        %exp3A = math.exp %add3A_204 : vector<16xf32>
        %broadcast_in_dim3A_205 = arith.constant true
        %broadcast_in_dim3A_206 = vector.broadcast %broadcast_in_dim3A_205 : i1 to vector<16xi1>
        %masked_cumsum3A = tpu.scan <sum>, %exp3A masked %broadcast_in_dim3A_206 : vector<16xf32>, vector<16xi1> -> vector<16xf32>
        %broadcast_in_dim3A_207 = vector.broadcast %scan3A_194 : f32 to vector<16xf32>
        %add3A_208 = arith.addf %masked_cumsum3A, %broadcast_in_dim3A_207 : vector<16xf32>
        %lt3A = arith.cmpf olt, %add3A_208, %broadcast_in_dim3A_162 : vector<16xf32>
        %all_reduce_population_count3A = tpu.all_reduce %lt3A {dim = 0 : i64, kind = #tpu.reduction_kind<sum>} : vector<16xi1> -> vector<16xi32>
        %add3A_209 = arith.addi %scan3A_195, %all_reduce_population_count3A : vector<16xi32>
        %reduce_sum3A_210 = arith.constant true
        %reduce_sum3A_211 = vector.broadcast %reduce_sum3A_210 : i1 to vector<16xi1>
        %reduce_sum3A_212 = tpu.scan <sum>, %exp3A masked %reduce_sum3A_211 : vector<16xf32>, vector<16xi1> -> vector<16xf32>
        %reduce_sum3A_213 = vector.extract %reduce_sum3A_212[15] : f32 from vector<16xf32>
        %add3A_214 = arith.addf %scan3A_194, %reduce_sum3A_213 : f32
        scf.yield %add3A_214, %add3A_209 : f32, vector<16xi32>
      }
      %scan3A_179 = arith.constant 125 : i32
      %reduce_max3A_180 = arith.constant true
      %reduce_max3A_181 = vector.broadcast %reduce_max3A_180 : i1 to vector<16xi1>
      %reduce_max3A_182 = arith.constant -2147483648 : i32
      %reduce_max3A_183 = vector.broadcast %reduce_max3A_182 : i32 to vector<16xi32>
      %reduce_max3A_184 = arith.xori %scan3A_178#1, %reduce_max3A_183 : vector<16xi32>
      %reduce_max3A_185 = tpu.scan <max>, %reduce_max3A_184 masked %reduce_max3A_181 : vector<16xi32>, vector<16xi1> -> vector<16xi32>
      %reduce_max3A_186 = arith.xori %reduce_max3A_185, %reduce_max3A_183 : vector<16xi32>
      %reduce_max3A_187 = vector.extract %reduce_max3A_186[15] : i32 from vector<16xi32>
      %ge3A = arith.constant 50 : i32
      %ge3A_188 = arith.cmpi sge, %scan3A_170#1, %ge3A : i32
      %mul3A_189 = arith.constant 2000 : i32
      %mul3A_190 = arith.muli %min3A_173, %mul3A_189 : i32
      %add3A_191 = arith.addi %mul3A_190, %reduce_max3A_187 : i32
      %jit3A = arith.constant 100000 : i32
      %select_n3A_192 = arith.select %ge3A_188, %jit3A, %add3A_191 : i32
      scf.yield %select_n3A_192 : i32
    }
    %eq3A_56 = arith.constant 0 : i32
    %eq3A_57 = vector.broadcast %eq3A_56 : i32 to vector<16xi32>
    %eq3A_58 = arith.cmpi eq, %iota3A, %eq3A_57 : vector<16xi32>
    %broadcast_in_dim3A_59 = vector.broadcast %cond3A_55 : i32 to vector<16xi32>
    %select_n3A_60 = arith.select %eq3A_58, %broadcast_in_dim3A_59, %broadcast_in_dim3A_3 : vector<16xi1>, vector<16xi32>
    %mul3A_61 = arith.constant 4 : i32
    %mul3A_62 = arith.muli %add3A, %mul3A_61 : i32
    %add3A_63 = arith.constant 1 : i32
    %add3A_64 = arith.addi %mul3A_62, %add3A_63 : i32
    "tpu.region"() ({
      %run_scoped3A = tpu.sem_alloc : memref<!tpu.dma_semaphore, #tpu.memory_space<semaphore_mem>>
      %dma_start3A = arith.constant 0 : i32
      %dma_start3A_131 = tpu.memref_slice %arg2[%add3A_64, %dma_start3A] : memref<128x100000xf32, #tpu.memory_space<hbm>> -> memref<1x100000xf32, #tpu.memory_space<hbm>>
      %dma_start3A_132 = tpu.memref_squeeze %dma_start3A_131 : memref<1x100000xf32, #tpu.memory_space<hbm>> -> memref<100000xf32, #tpu.memory_space<hbm>>
      %dma_start3A_133 = arith.constant 0 : i32
      %dma_start3A_134 = tpu.memref_slice %arg2[%add3A_64, %dma_start3A_133] : memref<128x100000xf32, #tpu.memory_space<hbm>> -> memref<1x100000xf32, #tpu.memory_space<hbm>>
      %dma_start3A_135 = tpu.memref_squeeze %dma_start3A_134 : memref<1x100000xf32, #tpu.memory_space<hbm>> -> memref<100000xf32, #tpu.memory_space<hbm>>
      tpu.enqueue_dma source(%dma_start3A_135 : memref<100000xf32, #tpu.memory_space<hbm>>) target(%arg5 : memref<100000xf32, #tpu.memory_space<vmem>>) target_semaphore(%run_scoped3A : memref<!tpu.dma_semaphore, #tpu.memory_space<semaphore_mem>>)
      %dma_wait3A = arith.constant 0 : i32
      %dma_wait3A_136 = tpu.memref_slice %arg2[%add3A_64, %dma_wait3A] : memref<128x100000xf32, #tpu.memory_space<hbm>> -> memref<1x100000xf32, #tpu.memory_space<hbm>>
      %dma_wait3A_137 = tpu.memref_squeeze %dma_wait3A_136 : memref<1x100000xf32, #tpu.memory_space<hbm>> -> memref<100000xf32, #tpu.memory_space<hbm>>
      %dma_wait3A_138 = arith.constant 0 : i32
      %dma_wait3A_139 = tpu.memref_slice %arg2[%add3A_64, %dma_wait3A_138] : memref<128x100000xf32, #tpu.memory_space<hbm>> -> memref<1x100000xf32, #tpu.memory_space<hbm>>
      %dma_wait3A_140 = tpu.memref_squeeze %dma_wait3A_139 : memref<1x100000xf32, #tpu.memory_space<hbm>> -> memref<100000xf32, #tpu.memory_space<hbm>>
      tpu.wait_dma2 semaphore(%run_scoped3A : memref<!tpu.dma_semaphore, #tpu.memory_space<semaphore_mem>>) src(%dma_wait3A_140 : memref<100000xf32, #tpu.memory_space<hbm>>) dst(%arg5 : memref<100000xf32, #tpu.memory_space<vmem>>)
      tpu.yield
    }) : () -> ()
    %eq3A_65 = arith.constant 1 : i32
    %eq3A_66 = vector.broadcast %eq3A_65 : i32 to vector<16xi32>
    %eq3A_67 = arith.cmpi eq, %iota3A, %eq3A_66 : vector<16xi32>
    %broadcast_in_dim3A_68 = arith.constant 0.000000e+00 : f32
    %broadcast_in_dim3A_69 = vector.broadcast %broadcast_in_dim3A_68 : f32 to vector<16xf32>
    %select_n3A_70 = arith.select %eq3A_67, %get3A_8, %broadcast_in_dim3A_69 : vector<16xi1>, vector<16xf32>
    %reduce_sum3A_71 = arith.constant true
    %reduce_sum3A_72 = vector.broadcast %reduce_sum3A_71 : i1 to vector<16xi1>
    %reduce_sum3A_73 = tpu.scan <sum>, %select_n3A_70 masked %reduce_sum3A_72 : vector<16xf32>, vector<16xi1> -> vector<16xf32>
    %reduce_sum3A_74 = vector.extract %reduce_sum3A_73[15] : f32 from vector<16xf32>
    %convert_element_type3A_75 = arith.extui %gt3A_26 : i1 to i32
    %cond3A_76 = arith.constant 0 : i32
    %cond3A_77 = arith.cmpi ne, %convert_element_type3A_75, %cond3A_76 : i32
    %cond3A_78 = scf.if %cond3A_77 -> (i32) {
      %scan3A = arith.constant 0 : i32
      %scan3A_131 = arith.constant 1250 : i32
      %scan3A_132 = arith.addi %scan3A, %scan3A_131 : i32
      %scan3A_133 = arith.constant 1 : i32
      %scan3A_134:2 = scf.for %scan3A_151 = %scan3A to %scan3A_132 step %scan3A_133 iter_args(%scan3A_152 = %broadcast_in_dim3A_5, %scan3A_153 = %broadcast_in_dim3A_3) -> (vector<16xf32>, vector<16xi32>)  : i32 {
        %mul3A_154 = arith.constant 5 : i32
        %mul3A_155 = arith.muli %scan3A_151, %mul3A_154 : i32
        %add3A_156 = arith.constant 0 : i32
        %add3A_157 = arith.addi %mul3A_155, %add3A_156 : i32
        %mul3A_158 = arith.constant 16 : i32
        %mul3A_159 = arith.muli %add3A_157, %mul3A_158 : i32
        %get3A_160 = arith.index_cast %mul3A_159 : i32 to index
        %get3A_161 = tpu.vector_load %arg5[%get3A_160] {strides = array<i32>} : memref<100000xf32, #tpu.memory_space<vmem>>, vector<16xf32>,
        %gt3A_162 = arith.cmpf ogt, %get3A_161, %scan3A_152 : vector<16xf32>
        %select_n3A_163 = arith.select %gt3A_162, %get3A_161, %scan3A_152 : vector<16xi1>, vector<16xf32>
        %mul3A_164 = arith.constant 5 : i32
        %mul3A_165 = arith.muli %scan3A_151, %mul3A_164 : i32
        %add3A_166 = arith.constant 0 : i32
        %add3A_167 = arith.addi %mul3A_165, %add3A_166 : i32
        %mul3A_168 = arith.constant 16 : i32
        %mul3A_169 = arith.muli %add3A_167, %mul3A_168 : i32
        %add3A_170 = vector.broadcast %mul3A_169 : i32 to vector<16xi32>
        %add3A_171 = arith.addi %iota3A, %add3A_170 : vector<16xi32>
        %select_n3A_172 = arith.select %gt3A_162, %add3A_171, %scan3A_153 : vector<16xi1>, vector<16xi32>
        %mul3A_173 = arith.constant 5 : i32
        %mul3A_174 = arith.muli %scan3A_151, %mul3A_173 : i32
        %add3A_175 = arith.constant 1 : i32
        %add3A_176 = arith.addi %mul3A_174, %add3A_175 : i32
        %mul3A_177 = arith.constant 16 : i32
        %mul3A_178 = arith.muli %add3A_176, %mul3A_177 : i32
        %get3A_179 = arith.index_cast %mul3A_178 : i32 to index
        %get3A_180 = tpu.vector_load %arg5[%get3A_179] {strides = array<i32>} : memref<100000xf32, #tpu.memory_space<vmem>>, vector<16xf32>,
        %gt3A_181 = arith.cmpf ogt, %get3A_180, %select_n3A_163 : vector<16xf32>
        %select_n3A_182 = arith.select %gt3A_181, %get3A_180, %select_n3A_163 : vector<16xi1>, vector<16xf32>
        %mul3A_183 = arith.constant 5 : i32
        %mul3A_184 = arith.muli %scan3A_151, %mul3A_183 : i32
        %add3A_185 = arith.constant 1 : i32
        %add3A_186 = arith.addi %mul3A_184, %add3A_185 : i32
        %mul3A_187 = arith.constant 16 : i32
        %mul3A_188 = arith.muli %add3A_186, %mul3A_187 : i32
        %add3A_189 = vector.broadcast %mul3A_188 : i32 to vector<16xi32>
        %add3A_190 = arith.addi %iota3A, %add3A_189 : vector<16xi32>
        %select_n3A_191 = arith.select %gt3A_181, %add3A_190, %select_n3A_172 : vector<16xi1>, vector<16xi32>
        %mul3A_192 = arith.constant 5 : i32
        %mul3A_193 = arith.muli %scan3A_151, %mul3A_192 : i32
        %add3A_194 = arith.constant 2 : i32
        %add3A_195 = arith.addi %mul3A_193, %add3A_194 : i32
        %mul3A_196 = arith.constant 16 : i32
        %mul3A_197 = arith.muli %add3A_195, %mul3A_196 : i32
        %get3A_198 = arith.index_cast %mul3A_197 : i32 to index
        %get3A_199 = tpu.vector_load %arg5[%get3A_198] {strides = array<i32>} : memref<100000xf32, #tpu.memory_space<vmem>>, vector<16xf32>,
        %gt3A_200 = arith.cmpf ogt, %get3A_199, %select_n3A_182 : vector<16xf32>
        %select_n3A_201 = arith.select %gt3A_200, %get3A_199, %select_n3A_182 : vector<16xi1>, vector<16xf32>
        %mul3A_202 = arith.constant 5 : i32
        %mul3A_203 = arith.muli %scan3A_151, %mul3A_202 : i32
        %add3A_204 = arith.constant 2 : i32
        %add3A_205 = arith.addi %mul3A_203, %add3A_204 : i32
        %mul3A_206 = arith.constant 16 : i32
        %mul3A_207 = arith.muli %add3A_205, %mul3A_206 : i32
        %add3A_208 = vector.broadcast %mul3A_207 : i32 to vector<16xi32>
        %add3A_209 = arith.addi %iota3A, %add3A_208 : vector<16xi32>
        %select_n3A_210 = arith.select %gt3A_200, %add3A_209, %select_n3A_191 : vector<16xi1>, vector<16xi32>
        %mul3A_211 = arith.constant 5 : i32
        %mul3A_212 = arith.muli %scan3A_151, %mul3A_211 : i32
        %add3A_213 = arith.constant 3 : i32
        %add3A_214 = arith.addi %mul3A_212, %add3A_213 : i32
        %mul3A_215 = arith.constant 16 : i32
        %mul3A_216 = arith.muli %add3A_214, %mul3A_215 : i32
        %get3A_217 = arith.index_cast %mul3A_216 : i32 to index
        %get3A_218 = tpu.vector_load %arg5[%get3A_217] {strides = array<i32>} : memref<100000xf32, #tpu.memory_space<vmem>>, vector<16xf32>,
        %gt3A_219 = arith.cmpf ogt, %get3A_218, %select_n3A_201 : vector<16xf32>
        %select_n3A_220 = arith.select %gt3A_219, %get3A_218, %select_n3A_201 : vector<16xi1>, vector<16xf32>
        %mul3A_221 = arith.constant 5 : i32
        %mul3A_222 = arith.muli %scan3A_151, %mul3A_221 : i32
        %add3A_223 = arith.constant 3 : i32
        %add3A_224 = arith.addi %mul3A_222, %add3A_223 : i32
        %mul3A_225 = arith.constant 16 : i32
        %mul3A_226 = arith.muli %add3A_224, %mul3A_225 : i32
        %add3A_227 = vector.broadcast %mul3A_226 : i32 to vector<16xi32>
        %add3A_228 = arith.addi %iota3A, %add3A_227 : vector<16xi32>
        %select_n3A_229 = arith.select %gt3A_219, %add3A_228, %select_n3A_210 : vector<16xi1>, vector<16xi32>
        %mul3A_230 = arith.constant 5 : i32
        %mul3A_231 = arith.muli %scan3A_151, %mul3A_230 : i32
        %add3A_232 = arith.constant 4 : i32
        %add3A_233 = arith.addi %mul3A_231, %add3A_232 : i32
        %mul3A_234 = arith.constant 16 : i32
        %mul3A_235 = arith.muli %add3A_233, %mul3A_234 : i32
        %get3A_236 = arith.index_cast %mul3A_235 : i32 to index
        %get3A_237 = tpu.vector_load %arg5[%get3A_236] {strides = array<i32>} : memref<100000xf32, #tpu.memory_space<vmem>>, vector<16xf32>,
        %gt3A_238 = arith.cmpf ogt, %get3A_237, %select_n3A_220 : vector<16xf32>
        %select_n3A_239 = arith.select %gt3A_238, %get3A_237, %select_n3A_220 : vector<16xi1>, vector<16xf32>
        %mul3A_240 = arith.constant 5 : i32
        %mul3A_241 = arith.muli %scan3A_151, %mul3A_240 : i32
        %add3A_242 = arith.constant 4 : i32
        %add3A_243 = arith.addi %mul3A_241, %add3A_242 : i32
        %mul3A_244 = arith.constant 16 : i32
        %mul3A_245 = arith.muli %add3A_243, %mul3A_244 : i32
        %add3A_246 = vector.broadcast %mul3A_245 : i32 to vector<16xi32>
        %add3A_247 = arith.addi %iota3A, %add3A_246 : vector<16xi32>
        %select_n3A_248 = arith.select %gt3A_238, %add3A_247, %select_n3A_229 : vector<16xi1>, vector<16xi32>
        scf.yield %select_n3A_239, %select_n3A_248 : vector<16xf32>, vector<16xi32>
      }
      %scan3A_135 = arith.constant 1250 : i32
      %reduce_max3A = arith.constant true
      %reduce_max3A_136 = vector.broadcast %reduce_max3A : i1 to vector<16xi1>
      %reduce_max3A_137 = tpu.scan <max>, %scan3A_134#0 masked %reduce_max3A_136 : vector<16xf32>, vector<16xi1> -> vector<16xf32>
      %reduce_max3A_138 = vector.extract %reduce_max3A_137[15] : f32 from vector<16xf32>
      %broadcast_in_dim3A_139 = vector.broadcast %reduce_max3A_138 : f32 to vector<16xf32>
      %broadcast_in_dim3A_140 = arith.constant 100000 : i32
      %broadcast_in_dim3A_141 = vector.broadcast %broadcast_in_dim3A_140 : i32 to vector<16xi32>
      %eq3A_142 = arith.cmpf oeq, %scan3A_134#0, %broadcast_in_dim3A_139 : vector<16xf32>
      %select_n3A_143 = arith.select %eq3A_142, %scan3A_134#1, %broadcast_in_dim3A_141 : vector<16xi1>, vector<16xi32>
      %reduce_min3A = arith.constant true
      %reduce_min3A_144 = vector.broadcast %reduce_min3A : i1 to vector<16xi1>
      %reduce_min3A_145 = arith.constant -2147483648 : i32
      %reduce_min3A_146 = vector.broadcast %reduce_min3A_145 : i32 to vector<16xi32>
      %reduce_min3A_147 = arith.xori %select_n3A_143, %reduce_min3A_146 : vector<16xi32>
      %reduce_min3A_148 = tpu.scan <min>, %reduce_min3A_147 masked %reduce_min3A_144 : vector<16xi32>, vector<16xi1> -> vector<16xi32>
      %reduce_min3A_149 = arith.xori %reduce_min3A_148, %reduce_min3A_146 : vector<16xi32>
      %reduce_min3A_150 = vector.extract %reduce_min3A_149[15] : i32 from vector<16xi32>
      scf.yield %reduce_min3A_150 : i32
    } else {
      %scan3A = arith.constant 0 : i32
      %scan3A_131 = arith.constant 625 : i32
      %scan3A_132 = arith.addi %scan3A, %scan3A_131 : i32
      %scan3A_133 = arith.constant 1 : i32
      %scan3A_134:10 = scf.for %scan3A_193 = %scan3A to %scan3A_132 step %scan3A_133 iter_args(%scan3A_194 = %broadcast_in_dim3A_5, %scan3A_195 = %broadcast_in_dim3A_5, %scan3A_196 = %broadcast_in_dim3A_5, %scan3A_197 = %broadcast_in_dim3A_5, %scan3A_198 = %broadcast_in_dim3A_5, %scan3A_199 = %broadcast_in_dim3A_7, %scan3A_200 = %broadcast_in_dim3A_7, %scan3A_201 = %broadcast_in_dim3A_7, %scan3A_202 = %broadcast_in_dim3A_7, %scan3A_203 = %broadcast_in_dim3A_7) -> (vector<16xf32>, vector<16xf32>, vector<16xf32>, vector<16xf32>, vector<16xf32>, vector<16xf32>, vector<16xf32>, vector<16xf32>, vector<16xf32>, vector<16xf32>)  : i32 {
        %mul3A_204 = arith.constant 10 : i32
        %mul3A_205 = arith.muli %scan3A_193, %mul3A_204 : i32
        %add3A_206 = arith.constant 0 : i32
        %add3A_207 = arith.addi %mul3A_205, %add3A_206 : i32
        %mul3A_208 = arith.constant 16 : i32
        %mul3A_209 = arith.muli %add3A_207, %mul3A_208 : i32
        %get3A_210 = arith.index_cast %mul3A_209 : i32 to index
        %get3A_211 = tpu.vector_load %arg5[%get3A_210] {strides = array<i32>} : memref<100000xf32, #tpu.memory_space<vmem>>, vector<16xf32>,
        %max3A_212 = arith.maximumf %scan3A_194, %get3A_211 : vector<16xf32>
        %min3A_213 = arith.minimumf %scan3A_199, %get3A_211 : vector<16xf32>
        %mul3A_214 = arith.constant 10 : i32
        %mul3A_215 = arith.muli %scan3A_193, %mul3A_214 : i32
        %add3A_216 = arith.constant 1 : i32
        %add3A_217 = arith.addi %mul3A_215, %add3A_216 : i32
        %mul3A_218 = arith.constant 16 : i32
        %mul3A_219 = arith.muli %add3A_217, %mul3A_218 : i32
        %get3A_220 = arith.index_cast %mul3A_219 : i32 to index
        %get3A_221 = tpu.vector_load %arg5[%get3A_220] {strides = array<i32>} : memref<100000xf32, #tpu.memory_space<vmem>>, vector<16xf32>,
        %max3A_222 = arith.maximumf %scan3A_195, %get3A_221 : vector<16xf32>
        %min3A_223 = arith.minimumf %scan3A_200, %get3A_221 : vector<16xf32>
        %mul3A_224 = arith.constant 10 : i32
        %mul3A_225 = arith.muli %scan3A_193, %mul3A_224 : i32
        %add3A_226 = arith.constant 2 : i32
        %add3A_227 = arith.addi %mul3A_225, %add3A_226 : i32
        %mul3A_228 = arith.constant 16 : i32
        %mul3A_229 = arith.muli %add3A_227, %mul3A_228 : i32
        %get3A_230 = arith.index_cast %mul3A_229 : i32 to index
        %get3A_231 = tpu.vector_load %arg5[%get3A_230] {strides = array<i32>} : memref<100000xf32, #tpu.memory_space<vmem>>, vector<16xf32>,
        %max3A_232 = arith.maximumf %scan3A_196, %get3A_231 : vector<16xf32>
        %min3A_233 = arith.minimumf %scan3A_201, %get3A_231 : vector<16xf32>
        %mul3A_234 = arith.constant 10 : i32
        %mul3A_235 = arith.muli %scan3A_193, %mul3A_234 : i32
        %add3A_236 = arith.constant 3 : i32
        %add3A_237 = arith.addi %mul3A_235, %add3A_236 : i32
        %mul3A_238 = arith.constant 16 : i32
        %mul3A_239 = arith.muli %add3A_237, %mul3A_238 : i32
        %get3A_240 = arith.index_cast %mul3A_239 : i32 to index
        %get3A_241 = tpu.vector_load %arg5[%get3A_240] {strides = array<i32>} : memref<100000xf32, #tpu.memory_space<vmem>>, vector<16xf32>,
        %max3A_242 = arith.maximumf %scan3A_197, %get3A_241 : vector<16xf32>
        %min3A_243 = arith.minimumf %scan3A_202, %get3A_241 : vector<16xf32>
        %mul3A_244 = arith.constant 10 : i32
        %mul3A_245 = arith.muli %scan3A_193, %mul3A_244 : i32
        %add3A_246 = arith.constant 4 : i32
        %add3A_247 = arith.addi %mul3A_245, %add3A_246 : i32
        %mul3A_248 = arith.constant 16 : i32
        %mul3A_249 = arith.muli %add3A_247, %mul3A_248 : i32
        %get3A_250 = arith.index_cast %mul3A_249 : i32 to index
        %get3A_251 = tpu.vector_load %arg5[%get3A_250] {strides = array<i32>} : memref<100000xf32, #tpu.memory_space<vmem>>, vector<16xf32>,
        %max3A_252 = arith.maximumf %scan3A_198, %get3A_251 : vector<16xf32>
        %min3A_253 = arith.minimumf %scan3A_203, %get3A_251 : vector<16xf32>
        %mul3A_254 = arith.constant 10 : i32
        %mul3A_255 = arith.muli %scan3A_193, %mul3A_254 : i32
        %add3A_256 = arith.constant 5 : i32
        %add3A_257 = arith.addi %mul3A_255, %add3A_256 : i32
        %mul3A_258 = arith.constant 16 : i32
        %mul3A_259 = arith.muli %add3A_257, %mul3A_258 : i32
        %get3A_260 = arith.index_cast %mul3A_259 : i32 to index
        %get3A_261 = tpu.vector_load %arg5[%get3A_260] {strides = array<i32>} : memref<100000xf32, #tpu.memory_space<vmem>>, vector<16xf32>,
        %max3A_262 = arith.maximumf %max3A_212, %get3A_261 : vector<16xf32>
        %min3A_263 = arith.minimumf %min3A_213, %get3A_261 : vector<16xf32>
        %mul3A_264 = arith.constant 10 : i32
        %mul3A_265 = arith.muli %scan3A_193, %mul3A_264 : i32
        %add3A_266 = arith.constant 6 : i32
        %add3A_267 = arith.addi %mul3A_265, %add3A_266 : i32
        %mul3A_268 = arith.constant 16 : i32
        %mul3A_269 = arith.muli %add3A_267, %mul3A_268 : i32
        %get3A_270 = arith.index_cast %mul3A_269 : i32 to index
        %get3A_271 = tpu.vector_load %arg5[%get3A_270] {strides = array<i32>} : memref<100000xf32, #tpu.memory_space<vmem>>, vector<16xf32>,
        %max3A_272 = arith.maximumf %max3A_222, %get3A_271 : vector<16xf32>
        %min3A_273 = arith.minimumf %min3A_223, %get3A_271 : vector<16xf32>
        %mul3A_274 = arith.constant 10 : i32
        %mul3A_275 = arith.muli %scan3A_193, %mul3A_274 : i32
        %add3A_276 = arith.constant 7 : i32
        %add3A_277 = arith.addi %mul3A_275, %add3A_276 : i32
        %mul3A_278 = arith.constant 16 : i32
        %mul3A_279 = arith.muli %add3A_277, %mul3A_278 : i32
        %get3A_280 = arith.index_cast %mul3A_279 : i32 to index
        %get3A_281 = tpu.vector_load %arg5[%get3A_280] {strides = array<i32>} : memref<100000xf32, #tpu.memory_space<vmem>>, vector<16xf32>,
        %max3A_282 = arith.maximumf %max3A_232, %get3A_281 : vector<16xf32>
        %min3A_283 = arith.minimumf %min3A_233, %get3A_281 : vector<16xf32>
        %mul3A_284 = arith.constant 10 : i32
        %mul3A_285 = arith.muli %scan3A_193, %mul3A_284 : i32
        %add3A_286 = arith.constant 8 : i32
        %add3A_287 = arith.addi %mul3A_285, %add3A_286 : i32
        %mul3A_288 = arith.constant 16 : i32
        %mul3A_289 = arith.muli %add3A_287, %mul3A_288 : i32
        %get3A_290 = arith.index_cast %mul3A_289 : i32 to index
        %get3A_291 = tpu.vector_load %arg5[%get3A_290] {strides = array<i32>} : memref<100000xf32, #tpu.memory_space<vmem>>, vector<16xf32>,
        %max3A_292 = arith.maximumf %max3A_242, %get3A_291 : vector<16xf32>
        %min3A_293 = arith.minimumf %min3A_243, %get3A_291 : vector<16xf32>
        %mul3A_294 = arith.constant 10 : i32
        %mul3A_295 = arith.muli %scan3A_193, %mul3A_294 : i32
        %add3A_296 = arith.constant 9 : i32
        %add3A_297 = arith.addi %mul3A_295, %add3A_296 : i32
        %mul3A_298 = arith.constant 16 : i32
        %mul3A_299 = arith.muli %add3A_297, %mul3A_298 : i32
        %get3A_300 = arith.index_cast %mul3A_299 : i32 to index
        %get3A_301 = tpu.vector_load %arg5[%get3A_300] {strides = array<i32>} : memref<100000xf32, #tpu.memory_space<vmem>>, vector<16xf32>,
        %max3A_302 = arith.maximumf %max3A_252, %get3A_301 : vector<16xf32>
        %min3A_303 = arith.minimumf %min3A_253, %get3A_301 : vector<16xf32>
        scf.yield %max3A_262, %max3A_272, %max3A_282, %max3A_292, %max3A_302, %min3A_263, %min3A_273, %min3A_283, %min3A_293, %min3A_303 : vector<16xf32>, vector<16xf32>, vector<16xf32>, vector<16xf32>, vector<16xf32>, vector<16xf32>, vector<16xf32>, vector<16xf32>, vector<16xf32>, vector<16xf32>
      }
      %scan3A_135 = arith.constant 625 : i32
      %max3A = arith.maximumf %scan3A_134#0, %scan3A_134#1 : vector<16xf32>
      %min3A = arith.minimumf %scan3A_134#5, %scan3A_134#6 : vector<16xf32>
      %max3A_136 = arith.maximumf %max3A, %scan3A_134#2 : vector<16xf32>
      %min3A_137 = arith.minimumf %min3A, %scan3A_134#7 : vector<16xf32>
      %max3A_138 = arith.maximumf %max3A_136, %scan3A_134#3 : vector<16xf32>
      %min3A_139 = arith.minimumf %min3A_137, %scan3A_134#8 : vector<16xf32>
      %max3A_140 = arith.maximumf %max3A_138, %scan3A_134#4 : vector<16xf32>
      %min3A_141 = arith.minimumf %min3A_139, %scan3A_134#9 : vector<16xf32>
      %reduce_max3A = arith.constant true
      %reduce_max3A_142 = vector.broadcast %reduce_max3A : i1 to vector<16xi1>
      %reduce_max3A_143 = tpu.scan <max>, %max3A_140 masked %reduce_max3A_142 : vector<16xf32>, vector<16xi1> -> vector<16xf32>
      %reduce_max3A_144 = vector.extract %reduce_max3A_143[15] : f32 from vector<16xf32>
      %mul3A_145 = arith.mulf %reduce_max3A_144, %reduce_sum3A_15 : f32
      %reduce_min3A = arith.constant true
      %reduce_min3A_146 = vector.broadcast %reduce_min3A : i1 to vector<16xi1>
      %reduce_min3A_147 = tpu.scan <min>, %min3A_141 masked %reduce_min3A_146 : vector<16xf32>, vector<16xi1> -> vector<16xf32>
      %reduce_min3A_148 = vector.extract %reduce_min3A_147[15] : f32 from vector<16xf32>
      %mul3A_149 = arith.mulf %reduce_min3A_148, %reduce_sum3A_15 : f32
      %max3A_150 = arith.maximumf %mul3A_145, %mul3A_149 : f32
      %neg3A = arith.constant 0.000000e+00 : f32
      %neg3A_151 = arith.subf %neg3A, %max3A_150 : f32
      %broadcast_in_dim3A_152 = vector.broadcast %neg3A_151 : f32 to vector<16xf32>
      %convert_element_type3A_153 = arith.extui %gt3A_38 : i1 to i32
      %cond3A_154 = arith.constant 0 : i32
      %cond3A_155 = arith.cmpi ne, %convert_element_type3A_153, %cond3A_154 : i32
      %cond3A_156 = scf.if %cond3A_155 -> (vector<16xf32>) {
        %scan3A_193 = arith.constant 0 : i32
        %scan3A_194 = arith.constant 50 : i32
        %scan3A_195 = arith.addi %scan3A_193, %scan3A_194 : i32
        %scan3A_196 = arith.constant 1 : i32
        %scan3A_197 = scf.for %scan3A_199 = %scan3A_193 to %scan3A_195 step %scan3A_196 iter_args(%scan3A_200 = %broadcast_in_dim3A_1) -> (vector<16xf32>)  : i32 {
          %scan3A_201 = arith.constant 0 : i32
          %scan3A_202 = arith.constant 25 : i32
          %scan3A_203 = arith.addi %scan3A_201, %scan3A_202 : i32
          %scan3A_204 = arith.constant 1 : i32
          %scan3A_205:5 = scf.for %scan3A_216 = %scan3A_201 to %scan3A_203 step %scan3A_204 iter_args(%scan3A_217 = %broadcast_in_dim3A_1, %scan3A_218 = %broadcast_in_dim3A_1, %scan3A_219 = %broadcast_in_dim3A_1, %scan3A_220 = %broadcast_in_dim3A_1, %scan3A_221 = %broadcast_in_dim3A_1) -> (vector<16xf32>, vector<16xf32>, vector<16xf32>, vector<16xf32>, vector<16xf32>)  : i32 {
            %mul3A_222 = arith.constant 125 : i32
            %mul3A_223 = arith.muli %scan3A_199, %mul3A_222 : i32
            %mul3A_224 = arith.constant 5 : i32
            %mul3A_225 = arith.muli %scan3A_216, %mul3A_224 : i32
            %add3A_226 = arith.addi %mul3A_223, %mul3A_225 : i32
            %add3A_227 = arith.constant 0 : i32
            %add3A_228 = arith.addi %add3A_226, %add3A_227 : i32
            %mul3A_229 = arith.constant 16 : i32
            %mul3A_230 = arith.muli %add3A_228, %mul3A_229 : i32
            %get3A_231 = arith.index_cast %mul3A_230 : i32 to index
            %get3A_232 = tpu.vector_load %arg5[%get3A_231] {strides = array<i32>} : memref<100000xf32, #tpu.memory_space<vmem>>, vector<16xf32>,
            %add3A_233 = arith.addf %get3A_232, %broadcast_in_dim3A_152 : vector<16xf32>
            %exp3A = math.exp %add3A_233 : vector<16xf32>
            %add3A_234 = arith.addf %scan3A_217, %exp3A : vector<16xf32>
            %mul3A_235 = arith.constant 125 : i32
            %mul3A_236 = arith.muli %scan3A_199, %mul3A_235 : i32
            %mul3A_237 = arith.constant 5 : i32
            %mul3A_238 = arith.muli %scan3A_216, %mul3A_237 : i32
            %add3A_239 = arith.addi %mul3A_236, %mul3A_238 : i32
            %add3A_240 = arith.constant 1 : i32
            %add3A_241 = arith.addi %add3A_239, %add3A_240 : i32
            %mul3A_242 = arith.constant 16 : i32
            %mul3A_243 = arith.muli %add3A_241, %mul3A_242 : i32
            %get3A_244 = arith.index_cast %mul3A_243 : i32 to index
            %get3A_245 = tpu.vector_load %arg5[%get3A_244] {strides = array<i32>} : memref<100000xf32, #tpu.memory_space<vmem>>, vector<16xf32>,
            %add3A_246 = arith.addf %get3A_245, %broadcast_in_dim3A_152 : vector<16xf32>
            %exp3A_247 = math.exp %add3A_246 : vector<16xf32>
            %add3A_248 = arith.addf %scan3A_218, %exp3A_247 : vector<16xf32>
            %mul3A_249 = arith.constant 125 : i32
            %mul3A_250 = arith.muli %scan3A_199, %mul3A_249 : i32
            %mul3A_251 = arith.constant 5 : i32
            %mul3A_252 = arith.muli %scan3A_216, %mul3A_251 : i32
            %add3A_253 = arith.addi %mul3A_250, %mul3A_252 : i32
            %add3A_254 = arith.constant 2 : i32
            %add3A_255 = arith.addi %add3A_253, %add3A_254 : i32
            %mul3A_256 = arith.constant 16 : i32
            %mul3A_257 = arith.muli %add3A_255, %mul3A_256 : i32
            %get3A_258 = arith.index_cast %mul3A_257 : i32 to index
            %get3A_259 = tpu.vector_load %arg5[%get3A_258] {strides = array<i32>} : memref<100000xf32, #tpu.memory_space<vmem>>, vector<16xf32>,
            %add3A_260 = arith.addf %get3A_259, %broadcast_in_dim3A_152 : vector<16xf32>
            %exp3A_261 = math.exp %add3A_260 : vector<16xf32>
            %add3A_262 = arith.addf %scan3A_219, %exp3A_261 : vector<16xf32>
            %mul3A_263 = arith.constant 125 : i32
            %mul3A_264 = arith.muli %scan3A_199, %mul3A_263 : i32
            %mul3A_265 = arith.constant 5 : i32
            %mul3A_266 = arith.muli %scan3A_216, %mul3A_265 : i32
            %add3A_267 = arith.addi %mul3A_264, %mul3A_266 : i32
            %add3A_268 = arith.constant 3 : i32
            %add3A_269 = arith.addi %add3A_267, %add3A_268 : i32
            %mul3A_270 = arith.constant 16 : i32
            %mul3A_271 = arith.muli %add3A_269, %mul3A_270 : i32
            %get3A_272 = arith.index_cast %mul3A_271 : i32 to index
            %get3A_273 = tpu.vector_load %arg5[%get3A_272] {strides = array<i32>} : memref<100000xf32, #tpu.memory_space<vmem>>, vector<16xf32>,
            %add3A_274 = arith.addf %get3A_273, %broadcast_in_dim3A_152 : vector<16xf32>
            %exp3A_275 = math.exp %add3A_274 : vector<16xf32>
            %add3A_276 = arith.addf %scan3A_220, %exp3A_275 : vector<16xf32>
            %mul3A_277 = arith.constant 125 : i32
            %mul3A_278 = arith.muli %scan3A_199, %mul3A_277 : i32
            %mul3A_279 = arith.constant 5 : i32
            %mul3A_280 = arith.muli %scan3A_216, %mul3A_279 : i32
            %add3A_281 = arith.addi %mul3A_278, %mul3A_280 : i32
            %add3A_282 = arith.constant 4 : i32
            %add3A_283 = arith.addi %add3A_281, %add3A_282 : i32
            %mul3A_284 = arith.constant 16 : i32
            %mul3A_285 = arith.muli %add3A_283, %mul3A_284 : i32
            %get3A_286 = arith.index_cast %mul3A_285 : i32 to index
            %get3A_287 = tpu.vector_load %arg5[%get3A_286] {strides = array<i32>} : memref<100000xf32, #tpu.memory_space<vmem>>, vector<16xf32>,
            %add3A_288 = arith.addf %get3A_287, %broadcast_in_dim3A_152 : vector<16xf32>
            %exp3A_289 = math.exp %add3A_288 : vector<16xf32>
            %add3A_290 = arith.addf %scan3A_221, %exp3A_289 : vector<16xf32>
            scf.yield %add3A_234, %add3A_248, %add3A_262, %add3A_276, %add3A_290 : vector<16xf32>, vector<16xf32>, vector<16xf32>, vector<16xf32>, vector<16xf32>
          }
          %scan3A_206 = arith.constant 25 : i32
          %add3A_207 = arith.addf %scan3A_205#0, %scan3A_205#1 : vector<16xf32>
          %add3A_208 = arith.addf %scan3A_205#2, %scan3A_205#3 : vector<16xf32>
          %add3A_209 = arith.addf %add3A_207, %add3A_208 : vector<16xf32>
          %add3A_210 = arith.addf %add3A_209, %scan3A_205#4 : vector<16xf32>
          %mul3A_211 = arith.constant 16 : i32
          %mul3A_212 = arith.muli %scan3A_199, %mul3A_211 : i32
          %swap3A_213 = arith.index_cast %mul3A_212 : i32 to index
          %swap3A_214 = tpu.vector_load %arg6[%swap3A_213] {strides = array<i32>} : memref<800xf32, #tpu.memory_space<vmem>>, vector<16xf32>,
          tpu.vector_store %arg6[%swap3A_213], %add3A_210 {strides = array<i32>} : memref<800xf32, #tpu.memory_space<vmem>>, vector<16xf32>,
          %add3A_215 = arith.addf %scan3A_200, %add3A_210 : vector<16xf32>
          scf.yield %add3A_215 : vector<16xf32>
        }
        %scan3A_198 = arith.constant 50 : i32
        scf.yield %scan3A_197 : vector<16xf32>
      } else {
        %scan3A_193 = arith.constant 0 : i32
        %scan3A_194 = arith.constant 50 : i32
        %scan3A_195 = arith.addi %scan3A_193, %scan3A_194 : i32
        %scan3A_196 = arith.constant 1 : i32
        %scan3A_197 = scf.for %scan3A_199 = %scan3A_193 to %scan3A_195 step %scan3A_196 iter_args(%scan3A_200 = %broadcast_in_dim3A_1) -> (vector<16xf32>)  : i32 {
          %scan3A_201 = arith.constant 0 : i32
          %scan3A_202 = arith.constant 25 : i32
          %scan3A_203 = arith.addi %scan3A_201, %scan3A_202 : i32
          %scan3A_204 = arith.constant 1 : i32
          %scan3A_205:5 = scf.for %scan3A_216 = %scan3A_201 to %scan3A_203 step %scan3A_204 iter_args(%scan3A_217 = %broadcast_in_dim3A_1, %scan3A_218 = %broadcast_in_dim3A_1, %scan3A_219 = %broadcast_in_dim3A_1, %scan3A_220 = %broadcast_in_dim3A_1, %scan3A_221 = %broadcast_in_dim3A_1) -> (vector<16xf32>, vector<16xf32>, vector<16xf32>, vector<16xf32>, vector<16xf32>)  : i32 {
            %mul3A_222 = arith.constant 125 : i32
            %mul3A_223 = arith.muli %scan3A_199, %mul3A_222 : i32
            %mul3A_224 = arith.constant 5 : i32
            %mul3A_225 = arith.muli %scan3A_216, %mul3A_224 : i32
            %add3A_226 = arith.addi %mul3A_223, %mul3A_225 : i32
            %add3A_227 = arith.constant 0 : i32
            %add3A_228 = arith.addi %add3A_226, %add3A_227 : i32
            %mul3A_229 = arith.constant 16 : i32
            %mul3A_230 = arith.muli %add3A_228, %mul3A_229 : i32
            %get3A_231 = arith.index_cast %mul3A_230 : i32 to index
            %get3A_232 = tpu.vector_load %arg5[%get3A_231] {strides = array<i32>} : memref<100000xf32, #tpu.memory_space<vmem>>, vector<16xf32>,
            %mul3A_233 = arith.mulf %get3A_232, %broadcast_in_dim3A_39 : vector<16xf32>
            %add3A_234 = arith.addf %mul3A_233, %broadcast_in_dim3A_152 : vector<16xf32>
            %exp3A = math.exp %add3A_234 : vector<16xf32>
            %add3A_235 = arith.addf %scan3A_217, %exp3A : vector<16xf32>
            %mul3A_236 = arith.constant 125 : i32
            %mul3A_237 = arith.muli %scan3A_199, %mul3A_236 : i32
            %mul3A_238 = arith.constant 5 : i32
            %mul3A_239 = arith.muli %scan3A_216, %mul3A_238 : i32
            %add3A_240 = arith.addi %mul3A_237, %mul3A_239 : i32
            %add3A_241 = arith.constant 1 : i32
            %add3A_242 = arith.addi %add3A_240, %add3A_241 : i32
            %mul3A_243 = arith.constant 16 : i32
            %mul3A_244 = arith.muli %add3A_242, %mul3A_243 : i32
            %get3A_245 = arith.index_cast %mul3A_244 : i32 to index
            %get3A_246 = tpu.vector_load %arg5[%get3A_245] {strides = array<i32>} : memref<100000xf32, #tpu.memory_space<vmem>>, vector<16xf32>,
            %mul3A_247 = arith.mulf %get3A_246, %broadcast_in_dim3A_39 : vector<16xf32>
            %add3A_248 = arith.addf %mul3A_247, %broadcast_in_dim3A_152 : vector<16xf32>
            %exp3A_249 = math.exp %add3A_248 : vector<16xf32>
            %add3A_250 = arith.addf %scan3A_218, %exp3A_249 : vector<16xf32>
            %mul3A_251 = arith.constant 125 : i32
            %mul3A_252 = arith.muli %scan3A_199, %mul3A_251 : i32
            %mul3A_253 = arith.constant 5 : i32
            %mul3A_254 = arith.muli %scan3A_216, %mul3A_253 : i32
            %add3A_255 = arith.addi %mul3A_252, %mul3A_254 : i32
            %add3A_256 = arith.constant 2 : i32
            %add3A_257 = arith.addi %add3A_255, %add3A_256 : i32
            %mul3A_258 = arith.constant 16 : i32
            %mul3A_259 = arith.muli %add3A_257, %mul3A_258 : i32
            %get3A_260 = arith.index_cast %mul3A_259 : i32 to index
            %get3A_261 = tpu.vector_load %arg5[%get3A_260] {strides = array<i32>} : memref<100000xf32, #tpu.memory_space<vmem>>, vector<16xf32>,
            %mul3A_262 = arith.mulf %get3A_261, %broadcast_in_dim3A_39 : vector<16xf32>
            %add3A_263 = arith.addf %mul3A_262, %broadcast_in_dim3A_152 : vector<16xf32>
            %exp3A_264 = math.exp %add3A_263 : vector<16xf32>
            %add3A_265 = arith.addf %scan3A_219, %exp3A_264 : vector<16xf32>
            %mul3A_266 = arith.constant 125 : i32
            %mul3A_267 = arith.muli %scan3A_199, %mul3A_266 : i32
            %mul3A_268 = arith.constant 5 : i32
            %mul3A_269 = arith.muli %scan3A_216, %mul3A_268 : i32
            %add3A_270 = arith.addi %mul3A_267, %mul3A_269 : i32
            %add3A_271 = arith.constant 3 : i32
            %add3A_272 = arith.addi %add3A_270, %add3A_271 : i32
            %mul3A_273 = arith.constant 16 : i32
            %mul3A_274 = arith.muli %add3A_272, %mul3A_273 : i32
            %get3A_275 = arith.index_cast %mul3A_274 : i32 to index
            %get3A_276 = tpu.vector_load %arg5[%get3A_275] {strides = array<i32>} : memref<100000xf32, #tpu.memory_space<vmem>>, vector<16xf32>,
            %mul3A_277 = arith.mulf %get3A_276, %broadcast_in_dim3A_39 : vector<16xf32>
            %add3A_278 = arith.addf %mul3A_277, %broadcast_in_dim3A_152 : vector<16xf32>
            %exp3A_279 = math.exp %add3A_278 : vector<16xf32>
            %add3A_280 = arith.addf %scan3A_220, %exp3A_279 : vector<16xf32>
            %mul3A_281 = arith.constant 125 : i32
            %mul3A_282 = arith.muli %scan3A_199, %mul3A_281 : i32
            %mul3A_283 = arith.constant 5 : i32
            %mul3A_284 = arith.muli %scan3A_216, %mul3A_283 : i32
            %add3A_285 = arith.addi %mul3A_282, %mul3A_284 : i32
            %add3A_286 = arith.constant 4 : i32
            %add3A_287 = arith.addi %add3A_285, %add3A_286 : i32
            %mul3A_288 = arith.constant 16 : i32
            %mul3A_289 = arith.muli %add3A_287, %mul3A_288 : i32
            %get3A_290 = arith.index_cast %mul3A_289 : i32 to index
            %get3A_291 = tpu.vector_load %arg5[%get3A_290] {strides = array<i32>} : memref<100000xf32, #tpu.memory_space<vmem>>, vector<16xf32>,
            %mul3A_292 = arith.mulf %get3A_291, %broadcast_in_dim3A_39 : vector<16xf32>
            %add3A_293 = arith.addf %mul3A_292, %broadcast_in_dim3A_152 : vector<16xf32>
            %exp3A_294 = math.exp %add3A_293 : vector<16xf32>
            %add3A_295 = arith.addf %scan3A_221, %exp3A_294 : vector<16xf32>
            scf.yield %add3A_235, %add3A_250, %add3A_265, %add3A_280, %add3A_295 : vector<16xf32>, vector<16xf32>, vector<16xf32>, vector<16xf32>, vector<16xf32>
          }
          %scan3A_206 = arith.constant 25 : i32
          %add3A_207 = arith.addf %scan3A_205#0, %scan3A_205#1 : vector<16xf32>
          %add3A_208 = arith.addf %scan3A_205#2, %scan3A_205#3 : vector<16xf32>
          %add3A_209 = arith.addf %add3A_207, %add3A_208 : vector<16xf32>
          %add3A_210 = arith.addf %add3A_209, %scan3A_205#4 : vector<16xf32>
          %mul3A_211 = arith.constant 16 : i32
          %mul3A_212 = arith.muli %scan3A_199, %mul3A_211 : i32
          %swap3A_213 = arith.index_cast %mul3A_212 : i32 to index
          %swap3A_214 = tpu.vector_load %arg6[%swap3A_213] {strides = array<i32>} : memref<800xf32, #tpu.memory_space<vmem>>, vector<16xf32>,
          tpu.vector_store %arg6[%swap3A_213], %add3A_210 {strides = array<i32>} : memref<800xf32, #tpu.memory_space<vmem>>, vector<16xf32>,
          %add3A_215 = arith.addf %scan3A_200, %add3A_210 : vector<16xf32>
          scf.yield %add3A_215 : vector<16xf32>
        }
        %scan3A_198 = arith.constant 50 : i32
        scf.yield %scan3A_197 : vector<16xf32>
      }
      %reduce_sum3A_157 = arith.constant true
      %reduce_sum3A_158 = vector.broadcast %reduce_sum3A_157 : i1 to vector<16xi1>
      %reduce_sum3A_159 = tpu.scan <sum>, %cond3A_156 masked %reduce_sum3A_158 : vector<16xf32>, vector<16xi1> -> vector<16xf32>
      %reduce_sum3A_160 = vector.extract %reduce_sum3A_159[15] : f32 from vector<16xf32>
      %mul3A_161 = arith.mulf %reduce_sum3A_74, %reduce_sum3A_160 : f32
      %broadcast_in_dim3A_162 = vector.broadcast %mul3A_161 : f32 to vector<16xf32>
      %scan3A_163 = arith.constant 0.000000e+00 : f32
      %scan3A_164 = arith.constant 0 : i32
      %scan3A_165 = arith.constant 0.000000e+00 : f32
      %scan3A_166 = arith.constant 0 : i32
      %scan3A_167 = arith.constant 50 : i32
      %scan3A_168 = arith.addi %scan3A_166, %scan3A_167 : i32
      %scan3A_169 = arith.constant 1 : i32
      %scan3A_170:3 = scf.for %scan3A_193 = %scan3A_166 to %scan3A_168 step %scan3A_169 iter_args(%scan3A_194 = %scan3A_163, %scan3A_195 = %scan3A_164, %scan3A_196 = %scan3A_165) -> (f32, i32, f32)  : i32 {
        %mul3A_197 = arith.constant 16 : i32
        %mul3A_198 = arith.muli %scan3A_193, %mul3A_197 : i32
        %get3A_199 = arith.index_cast %mul3A_198 : i32 to index
        %get3A_200 = tpu.vector_load %arg6[%get3A_199] {strides = array<i32>} : memref<800xf32, #tpu.memory_space<vmem>>, vector<16xf32>,
        %reduce_sum3A_201 = arith.constant true
        %reduce_sum3A_202 = vector.broadcast %reduce_sum3A_201 : i1 to vector<16xi1>
        %reduce_sum3A_203 = tpu.scan <sum>, %get3A_200 masked %reduce_sum3A_202 : vector<16xf32>, vector<16xi1> -> vector<16xf32>
        %reduce_sum3A_204 = vector.extract %reduce_sum3A_203[15] : f32 from vector<16xf32>
        %add3A_205 = arith.addf %scan3A_194, %reduce_sum3A_204 : f32
        %lt3A = arith.cmpf olt, %add3A_205, %mul3A_161 : f32
        %jit3A_206 = arith.constant 1 : i32
        %jit3A_207 = arith.constant 0 : i32
        %select_n3A_208 = arith.select %lt3A, %jit3A_206, %jit3A_207 : i32
        %add3A_209 = arith.addi %scan3A_195, %select_n3A_208 : i32
        %jit3A_210 = arith.constant 0.000000e+00 : f32
        %select_n3A_211 = arith.select %lt3A, %reduce_sum3A_204, %jit3A_210 : f32
        %add3A_212 = arith.addf %scan3A_196, %select_n3A_211 : f32
        scf.yield %add3A_205, %add3A_209, %add3A_212 : f32, i32, f32
      }
      %scan3A_171 = arith.constant 50 : i32
      %min3A_172 = arith.constant 49 : i32
      %min3A_173 = arith.minsi %scan3A_170#1, %min3A_172 : i32
      %scan3A_174 = arith.constant 0 : i32
      %scan3A_175 = arith.constant 125 : i32
      %scan3A_176 = arith.addi %scan3A_174, %scan3A_175 : i32
      %scan3A_177 = arith.constant 1 : i32
      %scan3A_178:2 = scf.for %scan3A_193 = %scan3A_174 to %scan3A_176 step %scan3A_177 iter_args(%scan3A_194 = %scan3A_170#2, %scan3A_195 = %broadcast_in_dim3A_3) -> (f32, vector<16xi32>)  : i32 {
        %mul3A_196 = arith.constant 125 : i32
        %mul3A_197 = arith.muli %min3A_173, %mul3A_196 : i32
        %add3A_198 = arith.addi %mul3A_197, %scan3A_193 : i32
        %mul3A_199 = arith.constant 16 : i32
        %mul3A_200 = arith.muli %add3A_198, %mul3A_199 : i32
        %get3A_201 = arith.index_cast %mul3A_200 : i32 to index
        %get3A_202 = tpu.vector_load %arg5[%get3A_201] {strides = array<i32>} : memref<100000xf32, #tpu.memory_space<vmem>>, vector<16xf32>,
        %mul3A_203 = arith.mulf %get3A_202, %broadcast_in_dim3A_39 : vector<16xf32>
        %add3A_204 = arith.addf %mul3A_203, %broadcast_in_dim3A_152 : vector<16xf32>
        %exp3A = math.exp %add3A_204 : vector<16xf32>
        %broadcast_in_dim3A_205 = arith.constant true
        %broadcast_in_dim3A_206 = vector.broadcast %broadcast_in_dim3A_205 : i1 to vector<16xi1>
        %masked_cumsum3A = tpu.scan <sum>, %exp3A masked %broadcast_in_dim3A_206 : vector<16xf32>, vector<16xi1> -> vector<16xf32>
        %broadcast_in_dim3A_207 = vector.broadcast %scan3A_194 : f32 to vector<16xf32>
        %add3A_208 = arith.addf %masked_cumsum3A, %broadcast_in_dim3A_207 : vector<16xf32>
        %lt3A = arith.cmpf olt, %add3A_208, %broadcast_in_dim3A_162 : vector<16xf32>
        %all_reduce_population_count3A = tpu.all_reduce %lt3A {dim = 0 : i64, kind = #tpu.reduction_kind<sum>} : vector<16xi1> -> vector<16xi32>
        %add3A_209 = arith.addi %scan3A_195, %all_reduce_population_count3A : vector<16xi32>
        %reduce_sum3A_210 = arith.constant true
        %reduce_sum3A_211 = vector.broadcast %reduce_sum3A_210 : i1 to vector<16xi1>
        %reduce_sum3A_212 = tpu.scan <sum>, %exp3A masked %reduce_sum3A_211 : vector<16xf32>, vector<16xi1> -> vector<16xf32>
        %reduce_sum3A_213 = vector.extract %reduce_sum3A_212[15] : f32 from vector<16xf32>
        %add3A_214 = arith.addf %scan3A_194, %reduce_sum3A_213 : f32
        scf.yield %add3A_214, %add3A_209 : f32, vector<16xi32>
      }
      %scan3A_179 = arith.constant 125 : i32
      %reduce_max3A_180 = arith.constant true
      %reduce_max3A_181 = vector.broadcast %reduce_max3A_180 : i1 to vector<16xi1>
      %reduce_max3A_182 = arith.constant -2147483648 : i32
      %reduce_max3A_183 = vector.broadcast %reduce_max3A_182 : i32 to vector<16xi32>
      %reduce_max3A_184 = arith.xori %scan3A_178#1, %reduce_max3A_183 : vector<16xi32>
      %reduce_max3A_185 = tpu.scan <max>, %reduce_max3A_184 masked %reduce_max3A_181 : vector<16xi32>, vector<16xi1> -> vector<16xi32>
      %reduce_max3A_186 = arith.xori %reduce_max3A_185, %reduce_max3A_183 : vector<16xi32>
      %reduce_max3A_187 = vector.extract %reduce_max3A_186[15] : i32 from vector<16xi32>
      %ge3A = arith.constant 50 : i32
      %ge3A_188 = arith.cmpi sge, %scan3A_170#1, %ge3A : i32
      %mul3A_189 = arith.constant 2000 : i32
      %mul3A_190 = arith.muli %min3A_173, %mul3A_189 : i32
      %add3A_191 = arith.addi %mul3A_190, %reduce_max3A_187 : i32
      %jit3A = arith.constant 100000 : i32
      %select_n3A_192 = arith.select %ge3A_188, %jit3A, %add3A_191 : i32
      scf.yield %select_n3A_192 : i32
    }
    %eq3A_79 = arith.constant 1 : i32
    %eq3A_80 = vector.broadcast %eq3A_79 : i32 to vector<16xi32>
    %eq3A_81 = arith.cmpi eq, %iota3A, %eq3A_80 : vector<16xi32>
    %broadcast_in_dim3A_82 = vector.broadcast %cond3A_78 : i32 to vector<16xi32>
    %select_n3A_83 = arith.select %eq3A_81, %broadcast_in_dim3A_82, %select_n3A_60 : vector<16xi1>, vector<16xi32>
    %mul3A_84 = arith.constant 4 : i32
    %mul3A_85 = arith.muli %add3A, %mul3A_84 : i32
    %add3A_86 = arith.constant 2 : i32
    %add3A_87 = arith.addi %mul3A_85, %add3A_86 : i32
    "tpu.region"() ({
      %run_scoped3A = tpu.sem_alloc : memref<!tpu.dma_semaphore, #tpu.memory_space<semaphore_mem>>
      %dma_start3A = arith.constant 0 : i32
      %dma_start3A_131 = tpu.memref_slice %arg2[%add3A_87, %dma_start3A] : memref<128x100000xf32, #tpu.memory_space<hbm>> -> memref<1x100000xf32, #tpu.memory_space<hbm>>
      %dma_start3A_132 = tpu.memref_squeeze %dma_start3A_131 : memref<1x100000xf32, #tpu.memory_space<hbm>> -> memref<100000xf32, #tpu.memory_space<hbm>>
      %dma_start3A_133 = arith.constant 0 : i32
      %dma_start3A_134 = tpu.memref_slice %arg2[%add3A_87, %dma_start3A_133] : memref<128x100000xf32, #tpu.memory_space<hbm>> -> memref<1x100000xf32, #tpu.memory_space<hbm>>
      %dma_start3A_135 = tpu.memref_squeeze %dma_start3A_134 : memref<1x100000xf32, #tpu.memory_space<hbm>> -> memref<100000xf32, #tpu.memory_space<hbm>>
      tpu.enqueue_dma source(%dma_start3A_135 : memref<100000xf32, #tpu.memory_space<hbm>>) target(%arg5 : memref<100000xf32, #tpu.memory_space<vmem>>) target_semaphore(%run_scoped3A : memref<!tpu.dma_semaphore, #tpu.memory_space<semaphore_mem>>)
      %dma_wait3A = arith.constant 0 : i32
      %dma_wait3A_136 = tpu.memref_slice %arg2[%add3A_87, %dma_wait3A] : memref<128x100000xf32, #tpu.memory_space<hbm>> -> memref<1x100000xf32, #tpu.memory_space<hbm>>
      %dma_wait3A_137 = tpu.memref_squeeze %dma_wait3A_136 : memref<1x100000xf32, #tpu.memory_space<hbm>> -> memref<100000xf32, #tpu.memory_space<hbm>>
      %dma_wait3A_138 = arith.constant 0 : i32
      %dma_wait3A_139 = tpu.memref_slice %arg2[%add3A_87, %dma_wait3A_138] : memref<128x100000xf32, #tpu.memory_space<hbm>> -> memref<1x100000xf32, #tpu.memory_space<hbm>>
      %dma_wait3A_140 = tpu.memref_squeeze %dma_wait3A_139 : memref<1x100000xf32, #tpu.memory_space<hbm>> -> memref<100000xf32, #tpu.memory_space<hbm>>
      tpu.wait_dma2 semaphore(%run_scoped3A : memref<!tpu.dma_semaphore, #tpu.memory_space<semaphore_mem>>) src(%dma_wait3A_140 : memref<100000xf32, #tpu.memory_space<hbm>>) dst(%arg5 : memref<100000xf32, #tpu.memory_space<vmem>>)
      tpu.yield
    }) : () -> ()
    %eq3A_88 = arith.constant 2 : i32
    %eq3A_89 = vector.broadcast %eq3A_88 : i32 to vector<16xi32>
    %eq3A_90 = arith.cmpi eq, %iota3A, %eq3A_89 : vector<16xi32>
    %broadcast_in_dim3A_91 = arith.constant 0.000000e+00 : f32
    %broadcast_in_dim3A_92 = vector.broadcast %broadcast_in_dim3A_91 : f32 to vector<16xf32>
    %select_n3A_93 = arith.select %eq3A_90, %get3A_8, %broadcast_in_dim3A_92 : vector<16xi1>, vector<16xf32>
    %reduce_sum3A_94 = arith.constant true
    %reduce_sum3A_95 = vector.broadcast %reduce_sum3A_94 : i1 to vector<16xi1>
    %reduce_sum3A_96 = tpu.scan <sum>, %select_n3A_93 masked %reduce_sum3A_95 : vector<16xf32>, vector<16xi1> -> vector<16xf32>
    %reduce_sum3A_97 = vector.extract %reduce_sum3A_96[15] : f32 from vector<16xf32>
    %convert_element_type3A_98 = arith.extui %gt3A_26 : i1 to i32
    %cond3A_99 = arith.constant 0 : i32
    %cond3A_100 = arith.cmpi ne, %convert_element_type3A_98, %cond3A_99 : i32
    %cond3A_101 = scf.if %cond3A_100 -> (i32) {
      %scan3A = arith.constant 0 : i32
      %scan3A_131 = arith.constant 1250 : i32
      %scan3A_132 = arith.addi %scan3A, %scan3A_131 : i32
      %scan3A_133 = arith.constant 1 : i32
      %scan3A_134:2 = scf.for %scan3A_151 = %scan3A to %scan3A_132 step %scan3A_133 iter_args(%scan3A_152 = %broadcast_in_dim3A_5, %scan3A_153 = %broadcast_in_dim3A_3) -> (vector<16xf32>, vector<16xi32>)  : i32 {
        %mul3A_154 = arith.constant 5 : i32
        %mul3A_155 = arith.muli %scan3A_151, %mul3A_154 : i32
        %add3A_156 = arith.constant 0 : i32
        %add3A_157 = arith.addi %mul3A_155, %add3A_156 : i32
        %mul3A_158 = arith.constant 16 : i32
        %mul3A_159 = arith.muli %add3A_157, %mul3A_158 : i32
        %get3A_160 = arith.index_cast %mul3A_159 : i32 to index
        %get3A_161 = tpu.vector_load %arg5[%get3A_160] {strides = array<i32>} : memref<100000xf32, #tpu.memory_space<vmem>>, vector<16xf32>,
        %gt3A_162 = arith.cmpf ogt, %get3A_161, %scan3A_152 : vector<16xf32>
        %select_n3A_163 = arith.select %gt3A_162, %get3A_161, %scan3A_152 : vector<16xi1>, vector<16xf32>
        %mul3A_164 = arith.constant 5 : i32
        %mul3A_165 = arith.muli %scan3A_151, %mul3A_164 : i32
        %add3A_166 = arith.constant 0 : i32
        %add3A_167 = arith.addi %mul3A_165, %add3A_166 : i32
        %mul3A_168 = arith.constant 16 : i32
        %mul3A_169 = arith.muli %add3A_167, %mul3A_168 : i32
        %add3A_170 = vector.broadcast %mul3A_169 : i32 to vector<16xi32>
        %add3A_171 = arith.addi %iota3A, %add3A_170 : vector<16xi32>
        %select_n3A_172 = arith.select %gt3A_162, %add3A_171, %scan3A_153 : vector<16xi1>, vector<16xi32>
        %mul3A_173 = arith.constant 5 : i32
        %mul3A_174 = arith.muli %scan3A_151, %mul3A_173 : i32
        %add3A_175 = arith.constant 1 : i32
        %add3A_176 = arith.addi %mul3A_174, %add3A_175 : i32
        %mul3A_177 = arith.constant 16 : i32
        %mul3A_178 = arith.muli %add3A_176, %mul3A_177 : i32
        %get3A_179 = arith.index_cast %mul3A_178 : i32 to index
        %get3A_180 = tpu.vector_load %arg5[%get3A_179] {strides = array<i32>} : memref<100000xf32, #tpu.memory_space<vmem>>, vector<16xf32>,
        %gt3A_181 = arith.cmpf ogt, %get3A_180, %select_n3A_163 : vector<16xf32>
        %select_n3A_182 = arith.select %gt3A_181, %get3A_180, %select_n3A_163 : vector<16xi1>, vector<16xf32>
        %mul3A_183 = arith.constant 5 : i32
        %mul3A_184 = arith.muli %scan3A_151, %mul3A_183 : i32
        %add3A_185 = arith.constant 1 : i32
        %add3A_186 = arith.addi %mul3A_184, %add3A_185 : i32
        %mul3A_187 = arith.constant 16 : i32
        %mul3A_188 = arith.muli %add3A_186, %mul3A_187 : i32
        %add3A_189 = vector.broadcast %mul3A_188 : i32 to vector<16xi32>
        %add3A_190 = arith.addi %iota3A, %add3A_189 : vector<16xi32>
        %select_n3A_191 = arith.select %gt3A_181, %add3A_190, %select_n3A_172 : vector<16xi1>, vector<16xi32>
        %mul3A_192 = arith.constant 5 : i32
        %mul3A_193 = arith.muli %scan3A_151, %mul3A_192 : i32
        %add3A_194 = arith.constant 2 : i32
        %add3A_195 = arith.addi %mul3A_193, %add3A_194 : i32
        %mul3A_196 = arith.constant 16 : i32
        %mul3A_197 = arith.muli %add3A_195, %mul3A_196 : i32
        %get3A_198 = arith.index_cast %mul3A_197 : i32 to index
        %get3A_199 = tpu.vector_load %arg5[%get3A_198] {strides = array<i32>} : memref<100000xf32, #tpu.memory_space<vmem>>, vector<16xf32>,
        %gt3A_200 = arith.cmpf ogt, %get3A_199, %select_n3A_182 : vector<16xf32>
        %select_n3A_201 = arith.select %gt3A_200, %get3A_199, %select_n3A_182 : vector<16xi1>, vector<16xf32>
        %mul3A_202 = arith.constant 5 : i32
        %mul3A_203 = arith.muli %scan3A_151, %mul3A_202 : i32
        %add3A_204 = arith.constant 2 : i32
        %add3A_205 = arith.addi %mul3A_203, %add3A_204 : i32
        %mul3A_206 = arith.constant 16 : i32
        %mul3A_207 = arith.muli %add3A_205, %mul3A_206 : i32
        %add3A_208 = vector.broadcast %mul3A_207 : i32 to vector<16xi32>
        %add3A_209 = arith.addi %iota3A, %add3A_208 : vector<16xi32>
        %select_n3A_210 = arith.select %gt3A_200, %add3A_209, %select_n3A_191 : vector<16xi1>, vector<16xi32>
        %mul3A_211 = arith.constant 5 : i32
        %mul3A_212 = arith.muli %scan3A_151, %mul3A_211 : i32
        %add3A_213 = arith.constant 3 : i32
        %add3A_214 = arith.addi %mul3A_212, %add3A_213 : i32
        %mul3A_215 = arith.constant 16 : i32
        %mul3A_216 = arith.muli %add3A_214, %mul3A_215 : i32
        %get3A_217 = arith.index_cast %mul3A_216 : i32 to index
        %get3A_218 = tpu.vector_load %arg5[%get3A_217] {strides = array<i32>} : memref<100000xf32, #tpu.memory_space<vmem>>, vector<16xf32>,
        %gt3A_219 = arith.cmpf ogt, %get3A_218, %select_n3A_201 : vector<16xf32>
        %select_n3A_220 = arith.select %gt3A_219, %get3A_218, %select_n3A_201 : vector<16xi1>, vector<16xf32>
        %mul3A_221 = arith.constant 5 : i32
        %mul3A_222 = arith.muli %scan3A_151, %mul3A_221 : i32
        %add3A_223 = arith.constant 3 : i32
        %add3A_224 = arith.addi %mul3A_222, %add3A_223 : i32
        %mul3A_225 = arith.constant 16 : i32
        %mul3A_226 = arith.muli %add3A_224, %mul3A_225 : i32
        %add3A_227 = vector.broadcast %mul3A_226 : i32 to vector<16xi32>
        %add3A_228 = arith.addi %iota3A, %add3A_227 : vector<16xi32>
        %select_n3A_229 = arith.select %gt3A_219, %add3A_228, %select_n3A_210 : vector<16xi1>, vector<16xi32>
        %mul3A_230 = arith.constant 5 : i32
        %mul3A_231 = arith.muli %scan3A_151, %mul3A_230 : i32
        %add3A_232 = arith.constant 4 : i32
        %add3A_233 = arith.addi %mul3A_231, %add3A_232 : i32
        %mul3A_234 = arith.constant 16 : i32
        %mul3A_235 = arith.muli %add3A_233, %mul3A_234 : i32
        %get3A_236 = arith.index_cast %mul3A_235 : i32 to index
        %get3A_237 = tpu.vector_load %arg5[%get3A_236] {strides = array<i32>} : memref<100000xf32, #tpu.memory_space<vmem>>, vector<16xf32>,
        %gt3A_238 = arith.cmpf ogt, %get3A_237, %select_n3A_220 : vector<16xf32>
        %select_n3A_239 = arith.select %gt3A_238, %get3A_237, %select_n3A_220 : vector<16xi1>, vector<16xf32>
        %mul3A_240 = arith.constant 5 : i32
        %mul3A_241 = arith.muli %scan3A_151, %mul3A_240 : i32
        %add3A_242 = arith.constant 4 : i32
        %add3A_243 = arith.addi %mul3A_241, %add3A_242 : i32
        %mul3A_244 = arith.constant 16 : i32
        %mul3A_245 = arith.muli %add3A_243, %mul3A_244 : i32
        %add3A_246 = vector.broadcast %mul3A_245 : i32 to vector<16xi32>
        %add3A_247 = arith.addi %iota3A, %add3A_246 : vector<16xi32>
        %select_n3A_248 = arith.select %gt3A_238, %add3A_247, %select_n3A_229 : vector<16xi1>, vector<16xi32>
        scf.yield %select_n3A_239, %select_n3A_248 : vector<16xf32>, vector<16xi32>
      }
      %scan3A_135 = arith.constant 1250 : i32
      %reduce_max3A = arith.constant true
      %reduce_max3A_136 = vector.broadcast %reduce_max3A : i1 to vector<16xi1>
      %reduce_max3A_137 = tpu.scan <max>, %scan3A_134#0 masked %reduce_max3A_136 : vector<16xf32>, vector<16xi1> -> vector<16xf32>
      %reduce_max3A_138 = vector.extract %reduce_max3A_137[15] : f32 from vector<16xf32>
      %broadcast_in_dim3A_139 = vector.broadcast %reduce_max3A_138 : f32 to vector<16xf32>
      %broadcast_in_dim3A_140 = arith.constant 100000 : i32
      %broadcast_in_dim3A_141 = vector.broadcast %broadcast_in_dim3A_140 : i32 to vector<16xi32>
      %eq3A_142 = arith.cmpf oeq, %scan3A_134#0, %broadcast_in_dim3A_139 : vector<16xf32>
      %select_n3A_143 = arith.select %eq3A_142, %scan3A_134#1, %broadcast_in_dim3A_141 : vector<16xi1>, vector<16xi32>
      %reduce_min3A = arith.constant true
      %reduce_min3A_144 = vector.broadcast %reduce_min3A : i1 to vector<16xi1>
      %reduce_min3A_145 = arith.constant -2147483648 : i32
      %reduce_min3A_146 = vector.broadcast %reduce_min3A_145 : i32 to vector<16xi32>
      %reduce_min3A_147 = arith.xori %select_n3A_143, %reduce_min3A_146 : vector<16xi32>
      %reduce_min3A_148 = tpu.scan <min>, %reduce_min3A_147 masked %reduce_min3A_144 : vector<16xi32>, vector<16xi1> -> vector<16xi32>
      %reduce_min3A_149 = arith.xori %reduce_min3A_148, %reduce_min3A_146 : vector<16xi32>
      %reduce_min3A_150 = vector.extract %reduce_min3A_149[15] : i32 from vector<16xi32>
      scf.yield %reduce_min3A_150 : i32
    } else {
      %scan3A = arith.constant 0 : i32
      %scan3A_131 = arith.constant 625 : i32
      %scan3A_132 = arith.addi %scan3A, %scan3A_131 : i32
      %scan3A_133 = arith.constant 1 : i32
      %scan3A_134:10 = scf.for %scan3A_193 = %scan3A to %scan3A_132 step %scan3A_133 iter_args(%scan3A_194 = %broadcast_in_dim3A_5, %scan3A_195 = %broadcast_in_dim3A_5, %scan3A_196 = %broadcast_in_dim3A_5, %scan3A_197 = %broadcast_in_dim3A_5, %scan3A_198 = %broadcast_in_dim3A_5, %scan3A_199 = %broadcast_in_dim3A_7, %scan3A_200 = %broadcast_in_dim3A_7, %scan3A_201 = %broadcast_in_dim3A_7, %scan3A_202 = %broadcast_in_dim3A_7, %scan3A_203 = %broadcast_in_dim3A_7) -> (vector<16xf32>, vector<16xf32>, vector<16xf32>, vector<16xf32>, vector<16xf32>, vector<16xf32>, vector<16xf32>, vector<16xf32>, vector<16xf32>, vector<16xf32>)  : i32 {
        %mul3A_204 = arith.constant 10 : i32
        %mul3A_205 = arith.muli %scan3A_193, %mul3A_204 : i32
        %add3A_206 = arith.constant 0 : i32
        %add3A_207 = arith.addi %mul3A_205, %add3A_206 : i32
        %mul3A_208 = arith.constant 16 : i32
        %mul3A_209 = arith.muli %add3A_207, %mul3A_208 : i32
        %get3A_210 = arith.index_cast %mul3A_209 : i32 to index
        %get3A_211 = tpu.vector_load %arg5[%get3A_210] {strides = array<i32>} : memref<100000xf32, #tpu.memory_space<vmem>>, vector<16xf32>,
        %max3A_212 = arith.maximumf %scan3A_194, %get3A_211 : vector<16xf32>
        %min3A_213 = arith.minimumf %scan3A_199, %get3A_211 : vector<16xf32>
        %mul3A_214 = arith.constant 10 : i32
        %mul3A_215 = arith.muli %scan3A_193, %mul3A_214 : i32
        %add3A_216 = arith.constant 1 : i32
        %add3A_217 = arith.addi %mul3A_215, %add3A_216 : i32
        %mul3A_218 = arith.constant 16 : i32
        %mul3A_219 = arith.muli %add3A_217, %mul3A_218 : i32
        %get3A_220 = arith.index_cast %mul3A_219 : i32 to index
        %get3A_221 = tpu.vector_load %arg5[%get3A_220] {strides = array<i32>} : memref<100000xf32, #tpu.memory_space<vmem>>, vector<16xf32>,
        %max3A_222 = arith.maximumf %scan3A_195, %get3A_221 : vector<16xf32>
        %min3A_223 = arith.minimumf %scan3A_200, %get3A_221 : vector<16xf32>
        %mul3A_224 = arith.constant 10 : i32
        %mul3A_225 = arith.muli %scan3A_193, %mul3A_224 : i32
        %add3A_226 = arith.constant 2 : i32
        %add3A_227 = arith.addi %mul3A_225, %add3A_226 : i32
        %mul3A_228 = arith.constant 16 : i32
        %mul3A_229 = arith.muli %add3A_227, %mul3A_228 : i32
        %get3A_230 = arith.index_cast %mul3A_229 : i32 to index
        %get3A_231 = tpu.vector_load %arg5[%get3A_230] {strides = array<i32>} : memref<100000xf32, #tpu.memory_space<vmem>>, vector<16xf32>,
        %max3A_232 = arith.maximumf %scan3A_196, %get3A_231 : vector<16xf32>
        %min3A_233 = arith.minimumf %scan3A_201, %get3A_231 : vector<16xf32>
        %mul3A_234 = arith.constant 10 : i32
        %mul3A_235 = arith.muli %scan3A_193, %mul3A_234 : i32
        %add3A_236 = arith.constant 3 : i32
        %add3A_237 = arith.addi %mul3A_235, %add3A_236 : i32
        %mul3A_238 = arith.constant 16 : i32
        %mul3A_239 = arith.muli %add3A_237, %mul3A_238 : i32
        %get3A_240 = arith.index_cast %mul3A_239 : i32 to index
        %get3A_241 = tpu.vector_load %arg5[%get3A_240] {strides = array<i32>} : memref<100000xf32, #tpu.memory_space<vmem>>, vector<16xf32>,
        %max3A_242 = arith.maximumf %scan3A_197, %get3A_241 : vector<16xf32>
        %min3A_243 = arith.minimumf %scan3A_202, %get3A_241 : vector<16xf32>
        %mul3A_244 = arith.constant 10 : i32
        %mul3A_245 = arith.muli %scan3A_193, %mul3A_244 : i32
        %add3A_246 = arith.constant 4 : i32
        %add3A_247 = arith.addi %mul3A_245, %add3A_246 : i32
        %mul3A_248 = arith.constant 16 : i32
        %mul3A_249 = arith.muli %add3A_247, %mul3A_248 : i32
        %get3A_250 = arith.index_cast %mul3A_249 : i32 to index
        %get3A_251 = tpu.vector_load %arg5[%get3A_250] {strides = array<i32>} : memref<100000xf32, #tpu.memory_space<vmem>>, vector<16xf32>,
        %max3A_252 = arith.maximumf %scan3A_198, %get3A_251 : vector<16xf32>
        %min3A_253 = arith.minimumf %scan3A_203, %get3A_251 : vector<16xf32>
        %mul3A_254 = arith.constant 10 : i32
        %mul3A_255 = arith.muli %scan3A_193, %mul3A_254 : i32
        %add3A_256 = arith.constant 5 : i32
        %add3A_257 = arith.addi %mul3A_255, %add3A_256 : i32
        %mul3A_258 = arith.constant 16 : i32
        %mul3A_259 = arith.muli %add3A_257, %mul3A_258 : i32
        %get3A_260 = arith.index_cast %mul3A_259 : i32 to index
        %get3A_261 = tpu.vector_load %arg5[%get3A_260] {strides = array<i32>} : memref<100000xf32, #tpu.memory_space<vmem>>, vector<16xf32>,
        %max3A_262 = arith.maximumf %max3A_212, %get3A_261 : vector<16xf32>
        %min3A_263 = arith.minimumf %min3A_213, %get3A_261 : vector<16xf32>
        %mul3A_264 = arith.constant 10 : i32
        %mul3A_265 = arith.muli %scan3A_193, %mul3A_264 : i32
        %add3A_266 = arith.constant 6 : i32
        %add3A_267 = arith.addi %mul3A_265, %add3A_266 : i32
        %mul3A_268 = arith.constant 16 : i32
        %mul3A_269 = arith.muli %add3A_267, %mul3A_268 : i32
        %get3A_270 = arith.index_cast %mul3A_269 : i32 to index
        %get3A_271 = tpu.vector_load %arg5[%get3A_270] {strides = array<i32>} : memref<100000xf32, #tpu.memory_space<vmem>>, vector<16xf32>,
        %max3A_272 = arith.maximumf %max3A_222, %get3A_271 : vector<16xf32>
        %min3A_273 = arith.minimumf %min3A_223, %get3A_271 : vector<16xf32>
        %mul3A_274 = arith.constant 10 : i32
        %mul3A_275 = arith.muli %scan3A_193, %mul3A_274 : i32
        %add3A_276 = arith.constant 7 : i32
        %add3A_277 = arith.addi %mul3A_275, %add3A_276 : i32
        %mul3A_278 = arith.constant 16 : i32
        %mul3A_279 = arith.muli %add3A_277, %mul3A_278 : i32
        %get3A_280 = arith.index_cast %mul3A_279 : i32 to index
        %get3A_281 = tpu.vector_load %arg5[%get3A_280] {strides = array<i32>} : memref<100000xf32, #tpu.memory_space<vmem>>, vector<16xf32>,
        %max3A_282 = arith.maximumf %max3A_232, %get3A_281 : vector<16xf32>
        %min3A_283 = arith.minimumf %min3A_233, %get3A_281 : vector<16xf32>
        %mul3A_284 = arith.constant 10 : i32
        %mul3A_285 = arith.muli %scan3A_193, %mul3A_284 : i32
        %add3A_286 = arith.constant 8 : i32
        %add3A_287 = arith.addi %mul3A_285, %add3A_286 : i32
        %mul3A_288 = arith.constant 16 : i32
        %mul3A_289 = arith.muli %add3A_287, %mul3A_288 : i32
        %get3A_290 = arith.index_cast %mul3A_289 : i32 to index
        %get3A_291 = tpu.vector_load %arg5[%get3A_290] {strides = array<i32>} : memref<100000xf32, #tpu.memory_space<vmem>>, vector<16xf32>,
        %max3A_292 = arith.maximumf %max3A_242, %get3A_291 : vector<16xf32>
        %min3A_293 = arith.minimumf %min3A_243, %get3A_291 : vector<16xf32>
        %mul3A_294 = arith.constant 10 : i32
        %mul3A_295 = arith.muli %scan3A_193, %mul3A_294 : i32
        %add3A_296 = arith.constant 9 : i32
        %add3A_297 = arith.addi %mul3A_295, %add3A_296 : i32
        %mul3A_298 = arith.constant 16 : i32
        %mul3A_299 = arith.muli %add3A_297, %mul3A_298 : i32
        %get3A_300 = arith.index_cast %mul3A_299 : i32 to index
        %get3A_301 = tpu.vector_load %arg5[%get3A_300] {strides = array<i32>} : memref<100000xf32, #tpu.memory_space<vmem>>, vector<16xf32>,
        %max3A_302 = arith.maximumf %max3A_252, %get3A_301 : vector<16xf32>
        %min3A_303 = arith.minimumf %min3A_253, %get3A_301 : vector<16xf32>
        scf.yield %max3A_262, %max3A_272, %max3A_282, %max3A_292, %max3A_302, %min3A_263, %min3A_273, %min3A_283, %min3A_293, %min3A_303 : vector<16xf32>, vector<16xf32>, vector<16xf32>, vector<16xf32>, vector<16xf32>, vector<16xf32>, vector<16xf32>, vector<16xf32>, vector<16xf32>, vector<16xf32>
      }
      %scan3A_135 = arith.constant 625 : i32
      %max3A = arith.maximumf %scan3A_134#0, %scan3A_134#1 : vector<16xf32>
      %min3A = arith.minimumf %scan3A_134#5, %scan3A_134#6 : vector<16xf32>
      %max3A_136 = arith.maximumf %max3A, %scan3A_134#2 : vector<16xf32>
      %min3A_137 = arith.minimumf %min3A, %scan3A_134#7 : vector<16xf32>
      %max3A_138 = arith.maximumf %max3A_136, %scan3A_134#3 : vector<16xf32>
      %min3A_139 = arith.minimumf %min3A_137, %scan3A_134#8 : vector<16xf32>
      %max3A_140 = arith.maximumf %max3A_138, %scan3A_134#4 : vector<16xf32>
      %min3A_141 = arith.minimumf %min3A_139, %scan3A_134#9 : vector<16xf32>
      %reduce_max3A = arith.constant true
      %reduce_max3A_142 = vector.broadcast %reduce_max3A : i1 to vector<16xi1>
      %reduce_max3A_143 = tpu.scan <max>, %max3A_140 masked %reduce_max3A_142 : vector<16xf32>, vector<16xi1> -> vector<16xf32>
      %reduce_max3A_144 = vector.extract %reduce_max3A_143[15] : f32 from vector<16xf32>
      %mul3A_145 = arith.mulf %reduce_max3A_144, %reduce_sum3A_15 : f32
      %reduce_min3A = arith.constant true
      %reduce_min3A_146 = vector.broadcast %reduce_min3A : i1 to vector<16xi1>
      %reduce_min3A_147 = tpu.scan <min>, %min3A_141 masked %reduce_min3A_146 : vector<16xf32>, vector<16xi1> -> vector<16xf32>
      %reduce_min3A_148 = vector.extract %reduce_min3A_147[15] : f32 from vector<16xf32>
      %mul3A_149 = arith.mulf %reduce_min3A_148, %reduce_sum3A_15 : f32
      %max3A_150 = arith.maximumf %mul3A_145, %mul3A_149 : f32
      %neg3A = arith.constant 0.000000e+00 : f32
      %neg3A_151 = arith.subf %neg3A, %max3A_150 : f32
      %broadcast_in_dim3A_152 = vector.broadcast %neg3A_151 : f32 to vector<16xf32>
      %convert_element_type3A_153 = arith.extui %gt3A_38 : i1 to i32
      %cond3A_154 = arith.constant 0 : i32
      %cond3A_155 = arith.cmpi ne, %convert_element_type3A_153, %cond3A_154 : i32
      %cond3A_156 = scf.if %cond3A_155 -> (vector<16xf32>) {
        %scan3A_193 = arith.constant 0 : i32
        %scan3A_194 = arith.constant 50 : i32
        %scan3A_195 = arith.addi %scan3A_193, %scan3A_194 : i32
        %scan3A_196 = arith.constant 1 : i32
        %scan3A_197 = scf.for %scan3A_199 = %scan3A_193 to %scan3A_195 step %scan3A_196 iter_args(%scan3A_200 = %broadcast_in_dim3A_1) -> (vector<16xf32>)  : i32 {
          %scan3A_201 = arith.constant 0 : i32
          %scan3A_202 = arith.constant 25 : i32
          %scan3A_203 = arith.addi %scan3A_201, %scan3A_202 : i32
          %scan3A_204 = arith.constant 1 : i32
          %scan3A_205:5 = scf.for %scan3A_216 = %scan3A_201 to %scan3A_203 step %scan3A_204 iter_args(%scan3A_217 = %broadcast_in_dim3A_1, %scan3A_218 = %broadcast_in_dim3A_1, %scan3A_219 = %broadcast_in_dim3A_1, %scan3A_220 = %broadcast_in_dim3A_1, %scan3A_221 = %broadcast_in_dim3A_1) -> (vector<16xf32>, vector<16xf32>, vector<16xf32>, vector<16xf32>, vector<16xf32>)  : i32 {
            %mul3A_222 = arith.constant 125 : i32
            %mul3A_223 = arith.muli %scan3A_199, %mul3A_222 : i32
            %mul3A_224 = arith.constant 5 : i32
            %mul3A_225 = arith.muli %scan3A_216, %mul3A_224 : i32
            %add3A_226 = arith.addi %mul3A_223, %mul3A_225 : i32
            %add3A_227 = arith.constant 0 : i32
            %add3A_228 = arith.addi %add3A_226, %add3A_227 : i32
            %mul3A_229 = arith.constant 16 : i32
            %mul3A_230 = arith.muli %add3A_228, %mul3A_229 : i32
            %get3A_231 = arith.index_cast %mul3A_230 : i32 to index
            %get3A_232 = tpu.vector_load %arg5[%get3A_231] {strides = array<i32>} : memref<100000xf32, #tpu.memory_space<vmem>>, vector<16xf32>,
            %add3A_233 = arith.addf %get3A_232, %broadcast_in_dim3A_152 : vector<16xf32>
            %exp3A = math.exp %add3A_233 : vector<16xf32>
            %add3A_234 = arith.addf %scan3A_217, %exp3A : vector<16xf32>
            %mul3A_235 = arith.constant 125 : i32
            %mul3A_236 = arith.muli %scan3A_199, %mul3A_235 : i32
            %mul3A_237 = arith.constant 5 : i32
            %mul3A_238 = arith.muli %scan3A_216, %mul3A_237 : i32
            %add3A_239 = arith.addi %mul3A_236, %mul3A_238 : i32
            %add3A_240 = arith.constant 1 : i32
            %add3A_241 = arith.addi %add3A_239, %add3A_240 : i32
            %mul3A_242 = arith.constant 16 : i32
            %mul3A_243 = arith.muli %add3A_241, %mul3A_242 : i32
            %get3A_244 = arith.index_cast %mul3A_243 : i32 to index
            %get3A_245 = tpu.vector_load %arg5[%get3A_244] {strides = array<i32>} : memref<100000xf32, #tpu.memory_space<vmem>>, vector<16xf32>,
            %add3A_246 = arith.addf %get3A_245, %broadcast_in_dim3A_152 : vector<16xf32>
            %exp3A_247 = math.exp %add3A_246 : vector<16xf32>
            %add3A_248 = arith.addf %scan3A_218, %exp3A_247 : vector<16xf32>
            %mul3A_249 = arith.constant 125 : i32
            %mul3A_250 = arith.muli %scan3A_199, %mul3A_249 : i32
            %mul3A_251 = arith.constant 5 : i32
            %mul3A_252 = arith.muli %scan3A_216, %mul3A_251 : i32
            %add3A_253 = arith.addi %mul3A_250, %mul3A_252 : i32
            %add3A_254 = arith.constant 2 : i32
            %add3A_255 = arith.addi %add3A_253, %add3A_254 : i32
            %mul3A_256 = arith.constant 16 : i32
            %mul3A_257 = arith.muli %add3A_255, %mul3A_256 : i32
            %get3A_258 = arith.index_cast %mul3A_257 : i32 to index
            %get3A_259 = tpu.vector_load %arg5[%get3A_258] {strides = array<i32>} : memref<100000xf32, #tpu.memory_space<vmem>>, vector<16xf32>,
            %add3A_260 = arith.addf %get3A_259, %broadcast_in_dim3A_152 : vector<16xf32>
            %exp3A_261 = math.exp %add3A_260 : vector<16xf32>
            %add3A_262 = arith.addf %scan3A_219, %exp3A_261 : vector<16xf32>
            %mul3A_263 = arith.constant 125 : i32
            %mul3A_264 = arith.muli %scan3A_199, %mul3A_263 : i32
            %mul3A_265 = arith.constant 5 : i32
            %mul3A_266 = arith.muli %scan3A_216, %mul3A_265 : i32
            %add3A_267 = arith.addi %mul3A_264, %mul3A_266 : i32
            %add3A_268 = arith.constant 3 : i32
            %add3A_269 = arith.addi %add3A_267, %add3A_268 : i32
            %mul3A_270 = arith.constant 16 : i32
            %mul3A_271 = arith.muli %add3A_269, %mul3A_270 : i32
            %get3A_272 = arith.index_cast %mul3A_271 : i32 to index
            %get3A_273 = tpu.vector_load %arg5[%get3A_272] {strides = array<i32>} : memref<100000xf32, #tpu.memory_space<vmem>>, vector<16xf32>,
            %add3A_274 = arith.addf %get3A_273, %broadcast_in_dim3A_152 : vector<16xf32>
            %exp3A_275 = math.exp %add3A_274 : vector<16xf32>
            %add3A_276 = arith.addf %scan3A_220, %exp3A_275 : vector<16xf32>
            %mul3A_277 = arith.constant 125 : i32
            %mul3A_278 = arith.muli %scan3A_199, %mul3A_277 : i32
            %mul3A_279 = arith.constant 5 : i32
            %mul3A_280 = arith.muli %scan3A_216, %mul3A_279 : i32
            %add3A_281 = arith.addi %mul3A_278, %mul3A_280 : i32
            %add3A_282 = arith.constant 4 : i32
            %add3A_283 = arith.addi %add3A_281, %add3A_282 : i32
            %mul3A_284 = arith.constant 16 : i32
            %mul3A_285 = arith.muli %add3A_283, %mul3A_284 : i32
            %get3A_286 = arith.index_cast %mul3A_285 : i32 to index
            %get3A_287 = tpu.vector_load %arg5[%get3A_286] {strides = array<i32>} : memref<100000xf32, #tpu.memory_space<vmem>>, vector<16xf32>,
            %add3A_288 = arith.addf %get3A_287, %broadcast_in_dim3A_152 : vector<16xf32>
            %exp3A_289 = math.exp %add3A_288 : vector<16xf32>
            %add3A_290 = arith.addf %scan3A_221, %exp3A_289 : vector<16xf32>
            scf.yield %add3A_234, %add3A_248, %add3A_262, %add3A_276, %add3A_290 : vector<16xf32>, vector<16xf32>, vector<16xf32>, vector<16xf32>, vector<16xf32>
          }
          %scan3A_206 = arith.constant 25 : i32
          %add3A_207 = arith.addf %scan3A_205#0, %scan3A_205#1 : vector<16xf32>
          %add3A_208 = arith.addf %scan3A_205#2, %scan3A_205#3 : vector<16xf32>
          %add3A_209 = arith.addf %add3A_207, %add3A_208 : vector<16xf32>
          %add3A_210 = arith.addf %add3A_209, %scan3A_205#4 : vector<16xf32>
          %mul3A_211 = arith.constant 16 : i32
          %mul3A_212 = arith.muli %scan3A_199, %mul3A_211 : i32
          %swap3A_213 = arith.index_cast %mul3A_212 : i32 to index
          %swap3A_214 = tpu.vector_load %arg6[%swap3A_213] {strides = array<i32>} : memref<800xf32, #tpu.memory_space<vmem>>, vector<16xf32>,
          tpu.vector_store %arg6[%swap3A_213], %add3A_210 {strides = array<i32>} : memref<800xf32, #tpu.memory_space<vmem>>, vector<16xf32>,
          %add3A_215 = arith.addf %scan3A_200, %add3A_210 : vector<16xf32>
          scf.yield %add3A_215 : vector<16xf32>
        }
        %scan3A_198 = arith.constant 50 : i32
        scf.yield %scan3A_197 : vector<16xf32>
      } else {
        %scan3A_193 = arith.constant 0 : i32
        %scan3A_194 = arith.constant 50 : i32
        %scan3A_195 = arith.addi %scan3A_193, %scan3A_194 : i32
        %scan3A_196 = arith.constant 1 : i32
        %scan3A_197 = scf.for %scan3A_199 = %scan3A_193 to %scan3A_195 step %scan3A_196 iter_args(%scan3A_200 = %broadcast_in_dim3A_1) -> (vector<16xf32>)  : i32 {
          %scan3A_201 = arith.constant 0 : i32
          %scan3A_202 = arith.constant 25 : i32
          %scan3A_203 = arith.addi %scan3A_201, %scan3A_202 : i32
          %scan3A_204 = arith.constant 1 : i32
          %scan3A_205:5 = scf.for %scan3A_216 = %scan3A_201 to %scan3A_203 step %scan3A_204 iter_args(%scan3A_217 = %broadcast_in_dim3A_1, %scan3A_218 = %broadcast_in_dim3A_1, %scan3A_219 = %broadcast_in_dim3A_1, %scan3A_220 = %broadcast_in_dim3A_1, %scan3A_221 = %broadcast_in_dim3A_1) -> (vector<16xf32>, vector<16xf32>, vector<16xf32>, vector<16xf32>, vector<16xf32>)  : i32 {
            %mul3A_222 = arith.constant 125 : i32
            %mul3A_223 = arith.muli %scan3A_199, %mul3A_222 : i32
            %mul3A_224 = arith.constant 5 : i32
            %mul3A_225 = arith.muli %scan3A_216, %mul3A_224 : i32
            %add3A_226 = arith.addi %mul3A_223, %mul3A_225 : i32
            %add3A_227 = arith.constant 0 : i32
            %add3A_228 = arith.addi %add3A_226, %add3A_227 : i32
            %mul3A_229 = arith.constant 16 : i32
            %mul3A_230 = arith.muli %add3A_228, %mul3A_229 : i32
            %get3A_231 = arith.index_cast %mul3A_230 : i32 to index
            %get3A_232 = tpu.vector_load %arg5[%get3A_231] {strides = array<i32>} : memref<100000xf32, #tpu.memory_space<vmem>>, vector<16xf32>,
            %mul3A_233 = arith.mulf %get3A_232, %broadcast_in_dim3A_39 : vector<16xf32>
            %add3A_234 = arith.addf %mul3A_233, %broadcast_in_dim3A_152 : vector<16xf32>
            %exp3A = math.exp %add3A_234 : vector<16xf32>
            %add3A_235 = arith.addf %scan3A_217, %exp3A : vector<16xf32>
            %mul3A_236 = arith.constant 125 : i32
            %mul3A_237 = arith.muli %scan3A_199, %mul3A_236 : i32
            %mul3A_238 = arith.constant 5 : i32
            %mul3A_239 = arith.muli %scan3A_216, %mul3A_238 : i32
            %add3A_240 = arith.addi %mul3A_237, %mul3A_239 : i32
            %add3A_241 = arith.constant 1 : i32
            %add3A_242 = arith.addi %add3A_240, %add3A_241 : i32
            %mul3A_243 = arith.constant 16 : i32
            %mul3A_244 = arith.muli %add3A_242, %mul3A_243 : i32
            %get3A_245 = arith.index_cast %mul3A_244 : i32 to index
            %get3A_246 = tpu.vector_load %arg5[%get3A_245] {strides = array<i32>} : memref<100000xf32, #tpu.memory_space<vmem>>, vector<16xf32>,
            %mul3A_247 = arith.mulf %get3A_246, %broadcast_in_dim3A_39 : vector<16xf32>
            %add3A_248 = arith.addf %mul3A_247, %broadcast_in_dim3A_152 : vector<16xf32>
            %exp3A_249 = math.exp %add3A_248 : vector<16xf32>
            %add3A_250 = arith.addf %scan3A_218, %exp3A_249 : vector<16xf32>
            %mul3A_251 = arith.constant 125 : i32
            %mul3A_252 = arith.muli %scan3A_199, %mul3A_251 : i32
            %mul3A_253 = arith.constant 5 : i32
            %mul3A_254 = arith.muli %scan3A_216, %mul3A_253 : i32
            %add3A_255 = arith.addi %mul3A_252, %mul3A_254 : i32
            %add3A_256 = arith.constant 2 : i32
            %add3A_257 = arith.addi %add3A_255, %add3A_256 : i32
            %mul3A_258 = arith.constant 16 : i32
            %mul3A_259 = arith.muli %add3A_257, %mul3A_258 : i32
            %get3A_260 = arith.index_cast %mul3A_259 : i32 to index
            %get3A_261 = tpu.vector_load %arg5[%get3A_260] {strides = array<i32>} : memref<100000xf32, #tpu.memory_space<vmem>>, vector<16xf32>,
            %mul3A_262 = arith.mulf %get3A_261, %broadcast_in_dim3A_39 : vector<16xf32>
            %add3A_263 = arith.addf %mul3A_262, %broadcast_in_dim3A_152 : vector<16xf32>
            %exp3A_264 = math.exp %add3A_263 : vector<16xf32>
            %add3A_265 = arith.addf %scan3A_219, %exp3A_264 : vector<16xf32>
            %mul3A_266 = arith.constant 125 : i32
            %mul3A_267 = arith.muli %scan3A_199, %mul3A_266 : i32
            %mul3A_268 = arith.constant 5 : i32
            %mul3A_269 = arith.muli %scan3A_216, %mul3A_268 : i32
            %add3A_270 = arith.addi %mul3A_267, %mul3A_269 : i32
            %add3A_271 = arith.constant 3 : i32
            %add3A_272 = arith.addi %add3A_270, %add3A_271 : i32
            %mul3A_273 = arith.constant 16 : i32
            %mul3A_274 = arith.muli %add3A_272, %mul3A_273 : i32
            %get3A_275 = arith.index_cast %mul3A_274 : i32 to index
            %get3A_276 = tpu.vector_load %arg5[%get3A_275] {strides = array<i32>} : memref<100000xf32, #tpu.memory_space<vmem>>, vector<16xf32>,
            %mul3A_277 = arith.mulf %get3A_276, %broadcast_in_dim3A_39 : vector<16xf32>
            %add3A_278 = arith.addf %mul3A_277, %broadcast_in_dim3A_152 : vector<16xf32>
            %exp3A_279 = math.exp %add3A_278 : vector<16xf32>
            %add3A_280 = arith.addf %scan3A_220, %exp3A_279 : vector<16xf32>
            %mul3A_281 = arith.constant 125 : i32
            %mul3A_282 = arith.muli %scan3A_199, %mul3A_281 : i32
            %mul3A_283 = arith.constant 5 : i32
            %mul3A_284 = arith.muli %scan3A_216, %mul3A_283 : i32
            %add3A_285 = arith.addi %mul3A_282, %mul3A_284 : i32
            %add3A_286 = arith.constant 4 : i32
            %add3A_287 = arith.addi %add3A_285, %add3A_286 : i32
            %mul3A_288 = arith.constant 16 : i32
            %mul3A_289 = arith.muli %add3A_287, %mul3A_288 : i32
            %get3A_290 = arith.index_cast %mul3A_289 : i32 to index
            %get3A_291 = tpu.vector_load %arg5[%get3A_290] {strides = array<i32>} : memref<100000xf32, #tpu.memory_space<vmem>>, vector<16xf32>,
            %mul3A_292 = arith.mulf %get3A_291, %broadcast_in_dim3A_39 : vector<16xf32>
            %add3A_293 = arith.addf %mul3A_292, %broadcast_in_dim3A_152 : vector<16xf32>
            %exp3A_294 = math.exp %add3A_293 : vector<16xf32>
            %add3A_295 = arith.addf %scan3A_221, %exp3A_294 : vector<16xf32>
            scf.yield %add3A_235, %add3A_250, %add3A_265, %add3A_280, %add3A_295 : vector<16xf32>, vector<16xf32>, vector<16xf32>, vector<16xf32>, vector<16xf32>
          }
          %scan3A_206 = arith.constant 25 : i32
          %add3A_207 = arith.addf %scan3A_205#0, %scan3A_205#1 : vector<16xf32>
          %add3A_208 = arith.addf %scan3A_205#2, %scan3A_205#3 : vector<16xf32>
          %add3A_209 = arith.addf %add3A_207, %add3A_208 : vector<16xf32>
          %add3A_210 = arith.addf %add3A_209, %scan3A_205#4 : vector<16xf32>
          %mul3A_211 = arith.constant 16 : i32
          %mul3A_212 = arith.muli %scan3A_199, %mul3A_211 : i32
          %swap3A_213 = arith.index_cast %mul3A_212 : i32 to index
          %swap3A_214 = tpu.vector_load %arg6[%swap3A_213] {strides = array<i32>} : memref<800xf32, #tpu.memory_space<vmem>>, vector<16xf32>,
          tpu.vector_store %arg6[%swap3A_213], %add3A_210 {strides = array<i32>} : memref<800xf32, #tpu.memory_space<vmem>>, vector<16xf32>,
          %add3A_215 = arith.addf %scan3A_200, %add3A_210 : vector<16xf32>
          scf.yield %add3A_215 : vector<16xf32>
        }
        %scan3A_198 = arith.constant 50 : i32
        scf.yield %scan3A_197 : vector<16xf32>
      }
      %reduce_sum3A_157 = arith.constant true
      %reduce_sum3A_158 = vector.broadcast %reduce_sum3A_157 : i1 to vector<16xi1>
      %reduce_sum3A_159 = tpu.scan <sum>, %cond3A_156 masked %reduce_sum3A_158 : vector<16xf32>, vector<16xi1> -> vector<16xf32>
      %reduce_sum3A_160 = vector.extract %reduce_sum3A_159[15] : f32 from vector<16xf32>
      %mul3A_161 = arith.mulf %reduce_sum3A_97, %reduce_sum3A_160 : f32
      %broadcast_in_dim3A_162 = vector.broadcast %mul3A_161 : f32 to vector<16xf32>
      %scan3A_163 = arith.constant 0.000000e+00 : f32
      %scan3A_164 = arith.constant 0 : i32
      %scan3A_165 = arith.constant 0.000000e+00 : f32
      %scan3A_166 = arith.constant 0 : i32
      %scan3A_167 = arith.constant 50 : i32
      %scan3A_168 = arith.addi %scan3A_166, %scan3A_167 : i32
      %scan3A_169 = arith.constant 1 : i32
      %scan3A_170:3 = scf.for %scan3A_193 = %scan3A_166 to %scan3A_168 step %scan3A_169 iter_args(%scan3A_194 = %scan3A_163, %scan3A_195 = %scan3A_164, %scan3A_196 = %scan3A_165) -> (f32, i32, f32)  : i32 {
        %mul3A_197 = arith.constant 16 : i32
        %mul3A_198 = arith.muli %scan3A_193, %mul3A_197 : i32
        %get3A_199 = arith.index_cast %mul3A_198 : i32 to index
        %get3A_200 = tpu.vector_load %arg6[%get3A_199] {strides = array<i32>} : memref<800xf32, #tpu.memory_space<vmem>>, vector<16xf32>,
        %reduce_sum3A_201 = arith.constant true
        %reduce_sum3A_202 = vector.broadcast %reduce_sum3A_201 : i1 to vector<16xi1>
        %reduce_sum3A_203 = tpu.scan <sum>, %get3A_200 masked %reduce_sum3A_202 : vector<16xf32>, vector<16xi1> -> vector<16xf32>
        %reduce_sum3A_204 = vector.extract %reduce_sum3A_203[15] : f32 from vector<16xf32>
        %add3A_205 = arith.addf %scan3A_194, %reduce_sum3A_204 : f32
        %lt3A = arith.cmpf olt, %add3A_205, %mul3A_161 : f32
        %jit3A_206 = arith.constant 1 : i32
        %jit3A_207 = arith.constant 0 : i32
        %select_n3A_208 = arith.select %lt3A, %jit3A_206, %jit3A_207 : i32
        %add3A_209 = arith.addi %scan3A_195, %select_n3A_208 : i32
        %jit3A_210 = arith.constant 0.000000e+00 : f32
        %select_n3A_211 = arith.select %lt3A, %reduce_sum3A_204, %jit3A_210 : f32
        %add3A_212 = arith.addf %scan3A_196, %select_n3A_211 : f32
        scf.yield %add3A_205, %add3A_209, %add3A_212 : f32, i32, f32
      }
      %scan3A_171 = arith.constant 50 : i32
      %min3A_172 = arith.constant 49 : i32
      %min3A_173 = arith.minsi %scan3A_170#1, %min3A_172 : i32
      %scan3A_174 = arith.constant 0 : i32
      %scan3A_175 = arith.constant 125 : i32
      %scan3A_176 = arith.addi %scan3A_174, %scan3A_175 : i32
      %scan3A_177 = arith.constant 1 : i32
      %scan3A_178:2 = scf.for %scan3A_193 = %scan3A_174 to %scan3A_176 step %scan3A_177 iter_args(%scan3A_194 = %scan3A_170#2, %scan3A_195 = %broadcast_in_dim3A_3) -> (f32, vector<16xi32>)  : i32 {
        %mul3A_196 = arith.constant 125 : i32
        %mul3A_197 = arith.muli %min3A_173, %mul3A_196 : i32
        %add3A_198 = arith.addi %mul3A_197, %scan3A_193 : i32
        %mul3A_199 = arith.constant 16 : i32
        %mul3A_200 = arith.muli %add3A_198, %mul3A_199 : i32
        %get3A_201 = arith.index_cast %mul3A_200 : i32 to index
        %get3A_202 = tpu.vector_load %arg5[%get3A_201] {strides = array<i32>} : memref<100000xf32, #tpu.memory_space<vmem>>, vector<16xf32>,
        %mul3A_203 = arith.mulf %get3A_202, %broadcast_in_dim3A_39 : vector<16xf32>
        %add3A_204 = arith.addf %mul3A_203, %broadcast_in_dim3A_152 : vector<16xf32>
        %exp3A = math.exp %add3A_204 : vector<16xf32>
        %broadcast_in_dim3A_205 = arith.constant true
        %broadcast_in_dim3A_206 = vector.broadcast %broadcast_in_dim3A_205 : i1 to vector<16xi1>
        %masked_cumsum3A = tpu.scan <sum>, %exp3A masked %broadcast_in_dim3A_206 : vector<16xf32>, vector<16xi1> -> vector<16xf32>
        %broadcast_in_dim3A_207 = vector.broadcast %scan3A_194 : f32 to vector<16xf32>
        %add3A_208 = arith.addf %masked_cumsum3A, %broadcast_in_dim3A_207 : vector<16xf32>
        %lt3A = arith.cmpf olt, %add3A_208, %broadcast_in_dim3A_162 : vector<16xf32>
        %all_reduce_population_count3A = tpu.all_reduce %lt3A {dim = 0 : i64, kind = #tpu.reduction_kind<sum>} : vector<16xi1> -> vector<16xi32>
        %add3A_209 = arith.addi %scan3A_195, %all_reduce_population_count3A : vector<16xi32>
        %reduce_sum3A_210 = arith.constant true
        %reduce_sum3A_211 = vector.broadcast %reduce_sum3A_210 : i1 to vector<16xi1>
        %reduce_sum3A_212 = tpu.scan <sum>, %exp3A masked %reduce_sum3A_211 : vector<16xf32>, vector<16xi1> -> vector<16xf32>
        %reduce_sum3A_213 = vector.extract %reduce_sum3A_212[15] : f32 from vector<16xf32>
        %add3A_214 = arith.addf %scan3A_194, %reduce_sum3A_213 : f32
        scf.yield %add3A_214, %add3A_209 : f32, vector<16xi32>
      }
      %scan3A_179 = arith.constant 125 : i32
      %reduce_max3A_180 = arith.constant true
      %reduce_max3A_181 = vector.broadcast %reduce_max3A_180 : i1 to vector<16xi1>
      %reduce_max3A_182 = arith.constant -2147483648 : i32
      %reduce_max3A_183 = vector.broadcast %reduce_max3A_182 : i32 to vector<16xi32>
      %reduce_max3A_184 = arith.xori %scan3A_178#1, %reduce_max3A_183 : vector<16xi32>
      %reduce_max3A_185 = tpu.scan <max>, %reduce_max3A_184 masked %reduce_max3A_181 : vector<16xi32>, vector<16xi1> -> vector<16xi32>
      %reduce_max3A_186 = arith.xori %reduce_max3A_185, %reduce_max3A_183 : vector<16xi32>
      %reduce_max3A_187 = vector.extract %reduce_max3A_186[15] : i32 from vector<16xi32>
      %ge3A = arith.constant 50 : i32
      %ge3A_188 = arith.cmpi sge, %scan3A_170#1, %ge3A : i32
      %mul3A_189 = arith.constant 2000 : i32
      %mul3A_190 = arith.muli %min3A_173, %mul3A_189 : i32
      %add3A_191 = arith.addi %mul3A_190, %reduce_max3A_187 : i32
      %jit3A = arith.constant 100000 : i32
      %select_n3A_192 = arith.select %ge3A_188, %jit3A, %add3A_191 : i32
      scf.yield %select_n3A_192 : i32
    }
    %eq3A_102 = arith.constant 2 : i32
    %eq3A_103 = vector.broadcast %eq3A_102 : i32 to vector<16xi32>
    %eq3A_104 = arith.cmpi eq, %iota3A, %eq3A_103 : vector<16xi32>
    %broadcast_in_dim3A_105 = vector.broadcast %cond3A_101 : i32 to vector<16xi32>
    %select_n3A_106 = arith.select %eq3A_104, %broadcast_in_dim3A_105, %select_n3A_83 : vector<16xi1>, vector<16xi32>
    %mul3A_107 = arith.constant 4 : i32
    %mul3A_108 = arith.muli %add3A, %mul3A_107 : i32
    %add3A_109 = arith.constant 3 : i32
    %add3A_110 = arith.addi %mul3A_108, %add3A_109 : i32
    "tpu.region"() ({
      %run_scoped3A = tpu.sem_alloc : memref<!tpu.dma_semaphore, #tpu.memory_space<semaphore_mem>>
      %dma_start3A = arith.constant 0 : i32
      %dma_start3A_131 = tpu.memref_slice %arg2[%add3A_110, %dma_start3A] : memref<128x100000xf32, #tpu.memory_space<hbm>> -> memref<1x100000xf32, #tpu.memory_space<hbm>>
      %dma_start3A_132 = tpu.memref_squeeze %dma_start3A_131 : memref<1x100000xf32, #tpu.memory_space<hbm>> -> memref<100000xf32, #tpu.memory_space<hbm>>
      %dma_start3A_133 = arith.constant 0 : i32
      %dma_start3A_134 = tpu.memref_slice %arg2[%add3A_110, %dma_start3A_133] : memref<128x100000xf32, #tpu.memory_space<hbm>> -> memref<1x100000xf32, #tpu.memory_space<hbm>>
      %dma_start3A_135 = tpu.memref_squeeze %dma_start3A_134 : memref<1x100000xf32, #tpu.memory_space<hbm>> -> memref<100000xf32, #tpu.memory_space<hbm>>
      tpu.enqueue_dma source(%dma_start3A_135 : memref<100000xf32, #tpu.memory_space<hbm>>) target(%arg5 : memref<100000xf32, #tpu.memory_space<vmem>>) target_semaphore(%run_scoped3A : memref<!tpu.dma_semaphore, #tpu.memory_space<semaphore_mem>>)
      %dma_wait3A = arith.constant 0 : i32
      %dma_wait3A_136 = tpu.memref_slice %arg2[%add3A_110, %dma_wait3A] : memref<128x100000xf32, #tpu.memory_space<hbm>> -> memref<1x100000xf32, #tpu.memory_space<hbm>>
      %dma_wait3A_137 = tpu.memref_squeeze %dma_wait3A_136 : memref<1x100000xf32, #tpu.memory_space<hbm>> -> memref<100000xf32, #tpu.memory_space<hbm>>
      %dma_wait3A_138 = arith.constant 0 : i32
      %dma_wait3A_139 = tpu.memref_slice %arg2[%add3A_110, %dma_wait3A_138] : memref<128x100000xf32, #tpu.memory_space<hbm>> -> memref<1x100000xf32, #tpu.memory_space<hbm>>
      %dma_wait3A_140 = tpu.memref_squeeze %dma_wait3A_139 : memref<1x100000xf32, #tpu.memory_space<hbm>> -> memref<100000xf32, #tpu.memory_space<hbm>>
      tpu.wait_dma2 semaphore(%run_scoped3A : memref<!tpu.dma_semaphore, #tpu.memory_space<semaphore_mem>>) src(%dma_wait3A_140 : memref<100000xf32, #tpu.memory_space<hbm>>) dst(%arg5 : memref<100000xf32, #tpu.memory_space<vmem>>)
      tpu.yield
    }) : () -> ()
    %eq3A_111 = arith.constant 3 : i32
    %eq3A_112 = vector.broadcast %eq3A_111 : i32 to vector<16xi32>
    %eq3A_113 = arith.cmpi eq, %iota3A, %eq3A_112 : vector<16xi32>
    %broadcast_in_dim3A_114 = arith.constant 0.000000e+00 : f32
    %broadcast_in_dim3A_115 = vector.broadcast %broadcast_in_dim3A_114 : f32 to vector<16xf32>
    %select_n3A_116 = arith.select %eq3A_113, %get3A_8, %broadcast_in_dim3A_115 : vector<16xi1>, vector<16xf32>
    %reduce_sum3A_117 = arith.constant true
    %reduce_sum3A_118 = vector.broadcast %reduce_sum3A_117 : i1 to vector<16xi1>
    %reduce_sum3A_119 = tpu.scan <sum>, %select_n3A_116 masked %reduce_sum3A_118 : vector<16xf32>, vector<16xi1> -> vector<16xf32>
    %reduce_sum3A_120 = vector.extract %reduce_sum3A_119[15] : f32 from vector<16xf32>
    %convert_element_type3A_121 = arith.extui %gt3A_26 : i1 to i32
    %cond3A_122 = arith.constant 0 : i32
    %cond3A_123 = arith.cmpi ne, %convert_element_type3A_121, %cond3A_122 : i32
    %cond3A_124 = scf.if %cond3A_123 -> (i32) {
      %scan3A = arith.constant 0 : i32
      %scan3A_131 = arith.constant 1250 : i32
      %scan3A_132 = arith.addi %scan3A, %scan3A_131 : i32
      %scan3A_133 = arith.constant 1 : i32
      %scan3A_134:2 = scf.for %scan3A_151 = %scan3A to %scan3A_132 step %scan3A_133 iter_args(%scan3A_152 = %broadcast_in_dim3A_5, %scan3A_153 = %broadcast_in_dim3A_3) -> (vector<16xf32>, vector<16xi32>)  : i32 {
        %mul3A_154 = arith.constant 5 : i32
        %mul3A_155 = arith.muli %scan3A_151, %mul3A_154 : i32
        %add3A_156 = arith.constant 0 : i32
        %add3A_157 = arith.addi %mul3A_155, %add3A_156 : i32
        %mul3A_158 = arith.constant 16 : i32
        %mul3A_159 = arith.muli %add3A_157, %mul3A_158 : i32
        %get3A_160 = arith.index_cast %mul3A_159 : i32 to index
        %get3A_161 = tpu.vector_load %arg5[%get3A_160] {strides = array<i32>} : memref<100000xf32, #tpu.memory_space<vmem>>, vector<16xf32>,
        %gt3A_162 = arith.cmpf ogt, %get3A_161, %scan3A_152 : vector<16xf32>
        %select_n3A_163 = arith.select %gt3A_162, %get3A_161, %scan3A_152 : vector<16xi1>, vector<16xf32>
        %mul3A_164 = arith.constant 5 : i32
        %mul3A_165 = arith.muli %scan3A_151, %mul3A_164 : i32
        %add3A_166 = arith.constant 0 : i32
        %add3A_167 = arith.addi %mul3A_165, %add3A_166 : i32
        %mul3A_168 = arith.constant 16 : i32
        %mul3A_169 = arith.muli %add3A_167, %mul3A_168 : i32
        %add3A_170 = vector.broadcast %mul3A_169 : i32 to vector<16xi32>
        %add3A_171 = arith.addi %iota3A, %add3A_170 : vector<16xi32>
        %select_n3A_172 = arith.select %gt3A_162, %add3A_171, %scan3A_153 : vector<16xi1>, vector<16xi32>
        %mul3A_173 = arith.constant 5 : i32
        %mul3A_174 = arith.muli %scan3A_151, %mul3A_173 : i32
        %add3A_175 = arith.constant 1 : i32
        %add3A_176 = arith.addi %mul3A_174, %add3A_175 : i32
        %mul3A_177 = arith.constant 16 : i32
        %mul3A_178 = arith.muli %add3A_176, %mul3A_177 : i32
        %get3A_179 = arith.index_cast %mul3A_178 : i32 to index
        %get3A_180 = tpu.vector_load %arg5[%get3A_179] {strides = array<i32>} : memref<100000xf32, #tpu.memory_space<vmem>>, vector<16xf32>,
        %gt3A_181 = arith.cmpf ogt, %get3A_180, %select_n3A_163 : vector<16xf32>
        %select_n3A_182 = arith.select %gt3A_181, %get3A_180, %select_n3A_163 : vector<16xi1>, vector<16xf32>
        %mul3A_183 = arith.constant 5 : i32
        %mul3A_184 = arith.muli %scan3A_151, %mul3A_183 : i32
        %add3A_185 = arith.constant 1 : i32
        %add3A_186 = arith.addi %mul3A_184, %add3A_185 : i32
        %mul3A_187 = arith.constant 16 : i32
        %mul3A_188 = arith.muli %add3A_186, %mul3A_187 : i32
        %add3A_189 = vector.broadcast %mul3A_188 : i32 to vector<16xi32>
        %add3A_190 = arith.addi %iota3A, %add3A_189 : vector<16xi32>
        %select_n3A_191 = arith.select %gt3A_181, %add3A_190, %select_n3A_172 : vector<16xi1>, vector<16xi32>
        %mul3A_192 = arith.constant 5 : i32
        %mul3A_193 = arith.muli %scan3A_151, %mul3A_192 : i32
        %add3A_194 = arith.constant 2 : i32
        %add3A_195 = arith.addi %mul3A_193, %add3A_194 : i32
        %mul3A_196 = arith.constant 16 : i32
        %mul3A_197 = arith.muli %add3A_195, %mul3A_196 : i32
        %get3A_198 = arith.index_cast %mul3A_197 : i32 to index
        %get3A_199 = tpu.vector_load %arg5[%get3A_198] {strides = array<i32>} : memref<100000xf32, #tpu.memory_space<vmem>>, vector<16xf32>,
        %gt3A_200 = arith.cmpf ogt, %get3A_199, %select_n3A_182 : vector<16xf32>
        %select_n3A_201 = arith.select %gt3A_200, %get3A_199, %select_n3A_182 : vector<16xi1>, vector<16xf32>
        %mul3A_202 = arith.constant 5 : i32
        %mul3A_203 = arith.muli %scan3A_151, %mul3A_202 : i32
        %add3A_204 = arith.constant 2 : i32
        %add3A_205 = arith.addi %mul3A_203, %add3A_204 : i32
        %mul3A_206 = arith.constant 16 : i32
        %mul3A_207 = arith.muli %add3A_205, %mul3A_206 : i32
        %add3A_208 = vector.broadcast %mul3A_207 : i32 to vector<16xi32>
        %add3A_209 = arith.addi %iota3A, %add3A_208 : vector<16xi32>
        %select_n3A_210 = arith.select %gt3A_200, %add3A_209, %select_n3A_191 : vector<16xi1>, vector<16xi32>
        %mul3A_211 = arith.constant 5 : i32
        %mul3A_212 = arith.muli %scan3A_151, %mul3A_211 : i32
        %add3A_213 = arith.constant 3 : i32
        %add3A_214 = arith.addi %mul3A_212, %add3A_213 : i32
        %mul3A_215 = arith.constant 16 : i32
        %mul3A_216 = arith.muli %add3A_214, %mul3A_215 : i32
        %get3A_217 = arith.index_cast %mul3A_216 : i32 to index
        %get3A_218 = tpu.vector_load %arg5[%get3A_217] {strides = array<i32>} : memref<100000xf32, #tpu.memory_space<vmem>>, vector<16xf32>,
        %gt3A_219 = arith.cmpf ogt, %get3A_218, %select_n3A_201 : vector<16xf32>
        %select_n3A_220 = arith.select %gt3A_219, %get3A_218, %select_n3A_201 : vector<16xi1>, vector<16xf32>
        %mul3A_221 = arith.constant 5 : i32
        %mul3A_222 = arith.muli %scan3A_151, %mul3A_221 : i32
        %add3A_223 = arith.constant 3 : i32
        %add3A_224 = arith.addi %mul3A_222, %add3A_223 : i32
        %mul3A_225 = arith.constant 16 : i32
        %mul3A_226 = arith.muli %add3A_224, %mul3A_225 : i32
        %add3A_227 = vector.broadcast %mul3A_226 : i32 to vector<16xi32>
        %add3A_228 = arith.addi %iota3A, %add3A_227 : vector<16xi32>
        %select_n3A_229 = arith.select %gt3A_219, %add3A_228, %select_n3A_210 : vector<16xi1>, vector<16xi32>
        %mul3A_230 = arith.constant 5 : i32
        %mul3A_231 = arith.muli %scan3A_151, %mul3A_230 : i32
        %add3A_232 = arith.constant 4 : i32
        %add3A_233 = arith.addi %mul3A_231, %add3A_232 : i32
        %mul3A_234 = arith.constant 16 : i32
        %mul3A_235 = arith.muli %add3A_233, %mul3A_234 : i32
        %get3A_236 = arith.index_cast %mul3A_235 : i32 to index
        %get3A_237 = tpu.vector_load %arg5[%get3A_236] {strides = array<i32>} : memref<100000xf32, #tpu.memory_space<vmem>>, vector<16xf32>,
        %gt3A_238 = arith.cmpf ogt, %get3A_237, %select_n3A_220 : vector<16xf32>
        %select_n3A_239 = arith.select %gt3A_238, %get3A_237, %select_n3A_220 : vector<16xi1>, vector<16xf32>
        %mul3A_240 = arith.constant 5 : i32
        %mul3A_241 = arith.muli %scan3A_151, %mul3A_240 : i32
        %add3A_242 = arith.constant 4 : i32
        %add3A_243 = arith.addi %mul3A_241, %add3A_242 : i32
        %mul3A_244 = arith.constant 16 : i32
        %mul3A_245 = arith.muli %add3A_243, %mul3A_244 : i32
        %add3A_246 = vector.broadcast %mul3A_245 : i32 to vector<16xi32>
        %add3A_247 = arith.addi %iota3A, %add3A_246 : vector<16xi32>
        %select_n3A_248 = arith.select %gt3A_238, %add3A_247, %select_n3A_229 : vector<16xi1>, vector<16xi32>
        scf.yield %select_n3A_239, %select_n3A_248 : vector<16xf32>, vector<16xi32>
      }
      %scan3A_135 = arith.constant 1250 : i32
      %reduce_max3A = arith.constant true
      %reduce_max3A_136 = vector.broadcast %reduce_max3A : i1 to vector<16xi1>
      %reduce_max3A_137 = tpu.scan <max>, %scan3A_134#0 masked %reduce_max3A_136 : vector<16xf32>, vector<16xi1> -> vector<16xf32>
      %reduce_max3A_138 = vector.extract %reduce_max3A_137[15] : f32 from vector<16xf32>
      %broadcast_in_dim3A_139 = vector.broadcast %reduce_max3A_138 : f32 to vector<16xf32>
      %broadcast_in_dim3A_140 = arith.constant 100000 : i32
      %broadcast_in_dim3A_141 = vector.broadcast %broadcast_in_dim3A_140 : i32 to vector<16xi32>
      %eq3A_142 = arith.cmpf oeq, %scan3A_134#0, %broadcast_in_dim3A_139 : vector<16xf32>
      %select_n3A_143 = arith.select %eq3A_142, %scan3A_134#1, %broadcast_in_dim3A_141 : vector<16xi1>, vector<16xi32>
      %reduce_min3A = arith.constant true
      %reduce_min3A_144 = vector.broadcast %reduce_min3A : i1 to vector<16xi1>
      %reduce_min3A_145 = arith.constant -2147483648 : i32
      %reduce_min3A_146 = vector.broadcast %reduce_min3A_145 : i32 to vector<16xi32>
      %reduce_min3A_147 = arith.xori %select_n3A_143, %reduce_min3A_146 : vector<16xi32>
      %reduce_min3A_148 = tpu.scan <min>, %reduce_min3A_147 masked %reduce_min3A_144 : vector<16xi32>, vector<16xi1> -> vector<16xi32>
      %reduce_min3A_149 = arith.xori %reduce_min3A_148, %reduce_min3A_146 : vector<16xi32>
      %reduce_min3A_150 = vector.extract %reduce_min3A_149[15] : i32 from vector<16xi32>
      scf.yield %reduce_min3A_150 : i32
    } else {
      %scan3A = arith.constant 0 : i32
      %scan3A_131 = arith.constant 625 : i32
      %scan3A_132 = arith.addi %scan3A, %scan3A_131 : i32
      %scan3A_133 = arith.constant 1 : i32
      %scan3A_134:10 = scf.for %scan3A_193 = %scan3A to %scan3A_132 step %scan3A_133 iter_args(%scan3A_194 = %broadcast_in_dim3A_5, %scan3A_195 = %broadcast_in_dim3A_5, %scan3A_196 = %broadcast_in_dim3A_5, %scan3A_197 = %broadcast_in_dim3A_5, %scan3A_198 = %broadcast_in_dim3A_5, %scan3A_199 = %broadcast_in_dim3A_7, %scan3A_200 = %broadcast_in_dim3A_7, %scan3A_201 = %broadcast_in_dim3A_7, %scan3A_202 = %broadcast_in_dim3A_7, %scan3A_203 = %broadcast_in_dim3A_7) -> (vector<16xf32>, vector<16xf32>, vector<16xf32>, vector<16xf32>, vector<16xf32>, vector<16xf32>, vector<16xf32>, vector<16xf32>, vector<16xf32>, vector<16xf32>)  : i32 {
        %mul3A_204 = arith.constant 10 : i32
        %mul3A_205 = arith.muli %scan3A_193, %mul3A_204 : i32
        %add3A_206 = arith.constant 0 : i32
        %add3A_207 = arith.addi %mul3A_205, %add3A_206 : i32
        %mul3A_208 = arith.constant 16 : i32
        %mul3A_209 = arith.muli %add3A_207, %mul3A_208 : i32
        %get3A_210 = arith.index_cast %mul3A_209 : i32 to index
        %get3A_211 = tpu.vector_load %arg5[%get3A_210] {strides = array<i32>} : memref<100000xf32, #tpu.memory_space<vmem>>, vector<16xf32>,
        %max3A_212 = arith.maximumf %scan3A_194, %get3A_211 : vector<16xf32>
        %min3A_213 = arith.minimumf %scan3A_199, %get3A_211 : vector<16xf32>
        %mul3A_214 = arith.constant 10 : i32
        %mul3A_215 = arith.muli %scan3A_193, %mul3A_214 : i32
        %add3A_216 = arith.constant 1 : i32
        %add3A_217 = arith.addi %mul3A_215, %add3A_216 : i32
        %mul3A_218 = arith.constant 16 : i32
        %mul3A_219 = arith.muli %add3A_217, %mul3A_218 : i32
        %get3A_220 = arith.index_cast %mul3A_219 : i32 to index
        %get3A_221 = tpu.vector_load %arg5[%get3A_220] {strides = array<i32>} : memref<100000xf32, #tpu.memory_space<vmem>>, vector<16xf32>,
        %max3A_222 = arith.maximumf %scan3A_195, %get3A_221 : vector<16xf32>
        %min3A_223 = arith.minimumf %scan3A_200, %get3A_221 : vector<16xf32>
        %mul3A_224 = arith.constant 10 : i32
        %mul3A_225 = arith.muli %scan3A_193, %mul3A_224 : i32
        %add3A_226 = arith.constant 2 : i32
        %add3A_227 = arith.addi %mul3A_225, %add3A_226 : i32
        %mul3A_228 = arith.constant 16 : i32
        %mul3A_229 = arith.muli %add3A_227, %mul3A_228 : i32
        %get3A_230 = arith.index_cast %mul3A_229 : i32 to index
        %get3A_231 = tpu.vector_load %arg5[%get3A_230] {strides = array<i32>} : memref<100000xf32, #tpu.memory_space<vmem>>, vector<16xf32>,
        %max3A_232 = arith.maximumf %scan3A_196, %get3A_231 : vector<16xf32>
        %min3A_233 = arith.minimumf %scan3A_201, %get3A_231 : vector<16xf32>
        %mul3A_234 = arith.constant 10 : i32
        %mul3A_235 = arith.muli %scan3A_193, %mul3A_234 : i32
        %add3A_236 = arith.constant 3 : i32
        %add3A_237 = arith.addi %mul3A_235, %add3A_236 : i32
        %mul3A_238 = arith.constant 16 : i32
        %mul3A_239 = arith.muli %add3A_237, %mul3A_238 : i32
        %get3A_240 = arith.index_cast %mul3A_239 : i32 to index
        %get3A_241 = tpu.vector_load %arg5[%get3A_240] {strides = array<i32>} : memref<100000xf32, #tpu.memory_space<vmem>>, vector<16xf32>,
        %max3A_242 = arith.maximumf %scan3A_197, %get3A_241 : vector<16xf32>
        %min3A_243 = arith.minimumf %scan3A_202, %get3A_241 : vector<16xf32>
        %mul3A_244 = arith.constant 10 : i32
        %mul3A_245 = arith.muli %scan3A_193, %mul3A_244 : i32
        %add3A_246 = arith.constant 4 : i32
        %add3A_247 = arith.addi %mul3A_245, %add3A_246 : i32
        %mul3A_248 = arith.constant 16 : i32
        %mul3A_249 = arith.muli %add3A_247, %mul3A_248 : i32
        %get3A_250 = arith.index_cast %mul3A_249 : i32 to index
        %get3A_251 = tpu.vector_load %arg5[%get3A_250] {strides = array<i32>} : memref<100000xf32, #tpu.memory_space<vmem>>, vector<16xf32>,
        %max3A_252 = arith.maximumf %scan3A_198, %get3A_251 : vector<16xf32>
        %min3A_253 = arith.minimumf %scan3A_203, %get3A_251 : vector<16xf32>
        %mul3A_254 = arith.constant 10 : i32
        %mul3A_255 = arith.muli %scan3A_193, %mul3A_254 : i32
        %add3A_256 = arith.constant 5 : i32
        %add3A_257 = arith.addi %mul3A_255, %add3A_256 : i32
        %mul3A_258 = arith.constant 16 : i32
        %mul3A_259 = arith.muli %add3A_257, %mul3A_258 : i32
        %get3A_260 = arith.index_cast %mul3A_259 : i32 to index
        %get3A_261 = tpu.vector_load %arg5[%get3A_260] {strides = array<i32>} : memref<100000xf32, #tpu.memory_space<vmem>>, vector<16xf32>,
        %max3A_262 = arith.maximumf %max3A_212, %get3A_261 : vector<16xf32>
        %min3A_263 = arith.minimumf %min3A_213, %get3A_261 : vector<16xf32>
        %mul3A_264 = arith.constant 10 : i32
        %mul3A_265 = arith.muli %scan3A_193, %mul3A_264 : i32
        %add3A_266 = arith.constant 6 : i32
        %add3A_267 = arith.addi %mul3A_265, %add3A_266 : i32
        %mul3A_268 = arith.constant 16 : i32
        %mul3A_269 = arith.muli %add3A_267, %mul3A_268 : i32
        %get3A_270 = arith.index_cast %mul3A_269 : i32 to index
        %get3A_271 = tpu.vector_load %arg5[%get3A_270] {strides = array<i32>} : memref<100000xf32, #tpu.memory_space<vmem>>, vector<16xf32>,
        %max3A_272 = arith.maximumf %max3A_222, %get3A_271 : vector<16xf32>
        %min3A_273 = arith.minimumf %min3A_223, %get3A_271 : vector<16xf32>
        %mul3A_274 = arith.constant 10 : i32
        %mul3A_275 = arith.muli %scan3A_193, %mul3A_274 : i32
        %add3A_276 = arith.constant 7 : i32
        %add3A_277 = arith.addi %mul3A_275, %add3A_276 : i32
        %mul3A_278 = arith.constant 16 : i32
        %mul3A_279 = arith.muli %add3A_277, %mul3A_278 : i32
        %get3A_280 = arith.index_cast %mul3A_279 : i32 to index
        %get3A_281 = tpu.vector_load %arg5[%get3A_280] {strides = array<i32>} : memref<100000xf32, #tpu.memory_space<vmem>>, vector<16xf32>,
        %max3A_282 = arith.maximumf %max3A_232, %get3A_281 : vector<16xf32>
        %min3A_283 = arith.minimumf %min3A_233, %get3A_281 : vector<16xf32>
        %mul3A_284 = arith.constant 10 : i32
        %mul3A_285 = arith.muli %scan3A_193, %mul3A_284 : i32
        %add3A_286 = arith.constant 8 : i32
        %add3A_287 = arith.addi %mul3A_285, %add3A_286 : i32
        %mul3A_288 = arith.constant 16 : i32
        %mul3A_289 = arith.muli %add3A_287, %mul3A_288 : i32
        %get3A_290 = arith.index_cast %mul3A_289 : i32 to index
        %get3A_291 = tpu.vector_load %arg5[%get3A_290] {strides = array<i32>} : memref<100000xf32, #tpu.memory_space<vmem>>, vector<16xf32>,
        %max3A_292 = arith.maximumf %max3A_242, %get3A_291 : vector<16xf32>
        %min3A_293 = arith.minimumf %min3A_243, %get3A_291 : vector<16xf32>
        %mul3A_294 = arith.constant 10 : i32
        %mul3A_295 = arith.muli %scan3A_193, %mul3A_294 : i32
        %add3A_296 = arith.constant 9 : i32
        %add3A_297 = arith.addi %mul3A_295, %add3A_296 : i32
        %mul3A_298 = arith.constant 16 : i32
        %mul3A_299 = arith.muli %add3A_297, %mul3A_298 : i32
        %get3A_300 = arith.index_cast %mul3A_299 : i32 to index
        %get3A_301 = tpu.vector_load %arg5[%get3A_300] {strides = array<i32>} : memref<100000xf32, #tpu.memory_space<vmem>>, vector<16xf32>,
        %max3A_302 = arith.maximumf %max3A_252, %get3A_301 : vector<16xf32>
        %min3A_303 = arith.minimumf %min3A_253, %get3A_301 : vector<16xf32>
        scf.yield %max3A_262, %max3A_272, %max3A_282, %max3A_292, %max3A_302, %min3A_263, %min3A_273, %min3A_283, %min3A_293, %min3A_303 : vector<16xf32>, vector<16xf32>, vector<16xf32>, vector<16xf32>, vector<16xf32>, vector<16xf32>, vector<16xf32>, vector<16xf32>, vector<16xf32>, vector<16xf32>
      }
      %scan3A_135 = arith.constant 625 : i32
      %max3A = arith.maximumf %scan3A_134#0, %scan3A_134#1 : vector<16xf32>
      %min3A = arith.minimumf %scan3A_134#5, %scan3A_134#6 : vector<16xf32>
      %max3A_136 = arith.maximumf %max3A, %scan3A_134#2 : vector<16xf32>
      %min3A_137 = arith.minimumf %min3A, %scan3A_134#7 : vector<16xf32>
      %max3A_138 = arith.maximumf %max3A_136, %scan3A_134#3 : vector<16xf32>
      %min3A_139 = arith.minimumf %min3A_137, %scan3A_134#8 : vector<16xf32>
      %max3A_140 = arith.maximumf %max3A_138, %scan3A_134#4 : vector<16xf32>
      %min3A_141 = arith.minimumf %min3A_139, %scan3A_134#9 : vector<16xf32>
      %reduce_max3A = arith.constant true
      %reduce_max3A_142 = vector.broadcast %reduce_max3A : i1 to vector<16xi1>
      %reduce_max3A_143 = tpu.scan <max>, %max3A_140 masked %reduce_max3A_142 : vector<16xf32>, vector<16xi1> -> vector<16xf32>
      %reduce_max3A_144 = vector.extract %reduce_max3A_143[15] : f32 from vector<16xf32>
      %mul3A_145 = arith.mulf %reduce_max3A_144, %reduce_sum3A_15 : f32
      %reduce_min3A = arith.constant true
      %reduce_min3A_146 = vector.broadcast %reduce_min3A : i1 to vector<16xi1>
      %reduce_min3A_147 = tpu.scan <min>, %min3A_141 masked %reduce_min3A_146 : vector<16xf32>, vector<16xi1> -> vector<16xf32>
      %reduce_min3A_148 = vector.extract %reduce_min3A_147[15] : f32 from vector<16xf32>
      %mul3A_149 = arith.mulf %reduce_min3A_148, %reduce_sum3A_15 : f32
      %max3A_150 = arith.maximumf %mul3A_145, %mul3A_149 : f32
      %neg3A = arith.constant 0.000000e+00 : f32
      %neg3A_151 = arith.subf %neg3A, %max3A_150 : f32
      %broadcast_in_dim3A_152 = vector.broadcast %neg3A_151 : f32 to vector<16xf32>
      %convert_element_type3A_153 = arith.extui %gt3A_38 : i1 to i32
      %cond3A_154 = arith.constant 0 : i32
      %cond3A_155 = arith.cmpi ne, %convert_element_type3A_153, %cond3A_154 : i32
      %cond3A_156 = scf.if %cond3A_155 -> (vector<16xf32>) {
        %scan3A_193 = arith.constant 0 : i32
        %scan3A_194 = arith.constant 50 : i32
        %scan3A_195 = arith.addi %scan3A_193, %scan3A_194 : i32
        %scan3A_196 = arith.constant 1 : i32
        %scan3A_197 = scf.for %scan3A_199 = %scan3A_193 to %scan3A_195 step %scan3A_196 iter_args(%scan3A_200 = %broadcast_in_dim3A_1) -> (vector<16xf32>)  : i32 {
          %scan3A_201 = arith.constant 0 : i32
          %scan3A_202 = arith.constant 25 : i32
          %scan3A_203 = arith.addi %scan3A_201, %scan3A_202 : i32
          %scan3A_204 = arith.constant 1 : i32
          %scan3A_205:5 = scf.for %scan3A_216 = %scan3A_201 to %scan3A_203 step %scan3A_204 iter_args(%scan3A_217 = %broadcast_in_dim3A_1, %scan3A_218 = %broadcast_in_dim3A_1, %scan3A_219 = %broadcast_in_dim3A_1, %scan3A_220 = %broadcast_in_dim3A_1, %scan3A_221 = %broadcast_in_dim3A_1) -> (vector<16xf32>, vector<16xf32>, vector<16xf32>, vector<16xf32>, vector<16xf32>)  : i32 {
            %mul3A_222 = arith.constant 125 : i32
            %mul3A_223 = arith.muli %scan3A_199, %mul3A_222 : i32
            %mul3A_224 = arith.constant 5 : i32
            %mul3A_225 = arith.muli %scan3A_216, %mul3A_224 : i32
            %add3A_226 = arith.addi %mul3A_223, %mul3A_225 : i32
            %add3A_227 = arith.constant 0 : i32
            %add3A_228 = arith.addi %add3A_226, %add3A_227 : i32
            %mul3A_229 = arith.constant 16 : i32
            %mul3A_230 = arith.muli %add3A_228, %mul3A_229 : i32
            %get3A_231 = arith.index_cast %mul3A_230 : i32 to index
            %get3A_232 = tpu.vector_load %arg5[%get3A_231] {strides = array<i32>} : memref<100000xf32, #tpu.memory_space<vmem>>, vector<16xf32>,
            %add3A_233 = arith.addf %get3A_232, %broadcast_in_dim3A_152 : vector<16xf32>
            %exp3A = math.exp %add3A_233 : vector<16xf32>
            %add3A_234 = arith.addf %scan3A_217, %exp3A : vector<16xf32>
            %mul3A_235 = arith.constant 125 : i32
            %mul3A_236 = arith.muli %scan3A_199, %mul3A_235 : i32
            %mul3A_237 = arith.constant 5 : i32
            %mul3A_238 = arith.muli %scan3A_216, %mul3A_237 : i32
            %add3A_239 = arith.addi %mul3A_236, %mul3A_238 : i32
            %add3A_240 = arith.constant 1 : i32
            %add3A_241 = arith.addi %add3A_239, %add3A_240 : i32
            %mul3A_242 = arith.constant 16 : i32
            %mul3A_243 = arith.muli %add3A_241, %mul3A_242 : i32
            %get3A_244 = arith.index_cast %mul3A_243 : i32 to index
            %get3A_245 = tpu.vector_load %arg5[%get3A_244] {strides = array<i32>} : memref<100000xf32, #tpu.memory_space<vmem>>, vector<16xf32>,
            %add3A_246 = arith.addf %get3A_245, %broadcast_in_dim3A_152 : vector<16xf32>
            %exp3A_247 = math.exp %add3A_246 : vector<16xf32>
            %add3A_248 = arith.addf %scan3A_218, %exp3A_247 : vector<16xf32>
            %mul3A_249 = arith.constant 125 : i32
            %mul3A_250 = arith.muli %scan3A_199, %mul3A_249 : i32
            %mul3A_251 = arith.constant 5 : i32
            %mul3A_252 = arith.muli %scan3A_216, %mul3A_251 : i32
            %add3A_253 = arith.addi %mul3A_250, %mul3A_252 : i32
            %add3A_254 = arith.constant 2 : i32
            %add3A_255 = arith.addi %add3A_253, %add3A_254 : i32
            %mul3A_256 = arith.constant 16 : i32
            %mul3A_257 = arith.muli %add3A_255, %mul3A_256 : i32
            %get3A_258 = arith.index_cast %mul3A_257 : i32 to index
            %get3A_259 = tpu.vector_load %arg5[%get3A_258] {strides = array<i32>} : memref<100000xf32, #tpu.memory_space<vmem>>, vector<16xf32>,
            %add3A_260 = arith.addf %get3A_259, %broadcast_in_dim3A_152 : vector<16xf32>
            %exp3A_261 = math.exp %add3A_260 : vector<16xf32>
            %add3A_262 = arith.addf %scan3A_219, %exp3A_261 : vector<16xf32>
            %mul3A_263 = arith.constant 125 : i32
            %mul3A_264 = arith.muli %scan3A_199, %mul3A_263 : i32
            %mul3A_265 = arith.constant 5 : i32
            %mul3A_266 = arith.muli %scan3A_216, %mul3A_265 : i32
            %add3A_267 = arith.addi %mul3A_264, %mul3A_266 : i32
            %add3A_268 = arith.constant 3 : i32
            %add3A_269 = arith.addi %add3A_267, %add3A_268 : i32
            %mul3A_270 = arith.constant 16 : i32
            %mul3A_271 = arith.muli %add3A_269, %mul3A_270 : i32
            %get3A_272 = arith.index_cast %mul3A_271 : i32 to index
            %get3A_273 = tpu.vector_load %arg5[%get3A_272] {strides = array<i32>} : memref<100000xf32, #tpu.memory_space<vmem>>, vector<16xf32>,
            %add3A_274 = arith.addf %get3A_273, %broadcast_in_dim3A_152 : vector<16xf32>
            %exp3A_275 = math.exp %add3A_274 : vector<16xf32>
            %add3A_276 = arith.addf %scan3A_220, %exp3A_275 : vector<16xf32>
            %mul3A_277 = arith.constant 125 : i32
            %mul3A_278 = arith.muli %scan3A_199, %mul3A_277 : i32
            %mul3A_279 = arith.constant 5 : i32
            %mul3A_280 = arith.muli %scan3A_216, %mul3A_279 : i32
            %add3A_281 = arith.addi %mul3A_278, %mul3A_280 : i32
            %add3A_282 = arith.constant 4 : i32
            %add3A_283 = arith.addi %add3A_281, %add3A_282 : i32
            %mul3A_284 = arith.constant 16 : i32
            %mul3A_285 = arith.muli %add3A_283, %mul3A_284 : i32
            %get3A_286 = arith.index_cast %mul3A_285 : i32 to index
            %get3A_287 = tpu.vector_load %arg5[%get3A_286] {strides = array<i32>} : memref<100000xf32, #tpu.memory_space<vmem>>, vector<16xf32>,
            %add3A_288 = arith.addf %get3A_287, %broadcast_in_dim3A_152 : vector<16xf32>
            %exp3A_289 = math.exp %add3A_288 : vector<16xf32>
            %add3A_290 = arith.addf %scan3A_221, %exp3A_289 : vector<16xf32>
            scf.yield %add3A_234, %add3A_248, %add3A_262, %add3A_276, %add3A_290 : vector<16xf32>, vector<16xf32>, vector<16xf32>, vector<16xf32>, vector<16xf32>
          }
          %scan3A_206 = arith.constant 25 : i32
          %add3A_207 = arith.addf %scan3A_205#0, %scan3A_205#1 : vector<16xf32>
          %add3A_208 = arith.addf %scan3A_205#2, %scan3A_205#3 : vector<16xf32>
          %add3A_209 = arith.addf %add3A_207, %add3A_208 : vector<16xf32>
          %add3A_210 = arith.addf %add3A_209, %scan3A_205#4 : vector<16xf32>
          %mul3A_211 = arith.constant 16 : i32
          %mul3A_212 = arith.muli %scan3A_199, %mul3A_211 : i32
          %swap3A_213 = arith.index_cast %mul3A_212 : i32 to index
          %swap3A_214 = tpu.vector_load %arg6[%swap3A_213] {strides = array<i32>} : memref<800xf32, #tpu.memory_space<vmem>>, vector<16xf32>,
          tpu.vector_store %arg6[%swap3A_213], %add3A_210 {strides = array<i32>} : memref<800xf32, #tpu.memory_space<vmem>>, vector<16xf32>,
          %add3A_215 = arith.addf %scan3A_200, %add3A_210 : vector<16xf32>
          scf.yield %add3A_215 : vector<16xf32>
        }
        %scan3A_198 = arith.constant 50 : i32
        scf.yield %scan3A_197 : vector<16xf32>
      } else {
        %scan3A_193 = arith.constant 0 : i32
        %scan3A_194 = arith.constant 50 : i32
        %scan3A_195 = arith.addi %scan3A_193, %scan3A_194 : i32
        %scan3A_196 = arith.constant 1 : i32
        %scan3A_197 = scf.for %scan3A_199 = %scan3A_193 to %scan3A_195 step %scan3A_196 iter_args(%scan3A_200 = %broadcast_in_dim3A_1) -> (vector<16xf32>)  : i32 {
          %scan3A_201 = arith.constant 0 : i32
          %scan3A_202 = arith.constant 25 : i32
          %scan3A_203 = arith.addi %scan3A_201, %scan3A_202 : i32
          %scan3A_204 = arith.constant 1 : i32
          %scan3A_205:5 = scf.for %scan3A_216 = %scan3A_201 to %scan3A_203 step %scan3A_204 iter_args(%scan3A_217 = %broadcast_in_dim3A_1, %scan3A_218 = %broadcast_in_dim3A_1, %scan3A_219 = %broadcast_in_dim3A_1, %scan3A_220 = %broadcast_in_dim3A_1, %scan3A_221 = %broadcast_in_dim3A_1) -> (vector<16xf32>, vector<16xf32>, vector<16xf32>, vector<16xf32>, vector<16xf32>)  : i32 {
            %mul3A_222 = arith.constant 125 : i32
            %mul3A_223 = arith.muli %scan3A_199, %mul3A_222 : i32
            %mul3A_224 = arith.constant 5 : i32
            %mul3A_225 = arith.muli %scan3A_216, %mul3A_224 : i32
            %add3A_226 = arith.addi %mul3A_223, %mul3A_225 : i32
            %add3A_227 = arith.constant 0 : i32
            %add3A_228 = arith.addi %add3A_226, %add3A_227 : i32
            %mul3A_229 = arith.constant 16 : i32
            %mul3A_230 = arith.muli %add3A_228, %mul3A_229 : i32
            %get3A_231 = arith.index_cast %mul3A_230 : i32 to index
            %get3A_232 = tpu.vector_load %arg5[%get3A_231] {strides = array<i32>} : memref<100000xf32, #tpu.memory_space<vmem>>, vector<16xf32>,
            %mul3A_233 = arith.mulf %get3A_232, %broadcast_in_dim3A_39 : vector<16xf32>
            %add3A_234 = arith.addf %mul3A_233, %broadcast_in_dim3A_152 : vector<16xf32>
            %exp3A = math.exp %add3A_234 : vector<16xf32>
            %add3A_235 = arith.addf %scan3A_217, %exp3A : vector<16xf32>
            %mul3A_236 = arith.constant 125 : i32
            %mul3A_237 = arith.muli %scan3A_199, %mul3A_236 : i32
            %mul3A_238 = arith.constant 5 : i32
            %mul3A_239 = arith.muli %scan3A_216, %mul3A_238 : i32
            %add3A_240 = arith.addi %mul3A_237, %mul3A_239 : i32
            %add3A_241 = arith.constant 1 : i32
            %add3A_242 = arith.addi %add3A_240, %add3A_241 : i32
            %mul3A_243 = arith.constant 16 : i32
            %mul3A_244 = arith.muli %add3A_242, %mul3A_243 : i32
            %get3A_245 = arith.index_cast %mul3A_244 : i32 to index
            %get3A_246 = tpu.vector_load %arg5[%get3A_245] {strides = array<i32>} : memref<100000xf32, #tpu.memory_space<vmem>>, vector<16xf32>,
            %mul3A_247 = arith.mulf %get3A_246, %broadcast_in_dim3A_39 : vector<16xf32>
            %add3A_248 = arith.addf %mul3A_247, %broadcast_in_dim3A_152 : vector<16xf32>
            %exp3A_249 = math.exp %add3A_248 : vector<16xf32>
            %add3A_250 = arith.addf %scan3A_218, %exp3A_249 : vector<16xf32>
            %mul3A_251 = arith.constant 125 : i32
            %mul3A_252 = arith.muli %scan3A_199, %mul3A_251 : i32
            %mul3A_253 = arith.constant 5 : i32
            %mul3A_254 = arith.muli %scan3A_216, %mul3A_253 : i32
            %add3A_255 = arith.addi %mul3A_252, %mul3A_254 : i32
            %add3A_256 = arith.constant 2 : i32
            %add3A_257 = arith.addi %add3A_255, %add3A_256 : i32
            %mul3A_258 = arith.constant 16 : i32
            %mul3A_259 = arith.muli %add3A_257, %mul3A_258 : i32
            %get3A_260 = arith.index_cast %mul3A_259 : i32 to index
            %get3A_261 = tpu.vector_load %arg5[%get3A_260] {strides = array<i32>} : memref<100000xf32, #tpu.memory_space<vmem>>, vector<16xf32>,
            %mul3A_262 = arith.mulf %get3A_261, %broadcast_in_dim3A_39 : vector<16xf32>
            %add3A_263 = arith.addf %mul3A_262, %broadcast_in_dim3A_152 : vector<16xf32>
            %exp3A_264 = math.exp %add3A_263 : vector<16xf32>
            %add3A_265 = arith.addf %scan3A_219, %exp3A_264 : vector<16xf32>
            %mul3A_266 = arith.constant 125 : i32
            %mul3A_267 = arith.muli %scan3A_199, %mul3A_266 : i32
            %mul3A_268 = arith.constant 5 : i32
            %mul3A_269 = arith.muli %scan3A_216, %mul3A_268 : i32
            %add3A_270 = arith.addi %mul3A_267, %mul3A_269 : i32
            %add3A_271 = arith.constant 3 : i32
            %add3A_272 = arith.addi %add3A_270, %add3A_271 : i32
            %mul3A_273 = arith.constant 16 : i32
            %mul3A_274 = arith.muli %add3A_272, %mul3A_273 : i32
            %get3A_275 = arith.index_cast %mul3A_274 : i32 to index
            %get3A_276 = tpu.vector_load %arg5[%get3A_275] {strides = array<i32>} : memref<100000xf32, #tpu.memory_space<vmem>>, vector<16xf32>,
            %mul3A_277 = arith.mulf %get3A_276, %broadcast_in_dim3A_39 : vector<16xf32>
            %add3A_278 = arith.addf %mul3A_277, %broadcast_in_dim3A_152 : vector<16xf32>
            %exp3A_279 = math.exp %add3A_278 : vector<16xf32>
            %add3A_280 = arith.addf %scan3A_220, %exp3A_279 : vector<16xf32>
            %mul3A_281 = arith.constant 125 : i32
            %mul3A_282 = arith.muli %scan3A_199, %mul3A_281 : i32
            %mul3A_283 = arith.constant 5 : i32
            %mul3A_284 = arith.muli %scan3A_216, %mul3A_283 : i32
            %add3A_285 = arith.addi %mul3A_282, %mul3A_284 : i32
            %add3A_286 = arith.constant 4 : i32
            %add3A_287 = arith.addi %add3A_285, %add3A_286 : i32
            %mul3A_288 = arith.constant 16 : i32
            %mul3A_289 = arith.muli %add3A_287, %mul3A_288 : i32
            %get3A_290 = arith.index_cast %mul3A_289 : i32 to index
            %get3A_291 = tpu.vector_load %arg5[%get3A_290] {strides = array<i32>} : memref<100000xf32, #tpu.memory_space<vmem>>, vector<16xf32>,
            %mul3A_292 = arith.mulf %get3A_291, %broadcast_in_dim3A_39 : vector<16xf32>
            %add3A_293 = arith.addf %mul3A_292, %broadcast_in_dim3A_152 : vector<16xf32>
            %exp3A_294 = math.exp %add3A_293 : vector<16xf32>
            %add3A_295 = arith.addf %scan3A_221, %exp3A_294 : vector<16xf32>
            scf.yield %add3A_235, %add3A_250, %add3A_265, %add3A_280, %add3A_295 : vector<16xf32>, vector<16xf32>, vector<16xf32>, vector<16xf32>, vector<16xf32>
          }
          %scan3A_206 = arith.constant 25 : i32
          %add3A_207 = arith.addf %scan3A_205#0, %scan3A_205#1 : vector<16xf32>
          %add3A_208 = arith.addf %scan3A_205#2, %scan3A_205#3 : vector<16xf32>
          %add3A_209 = arith.addf %add3A_207, %add3A_208 : vector<16xf32>
          %add3A_210 = arith.addf %add3A_209, %scan3A_205#4 : vector<16xf32>
          %mul3A_211 = arith.constant 16 : i32
          %mul3A_212 = arith.muli %scan3A_199, %mul3A_211 : i32
          %swap3A_213 = arith.index_cast %mul3A_212 : i32 to index
          %swap3A_214 = tpu.vector_load %arg6[%swap3A_213] {strides = array<i32>} : memref<800xf32, #tpu.memory_space<vmem>>, vector<16xf32>,
          tpu.vector_store %arg6[%swap3A_213], %add3A_210 {strides = array<i32>} : memref<800xf32, #tpu.memory_space<vmem>>, vector<16xf32>,
          %add3A_215 = arith.addf %scan3A_200, %add3A_210 : vector<16xf32>
          scf.yield %add3A_215 : vector<16xf32>
        }
        %scan3A_198 = arith.constant 50 : i32
        scf.yield %scan3A_197 : vector<16xf32>
      }
      %reduce_sum3A_157 = arith.constant true
      %reduce_sum3A_158 = vector.broadcast %reduce_sum3A_157 : i1 to vector<16xi1>
      %reduce_sum3A_159 = tpu.scan <sum>, %cond3A_156 masked %reduce_sum3A_158 : vector<16xf32>, vector<16xi1> -> vector<16xf32>
      %reduce_sum3A_160 = vector.extract %reduce_sum3A_159[15] : f32 from vector<16xf32>
      %mul3A_161 = arith.mulf %reduce_sum3A_120, %reduce_sum3A_160 : f32
      %broadcast_in_dim3A_162 = vector.broadcast %mul3A_161 : f32 to vector<16xf32>
      %scan3A_163 = arith.constant 0.000000e+00 : f32
      %scan3A_164 = arith.constant 0 : i32
      %scan3A_165 = arith.constant 0.000000e+00 : f32
      %scan3A_166 = arith.constant 0 : i32
      %scan3A_167 = arith.constant 50 : i32
      %scan3A_168 = arith.addi %scan3A_166, %scan3A_167 : i32
      %scan3A_169 = arith.constant 1 : i32
      %scan3A_170:3 = scf.for %scan3A_193 = %scan3A_166 to %scan3A_168 step %scan3A_169 iter_args(%scan3A_194 = %scan3A_163, %scan3A_195 = %scan3A_164, %scan3A_196 = %scan3A_165) -> (f32, i32, f32)  : i32 {
        %mul3A_197 = arith.constant 16 : i32
        %mul3A_198 = arith.muli %scan3A_193, %mul3A_197 : i32
        %get3A_199 = arith.index_cast %mul3A_198 : i32 to index
        %get3A_200 = tpu.vector_load %arg6[%get3A_199] {strides = array<i32>} : memref<800xf32, #tpu.memory_space<vmem>>, vector<16xf32>,
        %reduce_sum3A_201 = arith.constant true
        %reduce_sum3A_202 = vector.broadcast %reduce_sum3A_201 : i1 to vector<16xi1>
        %reduce_sum3A_203 = tpu.scan <sum>, %get3A_200 masked %reduce_sum3A_202 : vector<16xf32>, vector<16xi1> -> vector<16xf32>
        %reduce_sum3A_204 = vector.extract %reduce_sum3A_203[15] : f32 from vector<16xf32>
        %add3A_205 = arith.addf %scan3A_194, %reduce_sum3A_204 : f32
        %lt3A = arith.cmpf olt, %add3A_205, %mul3A_161 : f32
        %jit3A_206 = arith.constant 1 : i32
        %jit3A_207 = arith.constant 0 : i32
        %select_n3A_208 = arith.select %lt3A, %jit3A_206, %jit3A_207 : i32
        %add3A_209 = arith.addi %scan3A_195, %select_n3A_208 : i32
        %jit3A_210 = arith.constant 0.000000e+00 : f32
        %select_n3A_211 = arith.select %lt3A, %reduce_sum3A_204, %jit3A_210 : f32
        %add3A_212 = arith.addf %scan3A_196, %select_n3A_211 : f32
        scf.yield %add3A_205, %add3A_209, %add3A_212 : f32, i32, f32
      }
      %scan3A_171 = arith.constant 50 : i32
      %min3A_172 = arith.constant 49 : i32
      %min3A_173 = arith.minsi %scan3A_170#1, %min3A_172 : i32
      %scan3A_174 = arith.constant 0 : i32
      %scan3A_175 = arith.constant 125 : i32
      %scan3A_176 = arith.addi %scan3A_174, %scan3A_175 : i32
      %scan3A_177 = arith.constant 1 : i32
      %scan3A_178:2 = scf.for %scan3A_193 = %scan3A_174 to %scan3A_176 step %scan3A_177 iter_args(%scan3A_194 = %scan3A_170#2, %scan3A_195 = %broadcast_in_dim3A_3) -> (f32, vector<16xi32>)  : i32 {
        %mul3A_196 = arith.constant 125 : i32
        %mul3A_197 = arith.muli %min3A_173, %mul3A_196 : i32
        %add3A_198 = arith.addi %mul3A_197, %scan3A_193 : i32
        %mul3A_199 = arith.constant 16 : i32
        %mul3A_200 = arith.muli %add3A_198, %mul3A_199 : i32
        %get3A_201 = arith.index_cast %mul3A_200 : i32 to index
        %get3A_202 = tpu.vector_load %arg5[%get3A_201] {strides = array<i32>} : memref<100000xf32, #tpu.memory_space<vmem>>, vector<16xf32>,
        %mul3A_203 = arith.mulf %get3A_202, %broadcast_in_dim3A_39 : vector<16xf32>
        %add3A_204 = arith.addf %mul3A_203, %broadcast_in_dim3A_152 : vector<16xf32>
        %exp3A = math.exp %add3A_204 : vector<16xf32>
        %broadcast_in_dim3A_205 = arith.constant true
        %broadcast_in_dim3A_206 = vector.broadcast %broadcast_in_dim3A_205 : i1 to vector<16xi1>
        %masked_cumsum3A = tpu.scan <sum>, %exp3A masked %broadcast_in_dim3A_206 : vector<16xf32>, vector<16xi1> -> vector<16xf32>
        %broadcast_in_dim3A_207 = vector.broadcast %scan3A_194 : f32 to vector<16xf32>
        %add3A_208 = arith.addf %masked_cumsum3A, %broadcast_in_dim3A_207 : vector<16xf32>
        %lt3A = arith.cmpf olt, %add3A_208, %broadcast_in_dim3A_162 : vector<16xf32>
        %all_reduce_population_count3A = tpu.all_reduce %lt3A {dim = 0 : i64, kind = #tpu.reduction_kind<sum>} : vector<16xi1> -> vector<16xi32>
        %add3A_209 = arith.addi %scan3A_195, %all_reduce_population_count3A : vector<16xi32>
        %reduce_sum3A_210 = arith.constant true
        %reduce_sum3A_211 = vector.broadcast %reduce_sum3A_210 : i1 to vector<16xi1>
        %reduce_sum3A_212 = tpu.scan <sum>, %exp3A masked %reduce_sum3A_211 : vector<16xf32>, vector<16xi1> -> vector<16xf32>
        %reduce_sum3A_213 = vector.extract %reduce_sum3A_212[15] : f32 from vector<16xf32>
        %add3A_214 = arith.addf %scan3A_194, %reduce_sum3A_213 : f32
        scf.yield %add3A_214, %add3A_209 : f32, vector<16xi32>
      }
      %scan3A_179 = arith.constant 125 : i32
      %reduce_max3A_180 = arith.constant true
      %reduce_max3A_181 = vector.broadcast %reduce_max3A_180 : i1 to vector<16xi1>
      %reduce_max3A_182 = arith.constant -2147483648 : i32
      %reduce_max3A_183 = vector.broadcast %reduce_max3A_182 : i32 to vector<16xi32>
      %reduce_max3A_184 = arith.xori %scan3A_178#1, %reduce_max3A_183 : vector<16xi32>
      %reduce_max3A_185 = tpu.scan <max>, %reduce_max3A_184 masked %reduce_max3A_181 : vector<16xi32>, vector<16xi1> -> vector<16xi32>
      %reduce_max3A_186 = arith.xori %reduce_max3A_185, %reduce_max3A_183 : vector<16xi32>
      %reduce_max3A_187 = vector.extract %reduce_max3A_186[15] : i32 from vector<16xi32>
      %ge3A = arith.constant 50 : i32
      %ge3A_188 = arith.cmpi sge, %scan3A_170#1, %ge3A : i32
      %mul3A_189 = arith.constant 2000 : i32
      %mul3A_190 = arith.muli %min3A_173, %mul3A_189 : i32
      %add3A_191 = arith.addi %mul3A_190, %reduce_max3A_187 : i32
      %jit3A = arith.constant 100000 : i32
      %select_n3A_192 = arith.select %ge3A_188, %jit3A, %add3A_191 : i32
      scf.yield %select_n3A_192 : i32
    }
    %eq3A_125 = arith.constant 3 : i32
    %eq3A_126 = vector.broadcast %eq3A_125 : i32 to vector<16xi32>
    %eq3A_127 = arith.cmpi eq, %iota3A, %eq3A_126 : vector<16xi32>
    %broadcast_in_dim3A_128 = vector.broadcast %cond3A_124 : i32 to vector<16xi32>
    %select_n3A_129 = arith.select %eq3A_127, %broadcast_in_dim3A_128, %select_n3A_106 : vector<16xi1>, vector<16xi32>
    %swap3A = arith.constant 0 : index
    %swap3A_130 = tpu.vector_load %arg8[%swap3A] {strides = array<i32>} : memref<16xi32, #tpu.memory_space<vmem>>, vector<16xi32>,
    tpu.vector_store %arg8[%swap3A], %select_n3A_129 {strides = array<i32>} : memref<16xi32, #tpu.memory_space<vmem>>, vector<16xi32>,
    "tpu.region"() ({
      %run_scoped3A = tpu.sem_alloc : memref<!tpu.dma_semaphore, #tpu.memory_space<semaphore_mem>>
      %dma_start3A = arith.constant 0 : i32
      %dma_start3A_131 = tpu.memref_slice %arg4[%add3A, %dma_start3A] : memref<32x16xi32, #tpu.memory_space<hbm>> -> memref<1x16xi32, #tpu.memory_space<hbm>>
      %dma_start3A_132 = tpu.memref_squeeze %dma_start3A_131 : memref<1x16xi32, #tpu.memory_space<hbm>> -> memref<16xi32, #tpu.memory_space<hbm>>
      %dma_start3A_133 = arith.constant 0 : i32
      %dma_start3A_134 = tpu.memref_slice %arg4[%add3A, %dma_start3A_133] : memref<32x16xi32, #tpu.memory_space<hbm>> -> memref<1x16xi32, #tpu.memory_space<hbm>>
      %dma_start3A_135 = tpu.memref_squeeze %dma_start3A_134 : memref<1x16xi32, #tpu.memory_space<hbm>> -> memref<16xi32, #tpu.memory_space<hbm>>
      tpu.enqueue_dma source(%arg8 : memref<16xi32, #tpu.memory_space<vmem>>) target(%dma_start3A_135 : memref<16xi32, #tpu.memory_space<hbm>>) target_semaphore(%run_scoped3A : memref<!tpu.dma_semaphore, #tpu.memory_space<semaphore_mem>>)
      %dma_wait3A = arith.constant 0 : i32
      %dma_wait3A_136 = tpu.memref_slice %arg4[%add3A, %dma_wait3A] : memref<32x16xi32, #tpu.memory_space<hbm>> -> memref<1x16xi32, #tpu.memory_space<hbm>>
      %dma_wait3A_137 = tpu.memref_squeeze %dma_wait3A_136 : memref<1x16xi32, #tpu.memory_space<hbm>> -> memref<16xi32, #tpu.memory_space<hbm>>
      %dma_wait3A_138 = arith.constant 0 : i32
      %dma_wait3A_139 = tpu.memref_slice %arg4[%add3A, %dma_wait3A_138] : memref<32x16xi32, #tpu.memory_space<hbm>> -> memref<1x16xi32, #tpu.memory_space<hbm>>
      %dma_wait3A_140 = tpu.memref_squeeze %dma_wait3A_139 : memref<1x16xi32, #tpu.memory_space<hbm>> -> memref<16xi32, #tpu.memory_space<hbm>>
      tpu.wait_dma2 semaphore(%run_scoped3A : memref<!tpu.dma_semaphore, #tpu.memory_space<semaphore_mem>>) src(%arg8 : memref<16xi32, #tpu.memory_space<vmem>>) dst(%dma_wait3A_140 : memref<16xi32, #tpu.memory_space<hbm>>)
      tpu.yield
    }) : () -> ()
    return
  }
}

</mosaic_0001>

<sc_bundles>
// kernel: kernel.3.cloned.1.call-start
scs
__scs_entry_jumppad:
0x0: {  	(pc) =	sbr.rel $0x88, $3  }
0x1: {  	(tag) =	ssettag $0x0;
	lr =	simm.s32 $0x1  }
0x2: {  	[smem:$0x3F9F] =	sst lr;
	_ =	strace $0xD0000000  }
0x3: {  	_ = 	snop  }
0x4: {  	_ = 	snop  }
0x5: {  	_ = 	snop  }
0x6: {  	_ = 	snop  }
0x7: {  	_ = 	snop  }
__scs_overlays_trampoline_lowered:
0x8: {  	[smem:$0x3FAE] =	sst s0  }
0x9: {  	[smem:$0x3FAF] =	sst s1  }
0xa: {  	[smem:$0x3FB0] =	sst s2  }
0xb: {  	[smem:$0x3FB1] =	sst s3  }
0xc: {  	[smem:$0x3FB2] =	sst s4  }
0xd: {  	[smem:$0x3FB3] =	sst s5  }
0xe: {  	[smem:$0x3FB4] =	sst s6  }
0xf: {  	[smem:$0x3FB5] =	sst s7  }
0x10: {  	[smem:$0x3FB6] =	sst s8  }
0x11: {  	[smem:$0x3FB7] =	sst s9;
	s0 =	simm.s32 @!p0 $0x0  }
0x12: {  	s1 =	sld [smem:$0x3F9D];
	s0 =	simm.s32 @p0 $0x1  }
0x13: {  	[smem:$0x3FB8] =	sst s0;
	s0 =	simm.s32 @!p1 $0x0  }
0x14: {  	s2 =	sld [smem:$0x3F9C];
	s0 =	simm.s32 @p1 $0x1  }
0x15: {  	[smem:$0x3FB9] =	sst s0;
	s0 =	simm.s32 @!p2 $0x0  }
0x16: {  	s3 =	sld [smem:$0x3FDB];
	s0 =	simm.s32 @p2 $0x1  }
0x17: {  	s4 =	simm.s32 $0x1BF5;
	[smem:$0x3FBB] =	sst s0  }
0x18: {  	s0 =	sld [smem:$0x3F9E];
	_ =	swait.ge [sflag:s4], $0x0  }
0x19: {  	s7 =	sld [smem:$0x3F9F]  }
0x1a: {  	s8 =	sadd.s32 $0xFFFFE003, lr  }
0x1b: {  	s9 =	sadd.s32 $0xFFFFFEF7, lr;
	s5 =	simm.s32 $0xFFFFFFFF;
	p2 =	slt.u32 s8, $0xFFFFF086  }
0x1c: {  	p1 =	slt.u32 s9, $0xF7A;
	s5 =	simm.s32 @!p2 $0x0  }
0x1d: {  	s5 =	simm.s32 @p1 $0x1;
	p0 =	seq.s32 s7, s2  }
0x1e: {  	s7 =	smul.u32 @!p0 $0xF7A, s2;
	p2 =	seq.s32 @!p0 s5, $0x0  }
0x1f: {  	s9 =	smul.u32 $0xF7A, s1;
	s8 =	simm.s32 @!p0 $0x1BF5;
	p2 =	por !p2, p0  }
0x20: {  	[sflag:s8] =	ssyncset.s32 @!p0 $0xFFFFF086;
	s6 =	sadd.s32 @!p0 s3, s7;
	s7 =	simm.s32 @!p0 $0x108  }
0x21: {  	s3 =	sadd.s32 s3, s9;
	s6 =	sadd.s32 @!p0 $0x88, s6;
	s7 =	simm.s32 @p2 $0x1082  }
0x22: {  	[simem:s7], [sflag:s8] =	dma.local @!p0 [hbm:s6], $0xF7A  }
0x23: {  	s9 =	sor.u32 $0xD0000000, s2;
	s6 =	simm.s32 $0x108;
	_ =	swait.ge @!p0 [sflag:s8], $0x0  }
0x24: {  	s3 =	sadd.s32 $0x88, s3;
	s6 =	simm.s32 @!p1 $0x1082;
	[sflag:s4] =	ssyncset.s32 $0xFFFFF086  }
0x25: {  	[simem:s6], [sflag:s4] =	dma.local [hbm:s3], $0xF7A  }
0x26: {  	[smem:$0x3F9F] =	sst s1;
	(tag) =	ssettag s2;
	_ =	strace s9  }
0x27: {  	s1 =	sld [smem:$0x3FAF]  }
0x28: {  	s2 =	sld [smem:$0x3FB0]  }
0x29: {  	s4 =	sld [smem:$0x3FB2]  }
0x2a: {  	p0 =	seq.s32 s5, $0x0;
	s5 =	sld [smem:$0x3FB3]  }
0x2b: {  	s6 =	sld [smem:$0x3FB4]  }
0x2c: {  	s7 =	sld [smem:$0x3FB5]  }
0x2d: {  	s3 =	simm.s32 $0x108;
	s8 =	sld [smem:$0x3FB6]  }
0x2e: {  	s3 =	simm.s32 @!p0 $0x1082;
	s9 =	sld [smem:$0x3FB7]  }
0x2f: {  	lr =	sadd.s32 s0, s3;
	s0 =	sld [smem:$0x3FAE]  }
0x30: {  	s3 =	sld [smem:$0x3FB1]  }
0x31: {  	[smem:$0x3FBA] =	sst s10  }
0x32: {  	s10 =	sld [smem:$0x3FB8];
	_ =	sdelay $0x3  }
0x33: {  	p0 =	seq.s32 s10, $0x1;
	s10 =	sld [smem:$0x3FBA];
	_ =	sdelay $0x3  }
0x34: {  	[smem:$0x3FBA] =	sst s10  }
0x35: {  	s10 =	sld [smem:$0x3FB9];
	_ =	sdelay $0x3  }
0x36: {  	p1 =	seq.s32 s10, $0x1;
	s10 =	sld [smem:$0x3FBA];
	_ =	sdelay $0x3  }
0x37: {  	[smem:$0x3FBA] =	sst s10  }
0x38: {  	s10 =	sld [smem:$0x3FBB]  }
0x39: {  	_ = 	snop;
	(pc) =	sbr.ind lr, $3  }
0x3a: {  	_ = 	snop  }
0x3b: {  	_ = 	snop  }
0x3c: {  	p2 =	seq.s32 s10, $0x1;
	s10 =	sld [smem:$0x3FBA]  }
0x3d: {  	_ =	shalt  }
0x3e: {  	_ =	shalt  }
0x3f: {  	_ =	shalt  }
0x40: {  	_ =	shalt  }
0x41: {  	_ =	shalt  }
0x42: {  	_ =	shalt  }
0x43: {  	_ =	shalt  }
0x44: {  	_ =	shalt  }
0x45: {  	_ =	shalt  }
0x46: {  	_ =	shalt  }
0x47: {  	_ =	shalt  }
0x48: {  	_ =	shalt  }
0x49: {  	_ =	shalt  }
0x4a: {  	_ =	shalt  }
0x4b: {  	_ =	shalt  }
0x4c: {  	_ =	shalt  }
0x4d: {  	_ =	shalt  }
0x4e: {  	_ =	shalt  }
0x4f: {  	_ =	shalt  }
0x50: {  	_ =	shalt  }
0x51: {  	_ =	shalt  }
0x52: {  	_ =	shalt  }
0x53: {  	_ =	shalt  }
0x54: {  	_ =	shalt  }
0x55: {  	_ =	shalt  }
0x56: {  	_ =	shalt  }
0x57: {  	_ =	shalt  }
0x58: {  	_ =	shalt  }
0x59: {  	_ =	shalt  }
0x5a: {  	_ =	shalt  }
0x5b: {  	_ =	shalt  }
0x5c: {  	_ =	shalt  }
0x5d: {  	_ =	shalt  }
0x5e: {  	_ =	shalt  }
0x5f: {  	_ =	shalt  }
0x60: {  	_ =	shalt  }
0x61: {  	_ =	shalt  }
0x62: {  	_ =	shalt  }
0x63: {  	_ =	shalt  }
0x64: {  	_ =	shalt  }
0x65: {  	_ =	shalt  }
0x66: {  	_ =	shalt  }
0x67: {  	_ =	shalt  }
0x68: {  	_ =	shalt  }
0x69: {  	_ =	shalt  }
0x6a: {  	_ =	shalt  }
0x6b: {  	_ =	shalt  }
0x6c: {  	_ =	shalt  }
0x6d: {  	_ =	shalt  }
0x6e: {  	_ =	shalt  }
0x6f: {  	_ =	shalt  }
0x70: {  	_ =	shalt  }
0x71: {  	_ =	shalt  }
0x72: {  	_ =	shalt  }
0x73: {  	_ =	shalt  }
0x74: {  	_ =	shalt  }
0x75: {  	_ =	shalt  }
0x76: {  	_ =	shalt  }
0x77: {  	_ =	shalt  }
0x78: {  	_ =	shalt  }
0x79: {  	_ =	shalt  }
0x7a: {  	_ =	shalt  }
0x7b: {  	_ =	shalt  }
0x7c: {  	_ =	shalt  }
0x7d: {  	_ =	shalt  }
0x7e: {  	_ =	shalt  }
0x7f: {  	_ =	shalt  }
0x80: {  	_ =	shalt  }
0x81: {  	_ =	shalt  }
0x82: {  	_ =	shalt  }
0x83: {  	_ =	shalt  }
0x84: {  	_ =	shalt  }
0x85: {  	_ =	shalt  }
0x86: {  	_ =	shalt  }
0x87: {  	_ =	shalt  }
.Lfunc_end0:
.L_simem_size_0:
called_computation_lowered:
.L_overlay_start_0:
0x88: {  	s2 =	sld [smem:$0x3FD9]  }
0x89: {  	s3 =	sld [smem:$0x3FFE];
	_ =	sdelay $0x1  }
0x8a: {  	s1 =	srdreg.scid  }
0x8b: {  	s0 =	sand.u32 $0x1, s1  }
0x8c: {  	s16 =	sshll.u32 s0, $0xA;
	s2 =	sadd.s32 s3, s2  }
0x8d: {  	s2 =	sadd.s32 s2, s16  }
0x8e: {  	[smem:$0x3FC6] =	sst s2  }
0x8f: {  	_ = 	snop  }
0x90: {  	(tm) =	ssettm $0x1  }
0x91: {  	s17 =	sld [smem:$0x3FFB];
	_ =	sdelay $0x3  }
0x92: {  	_ =	strace s17  }
0x93: {  	s2 =	sld [smem:$0x3FFC];
	_ =	sdelay $0x3  }
0x94: {  	_ =	strace s2  }
0x95: {  	s2 =	sld [smem:$0x3FFD];
	_ =	sdelay $0x3  }
0x96: {  	_ =	strace s2  }
0x97: {  	_ =	strace $0x8FFFFFFF  }
0x98: {  	s18 =	sld [smem:$0x3FDB];
	_ =	sdelay $0x1  }
0x99: {  	s19 =	simm.s32 $_scs_section_size  }
0x9a: {  	s4 =	simm.s32 $_size__tile_overlayer_lowered;
	s5 =	simm.s32 $_tile_overlayer_lowered  }
0x9b: {  	s22 =	simm.s32 $0x1BFF;
	s21 =	sshll.u32 s5, $0x1;
	s2 =	sadd.s32 s19, s18  }
0x9c: {  	s6 =	simm.s32 $0x0;
	s20 =	sshll.u32 s4, $0x1;
	s4 =	sadd.s32 s21, s2  }
0x9d: {  	[timem:s6], [sflag:s22] =	dma.local [hbm:s4], s20  }
0x9e: {  	_ =	swait.ge [sflag:s22], s20  }
0x9f: {  	s3 =	ssub.s32 $0x0, s20;
	[sflag:s22] =	ssyncset.done $0x0  }
0xa0: {  	[sflag:s22] =	ssyncadd.s32 s3;
	_ =	sdelay $0x1  }
0xa1: {  	s23 =	simm.s32 $0x1B8B  }
0xa2: {  	_ =	swait.ge [sflag:s23], $0x1  }
0xa3: {  	[sflag:s23] =	ssyncset.done $0x0  }
0xa4: {  	s25 =	simm.s32 $0x1B8E;
	s24 =	sld [smem:$0x3FFE];
	[sflag:s23] =	ssyncadd.s32 $0xFFFFFFFF  }
0xa5: {  	s26 =	simm.s32 $execute0_lowered;
	[smem:$0x3FD2] =	sst s25  }
0xa6: {  	s4 =	sshll.u32 s26, $0x1;
	_ =	strace $0x80000046;
	[dreg:$0x1] =	wrdreg $0xFFFFFFFF  }
0xa7: {  	s28 =	simm.s32 $_size_execute0_lowered;
	s2 =	sadd.s32 s2, s4;
	[dreg:$0x0] =	wrdreg $0x0  }
0xa8: {  	s4 =	sshll.u32 s28, $0x1;
	[dreg:$0x2] =	wrdreg s2  }
0xa9: {  	[dreg:$0x3] =	wrdreg s4  }
0xaa: {  	[dreg:$0x4] =	wrdreg $0xC0  }
0xab: {  	_ =	task [dreg:s6], $0x5FFFF  }
0xac: {  	[dreg:$0x1] =	wrdreg $0xFFFFFFFF  }
0xad: {  	[dreg:$0x0] =	wrdreg $0x60  }
0xae: {  	[dreg:$0x2] =	wrdreg s24  }
0xaf: {  	[dreg:$0x3] =	wrdreg $0x9  }
0xb0: {  	_ =	task.clear_ibuf [dreg:s6], $0x4FFFF;
	_ =	strace $0x90000046  }
0xb1: {  	s29 =	simm.s32 $0x9;
	_ =	strace $0x80000048  }
0xb2: {  	_ =	swait.ge [sflag:s29], $0x1  }
0xb3: {  	[sflag:s29] =	ssyncadd.s32 $0xFFFFFFFF  }
0xb4: {  	_ =	strace $0x90000048  }
0xb5: {  	_ =	sfence  }
0xb6: {  	s30 =	sld [smem:$0x0];
	_ =	sdelay $0x2  }
0xb7: {  	s31 =	sshll.u32 s1, $0xD;
	s1 =	sshrl.u32 s1, $0x2  }
0xb8: {  	s3 =	sand.u32 $0x4000, s31;
	s1 =	sadd.s32 s1, s30  }
0xb9: {  	s0 =	sor.u32 s3, s0;
	s1 =	sshll.u32 s1, $0x11  }
0xba: {  	s0 =	sor.u32 s1, s0  }
0xbb: {  	s0 =	sadd.s32 $0x8F2B, s0  }
0xbc: {  	[sflag:s0] =	ssyncadd.remote.s32 $0x1  }
0xbd: {  	_ =	sfence.sel $0xFFFF  }
0xbe: {  	[dreg:$0x0] =	wrdreg $0xFFFFFFFF;
	(pc) =	sbr.abs _section_cstart, $3  }
0xbf: {  	[dreg:$0x1] =	wrdreg $0xFFFFFFFF  }
0xc0: {  	_ =	task.clear_ibuf [dreg:s6], $0x2FFFF;
	_ =	strace $0x9FFFFFFF  }
0xc1: {  	(tm) =	ssettm $0x7FFFFFFF  }
tec
execute0_lowered:
.L_overlay_start_1:
0x0: {  	(tag) =	ssettag $0x1  }
0x1: {  	s3 =	rddreg [dreg:$0x0]  }
0x2: {  	s4 =	srdreg.scid;
	s0 =	stileid.u32;
	s2 =	simm.s32 $0x0  }
0x3: {  	s11 =	simm.s32 $0x1;
	s12 =	simm.s32 $0x80;
	s13 =	simm.s32 $0x400  }
0x4: {  	s14 =	simm.s32 $0x18B00;
	s15 =	simm.s32 $0x0;
	s4 =	sand.u32 $0x1, s4  }
0x5: {  	s5 =	smul.u32 $0xC3800, s0;
	[smem:$0x7FF] =	sst s2;
	s7 =	sshll.u32 s0, $0x5  }
0x6: {  	s6 =	sshll.u32 s4, $0x9;
	_ =	strace $0x80000047;
	s30 =	ssub.s32 $0x2, s4  }
.Ltmp0:
0x7: {  	s4 =	sshll.u32 s4, $0x4;
	s5 =	sor.u32 s6, s5;
	(pc) =	sbr.rel .LBB2_1-.Ltmp0, $4  }
0x8: {  	s8 =	sshrl.u32 s30, $0x1;
	s4 =	sor.u32 s4, s7;
	s5 =	sshrl.u32 s5, $0x3  }
0x9: {  	vm0 =	vcmask $0xF14;
	vm1 =	vcmask $0x1318;
	vm2 =	vcmask $0x171C;
	s9 =	ssub.s32 s30, s8;
	s31 =	sadd.s32 s5, s3;
	s3 =	sadd.s32 s3, s4  }
0xa: {  	vm3 =	vmmov $0x1;
	v0 =	vlaneseq.u32;
	vm4 =	vcmask $0x300;
	s9 =	smax.u32 s9, $0x1;
	s4 =	sadd.s32 $0x600, s31;
	s5 =	sadd.s32 $0x610, s31  }
0xb: {  	vm5 =	vcmask $0x308;
	vm6 =	vcmask $0x70C;
	vm7 =	vcmask $0xB10;
	s6 =	sadd.s32 $0x620, s31;
	s7 =	sadd.s32 $0x630, s31;
	s8 =	sadd.s32 $0x200, s3  }
.LBB2_73:
0xc: {  	v1 =	vmov s18  }
0xd: {  	vm8 =	veq.s32 v0, $0x1;
	v1 =	vnsel vm4, $0x0, v1  }
0xe: {  	v1 =	vsel vm8, s19, v1;
	vm8 =	veq.s32 v0, $0x2  }
0xf: {  	s15 =	sadd.s32 $0x1, s15;
	v1 =	vsel vm8, s20, v1;
	vm8 =	veq.s32 v0, $0x3  }
0x10: {  	p0 =	sne.s32 s15, s9;
	v1 =	vsel vm8, s16, v1  }
.Ltmp1:
0x11: {  	[tilespmem:$0x18B00] =	vst v1;
	(pc) =	sbr.rel @!p0 .LBB2_74-.Ltmp1, $4  }
0x12: {  	[hbm4b:s8+s2] =	stream.linear.scatter [tilespmem:s14], [sflag:$0x1], $0x80, $0x38;
	[tilespmem:$0x18B80] =	vst v63  }
0x13: {  	_ =	swait.ge [sflag:s11], $0x80  }
0x14: {  	[sflag:s11] =	ssyncset.done $0x0  }
0x15: {  	[sflag:s11] =	ssyncadd.s32 $0xFFFFFF80  }
.LBB2_1:
0x16: {  	s0 =	simm.s32 $0x18A80  }
0x17: {  	[tilespmem:s0], [sflag:$0x1] =	stream.linear.gather [hbm4b:s3+s2], $0x80, $0x38;
	[tilespmem:$0x18B80] =	vst v63  }
0x18: {  	_ =	swait.ge [sflag:s11], $0x80  }
0x19: {  	[sflag:s11] =	ssyncset.done $0x0  }
0x1a: {  	[sflag:s11] =	ssyncadd.s32 $0xFFFFFF80  }
0x1b: {  	v2 =	vld [tilespmem:$0x18A80];
	_ =	sdelay $0x4  }
0x1c: {  	v1 =	vsel vm0, $0x0, v2  }
0x1d: {  	(xrf2) =	vadd.scan.msk.f32 $0xffff, v1;
	v1 =	vsel vm1, $0x0, v2  }
0x1e: {  	(xrf2) =	vadd.scan.msk.f32 $0xffff, v1;
	v1 =	vsel vm2, $0x0, v2  }
0x1f: {  	(xrf2) =	vadd.scan.msk.f32 $0xffff, v1;
	_ =	sdelay $0x7  }
0x20: {  	v1, _, _ =	vpop (xrf2)  }
0x21: {  	v3, _, _ =	vpop (xrf2);
	(v2sf) =	vpush v1, $0xF  }
0x22: {  	(v2sf) =	vpush v3, $0xF;
	v3, _, _ =	vpop (xrf2)  }
0x23: {  	(v2sf) =	vpush v3, $0xF;
	_ =	sdelay $0xb  }
0x24: {  	[tilespmem:s2], [sflag:$0x1] =	stream.strided.gather [hbm4b:s4+s12], $0x18700, s13, s12, $0x38;
	[tilespmem:$0x18B80] =	vst v63  }
0x25: {  	s16 =	spop (v2sf)  }
0x26: {  	s18 =	spop (v2sf)  }
0x27: {  	s17 =	spop (v2sf)  }
0x28: {  	v3 =	vnsel vm3, $0x0, v2;
	_ =	swait.ge [sflag:s11], $0x18700  }
0x29: {  	(xrf2) =	vadd.scan.msk.f32 $0xffff, v3;
	_ =	sdelay $0x9  }
0x2a: {  	v3, _, _ =	vpop (xrf2)  }
0x2b: {  	(v2sf) =	vpush v3, $0xF;
	_ =	sdelay $0x9  }
0x2c: {  	p0 =	sgt.f32 s18, $5.000000000e-01  }
.Ltmp2:
0x2d: {  	_ = 	snop;
	(pc) =	sbr.rel @!p0 .LBB2_2-.Ltmp2, $4  }
0x2e: {  	_ = 	snop  }
0x2f: {  	s0 =	simm.s32 @!p0 $0x0  }
0x30: {  	v1 =	vbroadcast v1, $0xF;
	[sflag:s11] =	ssyncset.done $0x0;
	s0 =	simm.s32 @p0 $0x1  }
0x31: {  	[sflag:s11] =	ssyncadd.s32 $0xFFFE7900;
	[smem:$0x7FD] =	sst s0;
	v3 =	vimm.f32 $-Inf;
	s18 =	spop (v2sf)  }
0x32: {  	s18 =	simm.s32 $0x20  }
0x33: {  	v4 =	vld [tilespmem:s18+$0xFFFFFFE0];
	_ =	sdelay $0x2  }
0x34: {  	v5 =	vld [tilespmem:s18+$0xFFFFFFF0];
	_ =	sdelay $0x1  }
0x35: {  	s19 =	simm.s32 $0x0;
	v6 =	vld [tilespmem:s18+$0x0];
	vm8 =	vgt.f32 v4, v3  }
0x36: {  	v7 =	vor.u32 s19, v0;
	v4 =	vsel vm8, v4, v3;
	v3 =	vimm.s32 $0x0  }
0x37: {  	v7 =	vsel vm8, v7, v3;
	v3 =	vld [tilespmem:s18+$0x10]  }
0x38: {  	s31 =	simm.s32 $0x10;
	vm9 =	vgt.f32 v5, v4  }
0x39: {  	s20 =	simm.s32 $0x20;
	v8 =	vor.u32 s31, v0;
	v9 =	vsel vm9, v5, v4;
	v4 =	vld [tilespmem:s18+$0x20]  }
0x3a: {  	s21 =	simm.s32 $0xE0;
	v10 =	vor.u32 s20, v0;
	s20 =	simm.s32 $0x70;
	v8 =	vsel vm9, v8, v7;
	vm8 =	vgt.f32 v6, v9  }
0x3b: {  	s22 =	simm.s32 $0x30;
	s19 =	simm.s32 $0x40;
	s18 =	simm.s32 $0x90;
	v5 =	vld [tilespmem:s20+$0xFFFFFFE0];
	v7 =	vsel vm8, v6, v9;
	v6 =	vsel vm8, v10, v8  }
.LBB2_9:
0x3c: {  	p1 =	sne.s32 s21, $0x18690;
	vm8 =	vgt.f32 v3, v7;
	v8 =	vor.u32 s22, v0  }
0x3d: {  	v9 =	vld [tilespmem:s20+$0xFFFFFFF0];
	v3 =	vsel vm8, v3, v7;
	v6 =	vsel vm8, v8, v6  }
0x3e: {  	v7 =	vor.u32 s19, v0;
	s19 =	smov.u32 s18;
	s18 =	smov.u32 s21;
	vm8 =	vgt.f32 v4, v3  }
0x3f: {  	s22 =	sadd.s32 $0xFFFFFFC0, s19;
	v8 =	vld [tilespmem:s20+$0x0];
	v3 =	vsel vm8, v4, v3;
	v4 =	vsel vm8, v7, v6  }
0x40: {  	v6 =	vor.u32 s22, v0;
	vm8 =	vgt.f32 v5, v3  }
.Ltmp3:
0x41: {  	s22 =	sadd.s32 $0xFFFFFFD0, s19;
	v5 =	vsel vm8, v5, v3;
	v4 =	vsel vm8, v6, v4;
	v3 =	vld [tilespmem:s20+$0x10];
	(pc) =	sbr.rel @p1 .LBB2_9-.Ltmp3, $4  }
0x42: {  	v6 =	vor.u32 s22, v0;
	vm8 =	vgt.f32 v9, v5  }
0x43: {  	s22 =	sadd.s32 $0xFFFFFFE0, s19;
	v7 =	vsel vm8, v9, v5;
	v6 =	vsel vm8, v6, v4;
	v4 =	vld [tilespmem:s20+$0x20]  }
0x44: {  	v9 =	vor.u32 s22, v0;
	s20 =	sadd.s32 $0x50, s20;
	vm8 =	vgt.f32 v8, v7  }
0x45: {  	s21 =	sadd.s32 $0x50, s21;
	s22 =	sadd.s32 $0xFFFFFFF0, s19;
	v5 =	vld [tilespmem:s20+$0xFFFFFFE0];
	v7 =	vsel vm8, v8, v7;
	v6 =	vsel vm8, v9, v6  }
0x46: {  	vm8 =	vgt.f32 v3, v7  }
0x47: {  	v8 =	vld [tilespmem:s20+$0xFFFFFFF0];
	v3 =	vsel vm8, v3, v7  }
0x48: {  	vm9 =	vgt.f32 v4, v3  }
0x49: {  	v53 =	vld [tilespmem:s20+$0x0];
	v3 =	vsel vm9, v4, v3  }
0x4a: {  	vm10 =	vgt.f32 v5, v3  }
0x4b: {  	v54 =	vld [tilespmem:s20+$0x10];
	v3 =	vsel vm10, v5, v3  }
0x4c: {  	vm11 =	vgt.f32 v8, v3  }
0x4d: {  	v55 =	vld [tilespmem:s20+$0x20];
	v3 =	vsel vm11, v8, v3  }
0x4e: {  	vm12 =	vgt.f32 v53, v3  }
0x4f: {  	v3 =	vsel vm12, v53, v3  }
0x50: {  	vm13 =	vgt.f32 v54, v3  }
0x51: {  	v3 =	vsel vm13, v54, v3  }
0x52: {  	vm14 =	vgt.f32 v55, v3  }
0x53: {  	v3 =	vsel vm14, v55, v3  }
0x54: {  	(xrf0) =	vmax.scan.msk.f32 $0xffff, v3  }
0x55: {  	v56 =	vor.u32 s22, v0  }
0x56: {  	v57 =	vor.u32 s19, v0;
	s26 =	sadd.s32 $0xFFFFFFC0, s18;
	v4 =	vsel vm8, v56, v6  }
0x57: {  	s28 =	sadd.s32 $0xFFFFFFD0, s18;
	v58 =	vor.u32 s26, v0;
	v4 =	vsel vm9, v57, v4  }
0x58: {  	s29 =	sadd.s32 $0xFFFFFFE0, s18;
	v59 =	vor.u32 s28, v0;
	v4 =	vsel vm10, v58, v4  }
0x59: {  	s30 =	sadd.s32 $0xFFFFFFF0, s18;
	v60 =	vor.u32 s29, v0;
	v4 =	vsel vm11, v59, v4  }
0x5a: {  	v61 =	vor.u32 s30, v0;
	v4 =	vsel vm12, v60, v4;
	v62, _, _ =	vpop (xrf0)  }
0x5b: {  	v63 =	vor.u32 s18, v0;
	v4 =	vsel vm13, v61, v4;
	v6 =	vbroadcast v62, $0xF  }
0x5c: {  	v4 =	vsel vm14, v63, v4  }
0x5d: {  	vm8 =	veq.f32 v3, v6;
	v3 =	vxor.u32 $0x80000000, v4  }
0x5e: {  	v3 =	vnsel vm8, $0x800186A0, v3  }
0x5f: {  	(xrf0) =	vmin.scan.msk.u32 $0xffff, v3;
	_ =	sdelay $0x5  }
0x60: {  	v3, _, _ =	vpop (xrf0)  }
0x61: {  	(v2sf) =	vpush v3, $0xF;
	_ =	sdelay $0xb  }
.Ltmp4:
0x62: {  	_ = 	snop;
	(pc) =	sbr.rel .LBB2_19-.Ltmp4, $3  }
0x63: {  	_ =	sdelay $0x1  }
0x64: {  	s31 =	spop (v2sf)  }
0x65: {  	s18 =	sxor.u32 $0x80000000, s31  }
.LBB2_2:
0x66: {  	s19 =	simm.s32 $0x50  }
0x67: {  	v20 =	vld [tilespmem:s19+$0xFFFFFFB0]  }
0x68: {  	v7 =	vld [tilespmem:s19+$0x0]  }
0x69: {  	v6 =	vld [tilespmem:s19+$0x10]  }
0x6a: {  	v4 =	vld [tilespmem:s19+$0x20]  }
0x6b: {  	v21 =	vld [tilespmem:s19+$0xFFFFFFC0]  }
0x6c: {  	v8 =	vimm.f32 $+Inf;
	v18 =	vld [tilespmem:s19+$0xFFFFFFD0]  }
0x6d: {  	s20 =	sand.u32 $0x3FFE0, s2;
	v17 =	vimm.f32 $+Inf;
	v14 =	vimm.f32 $-Inf;
	v15 =	vimm.f32 $+Inf;
	v10 =	vld [tilespmem:s19+$0xFFFFFFE0]  }
0x6e: {  	v16 =	vimm.f32 $-Inf;
	v11 =	vimm.f32 $+Inf;
	v9 =	vld [tilespmem:s20+$0x80];
	v5 =	vmax.f32 v3, v20  }
0x6f: {  	v12 =	vimm.f32 $-Inf;
	v13 =	vimm.f32 $+Inf;
	v19 =	vld [tilespmem:s19+$0xFFFFFFF0];
	s20 =	simm.s32 $0xA0;
	v5 =	vmax.f32 v5, v7  }
.LBB2_3:
0x70: {  	p1 =	sne.s32 s20, $0x18600;
	v8 =	vmin.f32 v8, v20;
	v3 =	vmax.f32 v3, v21;
	v17 =	vmin.f32 v17, v21;
	v22 =	vld [tilespmem:s19+$0x40];
	s19 =	sadd.s32 $0xA0, s19  }
0x71: {  	v8 =	vmin.f32 v8, v7;
	v7 =	vld [tilespmem:s19+$0x0];
	v3 =	vmax.f32 v3, v6;
	v17 =	vmin.f32 v17, v6  }
0x72: {  	v14 =	vmax.f32 v14, v18;
	v15 =	vmin.f32 v15, v18;
	v6 =	vld [tilespmem:s19+$0x10];
	v16 =	vmax.f32 v16, v10  }
0x73: {  	v14 =	vmax.f32 v14, v4;
	v15 =	vmin.f32 v15, v4;
	v20 =	vld [tilespmem:s19+$0xFFFFFFB0];
	v16 =	vmax.f32 v16, v9  }
0x74: {  	v10 =	vmin.f32 v11, v10;
	v4 =	vld [tilespmem:s19+$0x20];
	v12 =	vmax.f32 v12, v19;
	v13 =	vmin.f32 v13, v19  }
.Ltmp5:
0x75: {  	v11 =	vmin.f32 v10, v9;
	v21 =	vld [tilespmem:s19+$0xFFFFFFC0];
	v12 =	vmax.f32 v12, v22;
	v13 =	vmin.f32 v13, v22;
	(pc) =	sbr.rel @p1 .LBB2_3-.Ltmp5, $4  }
0x76: {  	v18 =	vld [tilespmem:s19+$0xFFFFFFD0]  }
0x77: {  	s21 =	sand.u32 $0x3FFE0, s20;
	v10 =	vld [tilespmem:s19+$0xFFFFFFE0]  }
0x78: {  	v5 =	vmax.f32 v5, v20;
	v9 =	vld [tilespmem:s21+$0x80]  }
0x79: {  	s20 =	sadd.s32 $0xA0, s20;
	v19 =	vld [tilespmem:s19+$0xFFFFFFF0];
	v5 =	vmax.f32 v5, v7  }
0x7a: {  	v8 =	vmin.f32 v8, v20  }
0x7b: {  	v3 =	vmax.f32 v3, v21;
	v17 =	vmin.f32 v17, v21;
	v7 =	vmin.f32 v8, v7  }
0x7c: {  	v59 =	vld [tilespmem:s19+$0x40];
	v3 =	vmax.f32 v3, v6;
	v6 =	vmin.f32 v17, v6;
	v14 =	vmax.f32 v14, v18  }
0x7d: {  	v15 =	vmin.f32 v15, v18;
	v16 =	vmax.f32 v16, v10;
	v14 =	vmax.f32 v14, v4  }
0x7e: {  	v4 =	vmin.f32 v15, v4;
	v61 =	vmin.f32 v11, v10;
	v3 =	vmax.f32 v5, v3  }
0x7f: {  	v6 =	vmin.f32 v7, v6;
	v60 =	vmax.f32 v16, v9;
	v5 =	vmin.f32 v61, v9  }
0x80: {  	v3 =	vmax.f32 v3, v14;
	v4 =	vmin.f32 v6, v4;
	v62 =	vmax.f32 v12, v19  }
0x81: {  	v63 =	vmin.f32 v13, v19;
	v3 =	vmax.f32 v3, v60;
	v7 =	vmax.f32 v62, v59  }
0x82: {  	v4 =	vmin.f32 v4, v5;
	v6 =	vmin.f32 v63, v59;
	v3 =	vmax.f32 v3, v7  }
0x83: {  	v4 =	vmin.f32 v4, v6;
	(xrf0) =	vmax.scan.msk.f32 $0xffff, v3  }
0x84: {  	(xrf0) =	vmin.scan.msk.f32 $0xffff, v4;
	_ =	sdelay $0x4  }
0x85: {  	v3, _, _ =	vpop (xrf0)  }
0x86: {  	(v2sf) =	vpush v3, $0xF;
	v3, _, _ =	vpop (xrf0)  }
0x87: {  	(v2sf) =	vpush v3, $0xF;
	_ =	sdelay $0xd  }
0x88: {  	s31 =	spop (v2sf)  }
0x89: {  	s19 =	smul.f32 s31, s16;
	s20 =	spop (v2sf)  }
0x8a: {  	p1 =	sgt.f32 s17, $5.000000000e-01;
	s20 =	smul.f32 s20, s16  }
.Ltmp6:
0x8b: {  	_ = 	snop;
	(pc) =	sbr.rel @!p1 .LBB2_11-.Ltmp6, $3  }
0x8c: {  	s19 =	smax.f32 s19, s20  }
0x8d: {  	s19 =	ssub.f32 $0.0e+00, s19;
	_ =	sdelay $0x1  }
0x8e: {  	v5 =	vimm.f32 $0.0e+00;
	v4 =	vimm.f32 $0.0e+00;
	s20 =	simm.s32 $0x20;
	v3 =	vmov s19;
	s19 =	simm.s32 $0x0  }
.LBB2_5:
0x8f: {  	v6 =	vmov s20;
	_ =	sdelay $0x3  }
0x90: {  	s21 =	simm.s32 $0x0  }
0x91: {  	v7 =	vld.idx.msk [tilespmem:v6+s21+$0x20 ss:$0x1], $0xffff;
	_ =	sdelay $0x1  }
0x92: {  	v8 =	vld.idx.msk [tilespmem:v6+s21+$0xFFFFFFE0 ss:$0x1], $0xffff  }
0x93: {  	v9 =	vld.idx.msk [tilespmem:v6+s21+$0xFFFFFFF0 ss:$0x1], $0xffff  }
0x94: {  	v10 =	vld.idx.msk [tilespmem:v6+s21+$0x0 ss:$0x1], $0xffff  }
0x95: {  	s30 =	simm.s32 $0x50;
	v11 =	vld.idx.msk [tilespmem:v6+s21+$0x10 ss:$0x1], $0xffff;
	v7 =	vadd.f32 v7, v3  }
0x96: {  	v12 =	vld.idx.msk [tilespmem:v6+s30+$0x20 ss:$0x1], $0xffff  }
0x97: {  	v13 =	vld.idx.msk [tilespmem:v6+s30+$0xFFFFFFE0 ss:$0x1], $0xffff;
	v8 =	vadd.f32 v8, v3;
	v7 =	vmul.f32 $1.442695020e+00, v7  }
0x98: {  	v14 =	vld.idx.msk [tilespmem:v6+s30+$0xFFFFFFF0 ss:$0x1], $0xffff;
	v9 =	vadd.f32 v9, v3  }
0x99: {  	v8 =	vmul.f32 $1.442695020e+00, v8;
	(erf) = vpow2.f32 v7;
	v7 =	vadd.f32 v10, v3  }
0x9a: {  	v11 =	vadd.f32 v11, v3;
	v9 =	vmul.f32 $1.442695020e+00, v9;
	v10 =	vld.idx.msk [tilespmem:v6+s30+$0x0 ss:$0x1], $0xffff  }
0x9b: {  	(erf) = vpow2.f32 v8;
	v7 =	vmul.f32 $1.442695020e+00, v7  }
0x9c: {  	v15 =	vld.idx.msk [tilespmem:v6+s30+$0x10 ss:$0x1], $0xffff;
	v11 =	vmul.f32 $1.442695020e+00, v11;
	v8 =	vadd.f32 v12, v3;
	(erf) = vpow2.f32 v9  }
0x9d: {  	v12 =	vadd.f32 v13, v3;
	(erf) = vpow2.f32 v7;
	v7 =	vadd.f32 v14, v3  }
0x9e: {  	s31 =	simm.s32 $0xA0;
	v8 =	vmul.f32 $1.442695020e+00, v8;
	(erf) = vpow2.f32 v11  }
0x9f: {  	v9 =	vld.idx.msk [tilespmem:v6+s31+$0x20 ss:$0x1], $0xffff;
	v11 =	vmul.f32 $1.442695020e+00, v12;
	v10 =	vadd.f32 v10, v3;
	v7 =	vmul.f32 $1.442695020e+00, v7  }
0xa0: {  	(erf) = vpow2.f32 v8  }
0xa1: {  	v13 =	vadd.f32 v15, v3;
	v12 =	vld.idx.msk [tilespmem:v6+s31+$0xFFFFFFE0 ss:$0x1], $0xffff;
	v8 =	vmul.f32 $1.442695020e+00, v10;
	(erf) = vpow2.f32 v11  }
0xa2: {  	v16 =	vld.idx.msk [tilespmem:v6+s31+$0xFFFFFFF0 ss:$0x1], $0xffff;
	(erf) = vpow2.f32 v7  }
0xa3: {  	v17 =	vmul.f32 $1.442695020e+00, v13;
	v14 =	vld.idx.msk [tilespmem:v6+s31+$0x0 ss:$0x1], $0xffff;
	v7 =	vpop (erf);
	(erf) = vpow2.f32 v8  }
0xa4: {  	v15 =	vld.idx.msk [tilespmem:v6+s31+$0x10 ss:$0x1], $0xffff;
	v18 =	vadd.f32 v9, v3;
	v10 =	vimm.f32 $0.0e+00;
	v11 =	vimm.f32 $0.0e+00  }
0xa5: {  	s22 =	simm.s32 $0x500;
	s21 =	simm.s32 $0xF0;
	v9 =	vimm.f32 $0.0e+00;
	v8 =	vimm.f32 $0.0e+00;
	v7 =	vadd.f32 v7, v5;
	v13 =	vpop (erf)  }
.LBB2_6:
0xa6: {  	p1 =	sne.s32 s22, $0x1E00;
	v19 =	vld.idx.msk [tilespmem:v6+s21+$0x20 ss:$0x1], $0xffff;
	v20 =	vadd.f32 v12, v3;
	(erf) = vpow2.f32 v17;
	v8 =	vadd.f32 v13, v8;
	v13 =	vpop (erf)  }
0xa7: {  	v17 =	vadd.f32 v16, v3;
	v12 =	vld.idx.msk [tilespmem:v6+s21+$0xFFFFFFE0 ss:$0x1], $0xffff;
	v18 =	vmul.f32 $1.442695020e+00, v18;
	v10 =	vadd.f32 v13, v10;
	v13 =	vpop (erf)  }
.Ltmp7:
0xa8: {  	v21 =	vadd.f32 v14, v3;
	v16 =	vld.idx.msk [tilespmem:v6+s21+$0xFFFFFFF0 ss:$0x1], $0xffff;
	v20 =	vmul.f32 $1.442695020e+00, v20;
	v11 =	vadd.f32 v13, v11;
	v13 =	vpop (erf);
	(pc) =	sbr.rel @p1 .LBB2_6-.Ltmp7, $4  }
0xa9: {  	v22 =	vmul.f32 $1.442695020e+00, v17;
	v17 =	vadd.f32 v15, v3;
	v14 =	vld.idx.msk [tilespmem:v6+s21+$0x0 ss:$0x1], $0xffff;
	(erf) = vpow2.f32 v18  }
0xaa: {  	v21 =	vmul.f32 $1.442695020e+00, v21;
	v9 =	vadd.f32 v13, v9;
	v15 =	vld.idx.msk [tilespmem:v6+s21+$0x10 ss:$0x1], $0xffff;
	(erf) = vpow2.f32 v20  }
0xab: {  	v17 =	vmul.f32 $1.442695020e+00, v17;
	(erf) = vpow2.f32 v22;
	v13 =	vpop (erf)  }
0xac: {  	s21 =	sshra.s32 s22, $0x2;
	s22 =	sadd.s32 $0x140, s22;
	v18 =	vadd.f32 v19, v3;
	(erf) = vpow2.f32 v21;
	v7 =	vadd.f32 v13, v7;
	v13 =	vpop (erf)  }
0xad: {  	_ =	sdelay $0x3  }
0xae: {  	v19 =	vld.idx.msk [tilespmem:v6+s21+$0x20 ss:$0x1], $0xffff  }
0xaf: {  	v12 =	vadd.f32 v12, v3;
	v20 =	vld.idx.msk [tilespmem:v6+s21+$0xFFFFFFE0 ss:$0x1], $0xffff  }
0xb0: {  	v16 =	vadd.f32 v16, v3;
	v21 =	vld.idx.msk [tilespmem:v6+s21+$0xFFFFFFF0 ss:$0x1], $0xffff;
	v18 =	vmul.f32 $1.442695020e+00, v18  }
0xb1: {  	(erf) = vpow2.f32 v17;
	v39 =	vld.idx.msk [tilespmem:v6+s21+$0x0 ss:$0x1], $0xffff;
	v14 =	vadd.f32 v14, v3;
	v12 =	vmul.f32 $1.442695020e+00, v12  }
0xb2: {  	v6 =	vld.idx.msk [tilespmem:v6+s21+$0x10 ss:$0x1], $0xffff;
	v16 =	vmul.f32 $1.442695020e+00, v16;
	v15 =	vadd.f32 v15, v3;
	(erf) = vpow2.f32 v18  }
0xb3: {  	v40 =	vpop (erf);
	v14 =	vmul.f32 $1.442695020e+00, v14;
	(erf) = vpow2.f32 v12  }
0xb4: {  	v42 =	vpop (erf);
	v15 =	vmul.f32 $1.442695020e+00, v15;
	v41 =	vadd.f32 v19, v3;
	(erf) = vpow2.f32 v16  }
0xb5: {  	v44 =	vpop (erf);
	v43 =	vadd.f32 v20, v3;
	v45 =	vadd.f32 v21, v3;
	(erf) = vpow2.f32 v14  }
0xb6: {  	v46 =	vpop (erf);
	v48 =	vadd.f32 v39, v3;
	v12 =	vmul.f32 $1.442695020e+00, v41;
	(erf) = vpow2.f32 v15  }
0xb7: {  	v6 =	vadd.f32 v6, v3;
	v47 =	vmul.f32 $1.442695020e+00, v43;
	v14 =	vmul.f32 $1.442695020e+00, v45  }
0xb8: {  	v49 =	vpop (erf);
	v16 =	vmul.f32 $1.442695020e+00, v48;
	(erf) = vpow2.f32 v12  }
0xb9: {  	v50 =	vpop (erf);
	v6 =	vmul.f32 $1.442695020e+00, v6;
	(erf) = vpow2.f32 v47  }
0xba: {  	v51 =	vpop (erf);
	(erf) = vpow2.f32 v14  }
0xbb: {  	v52 =	vpop (erf);
	(erf) = vpow2.f32 v16  }
0xbc: {  	v53 =	vpop (erf);
	(erf) = vpow2.f32 v6  }
0xbd: {  	v6 =	vpop (erf)  }
0xbe: {  	v8 =	vadd.f32 v13, v8;
	v54 =	vpop (erf)  }
0xbf: {  	v10 =	vadd.f32 v40, v10;
	v11 =	vadd.f32 v42, v11;
	v55 =	vpop (erf)  }
0xc0: {  	v9 =	vadd.f32 v44, v9;
	v7 =	vadd.f32 v46, v7;
	v56 =	vpop (erf)  }
0xc1: {  	v8 =	vadd.f32 v49, v8;
	v10 =	vadd.f32 v50, v10;
	v57 =	vpop (erf)  }
0xc2: {  	v11 =	vadd.f32 v51, v11;
	v9 =	vadd.f32 v52, v9;
	v58 =	vpop (erf)  }
0xc3: {  	v6 =	vadd.f32 v6, v8;
	v59 =	vadd.f32 v54, v10;
	v60 =	vpop (erf)  }
0xc4: {  	v11 =	vadd.f32 v55, v11;
	v9 =	vadd.f32 v56, v9;
	v61 =	vpop (erf)  }
0xc5: {  	v6 =	vadd.f32 v58, v6;
	v8 =	vadd.f32 v60, v59;
	v62 =	vpop (erf)  }
0xc6: {  	v11 =	vadd.f32 v61, v11;
	v9 =	vadd.f32 v62, v9  }
0xc7: {  	v7 =	vadd.f32 v53, v7  }
0xc8: {  	s31 =	sshll.u32 s19, $0x4;
	s19 =	sadd.s32 $0x1, s19;
	v6 =	vadd.f32 v8, v6;
	v63 =	vadd.f32 v9, v11  }
0xc9: {  	p1 =	seq.s32 s19, $0x32  }
.Ltmp8:
0xca: {  	v7 =	vadd.f32 v57, v7;
	v6 =	vadd.f32 v63, v6;
	(pc) =	sbr.rel @!p1 .LBB2_5-.Ltmp8, $4  }
.Ltmp9:
0xcb: {  	_ = 	snop;
	(pc) =	sbr.rel @p1 .LBB2_14-.Ltmp9, $4  }
0xcc: {  	v6 =	vadd.f32 v6, v7  }
0xcd: {  	s21 =	sand.u32 $0x3FFFFFF0, s31  }
0xce: {  	s20 =	sadd.s32 $0x7D0, s20;
	[tilespmem:s21+$0x18700] =	vst v6;
	v4 =	vadd.f32 v6, v4  }
0xcf: {  	_ = 	snop  }
.LBB2_11:
0xd0: {  	v6 =	vmov s20;
	_ =	sdelay $0x3  }
0xd1: {  	s21 =	simm.s32 $0x0  }
0xd2: {  	v5 =	vld.idx.msk [tilespmem:v6+s21+$0x20 ss:$0x1], $0xffff  }
0xd3: {  	v7 =	vld.idx.msk [tilespmem:v6+s21+$0xFFFFFFE0 ss:$0x1], $0xffff  }
0xd4: {  	v8 =	vld.idx.msk [tilespmem:v6+s21+$0xFFFFFFF0 ss:$0x1], $0xffff  }
0xd5: {  	v9 =	vld.idx.msk [tilespmem:v6+s21+$0x0 ss:$0x1], $0xffff;
	_ =	sdelay $0x1  }
0xd6: {  	v10 =	vld.idx.msk [tilespmem:v6+s21+$0x10 ss:$0x1], $0xffff;
	v5 =	vmul.f32 v5, v1  }
0xd7: {  	v7 =	vmul.f32 v7, v1  }
0xd8: {  	s31 =	simm.s32 $0x50;
	v8 =	vmul.f32 v8, v1;
	v5 =	vadd.f32 v5, v3  }
0xd9: {  	v11 =	vld.idx.msk [tilespmem:v6+s31+$0x20 ss:$0x1], $0xffff;
	v9 =	vmul.f32 v9, v1;
	v7 =	vadd.f32 v7, v3  }
0xda: {  	v12 =	vld.idx.msk [tilespmem:v6+s31+$0xFFFFFFE0 ss:$0x1], $0xffff;
	v8 =	vadd.f32 v8, v3;
	v5 =	vmul.f32 $1.442695020e+00, v5  }
0xdb: {  	v14 =	vld.idx.msk [tilespmem:v6+s31+$0xFFFFFFF0 ss:$0x1], $0xffff;
	v10 =	vmul.f32 v10, v1;
	v9 =	vadd.f32 v9, v3;
	v7 =	vmul.f32 $1.442695020e+00, v7  }
0xdc: {  	v8 =	vmul.f32 $1.442695020e+00, v8;
	(erf) = vpow2.f32 v5  }
0xdd: {  	v10 =	vadd.f32 v10, v3;
	v5 =	vmul.f32 $1.442695020e+00, v9;
	(erf) = vpow2.f32 v7  }
0xde: {  	(erf) = vpow2.f32 v8;
	v8 =	vmul.f32 v11, v1;
	v11 =	vld.idx.msk [tilespmem:v6+s31+$0x0 ss:$0x1], $0xffff  }
0xdf: {  	v13 =	vmul.f32 v12, v1;
	v12 =	vld.idx.msk [tilespmem:v6+s31+$0x10 ss:$0x1], $0xffff;
	v7 =	vmul.f32 $1.442695020e+00, v10  }
0xe0: {  	v15 =	vmul.f32 v14, v1;
	v9 =	vimm.f32 $0.0e+00;
	(erf) = vpow2.f32 v5  }
0xe1: {  	v10 =	vimm.f32 $0.0e+00;
	v5 =	vimm.f32 $0.0e+00;
	(erf) = vpow2.f32 v7  }
0xe2: {  	s22 =	simm.s32 $0xA0;
	s21 =	simm.s32 $0x3C0;
	v14 =	vadd.f32 v8, v3;
	v7 =	vimm.f32 $0.0e+00;
	v8 =	vimm.f32 $0.0e+00  }
.LBB2_12:
0xe3: {  	p1 =	sne.s32 s21, $0x1E00;
	v16 =	vld.idx.msk [tilespmem:v6+s22+$0x20 ss:$0x1], $0xffff;
	v13 =	vadd.f32 v13, v3;
	v11 =	vmul.f32 v11, v1  }
0xe4: {  	v12 =	vmul.f32 v12, v1;
	v17 =	vld.idx.msk [tilespmem:v6+s22+$0xFFFFFFE0 ss:$0x1], $0xffff;
	v15 =	vadd.f32 v15, v3;
	v21 =	vmul.f32 $1.442695020e+00, v14  }
0xe5: {  	v18 =	vld.idx.msk [tilespmem:v6+s22+$0xFFFFFFF0 ss:$0x1], $0xffff;
	v22 =	vmul.f32 $1.442695020e+00, v13;
	v19 =	vadd.f32 v11, v3  }
0xe6: {  	v20 =	vadd.f32 v12, v3;
	v11 =	vld.idx.msk [tilespmem:v6+s22+$0x0 ss:$0x1], $0xffff;
	v23 =	vmul.f32 $1.442695020e+00, v15;
	(erf) = vpow2.f32 v21;
	v14 =	vpop (erf)  }
.Ltmp10:
0xe7: {  	v12 =	vld.idx.msk [tilespmem:v6+s22+$0x10 ss:$0x1], $0xffff;
	v19 =	vmul.f32 $1.442695020e+00, v19;
	(erf) = vpow2.f32 v22;
	v7 =	vadd.f32 v14, v7;
	v13 =	vpop (erf);
	(pc) =	sbr.rel @p1 .LBB2_12-.Ltmp10, $4  }
0xe8: {  	v14 =	vmul.f32 $1.442695020e+00, v20;
	(erf) = vpow2.f32 v23;
	v5 =	vadd.f32 v13, v5;
	v13 =	vpop (erf)  }
0xe9: {  	v16 =	vmul.f32 v16, v1;
	(erf) = vpow2.f32 v19;
	v10 =	vadd.f32 v13, v10;
	v15 =	vpop (erf)  }
0xea: {  	v13 =	vmul.f32 v17, v1;
	(erf) = vpow2.f32 v14;
	v8 =	vadd.f32 v15, v8;
	v17 =	vpop (erf)  }
0xeb: {  	s22 =	sshra.s32 s21, $0x2;
	s21 =	sadd.s32 $0x140, s21;
	v15 =	vmul.f32 v18, v1;
	v14 =	vadd.f32 v16, v3;
	v9 =	vadd.f32 v17, v9  }
0xec: {  	_ =	sdelay $0x3  }
0xed: {  	v16 =	vld.idx.msk [tilespmem:v6+s22+$0x20 ss:$0x1], $0xffff  }
0xee: {  	v11 =	vmul.f32 v11, v1;
	v17 =	vld.idx.msk [tilespmem:v6+s22+$0xFFFFFFE0 ss:$0x1], $0xffff  }
0xef: {  	v13 =	vadd.f32 v13, v3;
	v12 =	vmul.f32 v12, v1;
	v18 =	vld.idx.msk [tilespmem:v6+s22+$0xFFFFFFF0 ss:$0x1], $0xffff;
	v15 =	vadd.f32 v15, v3  }
0xf0: {  	v19 =	vld.idx.msk [tilespmem:v6+s22+$0x0 ss:$0x1], $0xffff;
	v14 =	vmul.f32 $1.442695020e+00, v14;
	v11 =	vadd.f32 v11, v3  }
0xf1: {  	v6 =	vld.idx.msk [tilespmem:v6+s22+$0x10 ss:$0x1], $0xffff;
	v13 =	vmul.f32 $1.442695020e+00, v13;
	v12 =	vadd.f32 v12, v3;
	v15 =	vmul.f32 $1.442695020e+00, v15  }
0xf2: {  	(erf) = vpow2.f32 v14;
	v11 =	vmul.f32 $1.442695020e+00, v11  }
0xf3: {  	(erf) = vpow2.f32 v13;
	v12 =	vmul.f32 $1.442695020e+00, v12  }
0xf4: {  	v44 =	vmul.f32 v16, v1;
	v45 =	vmul.f32 v17, v1  }
0xf5: {  	(erf) = vpow2.f32 v15;
	v46 =	vmul.f32 v18, v1  }
0xf6: {  	v48 =	vmul.f32 v19, v1;
	v6 =	vmul.f32 v6, v1;
	v13 =	vadd.f32 v44, v3  }
0xf7: {  	(erf) = vpow2.f32 v11;
	v47 =	vadd.f32 v45, v3;
	v15 =	vadd.f32 v46, v3  }
0xf8: {  	v49 =	vpop (erf);
	(erf) = vpow2.f32 v12;
	v50 =	vadd.f32 v48, v3;
	v13 =	vmul.f32 $1.442695020e+00, v13  }
0xf9: {  	v6 =	vadd.f32 v6, v3;
	v11 =	vmul.f32 $1.442695020e+00, v47;
	v15 =	vmul.f32 $1.442695020e+00, v15  }
0xfa: {  	v51 =	vpop (erf);
	v12 =	vmul.f32 $1.442695020e+00, v50;
	(erf) = vpow2.f32 v13  }
0xfb: {  	v52 =	vpop (erf);
	v6 =	vmul.f32 $1.442695020e+00, v6;
	(erf) = vpow2.f32 v11  }
0xfc: {  	v53 =	vpop (erf);
	(erf) = vpow2.f32 v15  }
0xfd: {  	v54 =	vpop (erf);
	(erf) = vpow2.f32 v12  }
0xfe: {  	v55 =	vpop (erf);
	(erf) = vpow2.f32 v6  }
0xff: {  	v6 =	vpop (erf)  }
0x100: {  	v56 =	vpop (erf)  }
0x101: {  	v57 =	vpop (erf)  }
0x102: {  	v7 =	vadd.f32 v49, v7;
	v58 =	vpop (erf)  }
0x103: {  	v5 =	vadd.f32 v51, v5;
	v10 =	vadd.f32 v52, v10;
	v59 =	vpop (erf)  }
0x104: {  	v8 =	vadd.f32 v53, v8;
	v9 =	vadd.f32 v54, v9;
	v60 =	vpop (erf)  }
0x105: {  	v5 =	vadd.f32 v6, v5;
	v6 =	vadd.f32 v56, v10;
	v61 =	vpop (erf)  }
0x106: {  	v8 =	vadd.f32 v57, v8;
	v9 =	vadd.f32 v58, v9;
	v62 =	vpop (erf)  }
0x107: {  	v5 =	vadd.f32 v60, v5;
	v6 =	vadd.f32 v61, v6;
	v63 =	vpop (erf)  }
0x108: {  	v8 =	vadd.f32 v62, v8;
	v9 =	vadd.f32 v63, v9  }
0x109: {  	v7 =	vadd.f32 v55, v7  }
0x10a: {  	s21 =	sshll.u32 s19, $0x4;
	s19 =	sadd.s32 $0x1, s19;
	v5 =	vadd.f32 v6, v5;
	v6 =	vadd.f32 v9, v8  }
0x10b: {  	p1 =	sne.s32 s19, $0x32  }
.Ltmp11:
0x10c: {  	v7 =	vadd.f32 v59, v7;
	v5 =	vadd.f32 v6, v5;
	(pc) =	sbr.rel @p1 .LBB2_11-.Ltmp11, $4  }
0x10d: {  	_ = 	snop  }
0x10e: {  	v5 =	vadd.f32 v5, v7  }
0x10f: {  	s21 =	sand.u32 $0x3FFFFFF0, s21  }
0x110: {  	s20 =	sadd.s32 $0x7D0, s20;
	[tilespmem:s21+$0x18700] =	vst v5;
	v4 =	vadd.f32 v5, v4  }
.LBB2_14:
0x111: {  	s19 =	simm.s32 $0x0  }
0x112: {  	v5 =	vld [tilespmem:s19+$0x18700];
	_ =	sdelay $0x3  }
0x113: {  	(xrf2) =	vadd.scan.msk.f32 $0xffff, v4  }
0x114: {  	(xrf2) =	vadd.scan.msk.f32 $0xffff, v5;
	_ =	sdelay $0x7  }
0x115: {  	s26 =	simm.s32 $0x10  }
0x116: {  	v5 =	vld [tilespmem:s26+$0x18700];
	v4, _, _ =	vpop (xrf2)  }
0x117: {  	s28 =	simm.s32 $0x20;
	(v2sf) =	vpush v4, $0xF;
	v4, _, _ =	vpop (xrf2)  }
0x118: {  	s29 =	simm.s32 $0x30;
	(v2sf) =	vpush v4, $0xF;
	v4 =	vld [tilespmem:s28+$0x18700]  }
0x119: {  	v6 =	vld [tilespmem:s29+$0x18700];
	_ =	sdelay $0x1  }
0x11a: {  	(xrf2) =	vadd.scan.msk.f32 $0xffff, v5;
	_ =	sdelay $0x1  }
0x11b: {  	(xrf2) =	vadd.scan.msk.f32 $0xffff, v4  }
0x11c: {  	(xrf2) =	vadd.scan.msk.f32 $0xffff, v6;
	_ =	sdelay $0x6  }
0x11d: {  	v5, _, _ =	vpop (xrf2)  }
0x11e: {  	s31 =	spop (v2sf);
	(v2sf) =	vpush v5, $0xF  }
0x11f: {  	s30 =	simm.s32 $0x40;
	v5, _, _ =	vpop (xrf2)  }
0x120: {  	v4 =	vld [tilespmem:s30+$0x18700];
	s22 =	spop (v2sf);
	(v2sf) =	vpush v5, $0xF;
	v5, _, _ =	vpop (xrf2)  }
0x121: {  	(v2sf) =	vpush v5, $0xF;
	_ =	sdelay $0x2  }
0x122: {  	s23 =	simm.s32 $0x50  }
0x123: {  	(xrf2) =	vadd.scan.msk.f32 $0xffff, v4;
	v4 =	vld [tilespmem:s23+$0x18700]  }
0x124: {  	s21 =	simm.f32 $0.0e+00  }
0x125: {  	s20 =	smul.f32 s31, s18;
	s19 =	sadd.f32 s22, s21  }
0x126: {  	_ = 	snop  }
0x127: {  	s23 =	simm.s32 $0x180;
	s18 =	simm.s32 $0x0;
	p1 =	slt.f32 s19, s20  }
.LBB2_15:
0x128: {  	s24 =	sshra.s32 s23, $0x2;
	p2 =	sne.s32 s23, $0xC40;
	s23 =	sadd.s32 $0x40, s23;
	(xrf2) =	vadd.scan.msk.f32 $0xffff, v4  }
0x129: {  	s25 =	smov.u32 s22;
	v4 =	vld [tilespmem:s24+$0x18700];
	s24 =	simm.s32 $0x1  }
.Ltmp12:
0x12a: {  	s25 =	simm.s32 @!p1 $0x0;
	s24 =	simm.s32 @!p1 $0x0;
	(pc) =	sbr.rel @p2 .LBB2_15-.Ltmp12, $4  }
0x12b: {  	s21 =	sadd.f32 s25, s21;
	s22 =	spop (v2sf);
	s18 =	sadd.s32 s24, s18  }
0x12c: {  	s19 =	sadd.f32 s22, s19  }
0x12d: {  	v5, _, _ =	vpop (xrf2)  }
0x12e: {  	(v2sf) =	vpush v5, $0xF;
	p1 =	slt.f32 s19, s20  }
0x12f: {  	(xrf2) =	vadd.scan.msk.f32 $0xffff, v4;
	_ =	sdelay $0x7  }
0x130: {  	v4, _, _ =	vpop (xrf2)  }
0x131: {  	(v2sf) =	vpush v4, $0xF  }
0x132: {  	v4, _, _ =	vpop (xrf2)  }
0x133: {  	(v2sf) =	vpush v4, $0xF;
	_ =	sdelay $0x6  }
0x134: {  	s28 =	spop (v2sf)  }
0x135: {  	s19 =	sadd.f32 s28, s19  }
0x136: {  	s23 =	spop (v2sf)  }
0x137: {  	s26 =	sadd.f32 s23, s19  }
0x138: {  	s25 =	simm.s32 $0x1;
	s24 =	spop (v2sf)  }
0x139: {  	s29 =	simm.s32 $0x1;
	p3 =	slt.f32 s19, s20;
	s10 =	sadd.f32 s24, s26  }
0x13a: {  	s25 =	simm.s32 @!p1 $0x0;
	p2 =	slt.f32 s26, s20;
	s26 =	spop (v2sf)  }
0x13b: {  	s30 =	simm.s32 $0x1;
	s18 =	sadd.s32 s25, s18;
	s31 =	sadd.f32 s26, s10  }
0x13c: {  	s19 =	simm.s32 $0x1;
	s29 =	simm.s32 @!p3 $0x0;
	s25 =	spop (v2sf)  }
0x13d: {  	s18 =	sadd.s32 s29, s18;
	p6 =	slt.f32 s10, s20;
	s0 =	sadd.f32 s25, s31  }
0x13e: {  	s29 =	simm.s32 $0x1;
	s30 =	simm.s32 @!p2 $0x0;
	p5 =	slt.f32 s31, s20  }
0x13f: {  	s18 =	sadd.s32 s30, s18;
	s29 =	simm.s32 @!p6 $0x0;
	p4 =	slt.f32 s0, s20  }
0x140: {  	s18 =	sadd.s32 s29, s18;
	s29 =	simm.s32 $0x1;
	s19 =	simm.s32 @!p5 $0x0  }
0x141: {  	s18 =	sadd.s32 s19, s18;
	s29 =	simm.s32 @!p4 $0x0  }
0x142: {  	s18 =	sadd.s32 s29, s18  }
0x143: {  	p0 =	slt.s32 s18, $0x31;
	s19 =	smov.u32 s18  }
0x144: {  	s19 =	simm.s32 @!p0 $0x31  }
0x145: {  	s1 =	smul.u32 $0x1F40, s19;
	_ =	sdelay $0x1  }
0x146: {  	s29 =	sshra.s32 s1, $0x2  }
0x147: {  	v5 =	vmov s29;
	_ =	sdelay $0x3  }
0x148: {  	s10 =	simm.s32 $0x0  }
0x149: {  	v4 =	vld.idx.msk [tilespmem:v5+s10+$0x0 ss:$0x1], $0xffff;
	_ =	sdelay $0x1  }
0x14a: {  	s30 =	simm.s32 $0x10  }
0x14b: {  	s31 =	simm.s32 $0x20;
	v6 =	vld.idx.msk [tilespmem:v5+s30+$0x0 ss:$0x1], $0xffff  }
0x14c: {  	v7 =	vld.idx.msk [tilespmem:v5+s31+$0x0 ss:$0x1], $0xffff  }
0x14d: {  	v4 =	vmul.f32 v4, v1;
	_ =	sdelay $0x1  }
0x14e: {  	v4 =	vadd.f32 v4, v3  }
0x14f: {  	v6 =	vmul.f32 v6, v1  }
0x150: {  	v7 =	vmul.f32 v7, v1;
	v4 =	vmul.f32 $1.442695020e+00, v4  }
0x151: {  	v6 =	vadd.f32 v6, v3  }
0x152: {  	v7 =	vadd.f32 v7, v3;
	(erf) = vpow2.f32 v4  }
0x153: {  	v6 =	vmul.f32 $1.442695020e+00, v6  }
0x154: {  	s0 =	simm.s32 $0x30;
	v4 =	vmul.f32 $1.442695020e+00, v7  }
0x155: {  	s1 =	simm.s32 $0x40;
	(erf) = vpow2.f32 v6;
	v6 =	vld.idx.msk [tilespmem:v5+s0+$0x0 ss:$0x1], $0xffff  }
0x156: {  	(erf) = vpow2.f32 v4;
	v4 =	vld.idx.msk [tilespmem:v5+s1+$0x0 ss:$0x1], $0xffff;
	_ =	sdelay $0x3  }
0x157: {  	v6 =	vmul.f32 v6, v1  }
0x158: {  	v4 =	vmul.f32 v4, v1;
	v7 =	vpop (erf)  }
0x159: {  	v6 =	vadd.f32 v6, v3;
	(xrf2) =	vadd.scan.msk.f32 $0xffff, v7  }
0x15a: {  	v4 =	vadd.f32 v4, v3  }
0x15b: {  	v7 =	vpop (erf);
	v6 =	vmul.f32 $1.442695020e+00, v6  }
0x15c: {  	s10 =	simm.s32 $0x50;
	(xrf2) =	vadd.scan.msk.f32 $0xffff, v7;
	v7 =	vpop (erf);
	v4 =	vmul.f32 $1.442695020e+00, v4  }
0x15d: {  	s30 =	simm.s32 $0x60;
	v8 =	vld.idx.msk [tilespmem:v5+s10+$0x0 ss:$0x1], $0xffff;
	(erf) = vpow2.f32 v6;
	(xrf2) =	vadd.scan.msk.f32 $0xffff, v7  }
0x15e: {  	(erf) = vpow2.f32 v4;
	v4 =	vld.idx.msk [tilespmem:v5+s30+$0x0 ss:$0x1], $0xffff;
	_ =	sdelay $0x4  }
0x15f: {  	s22 =	simm.s32 @!p1 $0x0;
	v6 =	vmul.f32 v8, v1;
	v8 =	vmul.f32 v4, v1;
	v9, _, _ =	vpop (xrf2)  }
0x160: {  	s21 =	sadd.f32 s22, s21;
	(v2sf) =	vpush v9, $0xF  }
0x161: {  	s28 =	simm.s32 @!p3 $0x0  }
0x162: {  	s21 =	sadd.f32 s28, s21;
	v7, _, _ =	vpop (xrf2)  }
0x163: {  	s23 =	simm.s32 @!p2 $0x0;
	v12 =	vadd.f32 v8, v3;
	v8, _, _ =	vpop (xrf2);
	(v2sf) =	vpush v7, $0xF  }
0x164: {  	s21 =	sadd.f32 s23, s21;
	(v2sf) =	vpush v8, $0xF  }
0x165: {  	s24 =	simm.s32 @!p6 $0x0;
	v6 =	vadd.f32 v6, v3  }
0x166: {  	s21 =	sadd.f32 s24, s21;
	v10 =	vpop (erf)  }
0x167: {  	s26 =	simm.s32 @!p5 $0x0;
	v11 =	vmul.f32 $1.442695020e+00, v6;
	(xrf2) =	vadd.scan.msk.f32 $0xffff, v10  }
0x168: {  	s21 =	sadd.f32 s26, s21;
	v13 =	vpop (erf)  }
0x169: {  	s25 =	simm.s32 @!p4 $0x0;
	s31 =	simm.s32 $0x70;
	(erf) = vpow2.f32 v11;
	(xrf2) =	vadd.scan.msk.f32 $0xffff, v13  }
0x16a: {  	s21 =	sadd.f32 s25, s21;
	v10 =	vld.idx.msk [tilespmem:v5+s31+$0x0 ss:$0x1], $0xffff;
	_ =	sdelay $0x1  }
0x16b: {  	v9 =	vadd.f32 s21, v9  }
0x16c: {  	v6 =	vimm.s32 $0x0;
	v4 =	vmov s20;
	s20 =	simm.s32 $0x200;
	v11 =	vmul.f32 $1.442695020e+00, v12  }
.LBB2_17:
0x16d: {  	s22 =	sshra.s32 s20, $0x2;
	p1 =	sne.s32 s20, $0x1F00;
	s20 =	sadd.s32 $0x40, s20;
	vm8 =	vlt.f32 v9, v4  }
.Ltmp13:
0x16e: {  	v9 =	vmul.f32 v10, v1;
	v10 =	vld.idx.msk [tilespmem:v5+s22+$0x0 ss:$0x1], $0xffff;
	(erf) = vpow2.f32 v11;
	s22 =	spop (v2sf);
	(pc) =	sbr.rel @p1 .LBB2_17-.Ltmp13, $4  }
0x16f: {  	v11 =	vmpcnt.ones.xlane vm8;
	s21 =	sadd.f32 s22, s21  }
0x170: {  	v12 =	vadd.f32 v9, v3;
	v13, _, _ =	vpop (xrf2)  }
0x171: {  	v6 =	vadd.s32 v6, v11;
	v14 =	vpop (erf);
	(v2sf) =	vpush v13, $0xF;
	v9 =	vadd.f32 s21, v7  }
0x172: {  	v11 =	vmul.f32 $1.442695020e+00, v12;
	v7 =	vmovc v8;
	v8 =	vmov v13;
	(xrf2) =	vadd.scan.msk.f32 $0xffff, v14  }
0x173: {  	_ = 	snop  }
0x174: {  	(erf) = vpow2.f32 v11;
	_ =	sdelay $0x6  }
0x175: {  	v5 =	vpop (erf)  }
0x176: {  	(xrf2) =	vadd.scan.msk.f32 $0xffff, v5  }
0x177: {  	v52 =	vpop (erf)  }
0x178: {  	v53 =	vmul.f32 v10, v1;
	(xrf2) =	vadd.scan.msk.f32 $0xffff, v52;
	_ =	sdelay $0x1  }
0x179: {  	v3 =	vadd.f32 v53, v3;
	_ =	sdelay $0x1  }
0x17a: {  	v54, _, _ =	vpop (xrf2);
	v3 =	vmul.f32 $1.442695020e+00, v3  }
0x17b: {  	(v2sf) =	vpush v54, $0xF  }
0x17c: {  	v55, _, _ =	vpop (xrf2)  }
0x17d: {  	(v2sf) =	vpush v55, $0xF  }
0x17e: {  	(erf) = vpow2.f32 v3;
	v3, _, _ =	vpop (xrf2)  }
0x17f: {  	(v2sf) =	vpush v3, $0xF  }
0x180: {  	v56, _, _ =	vpop (xrf2)  }
0x181: {  	(v2sf) =	vpush v56, $0xF;
	_ =	sdelay $0x2  }
0x182: {  	s20 =	spop (v2sf)  }
0x183: {  	s20 =	sadd.f32 s20, s21  }
0x184: {  	s24 =	spop (v2sf)  }
0x185: {  	s21 =	sadd.f32 s24, s20;
	v12 =	vpop (erf)  }
0x186: {  	s22 =	spop (v2sf);
	(xrf2) =	vadd.scan.msk.f32 $0xffff, v12  }
0x187: {  	s22 =	sadd.f32 s22, s21  }
0x188: {  	s23 =	spop (v2sf)  }
0x189: {  	v7 =	vadd.f32 s20, v7;
	s25 =	sadd.f32 s23, s22  }
0x18a: {  	vm8 =	vlt.f32 v9, v4;
	v8 =	vadd.f32 s21, v8;
	s26 =	spop (v2sf)  }
0x18b: {  	v9 =	vmpcnt.ones.xlane vm8;
	vm8 =	vlt.f32 v7, v4;
	s21 =	sadd.f32 s26, s25  }
0x18c: {  	v7 =	vmpcnt.ones.xlane vm8;
	vm8 =	vlt.f32 v8, v4;
	s28 =	spop (v2sf)  }
0x18d: {  	v6 =	vadd.s32 v6, v9;
	v58 =	vmpcnt.ones.xlane vm8;
	v57 =	vadd.f32 s22, v54;
	s29 =	sadd.f32 s28, s21  }
0x18e: {  	v6 =	vadd.s32 v6, v7;
	v5 =	vadd.f32 s25, v55;
	s30 =	spop (v2sf)  }
0x18f: {  	v6 =	vadd.s32 v6, v58;
	vm8 =	vlt.f32 v57, v4;
	v3 =	vadd.f32 s21, v3;
	s20 =	sadd.f32 s30, s29  }
0x190: {  	v59 =	vmpcnt.ones.xlane vm8;
	vm8 =	vlt.f32 v5, v4;
	v60, _, _ =	vpop (xrf2);
	v61 =	vadd.f32 s29, v56  }
0x191: {  	v62 =	vmpcnt.ones.xlane vm8;
	vm8 =	vlt.f32 v3, v4;
	v3 =	vadd.f32 s20, v60  }
0x192: {  	v6 =	vadd.s32 v6, v59;
	v63 =	vmpcnt.ones.xlane vm8;
	vm8 =	vlt.f32 v61, v4  }
0x193: {  	v6 =	vadd.s32 v6, v62;
	v8 =	vmpcnt.ones.xlane vm8;
	vm8 =	vlt.f32 v3, v4  }
0x194: {  	v3 =	vadd.s32 v6, v63;
	v4 =	vmpcnt.ones.xlane vm8  }
0x195: {  	v3 =	vadd.s32 v3, v8  }
0x196: {  	v3 =	vadd.s32 v3, v4  }
0x197: {  	v3 =	vxor.u32 $0x80000000, v3  }
0x198: {  	(xrf0) =	vmax.scan.msk.u32 $0xffff, v3;
	_ =	sdelay $0x5  }
0x199: {  	(v2sf) =	vpush v60, $0xF;
	v3, _, _ =	vpop (xrf0)  }
0x19a: {  	(v2sf) =	vpush v3, $0xF;
	_ =	sdelay $0xd  }
0x19b: {  	s19 =	smul.u32 $0x7D0, s19;
	s31 =	spop (v2sf)  }
0x19c: {  	s0 =	sld [smem:$0x7FD];
	s20 =	spop (v2sf)  }
0x19d: {  	s19 =	sadd.s32 s20, s19  }
0x19e: {  	p0 =	sgt.s32 s18, $0x31;
	s18 =	sadd.s32 $0x80000000, s19  }
0x19f: {  	s18 =	simm.s32 @p0 $0x186A0;
	p0 =	seq.s32 s0, $0x1  }
.LBB2_19:
0x1a0: {  	s21 =	simm.s32 $0x0  }
0x1a1: {  	[tilespmem:s21], [sflag:$0x1] =	stream.strided.gather [hbm4b:s5+s12], $0x18700, s13, s12, $0x38;
	[tilespmem:$0x18B80] =	vst v63  }
0x1a2: {  	v3 =	vsel vm5, $0x0, v2;
	_ =	swait.ge [sflag:s11], $0x18700  }
0x1a3: {  	(xrf2) =	vadd.scan.msk.f32 $0xffff, v3;
	_ =	sdelay $0x9  }
0x1a4: {  	v3, _, _ =	vpop (xrf2)  }
0x1a5: {  	(v2sf) =	vpush v3, $0xF;
	_ =	sdelay $0xa  }
.Ltmp14:
0x1a6: {  	_ = 	snop;
	(pc) =	sbr.rel @!p0 .LBB2_20-.Ltmp14, $3  }
0x1a7: {  	_ =	sdelay $0x1  }
0x1a8: {  	[sflag:s11] =	ssyncset.done $0x0  }
0x1a9: {  	[sflag:s11] =	ssyncadd.s32 $0xFFFE7900;
	v3 =	vimm.f32 $-Inf;
	s19 =	spop (v2sf)  }
0x1aa: {  	s19 =	simm.s32 $0x20  }
0x1ab: {  	v4 =	vld [tilespmem:s19+$0xFFFFFFE0];
	_ =	sdelay $0x2  }
0x1ac: {  	v5 =	vld [tilespmem:s19+$0xFFFFFFF0];
	_ =	sdelay $0x1  }
0x1ad: {  	s20 =	simm.s32 $0x0;
	v6 =	vld [tilespmem:s19+$0x0];
	vm8 =	vgt.f32 v4, v3  }
0x1ae: {  	v7 =	vor.u32 s20, v0;
	v4 =	vsel vm8, v4, v3;
	v3 =	vimm.s32 $0x0  }
0x1af: {  	v7 =	vsel vm8, v7, v3;
	v3 =	vld [tilespmem:s19+$0x10]  }
0x1b0: {  	s31 =	simm.s32 $0x10;
	vm9 =	vgt.f32 v5, v4  }
0x1b1: {  	s21 =	simm.s32 $0x20;
	v8 =	vor.u32 s31, v0;
	v9 =	vsel vm9, v5, v4;
	v4 =	vld [tilespmem:s19+$0x20]  }
0x1b2: {  	s22 =	simm.s32 $0xE0;
	v10 =	vor.u32 s21, v0;
	s21 =	simm.s32 $0x70;
	v8 =	vsel vm9, v8, v7;
	vm8 =	vgt.f32 v6, v9  }
0x1b3: {  	s23 =	simm.s32 $0x30;
	s20 =	simm.s32 $0x40;
	s19 =	simm.s32 $0x90;
	v5 =	vld [tilespmem:s21+$0xFFFFFFE0];
	v7 =	vsel vm8, v6, v9;
	v6 =	vsel vm8, v10, v8  }
.LBB2_27:
0x1b4: {  	p1 =	sne.s32 s22, $0x18690;
	vm8 =	vgt.f32 v3, v7;
	v8 =	vor.u32 s23, v0  }
0x1b5: {  	v9 =	vld [tilespmem:s21+$0xFFFFFFF0];
	v3 =	vsel vm8, v3, v7;
	v6 =	vsel vm8, v8, v6  }
0x1b6: {  	v7 =	vor.u32 s20, v0;
	s20 =	smov.u32 s19;
	s19 =	smov.u32 s22;
	vm8 =	vgt.f32 v4, v3  }
0x1b7: {  	s23 =	sadd.s32 $0xFFFFFFC0, s20;
	v8 =	vld [tilespmem:s21+$0x0];
	v3 =	vsel vm8, v4, v3;
	v4 =	vsel vm8, v7, v6  }
0x1b8: {  	v6 =	vor.u32 s23, v0;
	vm8 =	vgt.f32 v5, v3  }
.Ltmp15:
0x1b9: {  	s23 =	sadd.s32 $0xFFFFFFD0, s20;
	v5 =	vsel vm8, v5, v3;
	v4 =	vsel vm8, v6, v4;
	v3 =	vld [tilespmem:s21+$0x10];
	(pc) =	sbr.rel @p1 .LBB2_27-.Ltmp15, $4  }
0x1ba: {  	v6 =	vor.u32 s23, v0;
	vm8 =	vgt.f32 v9, v5  }
0x1bb: {  	s23 =	sadd.s32 $0xFFFFFFE0, s20;
	v7 =	vsel vm8, v9, v5;
	v6 =	vsel vm8, v6, v4;
	v4 =	vld [tilespmem:s21+$0x20]  }
0x1bc: {  	v9 =	vor.u32 s23, v0;
	s21 =	sadd.s32 $0x50, s21;
	vm8 =	vgt.f32 v8, v7  }
0x1bd: {  	s22 =	sadd.s32 $0x50, s22;
	s23 =	sadd.s32 $0xFFFFFFF0, s20;
	v5 =	vld [tilespmem:s21+$0xFFFFFFE0];
	v7 =	vsel vm8, v8, v7;
	v6 =	vsel vm8, v9, v6  }
0x1be: {  	vm8 =	vgt.f32 v3, v7  }
0x1bf: {  	v8 =	vld [tilespmem:s21+$0xFFFFFFF0];
	v3 =	vsel vm8, v3, v7  }
0x1c0: {  	vm9 =	vgt.f32 v4, v3  }
0x1c1: {  	v53 =	vld [tilespmem:s21+$0x0];
	v3 =	vsel vm9, v4, v3  }
0x1c2: {  	vm10 =	vgt.f32 v5, v3  }
0x1c3: {  	v54 =	vld [tilespmem:s21+$0x10];
	v3 =	vsel vm10, v5, v3  }
0x1c4: {  	vm11 =	vgt.f32 v8, v3  }
0x1c5: {  	v55 =	vld [tilespmem:s21+$0x20];
	v3 =	vsel vm11, v8, v3  }
0x1c6: {  	vm12 =	vgt.f32 v53, v3  }
0x1c7: {  	v3 =	vsel vm12, v53, v3  }
0x1c8: {  	vm13 =	vgt.f32 v54, v3  }
0x1c9: {  	v3 =	vsel vm13, v54, v3  }
0x1ca: {  	vm14 =	vgt.f32 v55, v3  }
0x1cb: {  	v3 =	vsel vm14, v55, v3  }
0x1cc: {  	(xrf0) =	vmax.scan.msk.f32 $0xffff, v3  }
0x1cd: {  	v56 =	vor.u32 s23, v0  }
0x1ce: {  	v57 =	vor.u32 s20, v0;
	s26 =	sadd.s32 $0xFFFFFFC0, s19;
	v4 =	vsel vm8, v56, v6  }
0x1cf: {  	s28 =	sadd.s32 $0xFFFFFFD0, s19;
	v58 =	vor.u32 s26, v0;
	v4 =	vsel vm9, v57, v4  }
0x1d0: {  	s29 =	sadd.s32 $0xFFFFFFE0, s19;
	v59 =	vor.u32 s28, v0;
	v4 =	vsel vm10, v58, v4  }
0x1d1: {  	s30 =	sadd.s32 $0xFFFFFFF0, s19;
	v60 =	vor.u32 s29, v0;
	v4 =	vsel vm11, v59, v4  }
0x1d2: {  	v61 =	vor.u32 s30, v0;
	v4 =	vsel vm12, v60, v4;
	v62, _, _ =	vpop (xrf0)  }
0x1d3: {  	v63 =	vor.u32 s19, v0;
	v4 =	vsel vm13, v61, v4;
	v6 =	vbroadcast v62, $0xF  }
0x1d4: {  	v4 =	vsel vm14, v63, v4  }
0x1d5: {  	vm8 =	veq.f32 v3, v6;
	v3 =	vxor.u32 $0x80000000, v4  }
0x1d6: {  	v3 =	vnsel vm8, $0x800186A0, v3  }
0x1d7: {  	(xrf0) =	vmin.scan.msk.u32 $0xffff, v3;
	_ =	sdelay $0x5  }
0x1d8: {  	v3, _, _ =	vpop (xrf0)  }
0x1d9: {  	(v2sf) =	vpush v3, $0xF;
	_ =	sdelay $0xb  }
.Ltmp16:
0x1da: {  	_ = 	snop;
	(pc) =	sbr.rel .LBB2_37-.Ltmp16, $3  }
0x1db: {  	_ =	sdelay $0x1  }
0x1dc: {  	s31 =	spop (v2sf)  }
0x1dd: {  	s19 =	sxor.u32 $0x80000000, s31  }
.LBB2_20:
0x1de: {  	s20 =	simm.s32 $0x50  }
0x1df: {  	v20 =	vld [tilespmem:s20+$0xFFFFFFB0]  }
0x1e0: {  	v7 =	vld [tilespmem:s20+$0x0]  }
0x1e1: {  	v6 =	vld [tilespmem:s20+$0x10]  }
0x1e2: {  	v4 =	vld [tilespmem:s20+$0x20]  }
0x1e3: {  	v21 =	vld [tilespmem:s20+$0xFFFFFFC0]  }
0x1e4: {  	v8 =	vimm.f32 $+Inf;
	v18 =	vld [tilespmem:s20+$0xFFFFFFD0]  }
0x1e5: {  	s21 =	sand.u32 $0x3FFE0, s21;
	v17 =	vimm.f32 $+Inf;
	v14 =	vimm.f32 $-Inf;
	v15 =	vimm.f32 $+Inf;
	v10 =	vld [tilespmem:s20+$0xFFFFFFE0]  }
0x1e6: {  	v16 =	vimm.f32 $-Inf;
	v11 =	vimm.f32 $+Inf;
	v9 =	vld [tilespmem:s21+$0x80];
	v5 =	vmax.f32 v3, v20  }
0x1e7: {  	v12 =	vimm.f32 $-Inf;
	v13 =	vimm.f32 $+Inf;
	v19 =	vld [tilespmem:s20+$0xFFFFFFF0];
	s21 =	simm.s32 $0xA0;
	v5 =	vmax.f32 v5, v7  }
.LBB2_21:
0x1e8: {  	p1 =	sne.s32 s21, $0x18600;
	v8 =	vmin.f32 v8, v20;
	v3 =	vmax.f32 v3, v21;
	v17 =	vmin.f32 v17, v21;
	v22 =	vld [tilespmem:s20+$0x40];
	s20 =	sadd.s32 $0xA0, s20  }
0x1e9: {  	v8 =	vmin.f32 v8, v7;
	v7 =	vld [tilespmem:s20+$0x0];
	v3 =	vmax.f32 v3, v6;
	v17 =	vmin.f32 v17, v6  }
0x1ea: {  	v14 =	vmax.f32 v14, v18;
	v15 =	vmin.f32 v15, v18;
	v6 =	vld [tilespmem:s20+$0x10];
	v16 =	vmax.f32 v16, v10  }
0x1eb: {  	v14 =	vmax.f32 v14, v4;
	v15 =	vmin.f32 v15, v4;
	v20 =	vld [tilespmem:s20+$0xFFFFFFB0];
	v16 =	vmax.f32 v16, v9  }
0x1ec: {  	v10 =	vmin.f32 v11, v10;
	v4 =	vld [tilespmem:s20+$0x20];
	v12 =	vmax.f32 v12, v19;
	v13 =	vmin.f32 v13, v19  }
.Ltmp17:
0x1ed: {  	v11 =	vmin.f32 v10, v9;
	v21 =	vld [tilespmem:s20+$0xFFFFFFC0];
	v12 =	vmax.f32 v12, v22;
	v13 =	vmin.f32 v13, v22;
	(pc) =	sbr.rel @p1 .LBB2_21-.Ltmp17, $4  }
0x1ee: {  	v18 =	vld [tilespmem:s20+$0xFFFFFFD0]  }
0x1ef: {  	s22 =	sand.u32 $0x3FFE0, s21;
	v10 =	vld [tilespmem:s20+$0xFFFFFFE0]  }
0x1f0: {  	v5 =	vmax.f32 v5, v20;
	v9 =	vld [tilespmem:s22+$0x80]  }
0x1f1: {  	s21 =	sadd.s32 $0xA0, s21;
	v19 =	vld [tilespmem:s20+$0xFFFFFFF0];
	v5 =	vmax.f32 v5, v7  }
0x1f2: {  	v8 =	vmin.f32 v8, v20  }
0x1f3: {  	v3 =	vmax.f32 v3, v21;
	v17 =	vmin.f32 v17, v21;
	v7 =	vmin.f32 v8, v7  }
0x1f4: {  	v59 =	vld [tilespmem:s20+$0x40];
	v3 =	vmax.f32 v3, v6;
	v6 =	vmin.f32 v17, v6;
	v14 =	vmax.f32 v14, v18  }
0x1f5: {  	v15 =	vmin.f32 v15, v18;
	v16 =	vmax.f32 v16, v10;
	v14 =	vmax.f32 v14, v4  }
0x1f6: {  	v4 =	vmin.f32 v15, v4;
	v61 =	vmin.f32 v11, v10;
	v3 =	vmax.f32 v5, v3  }
0x1f7: {  	v6 =	vmin.f32 v7, v6;
	v60 =	vmax.f32 v16, v9;
	v5 =	vmin.f32 v61, v9  }
0x1f8: {  	v3 =	vmax.f32 v3, v14;
	v4 =	vmin.f32 v6, v4;
	v62 =	vmax.f32 v12, v19  }
0x1f9: {  	v63 =	vmin.f32 v13, v19;
	v3 =	vmax.f32 v3, v60;
	v7 =	vmax.f32 v62, v59  }
0x1fa: {  	v4 =	vmin.f32 v4, v5;
	v6 =	vmin.f32 v63, v59;
	v3 =	vmax.f32 v3, v7  }
0x1fb: {  	v4 =	vmin.f32 v4, v6;
	(xrf0) =	vmax.scan.msk.f32 $0xffff, v3  }
0x1fc: {  	(xrf0) =	vmin.scan.msk.f32 $0xffff, v4;
	_ =	sdelay $0x4  }
0x1fd: {  	v3, _, _ =	vpop (xrf0)  }
0x1fe: {  	(v2sf) =	vpush v3, $0xF;
	v3, _, _ =	vpop (xrf0)  }
0x1ff: {  	(v2sf) =	vpush v3, $0xF;
	_ =	sdelay $0xd  }
0x200: {  	s31 =	spop (v2sf)  }
0x201: {  	s20 =	smul.f32 s31, s16;
	s21 =	spop (v2sf)  }
0x202: {  	p0 =	sgt.f32 s17, $5.000000000e-01;
	s21 =	smul.f32 s21, s16  }
.Ltmp18:
0x203: {  	_ = 	snop;
	(pc) =	sbr.rel @!p0 .LBB2_29-.Ltmp18, $3  }
0x204: {  	s20 =	smax.f32 s20, s21  }
0x205: {  	s20 =	ssub.f32 $0.0e+00, s20;
	_ =	sdelay $0x1  }
0x206: {  	v5 =	vimm.f32 $0.0e+00;
	v4 =	vimm.f32 $0.0e+00;
	s21 =	simm.s32 $0x20;
	v3 =	vmov s20;
	s20 =	simm.s32 $0x0  }
.LBB2_23:
0x207: {  	v6 =	vmov s21;
	_ =	sdelay $0x3  }
0x208: {  	s22 =	simm.s32 $0x0  }
0x209: {  	v7 =	vld.idx.msk [tilespmem:v6+s22+$0x20 ss:$0x1], $0xffff;
	_ =	sdelay $0x1  }
0x20a: {  	v8 =	vld.idx.msk [tilespmem:v6+s22+$0xFFFFFFE0 ss:$0x1], $0xffff  }
0x20b: {  	v9 =	vld.idx.msk [tilespmem:v6+s22+$0xFFFFFFF0 ss:$0x1], $0xffff  }
0x20c: {  	v10 =	vld.idx.msk [tilespmem:v6+s22+$0x0 ss:$0x1], $0xffff  }
0x20d: {  	s30 =	simm.s32 $0x50;
	v11 =	vld.idx.msk [tilespmem:v6+s22+$0x10 ss:$0x1], $0xffff;
	v7 =	vadd.f32 v7, v3  }
0x20e: {  	v12 =	vld.idx.msk [tilespmem:v6+s30+$0x20 ss:$0x1], $0xffff  }
0x20f: {  	v13 =	vld.idx.msk [tilespmem:v6+s30+$0xFFFFFFE0 ss:$0x1], $0xffff;
	v8 =	vadd.f32 v8, v3;
	v7 =	vmul.f32 $1.442695020e+00, v7  }
0x210: {  	v14 =	vld.idx.msk [tilespmem:v6+s30+$0xFFFFFFF0 ss:$0x1], $0xffff;
	v9 =	vadd.f32 v9, v3  }
0x211: {  	v8 =	vmul.f32 $1.442695020e+00, v8;
	(erf) = vpow2.f32 v7;
	v7 =	vadd.f32 v10, v3  }
0x212: {  	v11 =	vadd.f32 v11, v3;
	v9 =	vmul.f32 $1.442695020e+00, v9;
	v10 =	vld.idx.msk [tilespmem:v6+s30+$0x0 ss:$0x1], $0xffff  }
0x213: {  	(erf) = vpow2.f32 v8;
	v7 =	vmul.f32 $1.442695020e+00, v7  }
0x214: {  	v15 =	vld.idx.msk [tilespmem:v6+s30+$0x10 ss:$0x1], $0xffff;
	v11 =	vmul.f32 $1.442695020e+00, v11;
	v8 =	vadd.f32 v12, v3;
	(erf) = vpow2.f32 v9  }
0x215: {  	v12 =	vadd.f32 v13, v3;
	(erf) = vpow2.f32 v7;
	v7 =	vadd.f32 v14, v3  }
0x216: {  	s31 =	simm.s32 $0xA0;
	v8 =	vmul.f32 $1.442695020e+00, v8;
	(erf) = vpow2.f32 v11  }
0x217: {  	v9 =	vld.idx.msk [tilespmem:v6+s31+$0x20 ss:$0x1], $0xffff;
	v11 =	vmul.f32 $1.442695020e+00, v12;
	v10 =	vadd.f32 v10, v3;
	v7 =	vmul.f32 $1.442695020e+00, v7  }
0x218: {  	(erf) = vpow2.f32 v8  }
0x219: {  	v13 =	vadd.f32 v15, v3;
	v12 =	vld.idx.msk [tilespmem:v6+s31+$0xFFFFFFE0 ss:$0x1], $0xffff;
	v8 =	vmul.f32 $1.442695020e+00, v10;
	(erf) = vpow2.f32 v11  }
0x21a: {  	v16 =	vld.idx.msk [tilespmem:v6+s31+$0xFFFFFFF0 ss:$0x1], $0xffff;
	(erf) = vpow2.f32 v7  }
0x21b: {  	v17 =	vmul.f32 $1.442695020e+00, v13;
	v14 =	vld.idx.msk [tilespmem:v6+s31+$0x0 ss:$0x1], $0xffff;
	v7 =	vpop (erf);
	(erf) = vpow2.f32 v8  }
0x21c: {  	v15 =	vld.idx.msk [tilespmem:v6+s31+$0x10 ss:$0x1], $0xffff;
	v18 =	vadd.f32 v9, v3;
	v10 =	vimm.f32 $0.0e+00;
	v11 =	vimm.f32 $0.0e+00  }
0x21d: {  	s23 =	simm.s32 $0x500;
	s22 =	simm.s32 $0xF0;
	v9 =	vimm.f32 $0.0e+00;
	v8 =	vimm.f32 $0.0e+00;
	v7 =	vadd.f32 v7, v5;
	v13 =	vpop (erf)  }
.LBB2_24:
0x21e: {  	p1 =	sne.s32 s23, $0x1E00;
	v19 =	vld.idx.msk [tilespmem:v6+s22+$0x20 ss:$0x1], $0xffff;
	v20 =	vadd.f32 v12, v3;
	(erf) = vpow2.f32 v17;
	v8 =	vadd.f32 v13, v8;
	v13 =	vpop (erf)  }
0x21f: {  	v17 =	vadd.f32 v16, v3;
	v12 =	vld.idx.msk [tilespmem:v6+s22+$0xFFFFFFE0 ss:$0x1], $0xffff;
	v18 =	vmul.f32 $1.442695020e+00, v18;
	v10 =	vadd.f32 v13, v10;
	v13 =	vpop (erf)  }
.Ltmp19:
0x220: {  	v21 =	vadd.f32 v14, v3;
	v16 =	vld.idx.msk [tilespmem:v6+s22+$0xFFFFFFF0 ss:$0x1], $0xffff;
	v20 =	vmul.f32 $1.442695020e+00, v20;
	v11 =	vadd.f32 v13, v11;
	v13 =	vpop (erf);
	(pc) =	sbr.rel @p1 .LBB2_24-.Ltmp19, $4  }
0x221: {  	v22 =	vmul.f32 $1.442695020e+00, v17;
	v17 =	vadd.f32 v15, v3;
	v14 =	vld.idx.msk [tilespmem:v6+s22+$0x0 ss:$0x1], $0xffff;
	(erf) = vpow2.f32 v18  }
0x222: {  	v21 =	vmul.f32 $1.442695020e+00, v21;
	v9 =	vadd.f32 v13, v9;
	v15 =	vld.idx.msk [tilespmem:v6+s22+$0x10 ss:$0x1], $0xffff;
	(erf) = vpow2.f32 v20  }
0x223: {  	v17 =	vmul.f32 $1.442695020e+00, v17;
	(erf) = vpow2.f32 v22;
	v13 =	vpop (erf)  }
0x224: {  	s22 =	sshra.s32 s23, $0x2;
	s23 =	sadd.s32 $0x140, s23;
	v18 =	vadd.f32 v19, v3;
	(erf) = vpow2.f32 v21;
	v7 =	vadd.f32 v13, v7;
	v13 =	vpop (erf)  }
0x225: {  	_ =	sdelay $0x3  }
0x226: {  	v19 =	vld.idx.msk [tilespmem:v6+s22+$0x20 ss:$0x1], $0xffff  }
0x227: {  	v12 =	vadd.f32 v12, v3;
	v20 =	vld.idx.msk [tilespmem:v6+s22+$0xFFFFFFE0 ss:$0x1], $0xffff  }
0x228: {  	v16 =	vadd.f32 v16, v3;
	v21 =	vld.idx.msk [tilespmem:v6+s22+$0xFFFFFFF0 ss:$0x1], $0xffff;
	v18 =	vmul.f32 $1.442695020e+00, v18  }
0x229: {  	(erf) = vpow2.f32 v17;
	v39 =	vld.idx.msk [tilespmem:v6+s22+$0x0 ss:$0x1], $0xffff;
	v14 =	vadd.f32 v14, v3;
	v12 =	vmul.f32 $1.442695020e+00, v12  }
0x22a: {  	v6 =	vld.idx.msk [tilespmem:v6+s22+$0x10 ss:$0x1], $0xffff;
	v16 =	vmul.f32 $1.442695020e+00, v16;
	v15 =	vadd.f32 v15, v3;
	(erf) = vpow2.f32 v18  }
0x22b: {  	v40 =	vpop (erf);
	v14 =	vmul.f32 $1.442695020e+00, v14;
	(erf) = vpow2.f32 v12  }
0x22c: {  	v42 =	vpop (erf);
	v15 =	vmul.f32 $1.442695020e+00, v15;
	v41 =	vadd.f32 v19, v3;
	(erf) = vpow2.f32 v16  }
0x22d: {  	v44 =	vpop (erf);
	v43 =	vadd.f32 v20, v3;
	v45 =	vadd.f32 v21, v3;
	(erf) = vpow2.f32 v14  }
0x22e: {  	v46 =	vpop (erf);
	v48 =	vadd.f32 v39, v3;
	v12 =	vmul.f32 $1.442695020e+00, v41;
	(erf) = vpow2.f32 v15  }
0x22f: {  	v6 =	vadd.f32 v6, v3;
	v47 =	vmul.f32 $1.442695020e+00, v43;
	v14 =	vmul.f32 $1.442695020e+00, v45  }
0x230: {  	v49 =	vpop (erf);
	v16 =	vmul.f32 $1.442695020e+00, v48;
	(erf) = vpow2.f32 v12  }
0x231: {  	v50 =	vpop (erf);
	v6 =	vmul.f32 $1.442695020e+00, v6;
	(erf) = vpow2.f32 v47  }
0x232: {  	v51 =	vpop (erf);
	(erf) = vpow2.f32 v14  }
0x233: {  	v52 =	vpop (erf);
	(erf) = vpow2.f32 v16  }
0x234: {  	v53 =	vpop (erf);
	(erf) = vpow2.f32 v6  }
0x235: {  	v6 =	vpop (erf)  }
0x236: {  	v8 =	vadd.f32 v13, v8;
	v54 =	vpop (erf)  }
0x237: {  	v10 =	vadd.f32 v40, v10;
	v11 =	vadd.f32 v42, v11;
	v55 =	vpop (erf)  }
0x238: {  	v9 =	vadd.f32 v44, v9;
	v7 =	vadd.f32 v46, v7;
	v56 =	vpop (erf)  }
0x239: {  	v8 =	vadd.f32 v49, v8;
	v10 =	vadd.f32 v50, v10;
	v57 =	vpop (erf)  }
0x23a: {  	v11 =	vadd.f32 v51, v11;
	v9 =	vadd.f32 v52, v9;
	v58 =	vpop (erf)  }
0x23b: {  	v6 =	vadd.f32 v6, v8;
	v59 =	vadd.f32 v54, v10;
	v60 =	vpop (erf)  }
0x23c: {  	v11 =	vadd.f32 v55, v11;
	v9 =	vadd.f32 v56, v9;
	v61 =	vpop (erf)  }
0x23d: {  	v6 =	vadd.f32 v58, v6;
	v8 =	vadd.f32 v60, v59;
	v62 =	vpop (erf)  }
0x23e: {  	v11 =	vadd.f32 v61, v11;
	v9 =	vadd.f32 v62, v9  }
0x23f: {  	v7 =	vadd.f32 v53, v7  }
0x240: {  	s31 =	sshll.u32 s20, $0x4;
	s20 =	sadd.s32 $0x1, s20;
	v6 =	vadd.f32 v8, v6;
	v63 =	vadd.f32 v9, v11  }
0x241: {  	p0 =	seq.s32 s20, $0x32  }
.Ltmp20:
0x242: {  	v7 =	vadd.f32 v57, v7;
	v6 =	vadd.f32 v63, v6;
	(pc) =	sbr.rel @!p0 .LBB2_23-.Ltmp20, $4  }
.Ltmp21:
0x243: {  	_ = 	snop;
	(pc) =	sbr.rel @p0 .LBB2_32-.Ltmp21, $4  }
0x244: {  	v6 =	vadd.f32 v6, v7  }
0x245: {  	s22 =	sand.u32 $0x3FFFFFF0, s31  }
0x246: {  	s21 =	sadd.s32 $0x7D0, s21;
	[tilespmem:s22+$0x18700] =	vst v6;
	v4 =	vadd.f32 v6, v4  }
0x247: {  	_ = 	snop  }
.LBB2_29:
0x248: {  	v6 =	vmov s21;
	_ =	sdelay $0x3  }
0x249: {  	s22 =	simm.s32 $0x0  }
0x24a: {  	v5 =	vld.idx.msk [tilespmem:v6+s22+$0x20 ss:$0x1], $0xffff  }
0x24b: {  	v7 =	vld.idx.msk [tilespmem:v6+s22+$0xFFFFFFE0 ss:$0x1], $0xffff  }
0x24c: {  	v8 =	vld.idx.msk [tilespmem:v6+s22+$0xFFFFFFF0 ss:$0x1], $0xffff  }
0x24d: {  	v9 =	vld.idx.msk [tilespmem:v6+s22+$0x0 ss:$0x1], $0xffff;
	_ =	sdelay $0x1  }
0x24e: {  	v10 =	vld.idx.msk [tilespmem:v6+s22+$0x10 ss:$0x1], $0xffff;
	v5 =	vmul.f32 v5, v1  }
0x24f: {  	v7 =	vmul.f32 v7, v1  }
0x250: {  	s31 =	simm.s32 $0x50;
	v8 =	vmul.f32 v8, v1;
	v5 =	vadd.f32 v5, v3  }
0x251: {  	v11 =	vld.idx.msk [tilespmem:v6+s31+$0x20 ss:$0x1], $0xffff;
	v9 =	vmul.f32 v9, v1;
	v7 =	vadd.f32 v7, v3  }
0x252: {  	v12 =	vld.idx.msk [tilespmem:v6+s31+$0xFFFFFFE0 ss:$0x1], $0xffff;
	v8 =	vadd.f32 v8, v3;
	v5 =	vmul.f32 $1.442695020e+00, v5  }
0x253: {  	v14 =	vld.idx.msk [tilespmem:v6+s31+$0xFFFFFFF0 ss:$0x1], $0xffff;
	v10 =	vmul.f32 v10, v1;
	v9 =	vadd.f32 v9, v3;
	v7 =	vmul.f32 $1.442695020e+00, v7  }
0x254: {  	v8 =	vmul.f32 $1.442695020e+00, v8;
	(erf) = vpow2.f32 v5  }
0x255: {  	v10 =	vadd.f32 v10, v3;
	v5 =	vmul.f32 $1.442695020e+00, v9;
	(erf) = vpow2.f32 v7  }
0x256: {  	(erf) = vpow2.f32 v8;
	v8 =	vmul.f32 v11, v1;
	v11 =	vld.idx.msk [tilespmem:v6+s31+$0x0 ss:$0x1], $0xffff  }
0x257: {  	v13 =	vmul.f32 v12, v1;
	v12 =	vld.idx.msk [tilespmem:v6+s31+$0x10 ss:$0x1], $0xffff;
	v7 =	vmul.f32 $1.442695020e+00, v10  }
0x258: {  	v15 =	vmul.f32 v14, v1;
	v9 =	vimm.f32 $0.0e+00;
	(erf) = vpow2.f32 v5  }
0x259: {  	v10 =	vimm.f32 $0.0e+00;
	v5 =	vimm.f32 $0.0e+00;
	(erf) = vpow2.f32 v7  }
0x25a: {  	s23 =	simm.s32 $0xA0;
	s22 =	simm.s32 $0x3C0;
	v14 =	vadd.f32 v8, v3;
	v7 =	vimm.f32 $0.0e+00;
	v8 =	vimm.f32 $0.0e+00  }
.LBB2_30:
0x25b: {  	p1 =	sne.s32 s22, $0x1E00;
	v16 =	vld.idx.msk [tilespmem:v6+s23+$0x20 ss:$0x1], $0xffff;
	v13 =	vadd.f32 v13, v3;
	v11 =	vmul.f32 v11, v1  }
0x25c: {  	v12 =	vmul.f32 v12, v1;
	v17 =	vld.idx.msk [tilespmem:v6+s23+$0xFFFFFFE0 ss:$0x1], $0xffff;
	v15 =	vadd.f32 v15, v3;
	v21 =	vmul.f32 $1.442695020e+00, v14  }
0x25d: {  	v18 =	vld.idx.msk [tilespmem:v6+s23+$0xFFFFFFF0 ss:$0x1], $0xffff;
	v22 =	vmul.f32 $1.442695020e+00, v13;
	v19 =	vadd.f32 v11, v3  }
0x25e: {  	v20 =	vadd.f32 v12, v3;
	v11 =	vld.idx.msk [tilespmem:v6+s23+$0x0 ss:$0x1], $0xffff;
	v23 =	vmul.f32 $1.442695020e+00, v15;
	(erf) = vpow2.f32 v21;
	v14 =	vpop (erf)  }
.Ltmp22:
0x25f: {  	v12 =	vld.idx.msk [tilespmem:v6+s23+$0x10 ss:$0x1], $0xffff;
	v19 =	vmul.f32 $1.442695020e+00, v19;
	(erf) = vpow2.f32 v22;
	v7 =	vadd.f32 v14, v7;
	v13 =	vpop (erf);
	(pc) =	sbr.rel @p1 .LBB2_30-.Ltmp22, $4  }
0x260: {  	v14 =	vmul.f32 $1.442695020e+00, v20;
	(erf) = vpow2.f32 v23;
	v5 =	vadd.f32 v13, v5;
	v13 =	vpop (erf)  }
0x261: {  	v16 =	vmul.f32 v16, v1;
	(erf) = vpow2.f32 v19;
	v10 =	vadd.f32 v13, v10;
	v15 =	vpop (erf)  }
0x262: {  	v13 =	vmul.f32 v17, v1;
	(erf) = vpow2.f32 v14;
	v8 =	vadd.f32 v15, v8;
	v17 =	vpop (erf)  }
0x263: {  	s23 =	sshra.s32 s22, $0x2;
	s22 =	sadd.s32 $0x140, s22;
	v15 =	vmul.f32 v18, v1;
	v14 =	vadd.f32 v16, v3;
	v9 =	vadd.f32 v17, v9  }
0x264: {  	_ =	sdelay $0x3  }
0x265: {  	v16 =	vld.idx.msk [tilespmem:v6+s23+$0x20 ss:$0x1], $0xffff  }
0x266: {  	v11 =	vmul.f32 v11, v1;
	v17 =	vld.idx.msk [tilespmem:v6+s23+$0xFFFFFFE0 ss:$0x1], $0xffff  }
0x267: {  	v13 =	vadd.f32 v13, v3;
	v12 =	vmul.f32 v12, v1;
	v18 =	vld.idx.msk [tilespmem:v6+s23+$0xFFFFFFF0 ss:$0x1], $0xffff;
	v15 =	vadd.f32 v15, v3  }
0x268: {  	v19 =	vld.idx.msk [tilespmem:v6+s23+$0x0 ss:$0x1], $0xffff;
	v14 =	vmul.f32 $1.442695020e+00, v14;
	v11 =	vadd.f32 v11, v3  }
0x269: {  	v6 =	vld.idx.msk [tilespmem:v6+s23+$0x10 ss:$0x1], $0xffff;
	v13 =	vmul.f32 $1.442695020e+00, v13;
	v12 =	vadd.f32 v12, v3;
	v15 =	vmul.f32 $1.442695020e+00, v15  }
0x26a: {  	(erf) = vpow2.f32 v14;
	v11 =	vmul.f32 $1.442695020e+00, v11  }
0x26b: {  	(erf) = vpow2.f32 v13;
	v12 =	vmul.f32 $1.442695020e+00, v12  }
0x26c: {  	v44 =	vmul.f32 v16, v1;
	v45 =	vmul.f32 v17, v1  }
0x26d: {  	(erf) = vpow2.f32 v15;
	v46 =	vmul.f32 v18, v1  }
0x26e: {  	v48 =	vmul.f32 v19, v1;
	v6 =	vmul.f32 v6, v1;
	v13 =	vadd.f32 v44, v3  }
0x26f: {  	(erf) = vpow2.f32 v11;
	v47 =	vadd.f32 v45, v3;
	v15 =	vadd.f32 v46, v3  }
0x270: {  	v49 =	vpop (erf);
	(erf) = vpow2.f32 v12;
	v50 =	vadd.f32 v48, v3;
	v13 =	vmul.f32 $1.442695020e+00, v13  }
0x271: {  	v6 =	vadd.f32 v6, v3;
	v11 =	vmul.f32 $1.442695020e+00, v47;
	v15 =	vmul.f32 $1.442695020e+00, v15  }
0x272: {  	v51 =	vpop (erf);
	v12 =	vmul.f32 $1.442695020e+00, v50;
	(erf) = vpow2.f32 v13  }
0x273: {  	v52 =	vpop (erf);
	v6 =	vmul.f32 $1.442695020e+00, v6;
	(erf) = vpow2.f32 v11  }
0x274: {  	v53 =	vpop (erf);
	(erf) = vpow2.f32 v15  }
0x275: {  	v54 =	vpop (erf);
	(erf) = vpow2.f32 v12  }
0x276: {  	v55 =	vpop (erf);
	(erf) = vpow2.f32 v6  }
0x277: {  	v6 =	vpop (erf)  }
0x278: {  	v56 =	vpop (erf)  }
0x279: {  	v57 =	vpop (erf)  }
0x27a: {  	v7 =	vadd.f32 v49, v7;
	v58 =	vpop (erf)  }
0x27b: {  	v5 =	vadd.f32 v51, v5;
	v10 =	vadd.f32 v52, v10;
	v59 =	vpop (erf)  }
0x27c: {  	v8 =	vadd.f32 v53, v8;
	v9 =	vadd.f32 v54, v9;
	v60 =	vpop (erf)  }
0x27d: {  	v5 =	vadd.f32 v6, v5;
	v6 =	vadd.f32 v56, v10;
	v61 =	vpop (erf)  }
0x27e: {  	v8 =	vadd.f32 v57, v8;
	v9 =	vadd.f32 v58, v9;
	v62 =	vpop (erf)  }
0x27f: {  	v5 =	vadd.f32 v60, v5;
	v6 =	vadd.f32 v61, v6;
	v63 =	vpop (erf)  }
0x280: {  	v8 =	vadd.f32 v62, v8;
	v9 =	vadd.f32 v63, v9  }
0x281: {  	v7 =	vadd.f32 v55, v7  }
0x282: {  	s22 =	sshll.u32 s20, $0x4;
	s20 =	sadd.s32 $0x1, s20;
	v5 =	vadd.f32 v6, v5;
	v6 =	vadd.f32 v9, v8  }
0x283: {  	p0 =	sne.s32 s20, $0x32  }
.Ltmp23:
0x284: {  	v7 =	vadd.f32 v59, v7;
	v5 =	vadd.f32 v6, v5;
	(pc) =	sbr.rel @p0 .LBB2_29-.Ltmp23, $4  }
0x285: {  	_ = 	snop  }
0x286: {  	v5 =	vadd.f32 v5, v7  }
0x287: {  	s22 =	sand.u32 $0x3FFFFFF0, s22  }
0x288: {  	s21 =	sadd.s32 $0x7D0, s21;
	[tilespmem:s22+$0x18700] =	vst v5;
	v4 =	vadd.f32 v5, v4  }
.LBB2_32:
0x289: {  	s20 =	simm.s32 $0x0  }
0x28a: {  	v5 =	vld [tilespmem:s20+$0x18700];
	_ =	sdelay $0x3  }
0x28b: {  	(xrf2) =	vadd.scan.msk.f32 $0xffff, v4  }
0x28c: {  	(xrf2) =	vadd.scan.msk.f32 $0xffff, v5;
	_ =	sdelay $0x7  }
0x28d: {  	s26 =	simm.s32 $0x10  }
0x28e: {  	v5 =	vld [tilespmem:s26+$0x18700];
	v4, _, _ =	vpop (xrf2)  }
0x28f: {  	s28 =	simm.s32 $0x20;
	(v2sf) =	vpush v4, $0xF;
	v4, _, _ =	vpop (xrf2)  }
0x290: {  	s29 =	simm.s32 $0x30;
	(v2sf) =	vpush v4, $0xF;
	v4 =	vld [tilespmem:s28+$0x18700]  }
0x291: {  	v6 =	vld [tilespmem:s29+$0x18700];
	_ =	sdelay $0x1  }
0x292: {  	(xrf2) =	vadd.scan.msk.f32 $0xffff, v5;
	_ =	sdelay $0x1  }
0x293: {  	(xrf2) =	vadd.scan.msk.f32 $0xffff, v4  }
0x294: {  	(xrf2) =	vadd.scan.msk.f32 $0xffff, v6;
	_ =	sdelay $0x6  }
0x295: {  	v5, _, _ =	vpop (xrf2)  }
0x296: {  	s31 =	spop (v2sf);
	(v2sf) =	vpush v5, $0xF  }
0x297: {  	s30 =	simm.s32 $0x40;
	v5, _, _ =	vpop (xrf2)  }
0x298: {  	v4 =	vld [tilespmem:s30+$0x18700];
	s23 =	spop (v2sf);
	(v2sf) =	vpush v5, $0xF;
	v5, _, _ =	vpop (xrf2)  }
0x299: {  	(v2sf) =	vpush v5, $0xF;
	_ =	sdelay $0x2  }
0x29a: {  	s24 =	simm.s32 $0x50  }
0x29b: {  	(xrf2) =	vadd.scan.msk.f32 $0xffff, v4;
	v4 =	vld [tilespmem:s24+$0x18700]  }
0x29c: {  	s22 =	simm.f32 $0.0e+00  }
0x29d: {  	s21 =	smul.f32 s31, s19;
	s20 =	sadd.f32 s23, s22  }
0x29e: {  	_ = 	snop  }
0x29f: {  	s24 =	simm.s32 $0x180;
	s19 =	simm.s32 $0x0;
	p1 =	slt.f32 s20, s21  }
.LBB2_33:
0x2a0: {  	s25 =	sshra.s32 s24, $0x2;
	p2 =	sne.s32 s24, $0xC40;
	s24 =	sadd.s32 $0x40, s24;
	(xrf2) =	vadd.scan.msk.f32 $0xffff, v4  }
0x2a1: {  	s26 =	smov.u32 s23;
	v4 =	vld [tilespmem:s25+$0x18700];
	s25 =	simm.s32 $0x1  }
.Ltmp24:
0x2a2: {  	s26 =	simm.s32 @!p1 $0x0;
	s25 =	simm.s32 @!p1 $0x0;
	(pc) =	sbr.rel @p2 .LBB2_33-.Ltmp24, $4  }
0x2a3: {  	s22 =	sadd.f32 s26, s22;
	s23 =	spop (v2sf);
	s19 =	sadd.s32 s25, s19  }
0x2a4: {  	s20 =	sadd.f32 s23, s20  }
0x2a5: {  	v5, _, _ =	vpop (xrf2)  }
0x2a6: {  	(v2sf) =	vpush v5, $0xF;
	p1 =	slt.f32 s20, s21  }
0x2a7: {  	(xrf2) =	vadd.scan.msk.f32 $0xffff, v4;
	_ =	sdelay $0x7  }
0x2a8: {  	v4, _, _ =	vpop (xrf2)  }
0x2a9: {  	(v2sf) =	vpush v4, $0xF  }
0x2aa: {  	v4, _, _ =	vpop (xrf2)  }
0x2ab: {  	(v2sf) =	vpush v4, $0xF;
	_ =	sdelay $0x6  }
0x2ac: {  	s29 =	spop (v2sf)  }
0x2ad: {  	s20 =	sadd.f32 s29, s20  }
0x2ae: {  	s24 =	spop (v2sf)  }
0x2af: {  	s28 =	sadd.f32 s24, s20  }
0x2b0: {  	s26 =	simm.s32 $0x1;
	s25 =	spop (v2sf)  }
0x2b1: {  	s30 =	simm.s32 $0x1;
	p3 =	slt.f32 s20, s21;
	s10 =	sadd.f32 s25, s28  }
0x2b2: {  	s26 =	simm.s32 @!p1 $0x0;
	p2 =	slt.f32 s28, s21;
	s28 =	spop (v2sf)  }
0x2b3: {  	s31 =	simm.s32 $0x1;
	s19 =	sadd.s32 s26, s19;
	s0 =	sadd.f32 s28, s10  }
0x2b4: {  	s20 =	simm.s32 $0x1;
	s30 =	simm.s32 @!p3 $0x0;
	s26 =	spop (v2sf)  }
0x2b5: {  	s19 =	sadd.s32 s30, s19;
	p6 =	slt.f32 s10, s21;
	s30 =	sadd.f32 s26, s0  }
0x2b6: {  	s31 =	simm.s32 @!p2 $0x0;
	p5 =	slt.f32 s0, s21;
	s0 =	simm.s32 $0x1  }
0x2b7: {  	s19 =	sadd.s32 s31, s19;
	s0 =	simm.s32 @!p6 $0x0;
	p4 =	slt.f32 s30, s21  }
0x2b8: {  	s20 =	simm.s32 @!p5 $0x0;
	s0 =	sadd.s32 s0, s19;
	s19 =	simm.s32 $0x1  }
0x2b9: {  	s0 =	sadd.s32 s20, s0;
	s19 =	simm.s32 @!p4 $0x0  }
0x2ba: {  	s19 =	sadd.s32 s19, s0  }
0x2bb: {  	p0 =	slt.s32 s19, $0x31;
	s20 =	smov.u32 s19  }
0x2bc: {  	s20 =	simm.s32 @!p0 $0x31  }
0x2bd: {  	s31 =	smul.u32 $0x1F40, s20;
	_ =	sdelay $0x1  }
0x2be: {  	s0 =	sshra.s32 s31, $0x2  }
0x2bf: {  	v5 =	vmov s0;
	_ =	sdelay $0x3  }
0x2c0: {  	s1 =	simm.s32 $0x0  }
0x2c1: {  	v4 =	vld.idx.msk [tilespmem:v5+s1+$0x0 ss:$0x1], $0xffff;
	_ =	sdelay $0x1  }
0x2c2: {  	s10 =	simm.s32 $0x10  }
0x2c3: {  	s30 =	simm.s32 $0x20;
	v6 =	vld.idx.msk [tilespmem:v5+s10+$0x0 ss:$0x1], $0xffff  }
0x2c4: {  	v7 =	vld.idx.msk [tilespmem:v5+s30+$0x0 ss:$0x1], $0xffff  }
0x2c5: {  	v4 =	vmul.f32 v4, v1;
	_ =	sdelay $0x1  }
0x2c6: {  	v4 =	vadd.f32 v4, v3  }
0x2c7: {  	v6 =	vmul.f32 v6, v1  }
0x2c8: {  	v7 =	vmul.f32 v7, v1;
	v4 =	vmul.f32 $1.442695020e+00, v4  }
0x2c9: {  	v6 =	vadd.f32 v6, v3  }
0x2ca: {  	v7 =	vadd.f32 v7, v3;
	(erf) = vpow2.f32 v4  }
0x2cb: {  	v6 =	vmul.f32 $1.442695020e+00, v6  }
0x2cc: {  	s31 =	simm.s32 $0x30;
	v4 =	vmul.f32 $1.442695020e+00, v7  }
0x2cd: {  	s1 =	simm.s32 $0x40;
	(erf) = vpow2.f32 v6;
	v6 =	vld.idx.msk [tilespmem:v5+s31+$0x0 ss:$0x1], $0xffff  }
0x2ce: {  	(erf) = vpow2.f32 v4;
	v4 =	vld.idx.msk [tilespmem:v5+s1+$0x0 ss:$0x1], $0xffff;
	_ =	sdelay $0x3  }
0x2cf: {  	v6 =	vmul.f32 v6, v1  }
0x2d0: {  	v4 =	vmul.f32 v4, v1;
	v7 =	vpop (erf)  }
0x2d1: {  	v6 =	vadd.f32 v6, v3;
	(xrf2) =	vadd.scan.msk.f32 $0xffff, v7  }
0x2d2: {  	v4 =	vadd.f32 v4, v3  }
0x2d3: {  	v7 =	vpop (erf);
	v6 =	vmul.f32 $1.442695020e+00, v6  }
0x2d4: {  	s10 =	simm.s32 $0x50;
	(xrf2) =	vadd.scan.msk.f32 $0xffff, v7;
	v7 =	vpop (erf);
	v4 =	vmul.f32 $1.442695020e+00, v4  }
0x2d5: {  	s30 =	simm.s32 $0x60;
	v8 =	vld.idx.msk [tilespmem:v5+s10+$0x0 ss:$0x1], $0xffff;
	(erf) = vpow2.f32 v6;
	(xrf2) =	vadd.scan.msk.f32 $0xffff, v7  }
0x2d6: {  	(erf) = vpow2.f32 v4;
	v4 =	vld.idx.msk [tilespmem:v5+s30+$0x0 ss:$0x1], $0xffff;
	_ =	sdelay $0x4  }
0x2d7: {  	s23 =	simm.s32 @!p1 $0x0;
	v6 =	vmul.f32 v8, v1;
	v8 =	vmul.f32 v4, v1;
	v9, _, _ =	vpop (xrf2)  }
0x2d8: {  	s22 =	sadd.f32 s23, s22;
	(v2sf) =	vpush v9, $0xF  }
0x2d9: {  	s29 =	simm.s32 @!p3 $0x0  }
0x2da: {  	s29 =	sadd.f32 s29, s22;
	v7, _, _ =	vpop (xrf2)  }
0x2db: {  	s24 =	simm.s32 @!p2 $0x0;
	v12 =	vadd.f32 v8, v3;
	v8, _, _ =	vpop (xrf2);
	(v2sf) =	vpush v7, $0xF  }
0x2dc: {  	s0 =	sadd.f32 s24, s29;
	(v2sf) =	vpush v8, $0xF  }
0x2dd: {  	s25 =	simm.s32 @!p6 $0x0;
	v6 =	vadd.f32 v6, v3  }
0x2de: {  	s0 =	sadd.f32 s25, s0;
	v10 =	vpop (erf)  }
0x2df: {  	s28 =	simm.s32 @!p5 $0x0;
	v11 =	vmul.f32 $1.442695020e+00, v6;
	(xrf2) =	vadd.scan.msk.f32 $0xffff, v10  }
0x2e0: {  	s0 =	sadd.f32 s28, s0;
	v13 =	vpop (erf)  }
0x2e1: {  	s26 =	simm.s32 @!p4 $0x0;
	s31 =	simm.s32 $0x70;
	(erf) = vpow2.f32 v11;
	(xrf2) =	vadd.scan.msk.f32 $0xffff, v13  }
0x2e2: {  	s22 =	sadd.f32 s26, s0;
	v10 =	vld.idx.msk [tilespmem:v5+s31+$0x0 ss:$0x1], $0xffff;
	_ =	sdelay $0x1  }
0x2e3: {  	v9 =	vadd.f32 s22, v9  }
0x2e4: {  	v6 =	vimm.s32 $0x0;
	v4 =	vmov s21;
	s21 =	simm.s32 $0x200;
	v11 =	vmul.f32 $1.442695020e+00, v12  }
.LBB2_35:
0x2e5: {  	s0 =	sshra.s32 s21, $0x2;
	p1 =	sne.s32 s21, $0x1F00;
	s21 =	sadd.s32 $0x40, s21;
	vm8 =	vlt.f32 v9, v4  }
.Ltmp25:
0x2e6: {  	v9 =	vmul.f32 v10, v1;
	v10 =	vld.idx.msk [tilespmem:v5+s0+$0x0 ss:$0x1], $0xffff;
	(erf) = vpow2.f32 v11;
	s0 =	spop (v2sf);
	(pc) =	sbr.rel @p1 .LBB2_35-.Ltmp25, $4  }
0x2e7: {  	v11 =	vmpcnt.ones.xlane vm8;
	s22 =	sadd.f32 s0, s22  }
0x2e8: {  	v12 =	vadd.f32 v9, v3;
	v13, _, _ =	vpop (xrf2)  }
0x2e9: {  	v6 =	vadd.s32 v6, v11;
	v14 =	vpop (erf);
	(v2sf) =	vpush v13, $0xF;
	v9 =	vadd.f32 s22, v7  }
0x2ea: {  	v11 =	vmul.f32 $1.442695020e+00, v12;
	v7 =	vmovc v8;
	v8 =	vmov v13;
	(xrf2) =	vadd.scan.msk.f32 $0xffff, v14  }
0x2eb: {  	_ = 	snop  }
0x2ec: {  	(erf) = vpow2.f32 v11;
	_ =	sdelay $0x6  }
0x2ed: {  	v5 =	vpop (erf)  }
0x2ee: {  	(xrf2) =	vadd.scan.msk.f32 $0xffff, v5  }
0x2ef: {  	v52 =	vpop (erf)  }
0x2f0: {  	v53 =	vmul.f32 v10, v1;
	(xrf2) =	vadd.scan.msk.f32 $0xffff, v52;
	_ =	sdelay $0x1  }
0x2f1: {  	v3 =	vadd.f32 v53, v3;
	_ =	sdelay $0x1  }
0x2f2: {  	v54, _, _ =	vpop (xrf2);
	v3 =	vmul.f32 $1.442695020e+00, v3  }
0x2f3: {  	(v2sf) =	vpush v54, $0xF  }
0x2f4: {  	v55, _, _ =	vpop (xrf2)  }
0x2f5: {  	(v2sf) =	vpush v55, $0xF  }
0x2f6: {  	(erf) = vpow2.f32 v3;
	v3, _, _ =	vpop (xrf2)  }
0x2f7: {  	(v2sf) =	vpush v3, $0xF  }
0x2f8: {  	v56, _, _ =	vpop (xrf2)  }
0x2f9: {  	(v2sf) =	vpush v56, $0xF;
	_ =	sdelay $0x2  }
0x2fa: {  	s0 =	spop (v2sf)  }
0x2fb: {  	s0 =	sadd.f32 s0, s22  }
0x2fc: {  	s21 =	spop (v2sf)  }
0x2fd: {  	s21 =	sadd.f32 s21, s0;
	v12 =	vpop (erf)  }
0x2fe: {  	s1 =	spop (v2sf);
	(xrf2) =	vadd.scan.msk.f32 $0xffff, v12  }
0x2ff: {  	s22 =	sadd.f32 s1, s21  }
0x300: {  	s23 =	spop (v2sf)  }
0x301: {  	v7 =	vadd.f32 s0, v7;
	s10 =	sadd.f32 s23, s22  }
0x302: {  	vm8 =	vlt.f32 v9, v4;
	v8 =	vadd.f32 s21, v8;
	s24 =	spop (v2sf)  }
0x303: {  	v9 =	vmpcnt.ones.xlane vm8;
	vm8 =	vlt.f32 v7, v4;
	s21 =	sadd.f32 s24, s10  }
0x304: {  	v7 =	vmpcnt.ones.xlane vm8;
	vm8 =	vlt.f32 v8, v4;
	s25 =	spop (v2sf)  }
0x305: {  	v6 =	vadd.s32 v6, v9;
	v58 =	vmpcnt.ones.xlane vm8;
	v57 =	vadd.f32 s22, v54;
	s26 =	sadd.f32 s25, s21  }
0x306: {  	v6 =	vadd.s32 v6, v7;
	v5 =	vadd.f32 s10, v55;
	s28 =	spop (v2sf)  }
0x307: {  	v6 =	vadd.s32 v6, v58;
	vm8 =	vlt.f32 v57, v4;
	v3 =	vadd.f32 s21, v3;
	s0 =	sadd.f32 s28, s26  }
0x308: {  	v59 =	vmpcnt.ones.xlane vm8;
	vm8 =	vlt.f32 v5, v4;
	v60, _, _ =	vpop (xrf2);
	v61 =	vadd.f32 s26, v56  }
0x309: {  	v62 =	vmpcnt.ones.xlane vm8;
	vm8 =	vlt.f32 v3, v4;
	v3 =	vadd.f32 s0, v60  }
0x30a: {  	v6 =	vadd.s32 v6, v59;
	v63 =	vmpcnt.ones.xlane vm8;
	vm8 =	vlt.f32 v61, v4  }
0x30b: {  	v6 =	vadd.s32 v6, v62;
	v8 =	vmpcnt.ones.xlane vm8;
	vm8 =	vlt.f32 v3, v4  }
0x30c: {  	v3 =	vadd.s32 v6, v63;
	v4 =	vmpcnt.ones.xlane vm8  }
0x30d: {  	v3 =	vadd.s32 v3, v8  }
0x30e: {  	v3 =	vadd.s32 v3, v4  }
0x30f: {  	v3 =	vxor.u32 $0x80000000, v3  }
0x310: {  	(xrf0) =	vmax.scan.msk.u32 $0xffff, v3;
	_ =	sdelay $0x5  }
0x311: {  	(v2sf) =	vpush v60, $0xF;
	v3, _, _ =	vpop (xrf0)  }
0x312: {  	(v2sf) =	vpush v3, $0xF;
	_ =	sdelay $0xd  }
0x313: {  	s0 =	smul.u32 $0x7D0, s20;
	s29 =	spop (v2sf)  }
0x314: {  	s31 =	sld [smem:$0x7FD];
	s30 =	spop (v2sf)  }
0x315: {  	s0 =	sadd.s32 s30, s0  }
0x316: {  	p0 =	sgt.s32 s19, $0x31;
	s19 =	sadd.s32 $0x80000000, s0  }
0x317: {  	s19 =	simm.s32 @p0 $0x186A0;
	p0 =	seq.s32 s31, $0x1  }
.LBB2_37:
0x318: {  	s22 =	simm.s32 $0x0  }
0x319: {  	[tilespmem:s22], [sflag:$0x1] =	stream.strided.gather [hbm4b:s6+s12], $0x18700, s13, s12, $0x38;
	[tilespmem:$0x18B80] =	vst v63  }
0x31a: {  	v3 =	vsel vm6, $0x0, v2;
	_ =	swait.ge [sflag:s11], $0x18700  }
0x31b: {  	(xrf2) =	vadd.scan.msk.f32 $0xffff, v3;
	_ =	sdelay $0x9  }
0x31c: {  	v3, _, _ =	vpop (xrf2)  }
0x31d: {  	(v2sf) =	vpush v3, $0xF;
	_ =	sdelay $0xa  }
.Ltmp26:
0x31e: {  	_ = 	snop;
	(pc) =	sbr.rel @!p0 .LBB2_38-.Ltmp26, $3  }
0x31f: {  	_ =	sdelay $0x1  }
0x320: {  	[sflag:s11] =	ssyncset.done $0x0  }
0x321: {  	[sflag:s11] =	ssyncadd.s32 $0xFFFE7900;
	v3 =	vimm.f32 $-Inf;
	s20 =	spop (v2sf)  }
0x322: {  	s0 =	simm.s32 $0x20  }
0x323: {  	v4 =	vld [tilespmem:s0+$0xFFFFFFE0];
	_ =	sdelay $0x2  }
0x324: {  	v5 =	vld [tilespmem:s0+$0xFFFFFFF0];
	_ =	sdelay $0x1  }
0x325: {  	s20 =	simm.s32 $0x0;
	v6 =	vld [tilespmem:s0+$0x0];
	vm8 =	vgt.f32 v4, v3  }
0x326: {  	v7 =	vor.u32 s20, v0;
	v4 =	vsel vm8, v4, v3;
	v3 =	vimm.s32 $0x0  }
0x327: {  	v7 =	vsel vm8, v7, v3;
	v3 =	vld [tilespmem:s0+$0x10]  }
0x328: {  	s30 =	simm.s32 $0x10;
	vm9 =	vgt.f32 v5, v4  }
0x329: {  	s31 =	simm.s32 $0x20;
	v8 =	vor.u32 s30, v0;
	v9 =	vsel vm9, v5, v4;
	v4 =	vld [tilespmem:s0+$0x20]  }
0x32a: {  	s21 =	simm.s32 $0x40;
	s22 =	simm.s32 $0x70;
	v10 =	vor.u32 s31, v0;
	v8 =	vsel vm9, v8, v7;
	vm8 =	vgt.f32 v6, v9  }
0x32b: {  	s23 =	simm.s32 $0xE0;
	s24 =	simm.s32 $0x30;
	s20 =	simm.s32 $0x90;
	v5 =	vld [tilespmem:s22+$0xFFFFFFE0];
	v7 =	vsel vm8, v6, v9;
	v6 =	vsel vm8, v10, v8  }
.LBB2_45:
0x32c: {  	p1 =	sne.s32 s23, $0x18690;
	vm8 =	vgt.f32 v3, v7;
	v8 =	vor.u32 s24, v0  }
0x32d: {  	v9 =	vld [tilespmem:s22+$0xFFFFFFF0];
	v3 =	vsel vm8, v3, v7;
	v6 =	vsel vm8, v8, v6  }
0x32e: {  	v7 =	vor.u32 s21, v0;
	s21 =	smov.u32 s20;
	s20 =	smov.u32 s23;
	vm8 =	vgt.f32 v4, v3  }
0x32f: {  	s0 =	sadd.s32 $0xFFFFFFC0, s21;
	v8 =	vld [tilespmem:s22+$0x0];
	v3 =	vsel vm8, v4, v3;
	v4 =	vsel vm8, v7, v6  }
0x330: {  	v6 =	vor.u32 s0, v0;
	vm8 =	vgt.f32 v5, v3  }
.Ltmp27:
0x331: {  	s0 =	sadd.s32 $0xFFFFFFD0, s21;
	v5 =	vsel vm8, v5, v3;
	v4 =	vsel vm8, v6, v4;
	v3 =	vld [tilespmem:s22+$0x10];
	(pc) =	sbr.rel @p1 .LBB2_45-.Ltmp27, $4  }
0x332: {  	v6 =	vor.u32 s0, v0;
	vm8 =	vgt.f32 v9, v5  }
0x333: {  	s0 =	sadd.s32 $0xFFFFFFE0, s21;
	v7 =	vsel vm8, v9, v5;
	v6 =	vsel vm8, v6, v4;
	v4 =	vld [tilespmem:s22+$0x20]  }
0x334: {  	v9 =	vor.u32 s0, v0;
	s22 =	sadd.s32 $0x50, s22;
	vm8 =	vgt.f32 v8, v7  }
0x335: {  	s23 =	sadd.s32 $0x50, s23;
	s24 =	sadd.s32 $0xFFFFFFF0, s21;
	v5 =	vld [tilespmem:s22+$0xFFFFFFE0];
	v7 =	vsel vm8, v8, v7;
	v6 =	vsel vm8, v9, v6  }
0x336: {  	vm8 =	vgt.f32 v3, v7  }
0x337: {  	v8 =	vld [tilespmem:s22+$0xFFFFFFF0];
	v3 =	vsel vm8, v3, v7  }
0x338: {  	vm9 =	vgt.f32 v4, v3  }
0x339: {  	v53 =	vld [tilespmem:s22+$0x0];
	v3 =	vsel vm9, v4, v3  }
0x33a: {  	vm10 =	vgt.f32 v5, v3  }
0x33b: {  	v54 =	vld [tilespmem:s22+$0x10];
	v3 =	vsel vm10, v5, v3  }
0x33c: {  	vm11 =	vgt.f32 v8, v3  }
0x33d: {  	v55 =	vld [tilespmem:s22+$0x20];
	v3 =	vsel vm11, v8, v3  }
0x33e: {  	vm12 =	vgt.f32 v53, v3  }
0x33f: {  	v3 =	vsel vm12, v53, v3  }
0x340: {  	vm13 =	vgt.f32 v54, v3  }
0x341: {  	v3 =	vsel vm13, v54, v3  }
0x342: {  	vm14 =	vgt.f32 v55, v3  }
0x343: {  	v3 =	vsel vm14, v55, v3  }
0x344: {  	(xrf0) =	vmax.scan.msk.f32 $0xffff, v3  }
0x345: {  	v56 =	vor.u32 s24, v0  }
0x346: {  	v57 =	vor.u32 s21, v0;
	s0 =	sadd.s32 $0xFFFFFFC0, s20;
	v4 =	vsel vm8, v56, v6  }
0x347: {  	s28 =	sadd.s32 $0xFFFFFFD0, s20;
	v58 =	vor.u32 s0, v0;
	v4 =	vsel vm9, v57, v4  }
0x348: {  	s29 =	sadd.s32 $0xFFFFFFE0, s20;
	v59 =	vor.u32 s28, v0;
	v4 =	vsel vm10, v58, v4  }
0x349: {  	s30 =	sadd.s32 $0xFFFFFFF0, s20;
	v60 =	vor.u32 s29, v0;
	v4 =	vsel vm11, v59, v4  }
0x34a: {  	v61 =	vor.u32 s30, v0;
	v4 =	vsel vm12, v60, v4;
	v62, _, _ =	vpop (xrf0)  }
0x34b: {  	v63 =	vor.u32 s20, v0;
	v4 =	vsel vm13, v61, v4;
	v6 =	vbroadcast v62, $0xF  }
0x34c: {  	v4 =	vsel vm14, v63, v4  }
0x34d: {  	vm8 =	veq.f32 v3, v6;
	v3 =	vxor.u32 $0x80000000, v4  }
0x34e: {  	v3 =	vnsel vm8, $0x800186A0, v3  }
0x34f: {  	(xrf0) =	vmin.scan.msk.u32 $0xffff, v3;
	_ =	sdelay $0x5  }
0x350: {  	v3, _, _ =	vpop (xrf0)  }
0x351: {  	(v2sf) =	vpush v3, $0xF;
	_ =	sdelay $0xb  }
.Ltmp28:
0x352: {  	_ = 	snop;
	(pc) =	sbr.rel .LBB2_55-.Ltmp28, $3  }
0x353: {  	_ =	sdelay $0x1  }
0x354: {  	s31 =	spop (v2sf)  }
0x355: {  	s20 =	sxor.u32 $0x80000000, s31  }
.LBB2_38:
0x356: {  	s21 =	simm.s32 $0x50  }
0x357: {  	v20 =	vld [tilespmem:s21+$0xFFFFFFB0]  }
0x358: {  	v7 =	vld [tilespmem:s21+$0x0]  }
0x359: {  	v6 =	vld [tilespmem:s21+$0x10]  }
0x35a: {  	v4 =	vld [tilespmem:s21+$0x20]  }
0x35b: {  	v21 =	vld [tilespmem:s21+$0xFFFFFFC0]  }
0x35c: {  	v8 =	vimm.f32 $+Inf;
	v18 =	vld [tilespmem:s21+$0xFFFFFFD0]  }
0x35d: {  	s0 =	sand.u32 $0x3FFE0, s22;
	v17 =	vimm.f32 $+Inf;
	v14 =	vimm.f32 $-Inf;
	v15 =	vimm.f32 $+Inf;
	v10 =	vld [tilespmem:s21+$0xFFFFFFE0]  }
0x35e: {  	v16 =	vimm.f32 $-Inf;
	v11 =	vimm.f32 $+Inf;
	v9 =	vld [tilespmem:s0+$0x80];
	v5 =	vmax.f32 v3, v20  }
0x35f: {  	s22 =	simm.s32 $0xA0;
	v12 =	vimm.f32 $-Inf;
	v13 =	vimm.f32 $+Inf;
	v19 =	vld [tilespmem:s21+$0xFFFFFFF0];
	v5 =	vmax.f32 v5, v7  }
.LBB2_39:
0x360: {  	p1 =	sne.s32 s22, $0x18600;
	v8 =	vmin.f32 v8, v20;
	v3 =	vmax.f32 v3, v21;
	v17 =	vmin.f32 v17, v21;
	v22 =	vld [tilespmem:s21+$0x40];
	s21 =	sadd.s32 $0xA0, s21  }
0x361: {  	v8 =	vmin.f32 v8, v7;
	v7 =	vld [tilespmem:s21+$0x0];
	v3 =	vmax.f32 v3, v6;
	v17 =	vmin.f32 v17, v6  }
0x362: {  	v14 =	vmax.f32 v14, v18;
	v15 =	vmin.f32 v15, v18;
	v6 =	vld [tilespmem:s21+$0x10];
	v16 =	vmax.f32 v16, v10  }
0x363: {  	v14 =	vmax.f32 v14, v4;
	v15 =	vmin.f32 v15, v4;
	v20 =	vld [tilespmem:s21+$0xFFFFFFB0];
	v16 =	vmax.f32 v16, v9  }
0x364: {  	v10 =	vmin.f32 v11, v10;
	v4 =	vld [tilespmem:s21+$0x20];
	v12 =	vmax.f32 v12, v19;
	v13 =	vmin.f32 v13, v19  }
.Ltmp29:
0x365: {  	v11 =	vmin.f32 v10, v9;
	v21 =	vld [tilespmem:s21+$0xFFFFFFC0];
	v12 =	vmax.f32 v12, v22;
	v13 =	vmin.f32 v13, v22;
	(pc) =	sbr.rel @p1 .LBB2_39-.Ltmp29, $4  }
0x366: {  	v18 =	vld [tilespmem:s21+$0xFFFFFFD0]  }
0x367: {  	s0 =	sand.u32 $0x3FFE0, s22;
	v10 =	vld [tilespmem:s21+$0xFFFFFFE0]  }
0x368: {  	v5 =	vmax.f32 v5, v20;
	v9 =	vld [tilespmem:s0+$0x80]  }
0x369: {  	s22 =	sadd.s32 $0xA0, s22;
	v19 =	vld [tilespmem:s21+$0xFFFFFFF0];
	v5 =	vmax.f32 v5, v7  }
0x36a: {  	v8 =	vmin.f32 v8, v20  }
0x36b: {  	v3 =	vmax.f32 v3, v21;
	v17 =	vmin.f32 v17, v21;
	v7 =	vmin.f32 v8, v7  }
0x36c: {  	v59 =	vld [tilespmem:s21+$0x40];
	v3 =	vmax.f32 v3, v6;
	v6 =	vmin.f32 v17, v6;
	v14 =	vmax.f32 v14, v18  }
0x36d: {  	v15 =	vmin.f32 v15, v18;
	v16 =	vmax.f32 v16, v10;
	v14 =	vmax.f32 v14, v4  }
0x36e: {  	v4 =	vmin.f32 v15, v4;
	v61 =	vmin.f32 v11, v10;
	v3 =	vmax.f32 v5, v3  }
0x36f: {  	v6 =	vmin.f32 v7, v6;
	v60 =	vmax.f32 v16, v9;
	v5 =	vmin.f32 v61, v9  }
0x370: {  	v3 =	vmax.f32 v3, v14;
	v4 =	vmin.f32 v6, v4;
	v62 =	vmax.f32 v12, v19  }
0x371: {  	v63 =	vmin.f32 v13, v19;
	v3 =	vmax.f32 v3, v60;
	v7 =	vmax.f32 v62, v59  }
0x372: {  	v4 =	vmin.f32 v4, v5;
	v6 =	vmin.f32 v63, v59;
	v3 =	vmax.f32 v3, v7  }
0x373: {  	v4 =	vmin.f32 v4, v6;
	(xrf0) =	vmax.scan.msk.f32 $0xffff, v3  }
0x374: {  	(xrf0) =	vmin.scan.msk.f32 $0xffff, v4;
	_ =	sdelay $0x4  }
0x375: {  	v3, _, _ =	vpop (xrf0)  }
0x376: {  	(v2sf) =	vpush v3, $0xF;
	v3, _, _ =	vpop (xrf0)  }
0x377: {  	(v2sf) =	vpush v3, $0xF;
	_ =	sdelay $0xd  }
0x378: {  	s0 =	spop (v2sf)  }
0x379: {  	s0 =	smul.f32 s0, s16;
	s31 =	spop (v2sf)  }
0x37a: {  	p0 =	sgt.f32 s17, $5.000000000e-01;
	s21 =	smul.f32 s31, s16  }
.Ltmp30:
0x37b: {  	_ = 	snop;
	(pc) =	sbr.rel @!p0 .LBB2_47-.Ltmp30, $3  }
0x37c: {  	s0 =	smax.f32 s0, s21  }
0x37d: {  	s0 =	ssub.f32 $0.0e+00, s0;
	_ =	sdelay $0x1  }
0x37e: {  	s22 =	simm.s32 $0x20;
	v5 =	vimm.f32 $0.0e+00;
	v4 =	vimm.f32 $0.0e+00;
	s21 =	simm.s32 $0x0;
	v3 =	vmov s0  }
.LBB2_41:
0x37f: {  	v6 =	vmov s22;
	_ =	sdelay $0x3  }
0x380: {  	s0 =	simm.s32 $0x0  }
0x381: {  	v7 =	vld.idx.msk [tilespmem:v6+s0+$0x20 ss:$0x1], $0xffff;
	_ =	sdelay $0x1  }
0x382: {  	v8 =	vld.idx.msk [tilespmem:v6+s0+$0xFFFFFFE0 ss:$0x1], $0xffff  }
0x383: {  	v9 =	vld.idx.msk [tilespmem:v6+s0+$0xFFFFFFF0 ss:$0x1], $0xffff  }
0x384: {  	v10 =	vld.idx.msk [tilespmem:v6+s0+$0x0 ss:$0x1], $0xffff  }
0x385: {  	s30 =	simm.s32 $0x50;
	v11 =	vld.idx.msk [tilespmem:v6+s0+$0x10 ss:$0x1], $0xffff;
	v7 =	vadd.f32 v7, v3  }
0x386: {  	v12 =	vld.idx.msk [tilespmem:v6+s30+$0x20 ss:$0x1], $0xffff  }
0x387: {  	v13 =	vld.idx.msk [tilespmem:v6+s30+$0xFFFFFFE0 ss:$0x1], $0xffff;
	v8 =	vadd.f32 v8, v3;
	v7 =	vmul.f32 $1.442695020e+00, v7  }
0x388: {  	v14 =	vld.idx.msk [tilespmem:v6+s30+$0xFFFFFFF0 ss:$0x1], $0xffff;
	v9 =	vadd.f32 v9, v3  }
0x389: {  	v8 =	vmul.f32 $1.442695020e+00, v8;
	(erf) = vpow2.f32 v7;
	v7 =	vadd.f32 v10, v3  }
0x38a: {  	v11 =	vadd.f32 v11, v3;
	v9 =	vmul.f32 $1.442695020e+00, v9;
	v10 =	vld.idx.msk [tilespmem:v6+s30+$0x0 ss:$0x1], $0xffff  }
0x38b: {  	(erf) = vpow2.f32 v8;
	v7 =	vmul.f32 $1.442695020e+00, v7  }
0x38c: {  	v15 =	vld.idx.msk [tilespmem:v6+s30+$0x10 ss:$0x1], $0xffff;
	v11 =	vmul.f32 $1.442695020e+00, v11;
	v8 =	vadd.f32 v12, v3;
	(erf) = vpow2.f32 v9  }
0x38d: {  	v12 =	vadd.f32 v13, v3;
	(erf) = vpow2.f32 v7;
	v7 =	vadd.f32 v14, v3  }
0x38e: {  	s31 =	simm.s32 $0xA0;
	v8 =	vmul.f32 $1.442695020e+00, v8;
	(erf) = vpow2.f32 v11  }
0x38f: {  	v9 =	vld.idx.msk [tilespmem:v6+s31+$0x20 ss:$0x1], $0xffff;
	v11 =	vmul.f32 $1.442695020e+00, v12;
	v10 =	vadd.f32 v10, v3;
	v7 =	vmul.f32 $1.442695020e+00, v7  }
0x390: {  	(erf) = vpow2.f32 v8  }
0x391: {  	v13 =	vadd.f32 v15, v3;
	v12 =	vld.idx.msk [tilespmem:v6+s31+$0xFFFFFFE0 ss:$0x1], $0xffff;
	v8 =	vmul.f32 $1.442695020e+00, v10;
	(erf) = vpow2.f32 v11  }
0x392: {  	v16 =	vld.idx.msk [tilespmem:v6+s31+$0xFFFFFFF0 ss:$0x1], $0xffff;
	(erf) = vpow2.f32 v7  }
0x393: {  	v17 =	vmul.f32 $1.442695020e+00, v13;
	v14 =	vld.idx.msk [tilespmem:v6+s31+$0x0 ss:$0x1], $0xffff;
	v7 =	vpop (erf);
	(erf) = vpow2.f32 v8  }
0x394: {  	v15 =	vld.idx.msk [tilespmem:v6+s31+$0x10 ss:$0x1], $0xffff;
	v18 =	vadd.f32 v9, v3;
	v10 =	vimm.f32 $0.0e+00;
	v11 =	vimm.f32 $0.0e+00  }
0x395: {  	s23 =	simm.s32 $0xF0;
	s24 =	simm.s32 $0x500;
	v9 =	vimm.f32 $0.0e+00;
	v8 =	vimm.f32 $0.0e+00;
	v7 =	vadd.f32 v7, v5;
	v13 =	vpop (erf)  }
.LBB2_42:
0x396: {  	p1 =	sne.s32 s24, $0x1E00;
	v19 =	vld.idx.msk [tilespmem:v6+s23+$0x20 ss:$0x1], $0xffff;
	v20 =	vadd.f32 v12, v3;
	(erf) = vpow2.f32 v17;
	v8 =	vadd.f32 v13, v8;
	v13 =	vpop (erf)  }
0x397: {  	v17 =	vadd.f32 v16, v3;
	v12 =	vld.idx.msk [tilespmem:v6+s23+$0xFFFFFFE0 ss:$0x1], $0xffff;
	v18 =	vmul.f32 $1.442695020e+00, v18;
	v10 =	vadd.f32 v13, v10;
	v13 =	vpop (erf)  }
.Ltmp31:
0x398: {  	v21 =	vadd.f32 v14, v3;
	v16 =	vld.idx.msk [tilespmem:v6+s23+$0xFFFFFFF0 ss:$0x1], $0xffff;
	v20 =	vmul.f32 $1.442695020e+00, v20;
	v11 =	vadd.f32 v13, v11;
	v13 =	vpop (erf);
	(pc) =	sbr.rel @p1 .LBB2_42-.Ltmp31, $4  }
0x399: {  	v22 =	vmul.f32 $1.442695020e+00, v17;
	v17 =	vadd.f32 v15, v3;
	v14 =	vld.idx.msk [tilespmem:v6+s23+$0x0 ss:$0x1], $0xffff;
	(erf) = vpow2.f32 v18  }
0x39a: {  	v21 =	vmul.f32 $1.442695020e+00, v21;
	v9 =	vadd.f32 v13, v9;
	v15 =	vld.idx.msk [tilespmem:v6+s23+$0x10 ss:$0x1], $0xffff;
	(erf) = vpow2.f32 v20  }
0x39b: {  	v17 =	vmul.f32 $1.442695020e+00, v17;
	(erf) = vpow2.f32 v22;
	v13 =	vpop (erf)  }
0x39c: {  	s23 =	sshra.s32 s24, $0x2;
	s24 =	sadd.s32 $0x140, s24;
	v18 =	vadd.f32 v19, v3;
	(erf) = vpow2.f32 v21;
	v7 =	vadd.f32 v13, v7;
	v13 =	vpop (erf)  }
0x39d: {  	_ =	sdelay $0x3  }
0x39e: {  	v19 =	vld.idx.msk [tilespmem:v6+s23+$0x20 ss:$0x1], $0xffff  }
0x39f: {  	v12 =	vadd.f32 v12, v3;
	v20 =	vld.idx.msk [tilespmem:v6+s23+$0xFFFFFFE0 ss:$0x1], $0xffff  }
0x3a0: {  	v16 =	vadd.f32 v16, v3;
	v21 =	vld.idx.msk [tilespmem:v6+s23+$0xFFFFFFF0 ss:$0x1], $0xffff;
	v18 =	vmul.f32 $1.442695020e+00, v18  }
0x3a1: {  	(erf) = vpow2.f32 v17;
	v39 =	vld.idx.msk [tilespmem:v6+s23+$0x0 ss:$0x1], $0xffff;
	v14 =	vadd.f32 v14, v3;
	v12 =	vmul.f32 $1.442695020e+00, v12  }
0x3a2: {  	v6 =	vld.idx.msk [tilespmem:v6+s23+$0x10 ss:$0x1], $0xffff;
	v16 =	vmul.f32 $1.442695020e+00, v16;
	v15 =	vadd.f32 v15, v3;
	(erf) = vpow2.f32 v18  }
0x3a3: {  	v40 =	vpop (erf);
	v14 =	vmul.f32 $1.442695020e+00, v14;
	(erf) = vpow2.f32 v12  }
0x3a4: {  	v42 =	vpop (erf);
	v15 =	vmul.f32 $1.442695020e+00, v15;
	v41 =	vadd.f32 v19, v3;
	(erf) = vpow2.f32 v16  }
0x3a5: {  	v44 =	vpop (erf);
	v43 =	vadd.f32 v20, v3;
	v45 =	vadd.f32 v21, v3;
	(erf) = vpow2.f32 v14  }
0x3a6: {  	v46 =	vpop (erf);
	v48 =	vadd.f32 v39, v3;
	v12 =	vmul.f32 $1.442695020e+00, v41;
	(erf) = vpow2.f32 v15  }
0x3a7: {  	v6 =	vadd.f32 v6, v3;
	v47 =	vmul.f32 $1.442695020e+00, v43;
	v14 =	vmul.f32 $1.442695020e+00, v45  }
0x3a8: {  	v49 =	vpop (erf);
	v16 =	vmul.f32 $1.442695020e+00, v48;
	(erf) = vpow2.f32 v12  }
0x3a9: {  	v50 =	vpop (erf);
	v6 =	vmul.f32 $1.442695020e+00, v6;
	(erf) = vpow2.f32 v47  }
0x3aa: {  	v51 =	vpop (erf);
	(erf) = vpow2.f32 v14  }
0x3ab: {  	v52 =	vpop (erf);
	(erf) = vpow2.f32 v16  }
0x3ac: {  	v53 =	vpop (erf);
	(erf) = vpow2.f32 v6  }
0x3ad: {  	v6 =	vpop (erf)  }
0x3ae: {  	v8 =	vadd.f32 v13, v8;
	v54 =	vpop (erf)  }
0x3af: {  	v10 =	vadd.f32 v40, v10;
	v11 =	vadd.f32 v42, v11;
	v55 =	vpop (erf)  }
0x3b0: {  	v9 =	vadd.f32 v44, v9;
	v7 =	vadd.f32 v46, v7;
	v56 =	vpop (erf)  }
0x3b1: {  	v8 =	vadd.f32 v49, v8;
	v10 =	vadd.f32 v50, v10;
	v57 =	vpop (erf)  }
0x3b2: {  	v11 =	vadd.f32 v51, v11;
	v9 =	vadd.f32 v52, v9;
	v58 =	vpop (erf)  }
0x3b3: {  	v6 =	vadd.f32 v6, v8;
	v59 =	vadd.f32 v54, v10;
	v60 =	vpop (erf)  }
0x3b4: {  	v11 =	vadd.f32 v55, v11;
	v9 =	vadd.f32 v56, v9;
	v61 =	vpop (erf)  }
0x3b5: {  	v6 =	vadd.f32 v58, v6;
	v8 =	vadd.f32 v60, v59;
	v62 =	vpop (erf)  }
0x3b6: {  	v11 =	vadd.f32 v61, v11;
	v9 =	vadd.f32 v62, v9  }
0x3b7: {  	v7 =	vadd.f32 v53, v7  }
0x3b8: {  	s0 =	sshll.u32 s21, $0x4;
	s21 =	sadd.s32 $0x1, s21;
	v6 =	vadd.f32 v8, v6;
	v63 =	vadd.f32 v9, v11  }
0x3b9: {  	p0 =	seq.s32 s21, $0x32  }
.Ltmp32:
0x3ba: {  	v7 =	vadd.f32 v57, v7;
	v6 =	vadd.f32 v63, v6;
	(pc) =	sbr.rel @!p0 .LBB2_41-.Ltmp32, $4  }
.Ltmp33:
0x3bb: {  	_ = 	snop;
	(pc) =	sbr.rel @p0 .LBB2_50-.Ltmp33, $4  }
0x3bc: {  	v6 =	vadd.f32 v6, v7  }
0x3bd: {  	s0 =	sand.u32 $0x3FFFFFF0, s0  }
0x3be: {  	s22 =	sadd.s32 $0x7D0, s22;
	[tilespmem:s0+$0x18700] =	vst v6;
	v4 =	vadd.f32 v6, v4  }
0x3bf: {  	_ = 	snop  }
.LBB2_47:
0x3c0: {  	v6 =	vmov s22;
	_ =	sdelay $0x3  }
0x3c1: {  	s0 =	simm.s32 $0x0  }
0x3c2: {  	v5 =	vld.idx.msk [tilespmem:v6+s0+$0x20 ss:$0x1], $0xffff  }
0x3c3: {  	v7 =	vld.idx.msk [tilespmem:v6+s0+$0xFFFFFFE0 ss:$0x1], $0xffff  }
0x3c4: {  	v8 =	vld.idx.msk [tilespmem:v6+s0+$0xFFFFFFF0 ss:$0x1], $0xffff  }
0x3c5: {  	v9 =	vld.idx.msk [tilespmem:v6+s0+$0x0 ss:$0x1], $0xffff;
	_ =	sdelay $0x1  }
0x3c6: {  	v10 =	vld.idx.msk [tilespmem:v6+s0+$0x10 ss:$0x1], $0xffff;
	v5 =	vmul.f32 v5, v1  }
0x3c7: {  	v7 =	vmul.f32 v7, v1  }
0x3c8: {  	s31 =	simm.s32 $0x50;
	v8 =	vmul.f32 v8, v1;
	v5 =	vadd.f32 v5, v3  }
0x3c9: {  	v11 =	vld.idx.msk [tilespmem:v6+s31+$0x20 ss:$0x1], $0xffff;
	v9 =	vmul.f32 v9, v1;
	v7 =	vadd.f32 v7, v3  }
0x3ca: {  	v12 =	vld.idx.msk [tilespmem:v6+s31+$0xFFFFFFE0 ss:$0x1], $0xffff;
	v8 =	vadd.f32 v8, v3;
	v5 =	vmul.f32 $1.442695020e+00, v5  }
0x3cb: {  	v14 =	vld.idx.msk [tilespmem:v6+s31+$0xFFFFFFF0 ss:$0x1], $0xffff;
	v10 =	vmul.f32 v10, v1;
	v9 =	vadd.f32 v9, v3;
	v7 =	vmul.f32 $1.442695020e+00, v7  }
0x3cc: {  	v8 =	vmul.f32 $1.442695020e+00, v8;
	(erf) = vpow2.f32 v5  }
0x3cd: {  	v10 =	vadd.f32 v10, v3;
	v5 =	vmul.f32 $1.442695020e+00, v9;
	(erf) = vpow2.f32 v7  }
0x3ce: {  	(erf) = vpow2.f32 v8;
	v8 =	vmul.f32 v11, v1;
	v11 =	vld.idx.msk [tilespmem:v6+s31+$0x0 ss:$0x1], $0xffff  }
0x3cf: {  	v13 =	vmul.f32 v12, v1;
	v12 =	vld.idx.msk [tilespmem:v6+s31+$0x10 ss:$0x1], $0xffff;
	v7 =	vmul.f32 $1.442695020e+00, v10  }
0x3d0: {  	v15 =	vmul.f32 v14, v1;
	v9 =	vimm.f32 $0.0e+00;
	(erf) = vpow2.f32 v5  }
0x3d1: {  	v10 =	vimm.f32 $0.0e+00;
	v5 =	vimm.f32 $0.0e+00;
	(erf) = vpow2.f32 v7  }
0x3d2: {  	s24 =	simm.s32 $0xA0;
	s23 =	simm.s32 $0x3C0;
	v14 =	vadd.f32 v8, v3;
	v7 =	vimm.f32 $0.0e+00;
	v8 =	vimm.f32 $0.0e+00  }
.LBB2_48:
0x3d3: {  	p1 =	sne.s32 s23, $0x1E00;
	v16 =	vld.idx.msk [tilespmem:v6+s24+$0x20 ss:$0x1], $0xffff;
	v13 =	vadd.f32 v13, v3;
	v11 =	vmul.f32 v11, v1  }
0x3d4: {  	v12 =	vmul.f32 v12, v1;
	v17 =	vld.idx.msk [tilespmem:v6+s24+$0xFFFFFFE0 ss:$0x1], $0xffff;
	v15 =	vadd.f32 v15, v3;
	v21 =	vmul.f32 $1.442695020e+00, v14  }
0x3d5: {  	v18 =	vld.idx.msk [tilespmem:v6+s24+$0xFFFFFFF0 ss:$0x1], $0xffff;
	v22 =	vmul.f32 $1.442695020e+00, v13;
	v19 =	vadd.f32 v11, v3  }
0x3d6: {  	v20 =	vadd.f32 v12, v3;
	v11 =	vld.idx.msk [tilespmem:v6+s24+$0x0 ss:$0x1], $0xffff;
	v23 =	vmul.f32 $1.442695020e+00, v15;
	(erf) = vpow2.f32 v21;
	v14 =	vpop (erf)  }
.Ltmp34:
0x3d7: {  	v12 =	vld.idx.msk [tilespmem:v6+s24+$0x10 ss:$0x1], $0xffff;
	v19 =	vmul.f32 $1.442695020e+00, v19;
	(erf) = vpow2.f32 v22;
	v7 =	vadd.f32 v14, v7;
	v13 =	vpop (erf);
	(pc) =	sbr.rel @p1 .LBB2_48-.Ltmp34, $4  }
0x3d8: {  	v14 =	vmul.f32 $1.442695020e+00, v20;
	(erf) = vpow2.f32 v23;
	v5 =	vadd.f32 v13, v5;
	v13 =	vpop (erf)  }
0x3d9: {  	v16 =	vmul.f32 v16, v1;
	(erf) = vpow2.f32 v19;
	v10 =	vadd.f32 v13, v10;
	v15 =	vpop (erf)  }
0x3da: {  	v13 =	vmul.f32 v17, v1;
	(erf) = vpow2.f32 v14;
	v8 =	vadd.f32 v15, v8;
	v17 =	vpop (erf)  }
0x3db: {  	s24 =	sshra.s32 s23, $0x2;
	s23 =	sadd.s32 $0x140, s23;
	v15 =	vmul.f32 v18, v1;
	v14 =	vadd.f32 v16, v3;
	v9 =	vadd.f32 v17, v9  }
0x3dc: {  	_ =	sdelay $0x3  }
0x3dd: {  	v16 =	vld.idx.msk [tilespmem:v6+s24+$0x20 ss:$0x1], $0xffff  }
0x3de: {  	v11 =	vmul.f32 v11, v1;
	v17 =	vld.idx.msk [tilespmem:v6+s24+$0xFFFFFFE0 ss:$0x1], $0xffff  }
0x3df: {  	v13 =	vadd.f32 v13, v3;
	v12 =	vmul.f32 v12, v1;
	v18 =	vld.idx.msk [tilespmem:v6+s24+$0xFFFFFFF0 ss:$0x1], $0xffff;
	v15 =	vadd.f32 v15, v3  }
0x3e0: {  	v19 =	vld.idx.msk [tilespmem:v6+s24+$0x0 ss:$0x1], $0xffff;
	v14 =	vmul.f32 $1.442695020e+00, v14;
	v11 =	vadd.f32 v11, v3  }
0x3e1: {  	v6 =	vld.idx.msk [tilespmem:v6+s24+$0x10 ss:$0x1], $0xffff;
	v13 =	vmul.f32 $1.442695020e+00, v13;
	v12 =	vadd.f32 v12, v3;
	v15 =	vmul.f32 $1.442695020e+00, v15  }
0x3e2: {  	(erf) = vpow2.f32 v14;
	v11 =	vmul.f32 $1.442695020e+00, v11  }
0x3e3: {  	(erf) = vpow2.f32 v13;
	v12 =	vmul.f32 $1.442695020e+00, v12  }
0x3e4: {  	v44 =	vmul.f32 v16, v1;
	v45 =	vmul.f32 v17, v1  }
0x3e5: {  	(erf) = vpow2.f32 v15;
	v46 =	vmul.f32 v18, v1  }
0x3e6: {  	v48 =	vmul.f32 v19, v1;
	v6 =	vmul.f32 v6, v1;
	v13 =	vadd.f32 v44, v3  }
0x3e7: {  	(erf) = vpow2.f32 v11;
	v47 =	vadd.f32 v45, v3;
	v15 =	vadd.f32 v46, v3  }
0x3e8: {  	v49 =	vpop (erf);
	(erf) = vpow2.f32 v12;
	v50 =	vadd.f32 v48, v3;
	v13 =	vmul.f32 $1.442695020e+00, v13  }
0x3e9: {  	v6 =	vadd.f32 v6, v3;
	v11 =	vmul.f32 $1.442695020e+00, v47;
	v15 =	vmul.f32 $1.442695020e+00, v15  }
0x3ea: {  	v51 =	vpop (erf);
	v12 =	vmul.f32 $1.442695020e+00, v50;
	(erf) = vpow2.f32 v13  }
0x3eb: {  	v52 =	vpop (erf);
	v6 =	vmul.f32 $1.442695020e+00, v6;
	(erf) = vpow2.f32 v11  }
0x3ec: {  	v53 =	vpop (erf);
	(erf) = vpow2.f32 v15  }
0x3ed: {  	v54 =	vpop (erf);
	(erf) = vpow2.f32 v12  }
0x3ee: {  	v55 =	vpop (erf);
	(erf) = vpow2.f32 v6  }
0x3ef: {  	v6 =	vpop (erf)  }
0x3f0: {  	v56 =	vpop (erf)  }
0x3f1: {  	v57 =	vpop (erf)  }
0x3f2: {  	v7 =	vadd.f32 v49, v7;
	v58 =	vpop (erf)  }
0x3f3: {  	v5 =	vadd.f32 v51, v5;
	v10 =	vadd.f32 v52, v10;
	v59 =	vpop (erf)  }
0x3f4: {  	v8 =	vadd.f32 v53, v8;
	v9 =	vadd.f32 v54, v9;
	v60 =	vpop (erf)  }
0x3f5: {  	v5 =	vadd.f32 v6, v5;
	v6 =	vadd.f32 v56, v10;
	v61 =	vpop (erf)  }
0x3f6: {  	v8 =	vadd.f32 v57, v8;
	v9 =	vadd.f32 v58, v9;
	v62 =	vpop (erf)  }
0x3f7: {  	v5 =	vadd.f32 v60, v5;
	v6 =	vadd.f32 v61, v6;
	v63 =	vpop (erf)  }
0x3f8: {  	v8 =	vadd.f32 v62, v8;
	v9 =	vadd.f32 v63, v9  }
0x3f9: {  	v7 =	vadd.f32 v55, v7  }
0x3fa: {  	s0 =	sshll.u32 s21, $0x4;
	s21 =	sadd.s32 $0x1, s21;
	v5 =	vadd.f32 v6, v5;
	v6 =	vadd.f32 v9, v8  }
0x3fb: {  	p0 =	sne.s32 s21, $0x32  }
.Ltmp35:
0x3fc: {  	v7 =	vadd.f32 v59, v7;
	v5 =	vadd.f32 v6, v5;
	(pc) =	sbr.rel @p0 .LBB2_47-.Ltmp35, $4  }
0x3fd: {  	_ = 	snop  }
0x3fe: {  	v5 =	vadd.f32 v5, v7  }
0x3ff: {  	s0 =	sand.u32 $0x3FFFFFF0, s0  }
0x400: {  	s22 =	sadd.s32 $0x7D0, s22;
	[tilespmem:s0+$0x18700] =	vst v5;
	v4 =	vadd.f32 v5, v4  }
.LBB2_50:
0x401: {  	s0 =	simm.s32 $0x0  }
0x402: {  	v5 =	vld [tilespmem:s0+$0x18700];
	_ =	sdelay $0x3  }
0x403: {  	(xrf2) =	vadd.scan.msk.f32 $0xffff, v4  }
0x404: {  	(xrf2) =	vadd.scan.msk.f32 $0xffff, v5;
	_ =	sdelay $0x7  }
0x405: {  	s25 =	simm.s32 $0x10  }
0x406: {  	v5 =	vld [tilespmem:s25+$0x18700];
	v4, _, _ =	vpop (xrf2)  }
0x407: {  	s26 =	simm.s32 $0x20;
	(v2sf) =	vpush v4, $0xF;
	v4, _, _ =	vpop (xrf2)  }
0x408: {  	s28 =	simm.s32 $0x30;
	(v2sf) =	vpush v4, $0xF;
	v4 =	vld [tilespmem:s26+$0x18700]  }
0x409: {  	v6 =	vld [tilespmem:s28+$0x18700];
	_ =	sdelay $0x1  }
0x40a: {  	(xrf2) =	vadd.scan.msk.f32 $0xffff, v5;
	_ =	sdelay $0x1  }
0x40b: {  	(xrf2) =	vadd.scan.msk.f32 $0xffff, v4  }
0x40c: {  	(xrf2) =	vadd.scan.msk.f32 $0xffff, v6;
	_ =	sdelay $0x6  }
0x40d: {  	v5, _, _ =	vpop (xrf2)  }
0x40e: {  	s30 =	spop (v2sf);
	(v2sf) =	vpush v5, $0xF  }
0x40f: {  	s29 =	simm.s32 $0x40;
	v5, _, _ =	vpop (xrf2)  }
0x410: {  	v4 =	vld [tilespmem:s29+$0x18700];
	s24 =	spop (v2sf);
	(v2sf) =	vpush v5, $0xF;
	v5, _, _ =	vpop (xrf2)  }
0x411: {  	(v2sf) =	vpush v5, $0xF;
	_ =	sdelay $0x2  }
0x412: {  	s31 =	simm.s32 $0x50  }
0x413: {  	(xrf2) =	vadd.scan.msk.f32 $0xffff, v4;
	v4 =	vld [tilespmem:s31+$0x18700]  }
0x414: {  	s23 =	simm.f32 $0.0e+00  }
0x415: {  	s22 =	smul.f32 s30, s20;
	s21 =	sadd.f32 s24, s23  }
0x416: {  	_ = 	snop  }
0x417: {  	s25 =	simm.s32 $0x180;
	s20 =	simm.s32 $0x0;
	p1 =	slt.f32 s21, s22  }
.LBB2_51:
0x418: {  	s0 =	sshra.s32 s25, $0x2;
	p2 =	sne.s32 s25, $0xC40;
	s25 =	sadd.s32 $0x40, s25;
	(xrf2) =	vadd.scan.msk.f32 $0xffff, v4  }
0x419: {  	s26 =	smov.u32 s24;
	v4 =	vld [tilespmem:s0+$0x18700];
	s0 =	simm.s32 $0x1  }
.Ltmp36:
0x41a: {  	s26 =	simm.s32 @!p1 $0x0;
	s0 =	simm.s32 @!p1 $0x0;
	(pc) =	sbr.rel @p2 .LBB2_51-.Ltmp36, $4  }
0x41b: {  	s23 =	sadd.f32 s26, s23;
	s24 =	spop (v2sf);
	s20 =	sadd.s32 s0, s20  }
0x41c: {  	s21 =	sadd.f32 s24, s21  }
0x41d: {  	v5, _, _ =	vpop (xrf2)  }
0x41e: {  	(v2sf) =	vpush v5, $0xF;
	p1 =	slt.f32 s21, s22  }
0x41f: {  	(xrf2) =	vadd.scan.msk.f32 $0xffff, v4;
	_ =	sdelay $0x7  }
0x420: {  	v4, _, _ =	vpop (xrf2)  }
0x421: {  	(v2sf) =	vpush v4, $0xF  }
0x422: {  	v4, _, _ =	vpop (xrf2)  }
0x423: {  	(v2sf) =	vpush v4, $0xF;
	_ =	sdelay $0x6  }
0x424: {  	s30 =	spop (v2sf)  }
0x425: {  	s0 =	sadd.f32 s30, s21  }
0x426: {  	s25 =	spop (v2sf)  }
0x427: {  	s28 =	sadd.f32 s25, s0  }
0x428: {  	s21 =	simm.s32 $0x1;
	s26 =	spop (v2sf)  }
0x429: {  	s21 =	simm.s32 @!p1 $0x0;
	p3 =	slt.f32 s0, s22;
	s0 =	sadd.f32 s26, s28  }
0x42a: {  	s31 =	simm.s32 $0x1;
	s20 =	sadd.s32 s21, s20;
	s29 =	spop (v2sf)  }
0x42b: {  	p2 =	slt.f32 s28, s22;
	s31 =	simm.s32 @!p3 $0x0;
	s10 =	sadd.f32 s29, s0  }
0x42c: {  	s1 =	simm.s32 $0x1;
	s20 =	sadd.s32 s31, s20;
	s28 =	spop (v2sf)  }
0x42d: {  	s1 =	simm.s32 @!p2 $0x0;
	p6 =	slt.f32 s0, s22;
	s31 =	sadd.f32 s28, s10  }
0x42e: {  	s1 =	sadd.s32 s1, s20;
	p5 =	slt.f32 s10, s22;
	s10 =	simm.s32 $0x1  }
0x42f: {  	s0 =	simm.s32 $0x1;
	s10 =	simm.s32 @!p6 $0x0;
	p4 =	slt.f32 s31, s22  }
0x430: {  	s0 =	simm.s32 @!p5 $0x0;
	s1 =	sadd.s32 s10, s1;
	s10 =	simm.s32 $0x1  }
0x431: {  	s0 =	sadd.s32 s0, s1;
	s10 =	simm.s32 @!p4 $0x0  }
0x432: {  	s20 =	sadd.s32 s10, s0  }
0x433: {  	p0 =	slt.s32 s20, $0x31;
	s21 =	smov.u32 s20  }
0x434: {  	s21 =	simm.s32 @!p0 $0x31  }
0x435: {  	s10 =	smul.u32 $0x1F40, s21;
	_ =	sdelay $0x1  }
0x436: {  	s0 =	sshra.s32 s10, $0x2  }
0x437: {  	v5 =	vmov s0;
	_ =	sdelay $0x3  }
0x438: {  	s31 =	simm.s32 $0x0  }
0x439: {  	v4 =	vld.idx.msk [tilespmem:v5+s31+$0x0 ss:$0x1], $0xffff;
	_ =	sdelay $0x1  }
0x43a: {  	s1 =	simm.s32 $0x10  }
0x43b: {  	s10 =	simm.s32 $0x20;
	v6 =	vld.idx.msk [tilespmem:v5+s1+$0x0 ss:$0x1], $0xffff  }
0x43c: {  	v7 =	vld.idx.msk [tilespmem:v5+s10+$0x0 ss:$0x1], $0xffff  }
0x43d: {  	v4 =	vmul.f32 v4, v1;
	_ =	sdelay $0x1  }
0x43e: {  	v4 =	vadd.f32 v4, v3  }
0x43f: {  	v6 =	vmul.f32 v6, v1  }
0x440: {  	v7 =	vmul.f32 v7, v1;
	v4 =	vmul.f32 $1.442695020e+00, v4  }
0x441: {  	v6 =	vadd.f32 v6, v3  }
0x442: {  	v7 =	vadd.f32 v7, v3;
	(erf) = vpow2.f32 v4  }
0x443: {  	v6 =	vmul.f32 $1.442695020e+00, v6  }
0x444: {  	s31 =	simm.s32 $0x30;
	v4 =	vmul.f32 $1.442695020e+00, v7  }
0x445: {  	s1 =	simm.s32 $0x40;
	(erf) = vpow2.f32 v6;
	v6 =	vld.idx.msk [tilespmem:v5+s31+$0x0 ss:$0x1], $0xffff  }
0x446: {  	(erf) = vpow2.f32 v4;
	v4 =	vld.idx.msk [tilespmem:v5+s1+$0x0 ss:$0x1], $0xffff;
	_ =	sdelay $0x3  }
0x447: {  	v6 =	vmul.f32 v6, v1  }
0x448: {  	v4 =	vmul.f32 v4, v1;
	v7 =	vpop (erf)  }
0x449: {  	v6 =	vadd.f32 v6, v3;
	(xrf2) =	vadd.scan.msk.f32 $0xffff, v7  }
0x44a: {  	s24 =	simm.s32 @!p1 $0x0;
	v4 =	vadd.f32 v4, v3  }
0x44b: {  	s23 =	sadd.f32 s24, s23;
	v7 =	vpop (erf);
	v6 =	vmul.f32 $1.442695020e+00, v6  }
0x44c: {  	s30 =	simm.s32 @!p3 $0x0;
	s10 =	simm.s32 $0x50;
	(xrf2) =	vadd.scan.msk.f32 $0xffff, v7;
	v7 =	vpop (erf);
	v4 =	vmul.f32 $1.442695020e+00, v4  }
0x44d: {  	s24 =	sadd.f32 s30, s23;
	s30 =	simm.s32 $0x60;
	v8 =	vld.idx.msk [tilespmem:v5+s10+$0x0 ss:$0x1], $0xffff;
	(erf) = vpow2.f32 v6;
	(xrf2) =	vadd.scan.msk.f32 $0xffff, v7  }
0x44e: {  	(erf) = vpow2.f32 v4;
	v4 =	vld.idx.msk [tilespmem:v5+s30+$0x0 ss:$0x1], $0xffff;
	_ =	sdelay $0x4  }
0x44f: {  	v6 =	vmul.f32 v8, v1;
	v8 =	vmul.f32 v4, v1;
	v9, _, _ =	vpop (xrf2)  }
0x450: {  	(v2sf) =	vpush v9, $0xF;
	_ =	sdelay $0x1  }
0x451: {  	v7, _, _ =	vpop (xrf2)  }
0x452: {  	s25 =	simm.s32 @!p2 $0x0;
	v12 =	vadd.f32 v8, v3;
	v8, _, _ =	vpop (xrf2);
	(v2sf) =	vpush v7, $0xF  }
0x453: {  	s0 =	sadd.f32 s25, s24;
	(v2sf) =	vpush v8, $0xF  }
0x454: {  	s26 =	simm.s32 @!p6 $0x0;
	v6 =	vadd.f32 v6, v3  }
0x455: {  	s0 =	sadd.f32 s26, s0;
	v10 =	vpop (erf)  }
0x456: {  	s29 =	simm.s32 @!p5 $0x0;
	v11 =	vmul.f32 $1.442695020e+00, v6;
	(xrf2) =	vadd.scan.msk.f32 $0xffff, v10  }
0x457: {  	s0 =	sadd.f32 s29, s0;
	v13 =	vpop (erf)  }
0x458: {  	s28 =	simm.s32 @!p4 $0x0;
	s31 =	simm.s32 $0x70;
	(erf) = vpow2.f32 v11;
	(xrf2) =	vadd.scan.msk.f32 $0xffff, v13  }
0x459: {  	s23 =	sadd.f32 s28, s0;
	v10 =	vld.idx.msk [tilespmem:v5+s31+$0x0 ss:$0x1], $0xffff;
	_ =	sdelay $0x1  }
0x45a: {  	v9 =	vadd.f32 s23, v9  }
0x45b: {  	v6 =	vimm.s32 $0x0;
	v4 =	vmov s22;
	s22 =	simm.s32 $0x200;
	v11 =	vmul.f32 $1.442695020e+00, v12  }
.LBB2_53:
0x45c: {  	s0 =	sshra.s32 s22, $0x2;
	p1 =	sne.s32 s22, $0x1F00;
	s22 =	sadd.s32 $0x40, s22;
	vm8 =	vlt.f32 v9, v4  }
.Ltmp37:
0x45d: {  	v9 =	vmul.f32 v10, v1;
	v10 =	vld.idx.msk [tilespmem:v5+s0+$0x0 ss:$0x1], $0xffff;
	(erf) = vpow2.f32 v11;
	s0 =	spop (v2sf);
	(pc) =	sbr.rel @p1 .LBB2_53-.Ltmp37, $4  }
0x45e: {  	v11 =	vmpcnt.ones.xlane vm8;
	s23 =	sadd.f32 s0, s23  }
0x45f: {  	v12 =	vadd.f32 v9, v3;
	v13, _, _ =	vpop (xrf2)  }
0x460: {  	v6 =	vadd.s32 v6, v11;
	v14 =	vpop (erf);
	(v2sf) =	vpush v13, $0xF;
	v9 =	vadd.f32 s23, v7  }
0x461: {  	v11 =	vmul.f32 $1.442695020e+00, v12;
	v7 =	vmovc v8;
	v8 =	vmov v13;
	(xrf2) =	vadd.scan.msk.f32 $0xffff, v14  }
0x462: {  	_ = 	snop  }
0x463: {  	(erf) = vpow2.f32 v11;
	_ =	sdelay $0x6  }
0x464: {  	v5 =	vpop (erf)  }
0x465: {  	(xrf2) =	vadd.scan.msk.f32 $0xffff, v5  }
0x466: {  	v52 =	vpop (erf)  }
0x467: {  	v53 =	vmul.f32 v10, v1;
	(xrf2) =	vadd.scan.msk.f32 $0xffff, v52;
	_ =	sdelay $0x1  }
0x468: {  	v3 =	vadd.f32 v53, v3;
	_ =	sdelay $0x1  }
0x469: {  	v54, _, _ =	vpop (xrf2);
	v3 =	vmul.f32 $1.442695020e+00, v3  }
0x46a: {  	(v2sf) =	vpush v54, $0xF  }
0x46b: {  	v55, _, _ =	vpop (xrf2)  }
0x46c: {  	(v2sf) =	vpush v55, $0xF  }
0x46d: {  	(erf) = vpow2.f32 v3;
	v3, _, _ =	vpop (xrf2)  }
0x46e: {  	(v2sf) =	vpush v3, $0xF  }
0x46f: {  	v56, _, _ =	vpop (xrf2)  }
0x470: {  	(v2sf) =	vpush v56, $0xF;
	_ =	sdelay $0x2  }
0x471: {  	s0 =	spop (v2sf)  }
0x472: {  	s0 =	sadd.f32 s0, s23  }
0x473: {  	s1 =	spop (v2sf)  }
0x474: {  	s1 =	sadd.f32 s1, s0;
	v12 =	vpop (erf)  }
0x475: {  	s10 =	spop (v2sf);
	(xrf2) =	vadd.scan.msk.f32 $0xffff, v12  }
0x476: {  	s10 =	sadd.f32 s10, s1  }
0x477: {  	s22 =	spop (v2sf)  }
0x478: {  	v7 =	vadd.f32 s0, v7;
	s23 =	sadd.f32 s22, s10  }
0x479: {  	vm8 =	vlt.f32 v9, v4;
	v8 =	vadd.f32 s1, v8;
	s24 =	spop (v2sf)  }
0x47a: {  	v9 =	vmpcnt.ones.xlane vm8;
	vm8 =	vlt.f32 v7, v4;
	s1 =	sadd.f32 s24, s23  }
0x47b: {  	v7 =	vmpcnt.ones.xlane vm8;
	vm8 =	vlt.f32 v8, v4;
	s25 =	spop (v2sf)  }
0x47c: {  	v6 =	vadd.s32 v6, v9;
	v58 =	vmpcnt.ones.xlane vm8;
	v57 =	vadd.f32 s10, v54;
	s26 =	sadd.f32 s25, s1  }
0x47d: {  	v6 =	vadd.s32 v6, v7;
	v5 =	vadd.f32 s23, v55;
	s28 =	spop (v2sf)  }
0x47e: {  	v6 =	vadd.s32 v6, v58;
	vm8 =	vlt.f32 v57, v4;
	v3 =	vadd.f32 s1, v3;
	s0 =	sadd.f32 s28, s26  }
0x47f: {  	v59 =	vmpcnt.ones.xlane vm8;
	vm8 =	vlt.f32 v5, v4;
	v60, _, _ =	vpop (xrf2);
	v61 =	vadd.f32 s26, v56  }
0x480: {  	v62 =	vmpcnt.ones.xlane vm8;
	vm8 =	vlt.f32 v3, v4;
	v3 =	vadd.f32 s0, v60  }
0x481: {  	v6 =	vadd.s32 v6, v59;
	v63 =	vmpcnt.ones.xlane vm8;
	vm8 =	vlt.f32 v61, v4  }
0x482: {  	v6 =	vadd.s32 v6, v62;
	v8 =	vmpcnt.ones.xlane vm8;
	vm8 =	vlt.f32 v3, v4  }
0x483: {  	v3 =	vadd.s32 v6, v63;
	v4 =	vmpcnt.ones.xlane vm8  }
0x484: {  	v3 =	vadd.s32 v3, v8  }
0x485: {  	v3 =	vadd.s32 v3, v4  }
0x486: {  	v3 =	vxor.u32 $0x80000000, v3  }
0x487: {  	(xrf0) =	vmax.scan.msk.u32 $0xffff, v3;
	_ =	sdelay $0x5  }
0x488: {  	(v2sf) =	vpush v60, $0xF;
	v3, _, _ =	vpop (xrf0)  }
0x489: {  	(v2sf) =	vpush v3, $0xF;
	_ =	sdelay $0xd  }
0x48a: {  	s0 =	smul.u32 $0x7D0, s21;
	s29 =	spop (v2sf)  }
0x48b: {  	s31 =	sld [smem:$0x7FD];
	s30 =	spop (v2sf)  }
0x48c: {  	s0 =	sadd.s32 s30, s0  }
0x48d: {  	p0 =	sgt.s32 s20, $0x31;
	s20 =	sadd.s32 $0x80000000, s0  }
0x48e: {  	s20 =	simm.s32 @p0 $0x186A0;
	p0 =	seq.s32 s31, $0x1  }
.LBB2_55:
0x48f: {  	s23 =	simm.s32 $0x0  }
0x490: {  	[tilespmem:s23], [sflag:$0x1] =	stream.strided.gather [hbm4b:s7+s12], $0x18700, s13, s12, $0x38;
	[tilespmem:$0x18B80] =	vst v63  }
0x491: {  	v2 =	vsel vm7, $0x0, v2;
	_ =	swait.ge [sflag:s11], $0x18700  }
0x492: {  	(xrf2) =	vadd.scan.msk.f32 $0xffff, v2;
	_ =	sdelay $0x9  }
0x493: {  	v2, _, _ =	vpop (xrf2)  }
0x494: {  	(v2sf) =	vpush v2, $0xF;
	_ =	sdelay $0xa  }
.Ltmp38:
0x495: {  	_ = 	snop;
	(pc) =	sbr.rel @!p0 .LBB2_56-.Ltmp38, $3  }
0x496: {  	_ =	sdelay $0x1  }
0x497: {  	[sflag:s11] =	ssyncset.done $0x0  }
0x498: {  	[sflag:s11] =	ssyncadd.s32 $0xFFFE7900;
	v2 =	vimm.f32 $-Inf;
	s21 =	spop (v2sf)  }
0x499: {  	s0 =	simm.s32 $0x20  }
0x49a: {  	v1 =	vld [tilespmem:s0+$0xFFFFFFE0];
	_ =	sdelay $0x2  }
0x49b: {  	v3 =	vld [tilespmem:s0+$0xFFFFFFF0];
	_ =	sdelay $0x1  }
0x49c: {  	s1 =	simm.s32 $0x0;
	v4 =	vld [tilespmem:s0+$0x0];
	vm8 =	vgt.f32 v1, v2  }
0x49d: {  	v5 =	vor.u32 s1, v0;
	v2 =	vsel vm8, v1, v2;
	v1 =	vimm.s32 $0x0  }
0x49e: {  	v5 =	vsel vm8, v5, v1;
	v1 =	vld [tilespmem:s0+$0x10]  }
0x49f: {  	s30 =	simm.s32 $0x10;
	vm9 =	vgt.f32 v3, v2  }
0x4a0: {  	s31 =	simm.s32 $0x20;
	v6 =	vor.u32 s30, v0;
	v7 =	vsel vm9, v3, v2;
	v2 =	vld [tilespmem:s0+$0x20]  }
0x4a1: {  	s17 =	simm.s32 $0x40;
	s21 =	simm.s32 $0x70;
	v8 =	vor.u32 s31, v0;
	v6 =	vsel vm9, v6, v5;
	vm8 =	vgt.f32 v4, v7  }
0x4a2: {  	s16 =	simm.s32 $0x90;
	s22 =	simm.s32 $0xE0;
	s23 =	simm.s32 $0x30;
	v3 =	vld [tilespmem:s21+$0xFFFFFFE0];
	v5 =	vsel vm8, v4, v7;
	v4 =	vsel vm8, v8, v6  }
.LBB2_63:
0x4a3: {  	p0 =	sne.s32 s22, $0x18690;
	vm8 =	vgt.f32 v1, v5;
	v6 =	vor.u32 s23, v0  }
0x4a4: {  	v7 =	vld [tilespmem:s21+$0xFFFFFFF0];
	v1 =	vsel vm8, v1, v5;
	v4 =	vsel vm8, v6, v4  }
0x4a5: {  	v5 =	vor.u32 s17, v0;
	s17 =	smov.u32 s16;
	s16 =	smov.u32 s22;
	vm8 =	vgt.f32 v2, v1  }
0x4a6: {  	s0 =	sadd.s32 $0xFFFFFFC0, s17;
	v6 =	vld [tilespmem:s21+$0x0];
	v1 =	vsel vm8, v2, v1;
	v2 =	vsel vm8, v5, v4  }
0x4a7: {  	v4 =	vor.u32 s0, v0;
	vm8 =	vgt.f32 v3, v1  }
.Ltmp39:
0x4a8: {  	s0 =	sadd.s32 $0xFFFFFFD0, s17;
	v3 =	vsel vm8, v3, v1;
	v2 =	vsel vm8, v4, v2;
	v1 =	vld [tilespmem:s21+$0x10];
	(pc) =	sbr.rel @p0 .LBB2_63-.Ltmp39, $4  }
0x4a9: {  	v4 =	vor.u32 s0, v0;
	vm8 =	vgt.f32 v7, v3  }
0x4aa: {  	s0 =	sadd.s32 $0xFFFFFFE0, s17;
	v5 =	vsel vm8, v7, v3;
	v4 =	vsel vm8, v4, v2;
	v2 =	vld [tilespmem:s21+$0x20]  }
0x4ab: {  	v7 =	vor.u32 s0, v0;
	s21 =	sadd.s32 $0x50, s21;
	vm8 =	vgt.f32 v6, v5  }
0x4ac: {  	s22 =	sadd.s32 $0x50, s22;
	s23 =	sadd.s32 $0xFFFFFFF0, s17;
	v3 =	vld [tilespmem:s21+$0xFFFFFFE0];
	v5 =	vsel vm8, v6, v5;
	v4 =	vsel vm8, v7, v4  }
0x4ad: {  	vm8 =	vgt.f32 v1, v5  }
0x4ae: {  	v6 =	vld [tilespmem:s21+$0xFFFFFFF0];
	v1 =	vsel vm8, v1, v5  }
0x4af: {  	vm9 =	vgt.f32 v2, v1  }
0x4b0: {  	v62 =	vld [tilespmem:s21+$0x0];
	v1 =	vsel vm9, v2, v1  }
0x4b1: {  	vm10 =	vgt.f32 v3, v1  }
0x4b2: {  	v2 =	vld [tilespmem:s21+$0x10];
	v1 =	vsel vm10, v3, v1  }
0x4b3: {  	vm11 =	vgt.f32 v6, v1  }
0x4b4: {  	v3 =	vld [tilespmem:s21+$0x20];
	v1 =	vsel vm11, v6, v1  }
0x4b5: {  	vm12 =	vgt.f32 v62, v1  }
0x4b6: {  	v1 =	vsel vm12, v62, v1  }
0x4b7: {  	vm13 =	vgt.f32 v2, v1  }
0x4b8: {  	v1 =	vsel vm13, v2, v1  }
0x4b9: {  	vm14 =	vgt.f32 v3, v1  }
0x4ba: {  	v1 =	vsel vm14, v3, v1  }
0x4bb: {  	(xrf0) =	vmax.scan.msk.f32 $0xffff, v1  }
0x4bc: {  	v2 =	vor.u32 s23, v0  }
0x4bd: {  	s0 =	sadd.s32 $0xFFFFFFC0, s16;
	v2 =	vsel vm8, v2, v4;
	v3 =	vor.u32 s17, v0  }
0x4be: {  	s28 =	sadd.s32 $0xFFFFFFD0, s16;
	v2 =	vsel vm9, v3, v2;
	v3 =	vor.u32 s0, v0  }
0x4bf: {  	s29 =	sadd.s32 $0xFFFFFFE0, s16;
	v2 =	vsel vm10, v3, v2;
	v3 =	vor.u32 s28, v0  }
0x4c0: {  	s30 =	sadd.s32 $0xFFFFFFF0, s16;
	v2 =	vsel vm11, v3, v2;
	v3 =	vor.u32 s29, v0  }
0x4c1: {  	v2 =	vsel vm12, v3, v2;
	v3 =	vor.u32 s30, v0;
	v63, _, _ =	vpop (xrf0)  }
0x4c2: {  	v2 =	vsel vm13, v3, v2;
	v3 =	vor.u32 s16, v0;
	v4 =	vbroadcast v63, $0xF  }
0x4c3: {  	v2 =	vsel vm14, v3, v2  }
0x4c4: {  	vm8 =	veq.f32 v1, v4;
	v1 =	vxor.u32 $0x80000000, v2  }
0x4c5: {  	v1 =	vnsel vm8, $0x800186A0, v1  }
0x4c6: {  	(xrf0) =	vmin.scan.msk.u32 $0xffff, v1;
	_ =	sdelay $0x5  }
0x4c7: {  	v1, _, _ =	vpop (xrf0)  }
0x4c8: {  	(v2sf) =	vpush v1, $0xF;
	_ =	sdelay $0xb  }
.Ltmp40:
0x4c9: {  	_ = 	snop;
	(pc) =	sbr.rel .LBB2_73-.Ltmp40, $3  }
0x4ca: {  	_ =	sdelay $0x1  }
0x4cb: {  	s31 =	spop (v2sf)  }
0x4cc: {  	s16 =	sxor.u32 $0x80000000, s31  }
.LBB2_56:
0x4cd: {  	s22 =	simm.s32 $0x50  }
0x4ce: {  	v19 =	vld [tilespmem:s22+$0xFFFFFFB0]  }
0x4cf: {  	v6 =	vld [tilespmem:s22+$0x0]  }
0x4d0: {  	v5 =	vld [tilespmem:s22+$0x10]  }
0x4d1: {  	v3 =	vld [tilespmem:s22+$0x20]  }
0x4d2: {  	v20 =	vld [tilespmem:s22+$0xFFFFFFC0]  }
0x4d3: {  	v7 =	vimm.f32 $+Inf;
	v17 =	vld [tilespmem:s22+$0xFFFFFFD0]  }
0x4d4: {  	s0 =	sand.u32 $0x3FFE0, s23;
	v16 =	vimm.f32 $+Inf;
	v13 =	vimm.f32 $-Inf;
	v14 =	vimm.f32 $+Inf;
	v9 =	vld [tilespmem:s22+$0xFFFFFFE0]  }
0x4d5: {  	v15 =	vimm.f32 $-Inf;
	v10 =	vimm.f32 $+Inf;
	v8 =	vld [tilespmem:s0+$0x80];
	v4 =	vmax.f32 v2, v19  }
0x4d6: {  	s23 =	simm.s32 $0xA0;
	v11 =	vimm.f32 $-Inf;
	v12 =	vimm.f32 $+Inf;
	v18 =	vld [tilespmem:s22+$0xFFFFFFF0];
	v4 =	vmax.f32 v4, v6  }
.LBB2_57:
0x4d7: {  	p0 =	sne.s32 s23, $0x18600;
	v7 =	vmin.f32 v7, v19;
	v2 =	vmax.f32 v2, v20;
	v16 =	vmin.f32 v16, v20;
	v21 =	vld [tilespmem:s22+$0x40];
	s22 =	sadd.s32 $0xA0, s22  }
0x4d8: {  	v7 =	vmin.f32 v7, v6;
	v6 =	vld [tilespmem:s22+$0x0];
	v2 =	vmax.f32 v2, v5;
	v16 =	vmin.f32 v16, v5  }
0x4d9: {  	v13 =	vmax.f32 v13, v17;
	v14 =	vmin.f32 v14, v17;
	v5 =	vld [tilespmem:s22+$0x10];
	v15 =	vmax.f32 v15, v9  }
0x4da: {  	v13 =	vmax.f32 v13, v3;
	v14 =	vmin.f32 v14, v3;
	v19 =	vld [tilespmem:s22+$0xFFFFFFB0];
	v15 =	vmax.f32 v15, v8  }
0x4db: {  	v9 =	vmin.f32 v10, v9;
	v3 =	vld [tilespmem:s22+$0x20];
	v11 =	vmax.f32 v11, v18;
	v12 =	vmin.f32 v12, v18  }
.Ltmp41:
0x4dc: {  	v10 =	vmin.f32 v9, v8;
	v20 =	vld [tilespmem:s22+$0xFFFFFFC0];
	v11 =	vmax.f32 v11, v21;
	v12 =	vmin.f32 v12, v21;
	(pc) =	sbr.rel @p0 .LBB2_57-.Ltmp41, $4  }
0x4dd: {  	v17 =	vld [tilespmem:s22+$0xFFFFFFD0]  }
0x4de: {  	s0 =	sand.u32 $0x3FFE0, s23;
	v9 =	vld [tilespmem:s22+$0xFFFFFFE0]  }
0x4df: {  	v4 =	vmax.f32 v4, v19;
	v8 =	vld [tilespmem:s0+$0x80]  }
0x4e0: {  	s23 =	sadd.s32 $0xA0, s23;
	v18 =	vld [tilespmem:s22+$0xFFFFFFF0];
	v4 =	vmax.f32 v4, v6  }
0x4e1: {  	v7 =	vmin.f32 v7, v19  }
0x4e2: {  	v2 =	vmax.f32 v2, v20;
	v16 =	vmin.f32 v16, v20;
	v6 =	vmin.f32 v7, v6  }
0x4e3: {  	v7 =	vld [tilespmem:s22+$0x40];
	v2 =	vmax.f32 v2, v5;
	v5 =	vmin.f32 v16, v5;
	v13 =	vmax.f32 v13, v17  }
0x4e4: {  	v14 =	vmin.f32 v14, v17;
	v15 =	vmax.f32 v15, v9;
	v13 =	vmax.f32 v13, v3  }
0x4e5: {  	v3 =	vmin.f32 v14, v3;
	v61 =	vmin.f32 v10, v9;
	v2 =	vmax.f32 v4, v2  }
0x4e6: {  	v5 =	vmin.f32 v6, v5;
	v60 =	vmax.f32 v15, v8;
	v4 =	vmin.f32 v61, v8  }
0x4e7: {  	v2 =	vmax.f32 v2, v13;
	v3 =	vmin.f32 v5, v3;
	v62 =	vmax.f32 v11, v18  }
0x4e8: {  	v63 =	vmin.f32 v12, v18;
	v2 =	vmax.f32 v2, v60;
	v6 =	vmax.f32 v62, v7  }
0x4e9: {  	v3 =	vmin.f32 v3, v4;
	v5 =	vmin.f32 v63, v7;
	v2 =	vmax.f32 v2, v6  }
0x4ea: {  	v3 =	vmin.f32 v3, v5;
	(xrf0) =	vmax.scan.msk.f32 $0xffff, v2  }
0x4eb: {  	(xrf0) =	vmin.scan.msk.f32 $0xffff, v3;
	_ =	sdelay $0x4  }
0x4ec: {  	v2, _, _ =	vpop (xrf0)  }
0x4ed: {  	(v2sf) =	vpush v2, $0xF;
	v2, _, _ =	vpop (xrf0)  }
0x4ee: {  	(v2sf) =	vpush v2, $0xF;
	_ =	sdelay $0xd  }
0x4ef: {  	s0 =	spop (v2sf)  }
0x4f0: {  	s0 =	smul.f32 s0, s16;
	s1 =	spop (v2sf)  }
0x4f1: {  	p0 =	sgt.f32 s17, $5.000000000e-01;
	s1 =	smul.f32 s1, s16  }
.Ltmp42:
0x4f2: {  	_ = 	snop;
	(pc) =	sbr.rel @!p0 .LBB2_65-.Ltmp42, $3  }
0x4f3: {  	s0 =	smax.f32 s0, s1  }
0x4f4: {  	s0 =	ssub.f32 $0.0e+00, s0;
	_ =	sdelay $0x1  }
0x4f5: {  	s17 =	simm.s32 $0x20;
	v4 =	vimm.f32 $0.0e+00;
	v3 =	vimm.f32 $0.0e+00;
	s16 =	simm.s32 $0x0;
	v2 =	vmov s0  }
.LBB2_59:
0x4f6: {  	v5 =	vmov s17;
	_ =	sdelay $0x3  }
0x4f7: {  	s0 =	simm.s32 $0x0  }
0x4f8: {  	v6 =	vld.idx.msk [tilespmem:v5+s0+$0x20 ss:$0x1], $0xffff;
	_ =	sdelay $0x1  }
0x4f9: {  	v7 =	vld.idx.msk [tilespmem:v5+s0+$0xFFFFFFE0 ss:$0x1], $0xffff  }
0x4fa: {  	v8 =	vld.idx.msk [tilespmem:v5+s0+$0xFFFFFFF0 ss:$0x1], $0xffff  }
0x4fb: {  	v9 =	vld.idx.msk [tilespmem:v5+s0+$0x0 ss:$0x1], $0xffff  }
0x4fc: {  	s30 =	simm.s32 $0x50;
	v10 =	vld.idx.msk [tilespmem:v5+s0+$0x10 ss:$0x1], $0xffff;
	v6 =	vadd.f32 v6, v2  }
0x4fd: {  	v11 =	vld.idx.msk [tilespmem:v5+s30+$0x20 ss:$0x1], $0xffff  }
0x4fe: {  	v12 =	vld.idx.msk [tilespmem:v5+s30+$0xFFFFFFE0 ss:$0x1], $0xffff;
	v7 =	vadd.f32 v7, v2;
	v6 =	vmul.f32 $1.442695020e+00, v6  }
0x4ff: {  	v13 =	vld.idx.msk [tilespmem:v5+s30+$0xFFFFFFF0 ss:$0x1], $0xffff;
	v8 =	vadd.f32 v8, v2  }
0x500: {  	v7 =	vmul.f32 $1.442695020e+00, v7;
	(erf) = vpow2.f32 v6;
	v6 =	vadd.f32 v9, v2  }
0x501: {  	v10 =	vadd.f32 v10, v2;
	v8 =	vmul.f32 $1.442695020e+00, v8;
	v9 =	vld.idx.msk [tilespmem:v5+s30+$0x0 ss:$0x1], $0xffff  }
0x502: {  	(erf) = vpow2.f32 v7;
	v6 =	vmul.f32 $1.442695020e+00, v6  }
0x503: {  	v14 =	vld.idx.msk [tilespmem:v5+s30+$0x10 ss:$0x1], $0xffff;
	v10 =	vmul.f32 $1.442695020e+00, v10;
	v7 =	vadd.f32 v11, v2;
	(erf) = vpow2.f32 v8  }
0x504: {  	v11 =	vadd.f32 v12, v2;
	(erf) = vpow2.f32 v6;
	v6 =	vadd.f32 v13, v2  }
0x505: {  	s31 =	simm.s32 $0xA0;
	v7 =	vmul.f32 $1.442695020e+00, v7;
	(erf) = vpow2.f32 v10  }
0x506: {  	v8 =	vld.idx.msk [tilespmem:v5+s31+$0x20 ss:$0x1], $0xffff;
	v10 =	vmul.f32 $1.442695020e+00, v11;
	v9 =	vadd.f32 v9, v2;
	v6 =	vmul.f32 $1.442695020e+00, v6  }
0x507: {  	(erf) = vpow2.f32 v7  }
0x508: {  	v12 =	vadd.f32 v14, v2;
	v11 =	vld.idx.msk [tilespmem:v5+s31+$0xFFFFFFE0 ss:$0x1], $0xffff;
	v7 =	vmul.f32 $1.442695020e+00, v9;
	(erf) = vpow2.f32 v10  }
0x509: {  	v15 =	vld.idx.msk [tilespmem:v5+s31+$0xFFFFFFF0 ss:$0x1], $0xffff;
	(erf) = vpow2.f32 v6  }
0x50a: {  	v16 =	vmul.f32 $1.442695020e+00, v12;
	v13 =	vld.idx.msk [tilespmem:v5+s31+$0x0 ss:$0x1], $0xffff;
	v6 =	vpop (erf);
	(erf) = vpow2.f32 v7  }
0x50b: {  	v14 =	vld.idx.msk [tilespmem:v5+s31+$0x10 ss:$0x1], $0xffff;
	v17 =	vadd.f32 v8, v2;
	v9 =	vimm.f32 $0.0e+00;
	v10 =	vimm.f32 $0.0e+00  }
0x50c: {  	s22 =	simm.s32 $0xF0;
	s23 =	simm.s32 $0x500;
	v8 =	vimm.f32 $0.0e+00;
	v7 =	vimm.f32 $0.0e+00;
	v6 =	vadd.f32 v6, v4;
	v12 =	vpop (erf)  }
.LBB2_60:
0x50d: {  	p0 =	sne.s32 s23, $0x1E00;
	v18 =	vld.idx.msk [tilespmem:v5+s22+$0x20 ss:$0x1], $0xffff;
	v19 =	vadd.f32 v11, v2;
	(erf) = vpow2.f32 v16;
	v7 =	vadd.f32 v12, v7;
	v12 =	vpop (erf)  }
0x50e: {  	v16 =	vadd.f32 v15, v2;
	v11 =	vld.idx.msk [tilespmem:v5+s22+$0xFFFFFFE0 ss:$0x1], $0xffff;
	v17 =	vmul.f32 $1.442695020e+00, v17;
	v9 =	vadd.f32 v12, v9;
	v12 =	vpop (erf)  }
.Ltmp43:
0x50f: {  	v20 =	vadd.f32 v13, v2;
	v15 =	vld.idx.msk [tilespmem:v5+s22+$0xFFFFFFF0 ss:$0x1], $0xffff;
	v19 =	vmul.f32 $1.442695020e+00, v19;
	v10 =	vadd.f32 v12, v10;
	v12 =	vpop (erf);
	(pc) =	sbr.rel @p0 .LBB2_60-.Ltmp43, $4  }
0x510: {  	v21 =	vmul.f32 $1.442695020e+00, v16;
	v16 =	vadd.f32 v14, v2;
	v13 =	vld.idx.msk [tilespmem:v5+s22+$0x0 ss:$0x1], $0xffff;
	(erf) = vpow2.f32 v17  }
0x511: {  	v20 =	vmul.f32 $1.442695020e+00, v20;
	v8 =	vadd.f32 v12, v8;
	v14 =	vld.idx.msk [tilespmem:v5+s22+$0x10 ss:$0x1], $0xffff;
	(erf) = vpow2.f32 v19  }
0x512: {  	v16 =	vmul.f32 $1.442695020e+00, v16;
	(erf) = vpow2.f32 v21;
	v12 =	vpop (erf)  }
0x513: {  	s22 =	sshra.s32 s23, $0x2;
	s23 =	sadd.s32 $0x140, s23;
	v17 =	vadd.f32 v18, v2;
	(erf) = vpow2.f32 v20;
	v6 =	vadd.f32 v12, v6;
	v12 =	vpop (erf)  }
0x514: {  	_ =	sdelay $0x3  }
0x515: {  	v18 =	vld.idx.msk [tilespmem:v5+s22+$0x20 ss:$0x1], $0xffff  }
0x516: {  	v11 =	vadd.f32 v11, v2;
	v19 =	vld.idx.msk [tilespmem:v5+s22+$0xFFFFFFE0 ss:$0x1], $0xffff  }
0x517: {  	v15 =	vadd.f32 v15, v2;
	v20 =	vld.idx.msk [tilespmem:v5+s22+$0xFFFFFFF0 ss:$0x1], $0xffff;
	v17 =	vmul.f32 $1.442695020e+00, v17  }
0x518: {  	(erf) = vpow2.f32 v16;
	v41 =	vld.idx.msk [tilespmem:v5+s22+$0x0 ss:$0x1], $0xffff;
	v13 =	vadd.f32 v13, v2;
	v11 =	vmul.f32 $1.442695020e+00, v11  }
0x519: {  	v5 =	vld.idx.msk [tilespmem:v5+s22+$0x10 ss:$0x1], $0xffff;
	v15 =	vmul.f32 $1.442695020e+00, v15;
	v14 =	vadd.f32 v14, v2;
	(erf) = vpow2.f32 v17  }
0x51a: {  	v42 =	vpop (erf);
	v13 =	vmul.f32 $1.442695020e+00, v13;
	(erf) = vpow2.f32 v11  }
0x51b: {  	v44 =	vpop (erf);
	v14 =	vmul.f32 $1.442695020e+00, v14;
	v43 =	vadd.f32 v18, v2;
	(erf) = vpow2.f32 v15  }
0x51c: {  	v46 =	vpop (erf);
	v45 =	vadd.f32 v19, v2;
	v47 =	vadd.f32 v20, v2;
	(erf) = vpow2.f32 v13  }
0x51d: {  	v48 =	vpop (erf);
	v50 =	vadd.f32 v41, v2;
	v11 =	vmul.f32 $1.442695020e+00, v43;
	(erf) = vpow2.f32 v14  }
0x51e: {  	v5 =	vadd.f32 v5, v2;
	v49 =	vmul.f32 $1.442695020e+00, v45;
	v13 =	vmul.f32 $1.442695020e+00, v47  }
0x51f: {  	v51 =	vpop (erf);
	v15 =	vmul.f32 $1.442695020e+00, v50;
	(erf) = vpow2.f32 v11  }
0x520: {  	v52 =	vpop (erf);
	v5 =	vmul.f32 $1.442695020e+00, v5;
	(erf) = vpow2.f32 v49  }
0x521: {  	v53 =	vpop (erf);
	(erf) = vpow2.f32 v13  }
0x522: {  	v54 =	vpop (erf);
	(erf) = vpow2.f32 v15  }
0x523: {  	v55 =	vpop (erf);
	(erf) = vpow2.f32 v5  }
0x524: {  	v5 =	vpop (erf)  }
0x525: {  	v7 =	vadd.f32 v12, v7;
	v56 =	vpop (erf)  }
0x526: {  	v9 =	vadd.f32 v42, v9;
	v10 =	vadd.f32 v44, v10;
	v57 =	vpop (erf)  }
0x527: {  	v8 =	vadd.f32 v46, v8;
	v6 =	vadd.f32 v48, v6;
	v58 =	vpop (erf)  }
0x528: {  	v7 =	vadd.f32 v51, v7;
	v9 =	vadd.f32 v52, v9;
	v59 =	vpop (erf)  }
0x529: {  	v10 =	vadd.f32 v53, v10;
	v8 =	vadd.f32 v54, v8;
	v60 =	vpop (erf)  }
0x52a: {  	v5 =	vadd.f32 v5, v7;
	v7 =	vadd.f32 v56, v9;
	v61 =	vpop (erf)  }
0x52b: {  	v10 =	vadd.f32 v57, v10;
	v8 =	vadd.f32 v58, v8;
	v62 =	vpop (erf)  }
0x52c: {  	v5 =	vadd.f32 v60, v5;
	v7 =	vadd.f32 v61, v7;
	v63 =	vpop (erf)  }
0x52d: {  	v10 =	vadd.f32 v62, v10;
	v8 =	vadd.f32 v63, v8  }
0x52e: {  	v6 =	vadd.f32 v55, v6  }
0x52f: {  	s0 =	sshll.u32 s16, $0x4;
	s16 =	sadd.s32 $0x1, s16;
	v5 =	vadd.f32 v7, v5;
	v7 =	vadd.f32 v8, v10  }
0x530: {  	p0 =	seq.s32 s16, $0x32  }
.Ltmp44:
0x531: {  	v6 =	vadd.f32 v59, v6;
	v5 =	vadd.f32 v7, v5;
	(pc) =	sbr.rel @!p0 .LBB2_59-.Ltmp44, $4  }
.Ltmp45:
0x532: {  	_ = 	snop;
	(pc) =	sbr.rel @p0 .LBB2_68-.Ltmp45, $4  }
0x533: {  	v5 =	vadd.f32 v5, v6  }
0x534: {  	s0 =	sand.u32 $0x3FFFFFF0, s0  }
0x535: {  	s17 =	sadd.s32 $0x7D0, s17;
	[tilespmem:s0+$0x18700] =	vst v5;
	v3 =	vadd.f32 v5, v3  }
0x536: {  	_ = 	snop  }
.LBB2_65:
0x537: {  	v5 =	vmov s17;
	_ =	sdelay $0x3  }
0x538: {  	s0 =	simm.s32 $0x0  }
0x539: {  	v4 =	vld.idx.msk [tilespmem:v5+s0+$0x20 ss:$0x1], $0xffff  }
0x53a: {  	v6 =	vld.idx.msk [tilespmem:v5+s0+$0xFFFFFFE0 ss:$0x1], $0xffff  }
0x53b: {  	v7 =	vld.idx.msk [tilespmem:v5+s0+$0xFFFFFFF0 ss:$0x1], $0xffff  }
0x53c: {  	v8 =	vld.idx.msk [tilespmem:v5+s0+$0x0 ss:$0x1], $0xffff;
	_ =	sdelay $0x1  }
0x53d: {  	v9 =	vld.idx.msk [tilespmem:v5+s0+$0x10 ss:$0x1], $0xffff;
	v4 =	vmul.f32 v4, v1  }
0x53e: {  	v6 =	vmul.f32 v6, v1  }
0x53f: {  	s31 =	simm.s32 $0x50;
	v7 =	vmul.f32 v7, v1;
	v4 =	vadd.f32 v4, v2  }
0x540: {  	v10 =	vld.idx.msk [tilespmem:v5+s31+$0x20 ss:$0x1], $0xffff;
	v8 =	vmul.f32 v8, v1;
	v6 =	vadd.f32 v6, v2  }
0x541: {  	v11 =	vld.idx.msk [tilespmem:v5+s31+$0xFFFFFFE0 ss:$0x1], $0xffff;
	v7 =	vadd.f32 v7, v2;
	v4 =	vmul.f32 $1.442695020e+00, v4  }
0x542: {  	v13 =	vld.idx.msk [tilespmem:v5+s31+$0xFFFFFFF0 ss:$0x1], $0xffff;
	v9 =	vmul.f32 v9, v1;
	v8 =	vadd.f32 v8, v2;
	v6 =	vmul.f32 $1.442695020e+00, v6  }
0x543: {  	v7 =	vmul.f32 $1.442695020e+00, v7;
	(erf) = vpow2.f32 v4  }
0x544: {  	v9 =	vadd.f32 v9, v2;
	v4 =	vmul.f32 $1.442695020e+00, v8;
	(erf) = vpow2.f32 v6  }
0x545: {  	(erf) = vpow2.f32 v7;
	v7 =	vmul.f32 v10, v1;
	v10 =	vld.idx.msk [tilespmem:v5+s31+$0x0 ss:$0x1], $0xffff  }
0x546: {  	v12 =	vmul.f32 v11, v1;
	v11 =	vld.idx.msk [tilespmem:v5+s31+$0x10 ss:$0x1], $0xffff;
	v6 =	vmul.f32 $1.442695020e+00, v9  }
0x547: {  	v14 =	vmul.f32 v13, v1;
	v8 =	vimm.f32 $0.0e+00;
	(erf) = vpow2.f32 v4  }
0x548: {  	v9 =	vimm.f32 $0.0e+00;
	v4 =	vimm.f32 $0.0e+00;
	(erf) = vpow2.f32 v6  }
0x549: {  	s23 =	simm.s32 $0xA0;
	s22 =	simm.s32 $0x3C0;
	v13 =	vadd.f32 v7, v2;
	v6 =	vimm.f32 $0.0e+00;
	v7 =	vimm.f32 $0.0e+00  }
.LBB2_66:
0x54a: {  	p0 =	sne.s32 s22, $0x1E00;
	v15 =	vld.idx.msk [tilespmem:v5+s23+$0x20 ss:$0x1], $0xffff;
	v12 =	vadd.f32 v12, v2;
	v10 =	vmul.f32 v10, v1  }
0x54b: {  	v11 =	vmul.f32 v11, v1;
	v16 =	vld.idx.msk [tilespmem:v5+s23+$0xFFFFFFE0 ss:$0x1], $0xffff;
	v14 =	vadd.f32 v14, v2;
	v20 =	vmul.f32 $1.442695020e+00, v13  }
0x54c: {  	v17 =	vld.idx.msk [tilespmem:v5+s23+$0xFFFFFFF0 ss:$0x1], $0xffff;
	v21 =	vmul.f32 $1.442695020e+00, v12;
	v18 =	vadd.f32 v10, v2  }
0x54d: {  	v19 =	vadd.f32 v11, v2;
	v10 =	vld.idx.msk [tilespmem:v5+s23+$0x0 ss:$0x1], $0xffff;
	v22 =	vmul.f32 $1.442695020e+00, v14;
	(erf) = vpow2.f32 v20;
	v13 =	vpop (erf)  }
.Ltmp46:
0x54e: {  	v11 =	vld.idx.msk [tilespmem:v5+s23+$0x10 ss:$0x1], $0xffff;
	v18 =	vmul.f32 $1.442695020e+00, v18;
	(erf) = vpow2.f32 v21;
	v6 =	vadd.f32 v13, v6;
	v12 =	vpop (erf);
	(pc) =	sbr.rel @p0 .LBB2_66-.Ltmp46, $4  }
0x54f: {  	v13 =	vmul.f32 $1.442695020e+00, v19;
	(erf) = vpow2.f32 v22;
	v4 =	vadd.f32 v12, v4;
	v12 =	vpop (erf)  }
0x550: {  	v15 =	vmul.f32 v15, v1;
	(erf) = vpow2.f32 v18;
	v9 =	vadd.f32 v12, v9;
	v14 =	vpop (erf)  }
0x551: {  	v12 =	vmul.f32 v16, v1;
	(erf) = vpow2.f32 v13;
	v7 =	vadd.f32 v14, v7;
	v16 =	vpop (erf)  }
0x552: {  	s23 =	sshra.s32 s22, $0x2;
	s22 =	sadd.s32 $0x140, s22;
	v14 =	vmul.f32 v17, v1;
	v13 =	vadd.f32 v15, v2;
	v8 =	vadd.f32 v16, v8  }
0x553: {  	_ =	sdelay $0x3  }
0x554: {  	v15 =	vld.idx.msk [tilespmem:v5+s23+$0x20 ss:$0x1], $0xffff  }
0x555: {  	v10 =	vmul.f32 v10, v1;
	v16 =	vld.idx.msk [tilespmem:v5+s23+$0xFFFFFFE0 ss:$0x1], $0xffff  }
0x556: {  	v12 =	vadd.f32 v12, v2;
	v11 =	vmul.f32 v11, v1;
	v17 =	vld.idx.msk [tilespmem:v5+s23+$0xFFFFFFF0 ss:$0x1], $0xffff;
	v14 =	vadd.f32 v14, v2  }
0x557: {  	v18 =	vld.idx.msk [tilespmem:v5+s23+$0x0 ss:$0x1], $0xffff;
	v13 =	vmul.f32 $1.442695020e+00, v13;
	v10 =	vadd.f32 v10, v2  }
0x558: {  	v5 =	vld.idx.msk [tilespmem:v5+s23+$0x10 ss:$0x1], $0xffff;
	v12 =	vmul.f32 $1.442695020e+00, v12;
	v11 =	vadd.f32 v11, v2;
	v14 =	vmul.f32 $1.442695020e+00, v14  }
0x559: {  	(erf) = vpow2.f32 v13;
	v10 =	vmul.f32 $1.442695020e+00, v10  }
0x55a: {  	(erf) = vpow2.f32 v12;
	v11 =	vmul.f32 $1.442695020e+00, v11  }
0x55b: {  	v44 =	vmul.f32 v15, v1;
	v45 =	vmul.f32 v16, v1  }
0x55c: {  	(erf) = vpow2.f32 v14;
	v46 =	vmul.f32 v17, v1  }
0x55d: {  	v48 =	vmul.f32 v18, v1;
	v5 =	vmul.f32 v5, v1;
	v12 =	vadd.f32 v44, v2  }
0x55e: {  	(erf) = vpow2.f32 v10;
	v47 =	vadd.f32 v45, v2;
	v14 =	vadd.f32 v46, v2  }
0x55f: {  	v49 =	vpop (erf);
	(erf) = vpow2.f32 v11;
	v50 =	vadd.f32 v48, v2;
	v12 =	vmul.f32 $1.442695020e+00, v12  }
0x560: {  	v5 =	vadd.f32 v5, v2;
	v10 =	vmul.f32 $1.442695020e+00, v47;
	v14 =	vmul.f32 $1.442695020e+00, v14  }
0x561: {  	v51 =	vpop (erf);
	v11 =	vmul.f32 $1.442695020e+00, v50;
	(erf) = vpow2.f32 v12  }
0x562: {  	v52 =	vpop (erf);
	v5 =	vmul.f32 $1.442695020e+00, v5;
	(erf) = vpow2.f32 v10  }
0x563: {  	v53 =	vpop (erf);
	(erf) = vpow2.f32 v14  }
0x564: {  	v54 =	vpop (erf);
	(erf) = vpow2.f32 v11  }
0x565: {  	v55 =	vpop (erf);
	(erf) = vpow2.f32 v5  }
0x566: {  	v5 =	vpop (erf)  }
0x567: {  	v56 =	vpop (erf)  }
0x568: {  	v57 =	vpop (erf)  }
0x569: {  	v6 =	vadd.f32 v49, v6;
	v58 =	vpop (erf)  }
0x56a: {  	v4 =	vadd.f32 v51, v4;
	v9 =	vadd.f32 v52, v9;
	v59 =	vpop (erf)  }
0x56b: {  	v7 =	vadd.f32 v53, v7;
	v8 =	vadd.f32 v54, v8;
	v60 =	vpop (erf)  }
0x56c: {  	v4 =	vadd.f32 v5, v4;
	v5 =	vadd.f32 v56, v9;
	v61 =	vpop (erf)  }
0x56d: {  	v7 =	vadd.f32 v57, v7;
	v8 =	vadd.f32 v58, v8;
	v62 =	vpop (erf)  }
0x56e: {  	v4 =	vadd.f32 v60, v4;
	v5 =	vadd.f32 v61, v5;
	v63 =	vpop (erf)  }
0x56f: {  	v7 =	vadd.f32 v62, v7;
	v8 =	vadd.f32 v63, v8  }
0x570: {  	v6 =	vadd.f32 v55, v6  }
0x571: {  	s0 =	sshll.u32 s16, $0x4;
	s16 =	sadd.s32 $0x1, s16;
	v4 =	vadd.f32 v5, v4;
	v5 =	vadd.f32 v8, v7  }
0x572: {  	p0 =	sne.s32 s16, $0x32  }
.Ltmp47:
0x573: {  	v6 =	vadd.f32 v59, v6;
	v4 =	vadd.f32 v5, v4;
	(pc) =	sbr.rel @p0 .LBB2_65-.Ltmp47, $4  }
0x574: {  	_ = 	snop  }
0x575: {  	v4 =	vadd.f32 v4, v6  }
0x576: {  	s0 =	sand.u32 $0x3FFFFFF0, s0  }
0x577: {  	s17 =	sadd.s32 $0x7D0, s17;
	[tilespmem:s0+$0x18700] =	vst v4;
	v3 =	vadd.f32 v4, v3  }
.LBB2_68:
0x578: {  	s0 =	simm.s32 $0x0  }
0x579: {  	v4 =	vld [tilespmem:s0+$0x18700];
	_ =	sdelay $0x3  }
0x57a: {  	(xrf2) =	vadd.scan.msk.f32 $0xffff, v3  }
0x57b: {  	(xrf2) =	vadd.scan.msk.f32 $0xffff, v4;
	_ =	sdelay $0x7  }
0x57c: {  	s25 =	simm.s32 $0x10  }
0x57d: {  	v4 =	vld [tilespmem:s25+$0x18700];
	v3, _, _ =	vpop (xrf2)  }
0x57e: {  	s26 =	simm.s32 $0x20;
	(v2sf) =	vpush v3, $0xF;
	v3, _, _ =	vpop (xrf2)  }
0x57f: {  	s28 =	simm.s32 $0x30;
	(v2sf) =	vpush v3, $0xF;
	v3 =	vld [tilespmem:s26+$0x18700]  }
0x580: {  	v5 =	vld [tilespmem:s28+$0x18700];
	_ =	sdelay $0x1  }
0x581: {  	(xrf2) =	vadd.scan.msk.f32 $0xffff, v4;
	_ =	sdelay $0x1  }
0x582: {  	(xrf2) =	vadd.scan.msk.f32 $0xffff, v3  }
0x583: {  	(xrf2) =	vadd.scan.msk.f32 $0xffff, v5;
	_ =	sdelay $0x6  }
0x584: {  	v4, _, _ =	vpop (xrf2)  }
0x585: {  	s30 =	spop (v2sf);
	(v2sf) =	vpush v4, $0xF  }
0x586: {  	s29 =	simm.s32 $0x40;
	v4, _, _ =	vpop (xrf2)  }
0x587: {  	v3 =	vld [tilespmem:s29+$0x18700];
	s23 =	spop (v2sf);
	(v2sf) =	vpush v4, $0xF;
	v4, _, _ =	vpop (xrf2)  }
0x588: {  	(v2sf) =	vpush v4, $0xF;
	_ =	sdelay $0x2  }
0x589: {  	s31 =	simm.s32 $0x50  }
0x58a: {  	(xrf2) =	vadd.scan.msk.f32 $0xffff, v3;
	v3 =	vld [tilespmem:s31+$0x18700]  }
0x58b: {  	s22 =	simm.f32 $0.0e+00  }
0x58c: {  	s21 =	smul.f32 s30, s21;
	s17 =	sadd.f32 s23, s22  }
0x58d: {  	_ = 	snop  }
0x58e: {  	s16 =	simm.s32 $0x0;
	s24 =	simm.s32 $0x180;
	p0 =	slt.f32 s17, s21  }
.LBB2_69:
0x58f: {  	s0 =	sshra.s32 s24, $0x2;
	p1 =	sne.s32 s24, $0xC40;
	s24 =	sadd.s32 $0x40, s24;
	(xrf2) =	vadd.scan.msk.f32 $0xffff, v3  }
0x590: {  	s1 =	smov.u32 s23;
	v3 =	vld [tilespmem:s0+$0x18700];
	s0 =	simm.s32 $0x1  }
.Ltmp48:
0x591: {  	s1 =	simm.s32 @!p0 $0x0;
	s0 =	simm.s32 @!p0 $0x0;
	(pc) =	sbr.rel @p1 .LBB2_69-.Ltmp48, $4  }
0x592: {  	s22 =	sadd.f32 s1, s22;
	s23 =	spop (v2sf);
	s16 =	sadd.s32 s0, s16  }
0x593: {  	s17 =	sadd.f32 s23, s17  }
0x594: {  	v4, _, _ =	vpop (xrf2)  }
0x595: {  	(v2sf) =	vpush v4, $0xF;
	p0 =	slt.f32 s17, s21  }
0x596: {  	(xrf2) =	vadd.scan.msk.f32 $0xffff, v3;
	_ =	sdelay $0x7  }
0x597: {  	v3, _, _ =	vpop (xrf2)  }
0x598: {  	(v2sf) =	vpush v3, $0xF  }
0x599: {  	v3, _, _ =	vpop (xrf2)  }
0x59a: {  	(v2sf) =	vpush v3, $0xF;
	_ =	sdelay $0x6  }
0x59b: {  	s29 =	spop (v2sf)  }
0x59c: {  	s0 =	sadd.f32 s29, s17  }
0x59d: {  	s24 =	spop (v2sf)  }
0x59e: {  	s10 =	sadd.f32 s24, s0  }
0x59f: {  	s1 =	simm.s32 $0x1;
	s25 =	spop (v2sf)  }
0x5a0: {  	s1 =	simm.s32 @!p0 $0x0;
	p2 =	slt.f32 s0, s21;
	s31 =	sadd.f32 s25, s10  }
0x5a1: {  	s17 =	simm.s32 $0x1;
	s1 =	sadd.s32 s1, s16;
	s28 =	spop (v2sf)  }
0x5a2: {  	p1 =	slt.f32 s10, s21;
	s17 =	simm.s32 @!p2 $0x0;
	s30 =	sadd.f32 s28, s31  }
0x5a3: {  	s1 =	sadd.s32 s17, s1;
	s10 =	simm.s32 $0x1;
	s26 =	spop (v2sf)  }
0x5a4: {  	s10 =	simm.s32 @!p1 $0x0;
	p5 =	slt.f32 s31, s21;
	s17 =	sadd.f32 s26, s30  }
0x5a5: {  	s1 =	sadd.s32 s10, s1;
	s10 =	simm.s32 $0x1;
	p4 =	slt.f32 s30, s21  }
0x5a6: {  	s0 =	simm.s32 $0x1;
	s10 =	simm.s32 @!p5 $0x0;
	p3 =	slt.f32 s17, s21  }
0x5a7: {  	s1 =	sadd.s32 s10, s1;
	s10 =	simm.s32 $0x1;
	s0 =	simm.s32 @!p4 $0x0  }
0x5a8: {  	s0 =	sadd.s32 s0, s1;
	s10 =	simm.s32 @!p3 $0x0  }
0x5a9: {  	s16 =	sadd.s32 s10, s0  }
0x5aa: {  	p6 =	slt.s32 s16, $0x31;
	s17 =	smov.u32 s16  }
0x5ab: {  	s17 =	simm.s32 @!p6 $0x31  }
0x5ac: {  	s31 =	smul.u32 $0x1F40, s17;
	_ =	sdelay $0x1  }
0x5ad: {  	s0 =	sshra.s32 s31, $0x2  }
0x5ae: {  	v4 =	vmov s0;
	_ =	sdelay $0x3  }
0x5af: {  	s1 =	simm.s32 $0x0  }
0x5b0: {  	v3 =	vld.idx.msk [tilespmem:v4+s1+$0x0 ss:$0x1], $0xffff;
	_ =	sdelay $0x1  }
0x5b1: {  	s10 =	simm.s32 $0x10  }
0x5b2: {  	s30 =	simm.s32 $0x20;
	v5 =	vld.idx.msk [tilespmem:v4+s10+$0x0 ss:$0x1], $0xffff  }
0x5b3: {  	v6 =	vld.idx.msk [tilespmem:v4+s30+$0x0 ss:$0x1], $0xffff  }
0x5b4: {  	v3 =	vmul.f32 v3, v1;
	_ =	sdelay $0x1  }
0x5b5: {  	v3 =	vadd.f32 v3, v2  }
0x5b6: {  	v5 =	vmul.f32 v5, v1  }
0x5b7: {  	v6 =	vmul.f32 v6, v1;
	v3 =	vmul.f32 $1.442695020e+00, v3  }
0x5b8: {  	v5 =	vadd.f32 v5, v2  }
0x5b9: {  	v6 =	vadd.f32 v6, v2;
	(erf) = vpow2.f32 v3  }
0x5ba: {  	v5 =	vmul.f32 $1.442695020e+00, v5  }
0x5bb: {  	s31 =	simm.s32 $0x30;
	v3 =	vmul.f32 $1.442695020e+00, v6  }
0x5bc: {  	s1 =	simm.s32 $0x40;
	(erf) = vpow2.f32 v5;
	v5 =	vld.idx.msk [tilespmem:v4+s31+$0x0 ss:$0x1], $0xffff  }
0x5bd: {  	(erf) = vpow2.f32 v3;
	v3 =	vld.idx.msk [tilespmem:v4+s1+$0x0 ss:$0x1], $0xffff;
	_ =	sdelay $0x3  }
0x5be: {  	v5 =	vmul.f32 v5, v1  }
0x5bf: {  	v3 =	vmul.f32 v3, v1;
	v6 =	vpop (erf)  }
0x5c0: {  	v5 =	vadd.f32 v5, v2;
	(xrf2) =	vadd.scan.msk.f32 $0xffff, v6  }
0x5c1: {  	v3 =	vadd.f32 v3, v2  }
0x5c2: {  	v6 =	vpop (erf);
	v5 =	vmul.f32 $1.442695020e+00, v5  }
0x5c3: {  	s10 =	simm.s32 $0x50;
	(xrf2) =	vadd.scan.msk.f32 $0xffff, v6;
	v6 =	vpop (erf);
	v3 =	vmul.f32 $1.442695020e+00, v3  }
0x5c4: {  	s30 =	simm.s32 $0x60;
	v7 =	vld.idx.msk [tilespmem:v4+s10+$0x0 ss:$0x1], $0xffff;
	(erf) = vpow2.f32 v5;
	(xrf2) =	vadd.scan.msk.f32 $0xffff, v6  }
0x5c5: {  	(erf) = vpow2.f32 v3;
	v3 =	vld.idx.msk [tilespmem:v4+s30+$0x0 ss:$0x1], $0xffff;
	_ =	sdelay $0x4  }
0x5c6: {  	s23 =	simm.s32 @!p0 $0x0;
	v5 =	vmul.f32 v7, v1;
	v7 =	vmul.f32 v3, v1;
	v8, _, _ =	vpop (xrf2)  }
0x5c7: {  	s23 =	sadd.f32 s23, s22;
	(v2sf) =	vpush v8, $0xF  }
0x5c8: {  	s29 =	simm.s32 @!p2 $0x0  }
0x5c9: {  	s29 =	sadd.f32 s29, s23;
	v6, _, _ =	vpop (xrf2)  }
0x5ca: {  	s24 =	simm.s32 @!p1 $0x0;
	v11 =	vadd.f32 v7, v2;
	v7, _, _ =	vpop (xrf2);
	(v2sf) =	vpush v6, $0xF  }
0x5cb: {  	s0 =	sadd.f32 s24, s29;
	(v2sf) =	vpush v7, $0xF  }
0x5cc: {  	s25 =	simm.s32 @!p5 $0x0;
	v5 =	vadd.f32 v5, v2  }
0x5cd: {  	s0 =	sadd.f32 s25, s0;
	v9 =	vpop (erf)  }
0x5ce: {  	s28 =	simm.s32 @!p4 $0x0;
	v10 =	vmul.f32 $1.442695020e+00, v5;
	(xrf2) =	vadd.scan.msk.f32 $0xffff, v9  }
0x5cf: {  	s0 =	sadd.f32 s28, s0;
	v12 =	vpop (erf)  }
0x5d0: {  	s26 =	simm.s32 @!p3 $0x0;
	s31 =	simm.s32 $0x70;
	(erf) = vpow2.f32 v10;
	(xrf2) =	vadd.scan.msk.f32 $0xffff, v12  }
0x5d1: {  	s22 =	sadd.f32 s26, s0;
	v9 =	vld.idx.msk [tilespmem:v4+s31+$0x0 ss:$0x1], $0xffff;
	_ =	sdelay $0x1  }
0x5d2: {  	v8 =	vadd.f32 s22, v8  }
0x5d3: {  	v5 =	vimm.s32 $0x0;
	v3 =	vmov s21;
	s21 =	simm.s32 $0x200;
	v10 =	vmul.f32 $1.442695020e+00, v11  }
.LBB2_71:
0x5d4: {  	s0 =	sshra.s32 s21, $0x2;
	p0 =	sne.s32 s21, $0x1F00;
	s21 =	sadd.s32 $0x40, s21;
	vm8 =	vlt.f32 v8, v3  }
.Ltmp49:
0x5d5: {  	v8 =	vmul.f32 v9, v1;
	v9 =	vld.idx.msk [tilespmem:v4+s0+$0x0 ss:$0x1], $0xffff;
	(erf) = vpow2.f32 v10;
	s0 =	spop (v2sf);
	(pc) =	sbr.rel @p0 .LBB2_71-.Ltmp49, $4  }
0x5d6: {  	v10 =	vmpcnt.ones.xlane vm8;
	s22 =	sadd.f32 s0, s22  }
0x5d7: {  	v11 =	vadd.f32 v8, v2;
	v12, _, _ =	vpop (xrf2)  }
0x5d8: {  	v5 =	vadd.s32 v5, v10;
	v13 =	vpop (erf);
	(v2sf) =	vpush v12, $0xF;
	v8 =	vadd.f32 s22, v6  }
0x5d9: {  	v10 =	vmul.f32 $1.442695020e+00, v11;
	v6 =	vmovc v7;
	v7 =	vmov v12;
	(xrf2) =	vadd.scan.msk.f32 $0xffff, v13  }
0x5da: {  	_ = 	snop  }
0x5db: {  	(erf) = vpow2.f32 v10;
	_ =	sdelay $0x6  }
0x5dc: {  	v4 =	vpop (erf)  }
0x5dd: {  	(xrf2) =	vadd.scan.msk.f32 $0xffff, v4  }
0x5de: {  	v57 =	vpop (erf)  }
0x5df: {  	v1 =	vmul.f32 v9, v1;
	(xrf2) =	vadd.scan.msk.f32 $0xffff, v57;
	_ =	sdelay $0x1  }
0x5e0: {  	v1 =	vadd.f32 v1, v2;
	_ =	sdelay $0x1  }
0x5e1: {  	v58, _, _ =	vpop (xrf2);
	v1 =	vmul.f32 $1.442695020e+00, v1  }
0x5e2: {  	(v2sf) =	vpush v58, $0xF  }
0x5e3: {  	v2, _, _ =	vpop (xrf2)  }
0x5e4: {  	(v2sf) =	vpush v2, $0xF  }
0x5e5: {  	(erf) = vpow2.f32 v1;
	v1, _, _ =	vpop (xrf2)  }
0x5e6: {  	(v2sf) =	vpush v1, $0xF  }
0x5e7: {  	v59, _, _ =	vpop (xrf2)  }
0x5e8: {  	(v2sf) =	vpush v59, $0xF;
	_ =	sdelay $0x2  }
0x5e9: {  	s0 =	spop (v2sf)  }
0x5ea: {  	s0 =	sadd.f32 s0, s22  }
0x5eb: {  	s1 =	spop (v2sf)  }
0x5ec: {  	s1 =	sadd.f32 s1, s0;
	v60 =	vpop (erf)  }
0x5ed: {  	s10 =	spop (v2sf);
	(xrf2) =	vadd.scan.msk.f32 $0xffff, v60  }
0x5ee: {  	s10 =	sadd.f32 s10, s1  }
0x5ef: {  	s21 =	spop (v2sf)  }
0x5f0: {  	v6 =	vadd.f32 s0, v6;
	s24 =	sadd.f32 s21, s10  }
0x5f1: {  	vm8 =	vlt.f32 v8, v3;
	v7 =	vadd.f32 s1, v7;
	s25 =	spop (v2sf)  }
0x5f2: {  	v8 =	vmpcnt.ones.xlane vm8;
	vm8 =	vlt.f32 v6, v3;
	s1 =	sadd.f32 s25, s24  }
0x5f3: {  	v6 =	vmpcnt.ones.xlane vm8;
	vm8 =	vlt.f32 v7, v3;
	v2 =	vadd.f32 s24, v2;
	s26 =	spop (v2sf)  }
0x5f4: {  	v5 =	vadd.s32 v5, v8;
	v7 =	vmpcnt.ones.xlane vm8;
	v4 =	vadd.f32 s10, v58;
	s28 =	sadd.f32 s26, s1  }
0x5f5: {  	v5 =	vadd.s32 v5, v6;
	s29 =	spop (v2sf)  }
0x5f6: {  	v5 =	vadd.s32 v5, v7;
	vm8 =	vlt.f32 v4, v3;
	v1 =	vadd.f32 s1, v1;
	s0 =	sadd.f32 s29, s28  }
0x5f7: {  	v4 =	vmpcnt.ones.xlane vm8;
	vm8 =	vlt.f32 v2, v3;
	v2, _, _ =	vpop (xrf2);
	v61 =	vadd.f32 s28, v59  }
0x5f8: {  	v62 =	vmpcnt.ones.xlane vm8;
	vm8 =	vlt.f32 v1, v3;
	v1 =	vadd.f32 s0, v2  }
0x5f9: {  	v4 =	vadd.s32 v5, v4;
	v63 =	vmpcnt.ones.xlane vm8;
	vm8 =	vlt.f32 v61, v3  }
0x5fa: {  	v4 =	vadd.s32 v4, v62;
	v6 =	vmpcnt.ones.xlane vm8;
	vm8 =	vlt.f32 v1, v3  }
0x5fb: {  	v1 =	vadd.s32 v4, v63;
	v3 =	vmpcnt.ones.xlane vm8  }
0x5fc: {  	v1 =	vadd.s32 v1, v6  }
0x5fd: {  	v1 =	vadd.s32 v1, v3  }
0x5fe: {  	v1 =	vxor.u32 $0x80000000, v1  }
0x5ff: {  	(xrf0) =	vmax.scan.msk.u32 $0xffff, v1;
	_ =	sdelay $0x5  }
0x600: {  	(v2sf) =	vpush v2, $0xF;
	v1, _, _ =	vpop (xrf0)  }
0x601: {  	(v2sf) =	vpush v1, $0xF;
	_ =	sdelay $0xc  }
0x602: {  	s0 =	smul.u32 $0x7D0, s17  }
.Ltmp50:
0x603: {  	s30 =	spop (v2sf);
	(pc) =	sbr.rel .LBB2_73-.Ltmp50, $4  }
0x604: {  	s31 =	spop (v2sf)  }
0x605: {  	s0 =	sadd.s32 s31, s0  }
0x606: {  	p0 =	sgt.s32 s16, $0x31;
	s16 =	sadd.s32 $0x80000000, s0  }
0x607: {  	s16 =	simm.s32 @p0 $0x186A0  }
.LBB2_74:
0x608: {  	_ =	sfence.sel $0x180000  }
0x609: {  	[bflag:$0x0] =	sbarrier.arrive $0xFFFF  }
0x60a: {  	_ =	strace $0x90000047  }
0x60b: {  	s0 =	stileid.u32;
	[bflag:$0x2] =	sbarrier.arrive $0xFFFF  }
0x60c: {  	p0 =	sne.s32 s0, $0x0;
	s0 =	rddreg [dreg:$0x1]  }
0x60d: {  	s0 =	sadd.s32 @!p0 $0x100000, s0  }
0x60e: {  	[sflag:s0] =	ssyncadd.tile.s32 @!p0 $0x1;
	_ =	shalt  }
.Lfunc_end2:
_tile_overlayer_lowered:
.L_overlay_start_2:
0x60f: {  	(tag) =	ssettag $0x2  }
0x610: {  	s0 =	rddreg [dreg:$0x0];
	s2 =	stileid.u32  }
0x611: {  	s1 =	rddreg [dreg:$0x1];
	p0 =	sne.s32 s2, $0x0  }
0x612: {  	s3 =	rddreg [dreg:$0x2];
	[bflag:$0x3] =	sbarrier.arrive $0xFFFF;
	s2 =	simm.s32 @!p0 $0x1C01  }
0x613: {  	[timem:s3], [sflag:s2] =	dma.local @!p0 [hbm:s0], s1  }
0x614: {  	s0 =	simm.s32 @!p0 $0x1  }
0x615: {  	_ =	swait.ge @!p0 [sflag:s0], s1  }
0x616: {  	s1 =	ssub.s32 @!p0 $0x0, s1;
	[sflag:s0] =	ssyncset.done @!p0 $0x0  }
0x617: {  	[sflag:s0] =	ssyncadd.s32 @!p0 s1  }
0x618: {  	[bflag:$0x3] =	sbarrier.arrive $0xFFFF  }
0x619: {  	_ =	shalt  }

</sc_bundles>
